<compile_context>
chip_gen: v7x
topology: tpu7x:2x2x1
jax: 0.10.2.dev20260603
libtpu: 0.0.44.dev20260713+nightly
codegen_flags: <defaults>
</compile_context>

<pallas_src>
import functools

import jax
import jax.numpy as jnp
from jax import lax
from jax.experimental import pallas as pl
from jax.experimental.pallas import tpu as pltpu
from jax.experimental.pallas import tpu_sc as plsc

N = 10000
E = 320000
D = 128
NC = 2
NS = 16
NW = NC * NS
CH = 128
NCH = 80
EP = NW * NCH * CH
CHD = 128
NCHD = EP // (NS * CHD)
NP = 10240
RPS = NP // NS

_mesh = plsc.VectorSubcoreMesh(core_axis_name="c", subcore_axis_name="s")


@functools.partial(
    pl.kernel,
    out_type=jax.ShapeDtypeStruct((NC, NP, D), jnp.float32),
    mesh=_mesh,
    scratch_types=[
        pltpu.VMEM((NCHD, CHD), jnp.int32),
        pltpu.VMEM((CHD, D), jnp.float32),
        pltpu.VMEM_SHARED((NP, D), jnp.float32),
    ],
)
def _deg_kernel(src_hbm, dst_hbm, z_hbm, ones_hbm, out_hbm,
                idx_v, buf_v, acc):
    c = lax.axis_index("c")
    s = lax.axis_index("s")

    @pl.when(c == 0)
    def _():
        pltpu.sync_copy(src_hbm.at[s], idx_v)

    @pl.when(c != 0)
    def _():
        pltpu.sync_copy(dst_hbm.at[s], idx_v)

    pltpu.sync_copy(z_hbm.at[pl.ds(0, CHD)], buf_v)
    for t in range(RPS // CHD):
        pltpu.sync_copy(buf_v, acc.at[pl.ds(s * RPS + t * CHD, CHD)])
    plsc.subcore_barrier()
    pltpu.sync_copy(ones_hbm, buf_v)

    def chunk(j, carry):
        pltpu.sync_copy(buf_v, acc.at[idx_v.at[j]], add=True)
        return carry

    lax.fori_loop(0, NCHD, chunk, 0)
    plsc.subcore_barrier()
    for t in range(RPS // CHD):
        pltpu.sync_copy(acc.at[pl.ds(s * RPS + t * CHD, CHD)], buf_v)
        pltpu.sync_copy(buf_v, out_hbm.at[c, pl.ds(s * RPS + t * CHD, CHD)])


@functools.partial(
    pl.kernel,
    out_type=jax.ShapeDtypeStruct((NC, NP, D), jnp.float32),
    mesh=_mesh,
    scratch_types=[
        pltpu.VMEM((NCH, CH), jnp.int32),
        pltpu.VMEM((CH,), jnp.int32),
        pltpu.VMEM((CH,), jnp.int32),
        pltpu.VMEM((CH,), jnp.int32),
        pltpu.VMEM((CH,), jnp.int32),
        pltpu.VMEM((CH, D), jnp.float32),
        pltpu.VMEM((CH, D), jnp.float32),
        pltpu.SemaphoreType.DMA,
        pltpu.SemaphoreType.DMA,
        pltpu.VMEM_SHARED((NP, D), jnp.float32),
    ],
)
def _gs_kernel(h_hbm, pk_hbm, z_hbm, out_hbm,
               pk_v, sa_a, da_a, sa_b, da_b, rows_a, rows_b,
               sem_a, sem_b, acc):
    c = lax.axis_index("c")
    s = lax.axis_index("s")
    w = s * NC + c
    pltpu.sync_copy(pk_hbm.at[w], pk_v)
    pltpu.sync_copy(z_hbm.at[pl.ds(0, CH)], rows_a)
    for t in range(RPS // CH):
        pltpu.sync_copy(rows_a, acc.at[pl.ds(s * RPS + t * CH, CH)])
    plsc.subcore_barrier()

    def unpack(j, sa, da):
        for q in range(CH // 16):
            v = pk_v[j, pl.ds(q * 16, 16)]
            sa[pl.ds(q * 16, 16)] = lax.bitwise_and(v, 0x3FFF)
            da[pl.ds(q * 16, 16)] = lax.shift_right_logical(v, 14)

    unpack(0, sa_a, da_a)
    pltpu.async_copy(h_hbm.at[sa_a], rows_a, sem_a)

    def body(k2, carry):
        j0 = 2 * k2
        j1 = j0 + 1
        unpack(j1, sa_b, da_b)
        pltpu.async_copy(h_hbm.at[sa_b], rows_b, sem_b)
        pltpu.make_async_copy(z_hbm.at[pl.ds(0, CH)], rows_a, sem_a).wait()
        pltpu.sync_copy(rows_a, acc.at[da_a], add=True)

        @pl.when(j0 + 2 < NCH)
        def _():
            unpack(j0 + 2, sa_a, da_a)
            pltpu.async_copy(h_hbm.at[sa_a], rows_a, sem_a)

        pltpu.make_async_copy(z_hbm.at[pl.ds(0, CH)], rows_b, sem_b).wait()
        pltpu.sync_copy(rows_b, acc.at[da_b], add=True)
        return carry

    lax.fori_loop(0, NCH // 2, body, 0)
    plsc.subcore_barrier()
    for t in range(RPS // CH):
        pltpu.sync_copy(acc.at[pl.ds(s * RPS + t * CH, CH)], rows_a)
        pltpu.sync_copy(rows_a, out_hbm.at[c, pl.ds(s * RPS + t * CH, CH)])


_TR = 1000


def _prep_body(x_ref, d_ref, nin_ref, nout_ref, h_ref):
    dd = d_ref[...]
    deg_out = dd[0, :, 0:1]
    deg_in = dd[1, :, 0:1]
    no = jnp.where(deg_out > 0, lax.rsqrt(jnp.maximum(deg_out, 1e-12)), 0.0)
    ni = jnp.where(deg_in > 0, lax.rsqrt(jnp.maximum(deg_in, 1e-12)), 0.0)
    nout_ref[...] = no
    nin_ref[...] = ni
    h_ref[...] = x_ref[...] * no


def _prep_call(x, degp):
    return pl.pallas_call(
        _prep_body,
        grid=(N // _TR,),
        in_specs=[
            pl.BlockSpec((_TR, D), lambda i: (i, 0)),
            pl.BlockSpec((NC, _TR, D), lambda i: (0, i, 0)),
        ],
        out_specs=[
            pl.BlockSpec((_TR, 1), lambda i: (i, 0)),
            pl.BlockSpec((_TR, 1), lambda i: (i, 0)),
            pl.BlockSpec((_TR, D), lambda i: (i, 0)),
        ],
        out_shape=[
            jax.ShapeDtypeStruct((N, 1), jnp.float32),
            jax.ShapeDtypeStruct((N, 1), jnp.float32),
            jax.ShapeDtypeStruct((NP, D), jnp.float32),
        ],
    )(x, degp)


def _layer_body(relu, scale_out, p_ref, nin_ref, nout_ref, w_ref, b_ref, o_ref):
    x = (p_ref[0] + p_ref[1]) * nin_ref[...]
    y = jnp.dot(x, w_ref[...], preferred_element_type=jnp.float32) + b_ref[...]
    if relu:
        y = jnp.maximum(y, 0.0)
    if scale_out:
        y = y * nout_ref[...]
    o_ref[...] = y


def _layer_call(p, nin, nout, W, b, relu, scale_out, out_rows):
    return pl.pallas_call(
        functools.partial(_layer_body, relu, scale_out),
        grid=(N // _TR,),
        in_specs=[
            pl.BlockSpec((NC, _TR, D), lambda i: (0, i, 0)),
            pl.BlockSpec((_TR, 1), lambda i: (i, 0)),
            pl.BlockSpec((_TR, 1), lambda i: (i, 0)),
            pl.BlockSpec((D, D), lambda i: (0, 0)),
            pl.BlockSpec((1, D), lambda i: (0, 0)),
        ],
        out_specs=pl.BlockSpec((_TR, D), lambda i: (i, 0)),
        out_shape=jax.ShapeDtypeStruct((out_rows, D), jnp.float32),
    )(p, nin, nout, W, b)


def kernel(x, edge_index, W1, b1, W2, b2, W3, b3):
    pad = EP - E
    pad_idx = (N + jnp.arange(pad, dtype=jnp.int32) % (NP - N))
    src_flat = jnp.concatenate([edge_index[0].astype(jnp.int32), pad_idx])
    dst_flat = jnp.concatenate([edge_index[1].astype(jnp.int32), pad_idx])
    packed = (src_flat | (dst_flat << 14)).reshape(NW, NCH, CH)
    src_d = src_flat.reshape(NS, NCHD, CHD)
    dst_d = dst_flat.reshape(NS, NCHD, CHD)
    z128 = jnp.zeros((NP, D), jnp.float32)
    ones128 = jnp.ones((CHD, D), jnp.float32)
    b1r = b1.reshape(1, D)
    b2r = b2.reshape(1, D)
    b3r = b3.reshape(1, D)

    degp = _deg_kernel(src_d, dst_d, z128, ones128)
    nin, nout, h = _prep_call(x, degp)

    p = _gs_kernel(h, packed, z128)
    h = _layer_call(p, nin, nout, W1, b1r, relu=True, scale_out=True, out_rows=NP)
    p = _gs_kernel(h, packed, z128)
    h = _layer_call(p, nin, nout, W2, b2r, relu=True, scale_out=True, out_rows=NP)
    p = _gs_kernel(h, packed, z128)
    out = _layer_call(p, nin, nout, W3, b3r, relu=False, scale_out=False, out_rows=N)
    return out

# --- scband reference (transcript-rebuilt; emitter-appended) ---
"""Pipeline reference for scband-rgcn-317827579998 (READ-ONLY COPY).

The authoritative reference and input builder live on the scoring server;
editing this copy changes nothing except your own understanding.
"""

import jax, jax.numpy as jnp
import numpy as np

N_NODES = 10000
N_EDGES = 320000
D = 128


def setup_inputs(seed: int = 0) -> dict:
    key = jax.random.key(seed)
    ks = [jax.random.fold_in(key, i) for i in range(10)]
    x = jax.random.normal(ks[0], (N_NODES, D), dtype=jnp.float32)
    edge_index = jax.random.randint(ks[1], (2, N_EDGES), 0, N_NODES, dtype=jnp.int64)
    scale = 1.0 / np.sqrt(D)
    W1 = jax.random.normal(ks[2], (D, D), dtype=jnp.float32) * scale
    W2 = jax.random.normal(ks[3], (D, D), dtype=jnp.float32) * scale
    W3 = jax.random.normal(ks[4], (D, D), dtype=jnp.float32) * scale
    b1 = jnp.zeros((D,), dtype=jnp.float32)
    b2 = jnp.zeros((D,), dtype=jnp.float32)
    b3 = jnp.zeros((D,), dtype=jnp.float32)
    return {"x": x, "edge_index": edge_index, "W1": W1, "b1": b1, "W2": W2, "b2": b2, "W3": W3, "b3": b3}


def _graph_conv(h, src, dst, W, b):
    # DGL GraphConv with norm='both': D_out^{-1/2} on src, sum-aggregate, D_in^{-1/2} on dst, then linear.
    ones = jnp.ones((src.shape[0],), dtype=h.dtype)
    deg_out = jax.ops.segment_sum(ones, src, num_segments=N_NODES)
    deg_in = jax.ops.segment_sum(ones, dst, num_segments=N_NODES)
    norm_out = jnp.where(deg_out > 0, jax.lax.rsqrt(jnp.maximum(deg_out, 1e-12)), 0.0)
    norm_in = jnp.where(deg_in > 0, jax.lax.rsqrt(jnp.maximum(deg_in, 1e-12)), 0.0)
    m = (h * norm_out[:, None])[src]  # gather over edges
    agg = jax.ops.segment_sum(m, dst, num_segments=N_NODES)  # scatter-add
    return (agg * norm_in[:, None]) @ W + b


def reference(x, edge_index, W1, b1, W2, b2, W3, b3):
    src = edge_index[0]
    dst = edge_index[1]
    h = _graph_conv(x, src, dst, W1, b1)
    h = jax.nn.relu(h)
    h = _graph_conv(h, src, dst, W2, b2)
    h = jax.nn.relu(h)
    h = _graph_conv(h, src, dst, W3, b3)
    return h

if __name__ == "__main__":
    import jax
    _d = setup_inputs()
    print(jax.jit(kernel)(*tuple(_d.values())))

</pallas_src>

<mosaic_0001>
#map = affine_map<(d0, d1) -> (0, 0, 0)>
#map1 = affine_map<(d0, d1) -> (0, 0)>
module attributes {stable_mosaic.version = 14 : i64} {
  func.func @_deg_kernel(%arg0: i32, %arg1: i32, %arg2: memref<16x160x128xi32, #tpu.memory_space<hbm>>, %arg3: memref<16x160x128xi32, #tpu.memory_space<hbm>>, %arg4: memref<10240x128xf32, #tpu.memory_space<hbm>>, %arg5: memref<128x128xf32, #tpu.memory_space<hbm>>, %arg6: memref<2x10240x128xf32, #tpu.memory_space<hbm>>, %arg7: memref<160x128xi32, #tpu.memory_space<vmem>>, %arg8: memref<128x128xf32, #tpu.memory_space<vmem>>, %arg9: memref<10240x128xf32, #tpu.memory_space<vmem_shared>>) attributes {dimension_semantics = [#tpu.dimension_semantics<core_parallel>, #tpu.dimension_semantics<subcore_parallel>], iteration_bounds = array<i64: 2, 16>, scalar_prefetch = 0 : i64, scratch_operands = 3 : i64, tpu.core_type = #tpu.core_type<sc_vector_subcore>, window_params = [{transform_indices = #map}, {transform_indices = #map}, {transform_indices = #map1}, {transform_indices = #map1}, {transform_indices = #map}]} {
    %eq3A = arith.constant 0 : i32
    %eq3A_0 = arith.cmpi eq, %arg0, %eq3A : i32
    %convert_element_type3A = arith.extui %eq3A_0 : i1 to i32
    %cond3A = arith.constant 0 : i32
    %cond3A_1 = arith.cmpi ne, %convert_element_type3A, %cond3A : i32
    scf.if %cond3A_1 {
      "tpu.region"() ({
        %run_scoped3A = tpu.sem_alloc : memref<!tpu.dma_semaphore, #tpu.memory_space<semaphore_mem>>
        %dma_start3A = arith.constant 0 : i32
        %dma_start3A_70 = arith.constant 0 : i32
        %dma_start3A_71 = tpu.memref_slice %arg2[%arg1, %dma_start3A, %dma_start3A_70] : memref<16x160x128xi32, #tpu.memory_space<hbm>> -> memref<1x160x128xi32, #tpu.memory_space<hbm>>
        %dma_start3A_72 = tpu.memref_squeeze %dma_start3A_71 : memref<1x160x128xi32, #tpu.memory_space<hbm>> -> memref<160x128xi32, #tpu.memory_space<hbm>>
        %dma_start3A_73 = arith.constant 0 : i32
        %dma_start3A_74 = arith.constant 0 : i32
        %dma_start3A_75 = tpu.memref_slice %arg2[%arg1, %dma_start3A_73, %dma_start3A_74] : memref<16x160x128xi32, #tpu.memory_space<hbm>> -> memref<1x160x128xi32, #tpu.memory_space<hbm>>
        %dma_start3A_76 = tpu.memref_squeeze %dma_start3A_75 : memref<1x160x128xi32, #tpu.memory_space<hbm>> -> memref<160x128xi32, #tpu.memory_space<hbm>>
        tpu.enqueue_dma source(%dma_start3A_76 : memref<160x128xi32, #tpu.memory_space<hbm>>) target(%arg7 : memref<160x128xi32, #tpu.memory_space<vmem>>) target_semaphore(%run_scoped3A : memref<!tpu.dma_semaphore, #tpu.memory_space<semaphore_mem>>)
        %dma_wait3A = arith.constant 0 : i32
        %dma_wait3A_77 = arith.constant 0 : i32
        %dma_wait3A_78 = tpu.memref_slice %arg2[%arg1, %dma_wait3A, %dma_wait3A_77] : memref<16x160x128xi32, #tpu.memory_space<hbm>> -> memref<1x160x128xi32, #tpu.memory_space<hbm>>
        %dma_wait3A_79 = tpu.memref_squeeze %dma_wait3A_78 : memref<1x160x128xi32, #tpu.memory_space<hbm>> -> memref<160x128xi32, #tpu.memory_space<hbm>>
        %dma_wait3A_80 = arith.constant 0 : i32
        %dma_wait3A_81 = arith.constant 0 : i32
        %dma_wait3A_82 = tpu.memref_slice %arg2[%arg1, %dma_wait3A_80, %dma_wait3A_81] : memref<16x160x128xi32, #tpu.memory_space<hbm>> -> memref<1x160x128xi32, #tpu.memory_space<hbm>>
        %dma_wait3A_83 = tpu.memref_squeeze %dma_wait3A_82 : memref<1x160x128xi32, #tpu.memory_space<hbm>> -> memref<160x128xi32, #tpu.memory_space<hbm>>
        tpu.wait_dma2 semaphore(%run_scoped3A : memref<!tpu.dma_semaphore, #tpu.memory_space<semaphore_mem>>) src(%dma_wait3A_83 : memref<160x128xi32, #tpu.memory_space<hbm>>) dst(%arg7 : memref<160x128xi32, #tpu.memory_space<vmem>>)
        tpu.yield
      }) : () -> ()
    } else {
    }
    %ne3A = arith.constant 0 : i32
    %ne3A_2 = arith.cmpi ne, %arg0, %ne3A : i32
    %convert_element_type3A_3 = arith.extui %ne3A_2 : i1 to i32
    %cond3A_4 = arith.constant 0 : i32
    %cond3A_5 = arith.cmpi ne, %convert_element_type3A_3, %cond3A_4 : i32
    scf.if %cond3A_5 {
      "tpu.region"() ({
        %run_scoped3A = tpu.sem_alloc : memref<!tpu.dma_semaphore, #tpu.memory_space<semaphore_mem>>
        %dma_start3A = arith.constant 0 : i32
        %dma_start3A_70 = arith.constant 0 : i32
        %dma_start3A_71 = tpu.memref_slice %arg3[%arg1, %dma_start3A, %dma_start3A_70] : memref<16x160x128xi32, #tpu.memory_space<hbm>> -> memref<1x160x128xi32, #tpu.memory_space<hbm>>
        %dma_start3A_72 = tpu.memref_squeeze %dma_start3A_71 : memref<1x160x128xi32, #tpu.memory_space<hbm>> -> memref<160x128xi32, #tpu.memory_space<hbm>>
        %dma_start3A_73 = arith.constant 0 : i32
        %dma_start3A_74 = arith.constant 0 : i32
        %dma_start3A_75 = tpu.memref_slice %arg3[%arg1, %dma_start3A_73, %dma_start3A_74] : memref<16x160x128xi32, #tpu.memory_space<hbm>> -> memref<1x160x128xi32, #tpu.memory_space<hbm>>
        %dma_start3A_76 = tpu.memref_squeeze %dma_start3A_75 : memref<1x160x128xi32, #tpu.memory_space<hbm>> -> memref<160x128xi32, #tpu.memory_space<hbm>>
        tpu.enqueue_dma source(%dma_start3A_76 : memref<160x128xi32, #tpu.memory_space<hbm>>) target(%arg7 : memref<160x128xi32, #tpu.memory_space<vmem>>) target_semaphore(%run_scoped3A : memref<!tpu.dma_semaphore, #tpu.memory_space<semaphore_mem>>)
        %dma_wait3A = arith.constant 0 : i32
        %dma_wait3A_77 = arith.constant 0 : i32
        %dma_wait3A_78 = tpu.memref_slice %arg3[%arg1, %dma_wait3A, %dma_wait3A_77] : memref<16x160x128xi32, #tpu.memory_space<hbm>> -> memref<1x160x128xi32, #tpu.memory_space<hbm>>
        %dma_wait3A_79 = tpu.memref_squeeze %dma_wait3A_78 : memref<1x160x128xi32, #tpu.memory_space<hbm>> -> memref<160x128xi32, #tpu.memory_space<hbm>>
        %dma_wait3A_80 = arith.constant 0 : i32
        %dma_wait3A_81 = arith.constant 0 : i32
        %dma_wait3A_82 = tpu.memref_slice %arg3[%arg1, %dma_wait3A_80, %dma_wait3A_81] : memref<16x160x128xi32, #tpu.memory_space<hbm>> -> memref<1x160x128xi32, #tpu.memory_space<hbm>>
        %dma_wait3A_83 = tpu.memref_squeeze %dma_wait3A_82 : memref<1x160x128xi32, #tpu.memory_space<hbm>> -> memref<160x128xi32, #tpu.memory_space<hbm>>
        tpu.wait_dma2 semaphore(%run_scoped3A : memref<!tpu.dma_semaphore, #tpu.memory_space<semaphore_mem>>) src(%dma_wait3A_83 : memref<160x128xi32, #tpu.memory_space<hbm>>) dst(%arg7 : memref<160x128xi32, #tpu.memory_space<vmem>>)
        tpu.yield
      }) : () -> ()
    } else {
    }
    "tpu.region"() ({
      %run_scoped3A = tpu.sem_alloc : memref<!tpu.dma_semaphore, #tpu.memory_space<semaphore_mem>>
      %dma_start3A = arith.constant 0 : i32
      %dma_start3A_70 = arith.constant 0 : i32
      %dma_start3A_71 = tpu.memref_slice %arg4[%dma_start3A, %dma_start3A_70] : memref<10240x128xf32, #tpu.memory_space<hbm>> -> memref<128x128xf32, #tpu.memory_space<hbm>>
      %dma_start3A_72 = arith.constant 0 : i32
      %dma_start3A_73 = arith.constant 0 : i32
      %dma_start3A_74 = tpu.memref_slice %arg4[%dma_start3A_72, %dma_start3A_73] : memref<10240x128xf32, #tpu.memory_space<hbm>> -> memref<128x128xf32, #tpu.memory_space<hbm>>
      tpu.enqueue_dma source(%dma_start3A_74 : memref<128x128xf32, #tpu.memory_space<hbm>>) target(%arg8 : memref<128x128xf32, #tpu.memory_space<vmem>>) target_semaphore(%run_scoped3A : memref<!tpu.dma_semaphore, #tpu.memory_space<semaphore_mem>>)
      %dma_wait3A = arith.constant 0 : i32
      %dma_wait3A_75 = arith.constant 0 : i32
      %dma_wait3A_76 = tpu.memref_slice %arg4[%dma_wait3A, %dma_wait3A_75] : memref<10240x128xf32, #tpu.memory_space<hbm>> -> memref<128x128xf32, #tpu.memory_space<hbm>>
      %dma_wait3A_77 = arith.constant 0 : i32
      %dma_wait3A_78 = arith.constant 0 : i32
      %dma_wait3A_79 = tpu.memref_slice %arg4[%dma_wait3A_77, %dma_wait3A_78] : memref<10240x128xf32, #tpu.memory_space<hbm>> -> memref<128x128xf32, #tpu.memory_space<hbm>>
      tpu.wait_dma2 semaphore(%run_scoped3A : memref<!tpu.dma_semaphore, #tpu.memory_space<semaphore_mem>>) src(%dma_wait3A_79 : memref<128x128xf32, #tpu.memory_space<hbm>>) dst(%arg8 : memref<128x128xf32, #tpu.memory_space<vmem>>)
      tpu.yield
    }) : () -> ()
    %mul3A = arith.constant 640 : i32
    %mul3A_6 = arith.muli %arg1, %mul3A : i32
    %add3A = arith.constant 0 : i32
    %add3A_7 = arith.addi %mul3A_6, %add3A : i32
    "tpu.region"() ({
      %run_scoped3A = tpu.sem_alloc : memref<!tpu.dma_semaphore, #tpu.memory_space<semaphore_mem>>
      %dma_start3A = arith.constant 0 : i32
      %dma_start3A_70 = tpu.memref_slice %arg9[%add3A_7, %dma_start3A] : memref<10240x128xf32, #tpu.memory_space<vmem_shared>> -> memref<128x128xf32, #tpu.memory_space<vmem_shared>>
      %dma_start3A_71 = arith.constant 0 : i32
      %dma_start3A_72 = tpu.memref_slice %arg9[%add3A_7, %dma_start3A_71] : memref<10240x128xf32, #tpu.memory_space<vmem_shared>> -> memref<128x128xf32, #tpu.memory_space<vmem_shared>>
      tpu.enqueue_dma source(%arg8 : memref<128x128xf32, #tpu.memory_space<vmem>>) target(%dma_start3A_72 : memref<128x128xf32, #tpu.memory_space<vmem_shared>>) target_semaphore(%run_scoped3A : memref<!tpu.dma_semaphore, #tpu.memory_space<semaphore_mem>>)
      %dma_wait3A = arith.constant 0 : i32
      %dma_wait3A_73 = tpu.memref_slice %arg9[%add3A_7, %dma_wait3A] : memref<10240x128xf32, #tpu.memory_space<vmem_shared>> -> memref<128x128xf32, #tpu.memory_space<vmem_shared>>
      %dma_wait3A_74 = arith.constant 0 : i32
      %dma_wait3A_75 = tpu.memref_slice %arg9[%add3A_7, %dma_wait3A_74] : memref<10240x128xf32, #tpu.memory_space<vmem_shared>> -> memref<128x128xf32, #tpu.memory_space<vmem_shared>>
      tpu.wait_dma2 semaphore(%run_scoped3A : memref<!tpu.dma_semaphore, #tpu.memory_space<semaphore_mem>>) src(%arg8 : memref<128x128xf32, #tpu.memory_space<vmem>>) dst(%dma_wait3A_75 : memref<128x128xf32, #tpu.memory_space<vmem_shared>>)
      tpu.yield
    }) : () -> ()
    %mul3A_8 = arith.constant 640 : i32
    %mul3A_9 = arith.muli %arg1, %mul3A_8 : i32
    %add3A_10 = arith.constant 128 : i32
    %add3A_11 = arith.addi %mul3A_9, %add3A_10 : i32
    "tpu.region"() ({
      %run_scoped3A = tpu.sem_alloc : memref<!tpu.dma_semaphore, #tpu.memory_space<semaphore_mem>>
      %dma_start3A = arith.constant 0 : i32
      %dma_start3A_70 = tpu.memref_slice %arg9[%add3A_11, %dma_start3A] : memref<10240x128xf32, #tpu.memory_space<vmem_shared>> -> memref<128x128xf32, #tpu.memory_space<vmem_shared>>
      %dma_start3A_71 = arith.constant 0 : i32
      %dma_start3A_72 = tpu.memref_slice %arg9[%add3A_11, %dma_start3A_71] : memref<10240x128xf32, #tpu.memory_space<vmem_shared>> -> memref<128x128xf32, #tpu.memory_space<vmem_shared>>
      tpu.enqueue_dma source(%arg8 : memref<128x128xf32, #tpu.memory_space<vmem>>) target(%dma_start3A_72 : memref<128x128xf32, #tpu.memory_space<vmem_shared>>) target_semaphore(%run_scoped3A : memref<!tpu.dma_semaphore, #tpu.memory_space<semaphore_mem>>)
      %dma_wait3A = arith.constant 0 : i32
      %dma_wait3A_73 = tpu.memref_slice %arg9[%add3A_11, %dma_wait3A] : memref<10240x128xf32, #tpu.memory_space<vmem_shared>> -> memref<128x128xf32, #tpu.memory_space<vmem_shared>>
      %dma_wait3A_74 = arith.constant 0 : i32
      %dma_wait3A_75 = tpu.memref_slice %arg9[%add3A_11, %dma_wait3A_74] : memref<10240x128xf32, #tpu.memory_space<vmem_shared>> -> memref<128x128xf32, #tpu.memory_space<vmem_shared>>
      tpu.wait_dma2 semaphore(%run_scoped3A : memref<!tpu.dma_semaphore, #tpu.memory_space<semaphore_mem>>) src(%arg8 : memref<128x128xf32, #tpu.memory_space<vmem>>) dst(%dma_wait3A_75 : memref<128x128xf32, #tpu.memory_space<vmem_shared>>)
      tpu.yield
    }) : () -> ()
    %mul3A_12 = arith.constant 640 : i32
    %mul3A_13 = arith.muli %arg1, %mul3A_12 : i32
    %add3A_14 = arith.constant 256 : i32
    %add3A_15 = arith.addi %mul3A_13, %add3A_14 : i32
    "tpu.region"() ({
      %run_scoped3A = tpu.sem_alloc : memref<!tpu.dma_semaphore, #tpu.memory_space<semaphore_mem>>
      %dma_start3A = arith.constant 0 : i32
      %dma_start3A_70 = tpu.memref_slice %arg9[%add3A_15, %dma_start3A] : memref<10240x128xf32, #tpu.memory_space<vmem_shared>> -> memref<128x128xf32, #tpu.memory_space<vmem_shared>>
      %dma_start3A_71 = arith.constant 0 : i32
      %dma_start3A_72 = tpu.memref_slice %arg9[%add3A_15, %dma_start3A_71] : memref<10240x128xf32, #tpu.memory_space<vmem_shared>> -> memref<128x128xf32, #tpu.memory_space<vmem_shared>>
      tpu.enqueue_dma source(%arg8 : memref<128x128xf32, #tpu.memory_space<vmem>>) target(%dma_start3A_72 : memref<128x128xf32, #tpu.memory_space<vmem_shared>>) target_semaphore(%run_scoped3A : memref<!tpu.dma_semaphore, #tpu.memory_space<semaphore_mem>>)
      %dma_wait3A = arith.constant 0 : i32
      %dma_wait3A_73 = tpu.memref_slice %arg9[%add3A_15, %dma_wait3A] : memref<10240x128xf32, #tpu.memory_space<vmem_shared>> -> memref<128x128xf32, #tpu.memory_space<vmem_shared>>
      %dma_wait3A_74 = arith.constant 0 : i32
      %dma_wait3A_75 = tpu.memref_slice %arg9[%add3A_15, %dma_wait3A_74] : memref<10240x128xf32, #tpu.memory_space<vmem_shared>> -> memref<128x128xf32, #tpu.memory_space<vmem_shared>>
      tpu.wait_dma2 semaphore(%run_scoped3A : memref<!tpu.dma_semaphore, #tpu.memory_space<semaphore_mem>>) src(%arg8 : memref<128x128xf32, #tpu.memory_space<vmem>>) dst(%dma_wait3A_75 : memref<128x128xf32, #tpu.memory_space<vmem_shared>>)
      tpu.yield
    }) : () -> ()
    %mul3A_16 = arith.constant 640 : i32
    %mul3A_17 = arith.muli %arg1, %mul3A_16 : i32
    %add3A_18 = arith.constant 384 : i32
    %add3A_19 = arith.addi %mul3A_17, %add3A_18 : i32
    "tpu.region"() ({
      %run_scoped3A = tpu.sem_alloc : memref<!tpu.dma_semaphore, #tpu.memory_space<semaphore_mem>>
      %dma_start3A = arith.constant 0 : i32
      %dma_start3A_70 = tpu.memref_slice %arg9[%add3A_19, %dma_start3A] : memref<10240x128xf32, #tpu.memory_space<vmem_shared>> -> memref<128x128xf32, #tpu.memory_space<vmem_shared>>
      %dma_start3A_71 = arith.constant 0 : i32
      %dma_start3A_72 = tpu.memref_slice %arg9[%add3A_19, %dma_start3A_71] : memref<10240x128xf32, #tpu.memory_space<vmem_shared>> -> memref<128x128xf32, #tpu.memory_space<vmem_shared>>
      tpu.enqueue_dma source(%arg8 : memref<128x128xf32, #tpu.memory_space<vmem>>) target(%dma_start3A_72 : memref<128x128xf32, #tpu.memory_space<vmem_shared>>) target_semaphore(%run_scoped3A : memref<!tpu.dma_semaphore, #tpu.memory_space<semaphore_mem>>)
      %dma_wait3A = arith.constant 0 : i32
      %dma_wait3A_73 = tpu.memref_slice %arg9[%add3A_19, %dma_wait3A] : memref<10240x128xf32, #tpu.memory_space<vmem_shared>> -> memref<128x128xf32, #tpu.memory_space<vmem_shared>>
      %dma_wait3A_74 = arith.constant 0 : i32
      %dma_wait3A_75 = tpu.memref_slice %arg9[%add3A_19, %dma_wait3A_74] : memref<10240x128xf32, #tpu.memory_space<vmem_shared>> -> memref<128x128xf32, #tpu.memory_space<vmem_shared>>
      tpu.wait_dma2 semaphore(%run_scoped3A : memref<!tpu.dma_semaphore, #tpu.memory_space<semaphore_mem>>) src(%arg8 : memref<128x128xf32, #tpu.memory_space<vmem>>) dst(%dma_wait3A_75 : memref<128x128xf32, #tpu.memory_space<vmem_shared>>)
      tpu.yield
    }) : () -> ()
    %mul3A_20 = arith.constant 640 : i32
    %mul3A_21 = arith.muli %arg1, %mul3A_20 : i32
    %add3A_22 = arith.constant 512 : i32
    %add3A_23 = arith.addi %mul3A_21, %add3A_22 : i32
    "tpu.region"() ({
      %run_scoped3A = tpu.sem_alloc : memref<!tpu.dma_semaphore, #tpu.memory_space<semaphore_mem>>
      %dma_start3A = arith.constant 0 : i32
      %dma_start3A_70 = tpu.memref_slice %arg9[%add3A_23, %dma_start3A] : memref<10240x128xf32, #tpu.memory_space<vmem_shared>> -> memref<128x128xf32, #tpu.memory_space<vmem_shared>>
      %dma_start3A_71 = arith.constant 0 : i32
      %dma_start3A_72 = tpu.memref_slice %arg9[%add3A_23, %dma_start3A_71] : memref<10240x128xf32, #tpu.memory_space<vmem_shared>> -> memref<128x128xf32, #tpu.memory_space<vmem_shared>>
      tpu.enqueue_dma source(%arg8 : memref<128x128xf32, #tpu.memory_space<vmem>>) target(%dma_start3A_72 : memref<128x128xf32, #tpu.memory_space<vmem_shared>>) target_semaphore(%run_scoped3A : memref<!tpu.dma_semaphore, #tpu.memory_space<semaphore_mem>>)
      %dma_wait3A = arith.constant 0 : i32
      %dma_wait3A_73 = tpu.memref_slice %arg9[%add3A_23, %dma_wait3A] : memref<10240x128xf32, #tpu.memory_space<vmem_shared>> -> memref<128x128xf32, #tpu.memory_space<vmem_shared>>
      %dma_wait3A_74 = arith.constant 0 : i32
      %dma_wait3A_75 = tpu.memref_slice %arg9[%add3A_23, %dma_wait3A_74] : memref<10240x128xf32, #tpu.memory_space<vmem_shared>> -> memref<128x128xf32, #tpu.memory_space<vmem_shared>>
      tpu.wait_dma2 semaphore(%run_scoped3A : memref<!tpu.dma_semaphore, #tpu.memory_space<semaphore_mem>>) src(%arg8 : memref<128x128xf32, #tpu.memory_space<vmem>>) dst(%dma_wait3A_75 : memref<128x128xf32, #tpu.memory_space<vmem_shared>>)
      tpu.yield
    }) : () -> ()
    %barrier3A = arith.constant 0 : index
    tpu.barrier barrier_id(%barrier3A)
    "tpu.region"() ({
      %run_scoped3A = tpu.sem_alloc : memref<!tpu.dma_semaphore, #tpu.memory_space<semaphore_mem>>
      tpu.enqueue_dma source(%arg5 : memref<128x128xf32, #tpu.memory_space<hbm>>) target(%arg8 : memref<128x128xf32, #tpu.memory_space<vmem>>) target_semaphore(%run_scoped3A : memref<!tpu.dma_semaphore, #tpu.memory_space<semaphore_mem>>)
      tpu.wait_dma2 semaphore(%run_scoped3A : memref<!tpu.dma_semaphore, #tpu.memory_space<semaphore_mem>>) src(%arg5 : memref<128x128xf32, #tpu.memory_space<hbm>>) dst(%arg8 : memref<128x128xf32, #tpu.memory_space<vmem>>)
      tpu.yield
    }) : () -> ()
    %scan3A = arith.constant 0 : i32
    %scan3A_24 = arith.constant 0 : i32
    %scan3A_25 = arith.constant 160 : i32
    %scan3A_26 = arith.addi %scan3A_24, %scan3A_25 : i32
    %scan3A_27 = arith.constant 1 : i32
    scf.for %scan3A_70 = %scan3A_24 to %scan3A_26 step %scan3A_27  : i32 {
      "tpu.region"() ({
        %run_scoped3A = tpu.sem_alloc : memref<!tpu.dma_semaphore, #tpu.memory_space<semaphore_mem>>
        %dma_start3A = arith.constant 0 : i32
        %dma_start3A_71 = tpu.memref_slice %arg7[%scan3A_70, %dma_start3A] : memref<160x128xi32, #tpu.memory_space<vmem>> -> memref<1x128xi32, #tpu.memory_space<vmem>>
        %dma_start3A_72 = tpu.memref_squeeze %dma_start3A_71 : memref<1x128xi32, #tpu.memory_space<vmem>> -> memref<128xi32, #tpu.memory_space<vmem>>
        %dma_start3A_73 = arith.constant 0 : i32
        %dma_start3A_74 = arith.constant 0 : i32
        %dma_start3A_75 = tpu.memref_slice %arg9[%dma_start3A_73, %dma_start3A_74] : memref<10240x128xf32, #tpu.memory_space<vmem_shared>> -> memref<10240x128xf32, #tpu.memory_space<vmem_shared>>
        tpu.enqueue_indirect_dma source(%arg8 : memref<128x128xf32, #tpu.memory_space<vmem>>) target(%dma_start3A_75 : memref<10240x128xf32, #tpu.memory_space<vmem_shared>>) offsets(%dma_start3A_72 : memref<128xi32, #tpu.memory_space<vmem>>) semaphore(%run_scoped3A : memref<!tpu.dma_semaphore, #tpu.memory_space<semaphore_mem>>) {add = true}
        %dma_wait3A = arith.constant 0 : i32
        %dma_wait3A_76 = tpu.memref_slice %arg7[%scan3A_70, %dma_wait3A] : memref<160x128xi32, #tpu.memory_space<vmem>> -> memref<1x128xi32, #tpu.memory_space<vmem>>
        %dma_wait3A_77 = tpu.memref_squeeze %dma_wait3A_76 : memref<1x128xi32, #tpu.memory_space<vmem>> -> memref<128xi32, #tpu.memory_space<vmem>>
        %dma_wait3A_78 = arith.constant 0 : i32
        %dma_wait3A_79 = arith.constant 0 : i32
        %dma_wait3A_80 = tpu.memref_slice %arg9[%dma_wait3A_78, %dma_wait3A_79] : memref<10240x128xf32, #tpu.memory_space<vmem_shared>> -> memref<10240x128xf32, #tpu.memory_space<vmem_shared>>
        tpu.wait_indirect_dma semaphore(%run_scoped3A : memref<!tpu.dma_semaphore, #tpu.memory_space<semaphore_mem>>) src(%arg8 : memref<128x128xf32, #tpu.memory_space<vmem>>) dst(%dma_wait3A_80 : memref<10240x128xf32, #tpu.memory_space<vmem_shared>>)
        tpu.yield
      }) : () -> ()
    }
    %scan3A_28 = arith.constant 160 : i32
    %barrier3A_29 = arith.constant 0 : index
    tpu.barrier barrier_id(%barrier3A_29)
    %mul3A_30 = arith.constant 640 : i32
    %mul3A_31 = arith.muli %arg1, %mul3A_30 : i32
    %add3A_32 = arith.constant 0 : i32
    %add3A_33 = arith.addi %mul3A_31, %add3A_32 : i32
    "tpu.region"() ({
      %run_scoped3A = tpu.sem_alloc : memref<!tpu.dma_semaphore, #tpu.memory_space<semaphore_mem>>
      %dma_start3A = arith.constant 0 : i32
      %dma_start3A_70 = tpu.memref_slice %arg9[%add3A_33, %dma_start3A] : memref<10240x128xf32, #tpu.memory_space<vmem_shared>> -> memref<128x128xf32, #tpu.memory_space<vmem_shared>>
      %dma_start3A_71 = arith.constant 0 : i32
      %dma_start3A_72 = tpu.memref_slice %arg9[%add3A_33, %dma_start3A_71] : memref<10240x128xf32, #tpu.memory_space<vmem_shared>> -> memref<128x128xf32, #tpu.memory_space<vmem_shared>>
      tpu.enqueue_dma source(%dma_start3A_72 : memref<128x128xf32, #tpu.memory_space<vmem_shared>>) target(%arg8 : memref<128x128xf32, #tpu.memory_space<vmem>>) target_semaphore(%run_scoped3A : memref<!tpu.dma_semaphore, #tpu.memory_space<semaphore_mem>>)
      %dma_wait3A = arith.constant 0 : i32
      %dma_wait3A_73 = tpu.memref_slice %arg9[%add3A_33, %dma_wait3A] : memref<10240x128xf32, #tpu.memory_space<vmem_shared>> -> memref<128x128xf32, #tpu.memory_space<vmem_shared>>
      %dma_wait3A_74 = arith.constant 0 : i32
      %dma_wait3A_75 = tpu.memref_slice %arg9[%add3A_33, %dma_wait3A_74] : memref<10240x128xf32, #tpu.memory_space<vmem_shared>> -> memref<128x128xf32, #tpu.memory_space<vmem_shared>>
      tpu.wait_dma2 semaphore(%run_scoped3A : memref<!tpu.dma_semaphore, #tpu.memory_space<semaphore_mem>>) src(%dma_wait3A_75 : memref<128x128xf32, #tpu.memory_space<vmem_shared>>) dst(%arg8 : memref<128x128xf32, #tpu.memory_space<vmem>>)
      tpu.yield
    }) : () -> ()
    %mul3A_34 = arith.constant 640 : i32
    %mul3A_35 = arith.muli %arg1, %mul3A_34 : i32
    %add3A_36 = arith.constant 0 : i32
    %add3A_37 = arith.addi %mul3A_35, %add3A_36 : i32
    "tpu.region"() ({
      %run_scoped3A = tpu.sem_alloc : memref<!tpu.dma_semaphore, #tpu.memory_space<semaphore_mem>>
      %dma_start3A = arith.constant 0 : i32
      %dma_start3A_70 = tpu.memref_slice %arg6[%arg0, %add3A_37, %dma_start3A] : memref<2x10240x128xf32, #tpu.memory_space<hbm>> -> memref<1x128x128xf32, #tpu.memory_space<hbm>>
      %dma_start3A_71 = tpu.memref_squeeze %dma_start3A_70 : memref<1x128x128xf32, #tpu.memory_space<hbm>> -> memref<128x128xf32, #tpu.memory_space<hbm>>
      %dma_start3A_72 = arith.constant 0 : i32
      %dma_start3A_73 = tpu.memref_slice %arg6[%arg0, %add3A_37, %dma_start3A_72] : memref<2x10240x128xf32, #tpu.memory_space<hbm>> -> memref<1x128x128xf32, #tpu.memory_space<hbm>>
      %dma_start3A_74 = tpu.memref_squeeze %dma_start3A_73 : memref<1x128x128xf32, #tpu.memory_space<hbm>> -> memref<128x128xf32, #tpu.memory_space<hbm>>
      tpu.enqueue_dma source(%arg8 : memref<128x128xf32, #tpu.memory_space<vmem>>) target(%dma_start3A_74 : memref<128x128xf32, #tpu.memory_space<hbm>>) target_semaphore(%run_scoped3A : memref<!tpu.dma_semaphore, #tpu.memory_space<semaphore_mem>>)
      %dma_wait3A = arith.constant 0 : i32
      %dma_wait3A_75 = tpu.memref_slice %arg6[%arg0, %add3A_37, %dma_wait3A] : memref<2x10240x128xf32, #tpu.memory_space<hbm>> -> memref<1x128x128xf32, #tpu.memory_space<hbm>>
      %dma_wait3A_76 = tpu.memref_squeeze %dma_wait3A_75 : memref<1x128x128xf32, #tpu.memory_space<hbm>> -> memref<128x128xf32, #tpu.memory_space<hbm>>
      %dma_wait3A_77 = arith.constant 0 : i32
      %dma_wait3A_78 = tpu.memref_slice %arg6[%arg0, %add3A_37, %dma_wait3A_77] : memref<2x10240x128xf32, #tpu.memory_space<hbm>> -> memref<1x128x128xf32, #tpu.memory_space<hbm>>
      %dma_wait3A_79 = tpu.memref_squeeze %dma_wait3A_78 : memref<1x128x128xf32, #tpu.memory_space<hbm>> -> memref<128x128xf32, #tpu.memory_space<hbm>>
      tpu.wait_dma2 semaphore(%run_scoped3A : memref<!tpu.dma_semaphore, #tpu.memory_space<semaphore_mem>>) src(%arg8 : memref<128x128xf32, #tpu.memory_space<vmem>>) dst(%dma_wait3A_79 : memref<128x128xf32, #tpu.memory_space<hbm>>)
      tpu.yield
    }) : () -> ()
    %mul3A_38 = arith.constant 640 : i32
    %mul3A_39 = arith.muli %arg1, %mul3A_38 : i32
    %add3A_40 = arith.constant 128 : i32
    %add3A_41 = arith.addi %mul3A_39, %add3A_40 : i32
    "tpu.region"() ({
      %run_scoped3A = tpu.sem_alloc : memref<!tpu.dma_semaphore, #tpu.memory_space<semaphore_mem>>
      %dma_start3A = arith.constant 0 : i32
      %dma_start3A_70 = tpu.memref_slice %arg9[%add3A_41, %dma_start3A] : memref<10240x128xf32, #tpu.memory_space<vmem_shared>> -> memref<128x128xf32, #tpu.memory_space<vmem_shared>>
      %dma_start3A_71 = arith.constant 0 : i32
      %dma_start3A_72 = tpu.memref_slice %arg9[%add3A_41, %dma_start3A_71] : memref<10240x128xf32, #tpu.memory_space<vmem_shared>> -> memref<128x128xf32, #tpu.memory_space<vmem_shared>>
      tpu.enqueue_dma source(%dma_start3A_72 : memref<128x128xf32, #tpu.memory_space<vmem_shared>>) target(%arg8 : memref<128x128xf32, #tpu.memory_space<vmem>>) target_semaphore(%run_scoped3A : memref<!tpu.dma_semaphore, #tpu.memory_space<semaphore_mem>>)
      %dma_wait3A = arith.constant 0 : i32
      %dma_wait3A_73 = tpu.memref_slice %arg9[%add3A_41, %dma_wait3A] : memref<10240x128xf32, #tpu.memory_space<vmem_shared>> -> memref<128x128xf32, #tpu.memory_space<vmem_shared>>
      %dma_wait3A_74 = arith.constant 0 : i32
      %dma_wait3A_75 = tpu.memref_slice %arg9[%add3A_41, %dma_wait3A_74] : memref<10240x128xf32, #tpu.memory_space<vmem_shared>> -> memref<128x128xf32, #tpu.memory_space<vmem_shared>>
      tpu.wait_dma2 semaphore(%run_scoped3A : memref<!tpu.dma_semaphore, #tpu.memory_space<semaphore_mem>>) src(%dma_wait3A_75 : memref<128x128xf32, #tpu.memory_space<vmem_shared>>) dst(%arg8 : memref<128x128xf32, #tpu.memory_space<vmem>>)
      tpu.yield
    }) : () -> ()
    %mul3A_42 = arith.constant 640 : i32
    %mul3A_43 = arith.muli %arg1, %mul3A_42 : i32
    %add3A_44 = arith.constant 128 : i32
    %add3A_45 = arith.addi %mul3A_43, %add3A_44 : i32
    "tpu.region"() ({
      %run_scoped3A = tpu.sem_alloc : memref<!tpu.dma_semaphore, #tpu.memory_space<semaphore_mem>>
      %dma_start3A = arith.constant 0 : i32
      %dma_start3A_70 = tpu.memref_slice %arg6[%arg0, %add3A_45, %dma_start3A] : memref<2x10240x128xf32, #tpu.memory_space<hbm>> -> memref<1x128x128xf32, #tpu.memory_space<hbm>>
      %dma_start3A_71 = tpu.memref_squeeze %dma_start3A_70 : memref<1x128x128xf32, #tpu.memory_space<hbm>> -> memref<128x128xf32, #tpu.memory_space<hbm>>
      %dma_start3A_72 = arith.constant 0 : i32
      %dma_start3A_73 = tpu.memref_slice %arg6[%arg0, %add3A_45, %dma_start3A_72] : memref<2x10240x128xf32, #tpu.memory_space<hbm>> -> memref<1x128x128xf32, #tpu.memory_space<hbm>>
      %dma_start3A_74 = tpu.memref_squeeze %dma_start3A_73 : memref<1x128x128xf32, #tpu.memory_space<hbm>> -> memref<128x128xf32, #tpu.memory_space<hbm>>
      tpu.enqueue_dma source(%arg8 : memref<128x128xf32, #tpu.memory_space<vmem>>) target(%dma_start3A_74 : memref<128x128xf32, #tpu.memory_space<hbm>>) target_semaphore(%run_scoped3A : memref<!tpu.dma_semaphore, #tpu.memory_space<semaphore_mem>>)
      %dma_wait3A = arith.constant 0 : i32
      %dma_wait3A_75 = tpu.memref_slice %arg6[%arg0, %add3A_45, %dma_wait3A] : memref<2x10240x128xf32, #tpu.memory_space<hbm>> -> memref<1x128x128xf32, #tpu.memory_space<hbm>>
      %dma_wait3A_76 = tpu.memref_squeeze %dma_wait3A_75 : memref<1x128x128xf32, #tpu.memory_space<hbm>> -> memref<128x128xf32, #tpu.memory_space<hbm>>
      %dma_wait3A_77 = arith.constant 0 : i32
      %dma_wait3A_78 = tpu.memref_slice %arg6[%arg0, %add3A_45, %dma_wait3A_77] : memref<2x10240x128xf32, #tpu.memory_space<hbm>> -> memref<1x128x128xf32, #tpu.memory_space<hbm>>
      %dma_wait3A_79 = tpu.memref_squeeze %dma_wait3A_78 : memref<1x128x128xf32, #tpu.memory_space<hbm>> -> memref<128x128xf32, #tpu.memory_space<hbm>>
      tpu.wait_dma2 semaphore(%run_scoped3A : memref<!tpu.dma_semaphore, #tpu.memory_space<semaphore_mem>>) src(%arg8 : memref<128x128xf32, #tpu.memory_space<vmem>>) dst(%dma_wait3A_79 : memref<128x128xf32, #tpu.memory_space<hbm>>)
      tpu.yield
    }) : () -> ()
    %mul3A_46 = arith.constant 640 : i32
    %mul3A_47 = arith.muli %arg1, %mul3A_46 : i32
    %add3A_48 = arith.constant 256 : i32
    %add3A_49 = arith.addi %mul3A_47, %add3A_48 : i32
    "tpu.region"() ({
      %run_scoped3A = tpu.sem_alloc : memref<!tpu.dma_semaphore, #tpu.memory_space<semaphore_mem>>
      %dma_start3A = arith.constant 0 : i32
      %dma_start3A_70 = tpu.memref_slice %arg9[%add3A_49, %dma_start3A] : memref<10240x128xf32, #tpu.memory_space<vmem_shared>> -> memref<128x128xf32, #tpu.memory_space<vmem_shared>>
      %dma_start3A_71 = arith.constant 0 : i32
      %dma_start3A_72 = tpu.memref_slice %arg9[%add3A_49, %dma_start3A_71] : memref<10240x128xf32, #tpu.memory_space<vmem_shared>> -> memref<128x128xf32, #tpu.memory_space<vmem_shared>>
      tpu.enqueue_dma source(%dma_start3A_72 : memref<128x128xf32, #tpu.memory_space<vmem_shared>>) target(%arg8 : memref<128x128xf32, #tpu.memory_space<vmem>>) target_semaphore(%run_scoped3A : memref<!tpu.dma_semaphore, #tpu.memory_space<semaphore_mem>>)
      %dma_wait3A = arith.constant 0 : i32
      %dma_wait3A_73 = tpu.memref_slice %arg9[%add3A_49, %dma_wait3A] : memref<10240x128xf32, #tpu.memory_space<vmem_shared>> -> memref<128x128xf32, #tpu.memory_space<vmem_shared>>
      %dma_wait3A_74 = arith.constant 0 : i32
      %dma_wait3A_75 = tpu.memref_slice %arg9[%add3A_49, %dma_wait3A_74] : memref<10240x128xf32, #tpu.memory_space<vmem_shared>> -> memref<128x128xf32, #tpu.memory_space<vmem_shared>>
      tpu.wait_dma2 semaphore(%run_scoped3A : memref<!tpu.dma_semaphore, #tpu.memory_space<semaphore_mem>>) src(%dma_wait3A_75 : memref<128x128xf32, #tpu.memory_space<vmem_shared>>) dst(%arg8 : memref<128x128xf32, #tpu.memory_space<vmem>>)
      tpu.yield
    }) : () -> ()
    %mul3A_50 = arith.constant 640 : i32
    %mul3A_51 = arith.muli %arg1, %mul3A_50 : i32
    %add3A_52 = arith.constant 256 : i32
    %add3A_53 = arith.addi %mul3A_51, %add3A_52 : i32
    "tpu.region"() ({
      %run_scoped3A = tpu.sem_alloc : memref<!tpu.dma_semaphore, #tpu.memory_space<semaphore_mem>>
      %dma_start3A = arith.constant 0 : i32
      %dma_start3A_70 = tpu.memref_slice %arg6[%arg0, %add3A_53, %dma_start3A] : memref<2x10240x128xf32, #tpu.memory_space<hbm>> -> memref<1x128x128xf32, #tpu.memory_space<hbm>>
      %dma_start3A_71 = tpu.memref_squeeze %dma_start3A_70 : memref<1x128x128xf32, #tpu.memory_space<hbm>> -> memref<128x128xf32, #tpu.memory_space<hbm>>
      %dma_start3A_72 = arith.constant 0 : i32
      %dma_start3A_73 = tpu.memref_slice %arg6[%arg0, %add3A_53, %dma_start3A_72] : memref<2x10240x128xf32, #tpu.memory_space<hbm>> -> memref<1x128x128xf32, #tpu.memory_space<hbm>>
      %dma_start3A_74 = tpu.memref_squeeze %dma_start3A_73 : memref<1x128x128xf32, #tpu.memory_space<hbm>> -> memref<128x128xf32, #tpu.memory_space<hbm>>
      tpu.enqueue_dma source(%arg8 : memref<128x128xf32, #tpu.memory_space<vmem>>) target(%dma_start3A_74 : memref<128x128xf32, #tpu.memory_space<hbm>>) target_semaphore(%run_scoped3A : memref<!tpu.dma_semaphore, #tpu.memory_space<semaphore_mem>>)
      %dma_wait3A = arith.constant 0 : i32
      %dma_wait3A_75 = tpu.memref_slice %arg6[%arg0, %add3A_53, %dma_wait3A] : memref<2x10240x128xf32, #tpu.memory_space<hbm>> -> memref<1x128x128xf32, #tpu.memory_space<hbm>>
      %dma_wait3A_76 = tpu.memref_squeeze %dma_wait3A_75 : memref<1x128x128xf32, #tpu.memory_space<hbm>> -> memref<128x128xf32, #tpu.memory_space<hbm>>
      %dma_wait3A_77 = arith.constant 0 : i32
      %dma_wait3A_78 = tpu.memref_slice %arg6[%arg0, %add3A_53, %dma_wait3A_77] : memref<2x10240x128xf32, #tpu.memory_space<hbm>> -> memref<1x128x128xf32, #tpu.memory_space<hbm>>
      %dma_wait3A_79 = tpu.memref_squeeze %dma_wait3A_78 : memref<1x128x128xf32, #tpu.memory_space<hbm>> -> memref<128x128xf32, #tpu.memory_space<hbm>>
      tpu.wait_dma2 semaphore(%run_scoped3A : memref<!tpu.dma_semaphore, #tpu.memory_space<semaphore_mem>>) src(%arg8 : memref<128x128xf32, #tpu.memory_space<vmem>>) dst(%dma_wait3A_79 : memref<128x128xf32, #tpu.memory_space<hbm>>)
      tpu.yield
    }) : () -> ()
    %mul3A_54 = arith.constant 640 : i32
    %mul3A_55 = arith.muli %arg1, %mul3A_54 : i32
    %add3A_56 = arith.constant 384 : i32
    %add3A_57 = arith.addi %mul3A_55, %add3A_56 : i32
    "tpu.region"() ({
      %run_scoped3A = tpu.sem_alloc : memref<!tpu.dma_semaphore, #tpu.memory_space<semaphore_mem>>
      %dma_start3A = arith.constant 0 : i32
      %dma_start3A_70 = tpu.memref_slice %arg9[%add3A_57, %dma_start3A] : memref<10240x128xf32, #tpu.memory_space<vmem_shared>> -> memref<128x128xf32, #tpu.memory_space<vmem_shared>>
      %dma_start3A_71 = arith.constant 0 : i32
      %dma_start3A_72 = tpu.memref_slice %arg9[%add3A_57, %dma_start3A_71] : memref<10240x128xf32, #tpu.memory_space<vmem_shared>> -> memref<128x128xf32, #tpu.memory_space<vmem_shared>>
      tpu.enqueue_dma source(%dma_start3A_72 : memref<128x128xf32, #tpu.memory_space<vmem_shared>>) target(%arg8 : memref<128x128xf32, #tpu.memory_space<vmem>>) target_semaphore(%run_scoped3A : memref<!tpu.dma_semaphore, #tpu.memory_space<semaphore_mem>>)
      %dma_wait3A = arith.constant 0 : i32
      %dma_wait3A_73 = tpu.memref_slice %arg9[%add3A_57, %dma_wait3A] : memref<10240x128xf32, #tpu.memory_space<vmem_shared>> -> memref<128x128xf32, #tpu.memory_space<vmem_shared>>
      %dma_wait3A_74 = arith.constant 0 : i32
      %dma_wait3A_75 = tpu.memref_slice %arg9[%add3A_57, %dma_wait3A_74] : memref<10240x128xf32, #tpu.memory_space<vmem_shared>> -> memref<128x128xf32, #tpu.memory_space<vmem_shared>>
      tpu.wait_dma2 semaphore(%run_scoped3A : memref<!tpu.dma_semaphore, #tpu.memory_space<semaphore_mem>>) src(%dma_wait3A_75 : memref<128x128xf32, #tpu.memory_space<vmem_shared>>) dst(%arg8 : memref<128x128xf32, #tpu.memory_space<vmem>>)
      tpu.yield
    }) : () -> ()
    %mul3A_58 = arith.constant 640 : i32
    %mul3A_59 = arith.muli %arg1, %mul3A_58 : i32
    %add3A_60 = arith.constant 384 : i32
    %add3A_61 = arith.addi %mul3A_59, %add3A_60 : i32
    "tpu.region"() ({
      %run_scoped3A = tpu.sem_alloc : memref<!tpu.dma_semaphore, #tpu.memory_space<semaphore_mem>>
      %dma_start3A = arith.constant 0 : i32
      %dma_start3A_70 = tpu.memref_slice %arg6[%arg0, %add3A_61, %dma_start3A] : memref<2x10240x128xf32, #tpu.memory_space<hbm>> -> memref<1x128x128xf32, #tpu.memory_space<hbm>>
      %dma_start3A_71 = tpu.memref_squeeze %dma_start3A_70 : memref<1x128x128xf32, #tpu.memory_space<hbm>> -> memref<128x128xf32, #tpu.memory_space<hbm>>
      %dma_start3A_72 = arith.constant 0 : i32
      %dma_start3A_73 = tpu.memref_slice %arg6[%arg0, %add3A_61, %dma_start3A_72] : memref<2x10240x128xf32, #tpu.memory_space<hbm>> -> memref<1x128x128xf32, #tpu.memory_space<hbm>>
      %dma_start3A_74 = tpu.memref_squeeze %dma_start3A_73 : memref<1x128x128xf32, #tpu.memory_space<hbm>> -> memref<128x128xf32, #tpu.memory_space<hbm>>
      tpu.enqueue_dma source(%arg8 : memref<128x128xf32, #tpu.memory_space<vmem>>) target(%dma_start3A_74 : memref<128x128xf32, #tpu.memory_space<hbm>>) target_semaphore(%run_scoped3A : memref<!tpu.dma_semaphore, #tpu.memory_space<semaphore_mem>>)
      %dma_wait3A = arith.constant 0 : i32
      %dma_wait3A_75 = tpu.memref_slice %arg6[%arg0, %add3A_61, %dma_wait3A] : memref<2x10240x128xf32, #tpu.memory_space<hbm>> -> memref<1x128x128xf32, #tpu.memory_space<hbm>>
      %dma_wait3A_76 = tpu.memref_squeeze %dma_wait3A_75 : memref<1x128x128xf32, #tpu.memory_space<hbm>> -> memref<128x128xf32, #tpu.memory_space<hbm>>
      %dma_wait3A_77 = arith.constant 0 : i32
      %dma_wait3A_78 = tpu.memref_slice %arg6[%arg0, %add3A_61, %dma_wait3A_77] : memref<2x10240x128xf32, #tpu.memory_space<hbm>> -> memref<1x128x128xf32, #tpu.memory_space<hbm>>
      %dma_wait3A_79 = tpu.memref_squeeze %dma_wait3A_78 : memref<1x128x128xf32, #tpu.memory_space<hbm>> -> memref<128x128xf32, #tpu.memory_space<hbm>>
      tpu.wait_dma2 semaphore(%run_scoped3A : memref<!tpu.dma_semaphore, #tpu.memory_space<semaphore_mem>>) src(%arg8 : memref<128x128xf32, #tpu.memory_space<vmem>>) dst(%dma_wait3A_79 : memref<128x128xf32, #tpu.memory_space<hbm>>)
      tpu.yield
    }) : () -> ()
    %mul3A_62 = arith.constant 640 : i32
    %mul3A_63 = arith.muli %arg1, %mul3A_62 : i32
    %add3A_64 = arith.constant 512 : i32
    %add3A_65 = arith.addi %mul3A_63, %add3A_64 : i32
    "tpu.region"() ({
      %run_scoped3A = tpu.sem_alloc : memref<!tpu.dma_semaphore, #tpu.memory_space<semaphore_mem>>
      %dma_start3A = arith.constant 0 : i32
      %dma_start3A_70 = tpu.memref_slice %arg9[%add3A_65, %dma_start3A] : memref<10240x128xf32, #tpu.memory_space<vmem_shared>> -> memref<128x128xf32, #tpu.memory_space<vmem_shared>>
      %dma_start3A_71 = arith.constant 0 : i32
      %dma_start3A_72 = tpu.memref_slice %arg9[%add3A_65, %dma_start3A_71] : memref<10240x128xf32, #tpu.memory_space<vmem_shared>> -> memref<128x128xf32, #tpu.memory_space<vmem_shared>>
      tpu.enqueue_dma source(%dma_start3A_72 : memref<128x128xf32, #tpu.memory_space<vmem_shared>>) target(%arg8 : memref<128x128xf32, #tpu.memory_space<vmem>>) target_semaphore(%run_scoped3A : memref<!tpu.dma_semaphore, #tpu.memory_space<semaphore_mem>>)
      %dma_wait3A = arith.constant 0 : i32
      %dma_wait3A_73 = tpu.memref_slice %arg9[%add3A_65, %dma_wait3A] : memref<10240x128xf32, #tpu.memory_space<vmem_shared>> -> memref<128x128xf32, #tpu.memory_space<vmem_shared>>
      %dma_wait3A_74 = arith.constant 0 : i32
      %dma_wait3A_75 = tpu.memref_slice %arg9[%add3A_65, %dma_wait3A_74] : memref<10240x128xf32, #tpu.memory_space<vmem_shared>> -> memref<128x128xf32, #tpu.memory_space<vmem_shared>>
      tpu.wait_dma2 semaphore(%run_scoped3A : memref<!tpu.dma_semaphore, #tpu.memory_space<semaphore_mem>>) src(%dma_wait3A_75 : memref<128x128xf32, #tpu.memory_space<vmem_shared>>) dst(%arg8 : memref<128x128xf32, #tpu.memory_space<vmem>>)
      tpu.yield
    }) : () -> ()
    %mul3A_66 = arith.constant 640 : i32
    %mul3A_67 = arith.muli %arg1, %mul3A_66 : i32
    %add3A_68 = arith.constant 512 : i32
    %add3A_69 = arith.addi %mul3A_67, %add3A_68 : i32
    "tpu.region"() ({
      %run_scoped3A = tpu.sem_alloc : memref<!tpu.dma_semaphore, #tpu.memory_space<semaphore_mem>>
      %dma_start3A = arith.constant 0 : i32
      %dma_start3A_70 = tpu.memref_slice %arg6[%arg0, %add3A_69, %dma_start3A] : memref<2x10240x128xf32, #tpu.memory_space<hbm>> -> memref<1x128x128xf32, #tpu.memory_space<hbm>>
      %dma_start3A_71 = tpu.memref_squeeze %dma_start3A_70 : memref<1x128x128xf32, #tpu.memory_space<hbm>> -> memref<128x128xf32, #tpu.memory_space<hbm>>
      %dma_start3A_72 = arith.constant 0 : i32
      %dma_start3A_73 = tpu.memref_slice %arg6[%arg0, %add3A_69, %dma_start3A_72] : memref<2x10240x128xf32, #tpu.memory_space<hbm>> -> memref<1x128x128xf32, #tpu.memory_space<hbm>>
      %dma_start3A_74 = tpu.memref_squeeze %dma_start3A_73 : memref<1x128x128xf32, #tpu.memory_space<hbm>> -> memref<128x128xf32, #tpu.memory_space<hbm>>
      tpu.enqueue_dma source(%arg8 : memref<128x128xf32, #tpu.memory_space<vmem>>) target(%dma_start3A_74 : memref<128x128xf32, #tpu.memory_space<hbm>>) target_semaphore(%run_scoped3A : memref<!tpu.dma_semaphore, #tpu.memory_space<semaphore_mem>>)
      %dma_wait3A = arith.constant 0 : i32
      %dma_wait3A_75 = tpu.memref_slice %arg6[%arg0, %add3A_69, %dma_wait3A] : memref<2x10240x128xf32, #tpu.memory_space<hbm>> -> memref<1x128x128xf32, #tpu.memory_space<hbm>>
      %dma_wait3A_76 = tpu.memref_squeeze %dma_wait3A_75 : memref<1x128x128xf32, #tpu.memory_space<hbm>> -> memref<128x128xf32, #tpu.memory_space<hbm>>
      %dma_wait3A_77 = arith.constant 0 : i32
      %dma_wait3A_78 = tpu.memref_slice %arg6[%arg0, %add3A_69, %dma_wait3A_77] : memref<2x10240x128xf32, #tpu.memory_space<hbm>> -> memref<1x128x128xf32, #tpu.memory_space<hbm>>
      %dma_wait3A_79 = tpu.memref_squeeze %dma_wait3A_78 : memref<1x128x128xf32, #tpu.memory_space<hbm>> -> memref<128x128xf32, #tpu.memory_space<hbm>>
      tpu.wait_dma2 semaphore(%run_scoped3A : memref<!tpu.dma_semaphore, #tpu.memory_space<semaphore_mem>>) src(%arg8 : memref<128x128xf32, #tpu.memory_space<vmem>>) dst(%dma_wait3A_79 : memref<128x128xf32, #tpu.memory_space<hbm>>)
      tpu.yield
    }) : () -> ()
    return
  }
}

#map = affine_map<(d0, d1) -> (0, 0)>
#map1 = affine_map<(d0, d1) -> (0, 0, 0)>
module attributes {stable_mosaic.version = 14 : i64} {
  func.func @_gs_kernel(%arg0: i32, %arg1: i32, %arg2: memref<10240x128xf32, #tpu.memory_space<hbm>>, %arg3: memref<32x80x128xi32, #tpu.memory_space<hbm>>, %arg4: memref<10240x128xf32, #tpu.memory_space<hbm>>, %arg5: memref<2x10240x128xf32, #tpu.memory_space<hbm>>, %arg6: memref<80x128xi32, #tpu.memory_space<vmem>>, %arg7: memref<128xi32, #tpu.memory_space<vmem>>, %arg8: memref<128xi32, #tpu.memory_space<vmem>>, %arg9: memref<128xi32, #tpu.memory_space<vmem>>, %arg10: memref<128xi32, #tpu.memory_space<vmem>>, %arg11: memref<128x128xf32, #tpu.memory_space<vmem>>, %arg12: memref<128x128xf32, #tpu.memory_space<vmem>>, %arg13: memref<!tpu.dma_semaphore, #tpu.memory_space<semaphore_mem>>, %arg14: memref<!tpu.dma_semaphore, #tpu.memory_space<semaphore_mem>>, %arg15: memref<10240x128xf32, #tpu.memory_space<vmem_shared>>) attributes {dimension_semantics = [#tpu.dimension_semantics<core_parallel>, #tpu.dimension_semantics<subcore_parallel>], iteration_bounds = array<i64: 2, 16>, scalar_prefetch = 0 : i64, scratch_operands = 10 : i64, tpu.core_type = #tpu.core_type<sc_vector_subcore>, window_params = [{transform_indices = #map}, {transform_indices = #map1}, {transform_indices = #map}, {transform_indices = #map1}]} {
    %mul3A = arith.constant 2 : i32
    %mul3A_0 = arith.muli %arg1, %mul3A : i32
    %add3A = arith.addi %mul3A_0, %arg0 : i32
    "tpu.region"() ({
      %run_scoped3A = tpu.sem_alloc : memref<!tpu.dma_semaphore, #tpu.memory_space<semaphore_mem>>
      %dma_start3A_217 = arith.constant 0 : i32
      %dma_start3A_218 = arith.constant 0 : i32
      %dma_start3A_219 = tpu.memref_slice %arg3[%add3A, %dma_start3A_217, %dma_start3A_218] : memref<32x80x128xi32, #tpu.memory_space<hbm>> -> memref<1x80x128xi32, #tpu.memory_space<hbm>>
      %dma_start3A_220 = tpu.memref_squeeze %dma_start3A_219 : memref<1x80x128xi32, #tpu.memory_space<hbm>> -> memref<80x128xi32, #tpu.memory_space<hbm>>
      %dma_start3A_221 = arith.constant 0 : i32
      %dma_start3A_222 = arith.constant 0 : i32
      %dma_start3A_223 = tpu.memref_slice %arg3[%add3A, %dma_start3A_221, %dma_start3A_222] : memref<32x80x128xi32, #tpu.memory_space<hbm>> -> memref<1x80x128xi32, #tpu.memory_space<hbm>>
      %dma_start3A_224 = tpu.memref_squeeze %dma_start3A_223 : memref<1x80x128xi32, #tpu.memory_space<hbm>> -> memref<80x128xi32, #tpu.memory_space<hbm>>
      tpu.enqueue_dma source(%dma_start3A_224 : memref<80x128xi32, #tpu.memory_space<hbm>>) target(%arg6 : memref<80x128xi32, #tpu.memory_space<vmem>>) target_semaphore(%run_scoped3A : memref<!tpu.dma_semaphore, #tpu.memory_space<semaphore_mem>>)
      %dma_wait3A = arith.constant 0 : i32
      %dma_wait3A_225 = arith.constant 0 : i32
      %dma_wait3A_226 = tpu.memref_slice %arg3[%add3A, %dma_wait3A, %dma_wait3A_225] : memref<32x80x128xi32, #tpu.memory_space<hbm>> -> memref<1x80x128xi32, #tpu.memory_space<hbm>>
      %dma_wait3A_227 = tpu.memref_squeeze %dma_wait3A_226 : memref<1x80x128xi32, #tpu.memory_space<hbm>> -> memref<80x128xi32, #tpu.memory_space<hbm>>
      %dma_wait3A_228 = arith.constant 0 : i32
      %dma_wait3A_229 = arith.constant 0 : i32
      %dma_wait3A_230 = tpu.memref_slice %arg3[%add3A, %dma_wait3A_228, %dma_wait3A_229] : memref<32x80x128xi32, #tpu.memory_space<hbm>> -> memref<1x80x128xi32, #tpu.memory_space<hbm>>
      %dma_wait3A_231 = tpu.memref_squeeze %dma_wait3A_230 : memref<1x80x128xi32, #tpu.memory_space<hbm>> -> memref<80x128xi32, #tpu.memory_space<hbm>>
      tpu.wait_dma2 semaphore(%run_scoped3A : memref<!tpu.dma_semaphore, #tpu.memory_space<semaphore_mem>>) src(%dma_wait3A_231 : memref<80x128xi32, #tpu.memory_space<hbm>>) dst(%arg6 : memref<80x128xi32, #tpu.memory_space<vmem>>)
      tpu.yield
    }) : () -> ()
    "tpu.region"() ({
      %run_scoped3A = tpu.sem_alloc : memref<!tpu.dma_semaphore, #tpu.memory_space<semaphore_mem>>
      %dma_start3A_217 = arith.constant 0 : i32
      %dma_start3A_218 = arith.constant 0 : i32
      %dma_start3A_219 = tpu.memref_slice %arg4[%dma_start3A_217, %dma_start3A_218] : memref<10240x128xf32, #tpu.memory_space<hbm>> -> memref<128x128xf32, #tpu.memory_space<hbm>>
      %dma_start3A_220 = arith.constant 0 : i32
      %dma_start3A_221 = arith.constant 0 : i32
      %dma_start3A_222 = tpu.memref_slice %arg4[%dma_start3A_220, %dma_start3A_221] : memref<10240x128xf32, #tpu.memory_space<hbm>> -> memref<128x128xf32, #tpu.memory_space<hbm>>
      tpu.enqueue_dma source(%dma_start3A_222 : memref<128x128xf32, #tpu.memory_space<hbm>>) target(%arg11 : memref<128x128xf32, #tpu.memory_space<vmem>>) target_semaphore(%run_scoped3A : memref<!tpu.dma_semaphore, #tpu.memory_space<semaphore_mem>>)
      %dma_wait3A = arith.constant 0 : i32
      %dma_wait3A_223 = arith.constant 0 : i32
      %dma_wait3A_224 = tpu.memref_slice %arg4[%dma_wait3A, %dma_wait3A_223] : memref<10240x128xf32, #tpu.memory_space<hbm>> -> memref<128x128xf32, #tpu.memory_space<hbm>>
      %dma_wait3A_225 = arith.constant 0 : i32
      %dma_wait3A_226 = arith.constant 0 : i32
      %dma_wait3A_227 = tpu.memref_slice %arg4[%dma_wait3A_225, %dma_wait3A_226] : memref<10240x128xf32, #tpu.memory_space<hbm>> -> memref<128x128xf32, #tpu.memory_space<hbm>>
      tpu.wait_dma2 semaphore(%run_scoped3A : memref<!tpu.dma_semaphore, #tpu.memory_space<semaphore_mem>>) src(%dma_wait3A_227 : memref<128x128xf32, #tpu.memory_space<hbm>>) dst(%arg11 : memref<128x128xf32, #tpu.memory_space<vmem>>)
      tpu.yield
    }) : () -> ()
    %mul3A_1 = arith.constant 640 : i32
    %mul3A_2 = arith.muli %arg1, %mul3A_1 : i32
    %add3A_3 = arith.constant 0 : i32
    %add3A_4 = arith.addi %mul3A_2, %add3A_3 : i32
    "tpu.region"() ({
      %run_scoped3A = tpu.sem_alloc : memref<!tpu.dma_semaphore, #tpu.memory_space<semaphore_mem>>
      %dma_start3A_217 = arith.constant 0 : i32
      %dma_start3A_218 = tpu.memref_slice %arg15[%add3A_4, %dma_start3A_217] : memref<10240x128xf32, #tpu.memory_space<vmem_shared>> -> memref<128x128xf32, #tpu.memory_space<vmem_shared>>
      %dma_start3A_219 = arith.constant 0 : i32
      %dma_start3A_220 = tpu.memref_slice %arg15[%add3A_4, %dma_start3A_219] : memref<10240x128xf32, #tpu.memory_space<vmem_shared>> -> memref<128x128xf32, #tpu.memory_space<vmem_shared>>
      tpu.enqueue_dma source(%arg11 : memref<128x128xf32, #tpu.memory_space<vmem>>) target(%dma_start3A_220 : memref<128x128xf32, #tpu.memory_space<vmem_shared>>) target_semaphore(%run_scoped3A : memref<!tpu.dma_semaphore, #tpu.memory_space<semaphore_mem>>)
      %dma_wait3A = arith.constant 0 : i32
      %dma_wait3A_221 = tpu.memref_slice %arg15[%add3A_4, %dma_wait3A] : memref<10240x128xf32, #tpu.memory_space<vmem_shared>> -> memref<128x128xf32, #tpu.memory_space<vmem_shared>>
      %dma_wait3A_222 = arith.constant 0 : i32
      %dma_wait3A_223 = tpu.memref_slice %arg15[%add3A_4, %dma_wait3A_222] : memref<10240x128xf32, #tpu.memory_space<vmem_shared>> -> memref<128x128xf32, #tpu.memory_space<vmem_shared>>
      tpu.wait_dma2 semaphore(%run_scoped3A : memref<!tpu.dma_semaphore, #tpu.memory_space<semaphore_mem>>) src(%arg11 : memref<128x128xf32, #tpu.memory_space<vmem>>) dst(%dma_wait3A_223 : memref<128x128xf32, #tpu.memory_space<vmem_shared>>)
      tpu.yield
    }) : () -> ()
    %mul3A_5 = arith.constant 640 : i32
    %mul3A_6 = arith.muli %arg1, %mul3A_5 : i32
    %add3A_7 = arith.constant 128 : i32
    %add3A_8 = arith.addi %mul3A_6, %add3A_7 : i32
    "tpu.region"() ({
      %run_scoped3A = tpu.sem_alloc : memref<!tpu.dma_semaphore, #tpu.memory_space<semaphore_mem>>
      %dma_start3A_217 = arith.constant 0 : i32
      %dma_start3A_218 = tpu.memref_slice %arg15[%add3A_8, %dma_start3A_217] : memref<10240x128xf32, #tpu.memory_space<vmem_shared>> -> memref<128x128xf32, #tpu.memory_space<vmem_shared>>
      %dma_start3A_219 = arith.constant 0 : i32
      %dma_start3A_220 = tpu.memref_slice %arg15[%add3A_8, %dma_start3A_219] : memref<10240x128xf32, #tpu.memory_space<vmem_shared>> -> memref<128x128xf32, #tpu.memory_space<vmem_shared>>
      tpu.enqueue_dma source(%arg11 : memref<128x128xf32, #tpu.memory_space<vmem>>) target(%dma_start3A_220 : memref<128x128xf32, #tpu.memory_space<vmem_shared>>) target_semaphore(%run_scoped3A : memref<!tpu.dma_semaphore, #tpu.memory_space<semaphore_mem>>)
      %dma_wait3A = arith.constant 0 : i32
      %dma_wait3A_221 = tpu.memref_slice %arg15[%add3A_8, %dma_wait3A] : memref<10240x128xf32, #tpu.memory_space<vmem_shared>> -> memref<128x128xf32, #tpu.memory_space<vmem_shared>>
      %dma_wait3A_222 = arith.constant 0 : i32
      %dma_wait3A_223 = tpu.memref_slice %arg15[%add3A_8, %dma_wait3A_222] : memref<10240x128xf32, #tpu.memory_space<vmem_shared>> -> memref<128x128xf32, #tpu.memory_space<vmem_shared>>
      tpu.wait_dma2 semaphore(%run_scoped3A : memref<!tpu.dma_semaphore, #tpu.memory_space<semaphore_mem>>) src(%arg11 : memref<128x128xf32, #tpu.memory_space<vmem>>) dst(%dma_wait3A_223 : memref<128x128xf32, #tpu.memory_space<vmem_shared>>)
      tpu.yield
    }) : () -> ()
    %mul3A_9 = arith.constant 640 : i32
    %mul3A_10 = arith.muli %arg1, %mul3A_9 : i32
    %add3A_11 = arith.constant 256 : i32
    %add3A_12 = arith.addi %mul3A_10, %add3A_11 : i32
    "tpu.region"() ({
      %run_scoped3A = tpu.sem_alloc : memref<!tpu.dma_semaphore, #tpu.memory_space<semaphore_mem>>
      %dma_start3A_217 = arith.constant 0 : i32
      %dma_start3A_218 = tpu.memref_slice %arg15[%add3A_12, %dma_start3A_217] : memref<10240x128xf32, #tpu.memory_space<vmem_shared>> -> memref<128x128xf32, #tpu.memory_space<vmem_shared>>
      %dma_start3A_219 = arith.constant 0 : i32
      %dma_start3A_220 = tpu.memref_slice %arg15[%add3A_12, %dma_start3A_219] : memref<10240x128xf32, #tpu.memory_space<vmem_shared>> -> memref<128x128xf32, #tpu.memory_space<vmem_shared>>
      tpu.enqueue_dma source(%arg11 : memref<128x128xf32, #tpu.memory_space<vmem>>) target(%dma_start3A_220 : memref<128x128xf32, #tpu.memory_space<vmem_shared>>) target_semaphore(%run_scoped3A : memref<!tpu.dma_semaphore, #tpu.memory_space<semaphore_mem>>)
      %dma_wait3A = arith.constant 0 : i32
      %dma_wait3A_221 = tpu.memref_slice %arg15[%add3A_12, %dma_wait3A] : memref<10240x128xf32, #tpu.memory_space<vmem_shared>> -> memref<128x128xf32, #tpu.memory_space<vmem_shared>>
      %dma_wait3A_222 = arith.constant 0 : i32
      %dma_wait3A_223 = tpu.memref_slice %arg15[%add3A_12, %dma_wait3A_222] : memref<10240x128xf32, #tpu.memory_space<vmem_shared>> -> memref<128x128xf32, #tpu.memory_space<vmem_shared>>
      tpu.wait_dma2 semaphore(%run_scoped3A : memref<!tpu.dma_semaphore, #tpu.memory_space<semaphore_mem>>) src(%arg11 : memref<128x128xf32, #tpu.memory_space<vmem>>) dst(%dma_wait3A_223 : memref<128x128xf32, #tpu.memory_space<vmem_shared>>)
      tpu.yield
    }) : () -> ()
    %mul3A_13 = arith.constant 640 : i32
    %mul3A_14 = arith.muli %arg1, %mul3A_13 : i32
    %add3A_15 = arith.constant 384 : i32
    %add3A_16 = arith.addi %mul3A_14, %add3A_15 : i32
    "tpu.region"() ({
      %run_scoped3A = tpu.sem_alloc : memref<!tpu.dma_semaphore, #tpu.memory_space<semaphore_mem>>
      %dma_start3A_217 = arith.constant 0 : i32
      %dma_start3A_218 = tpu.memref_slice %arg15[%add3A_16, %dma_start3A_217] : memref<10240x128xf32, #tpu.memory_space<vmem_shared>> -> memref<128x128xf32, #tpu.memory_space<vmem_shared>>
      %dma_start3A_219 = arith.constant 0 : i32
      %dma_start3A_220 = tpu.memref_slice %arg15[%add3A_16, %dma_start3A_219] : memref<10240x128xf32, #tpu.memory_space<vmem_shared>> -> memref<128x128xf32, #tpu.memory_space<vmem_shared>>
      tpu.enqueue_dma source(%arg11 : memref<128x128xf32, #tpu.memory_space<vmem>>) target(%dma_start3A_220 : memref<128x128xf32, #tpu.memory_space<vmem_shared>>) target_semaphore(%run_scoped3A : memref<!tpu.dma_semaphore, #tpu.memory_space<semaphore_mem>>)
      %dma_wait3A = arith.constant 0 : i32
      %dma_wait3A_221 = tpu.memref_slice %arg15[%add3A_16, %dma_wait3A] : memref<10240x128xf32, #tpu.memory_space<vmem_shared>> -> memref<128x128xf32, #tpu.memory_space<vmem_shared>>
      %dma_wait3A_222 = arith.constant 0 : i32
      %dma_wait3A_223 = tpu.memref_slice %arg15[%add3A_16, %dma_wait3A_222] : memref<10240x128xf32, #tpu.memory_space<vmem_shared>> -> memref<128x128xf32, #tpu.memory_space<vmem_shared>>
      tpu.wait_dma2 semaphore(%run_scoped3A : memref<!tpu.dma_semaphore, #tpu.memory_space<semaphore_mem>>) src(%arg11 : memref<128x128xf32, #tpu.memory_space<vmem>>) dst(%dma_wait3A_223 : memref<128x128xf32, #tpu.memory_space<vmem_shared>>)
      tpu.yield
    }) : () -> ()
    %mul3A_17 = arith.constant 640 : i32
    %mul3A_18 = arith.muli %arg1, %mul3A_17 : i32
    %add3A_19 = arith.constant 512 : i32
    %add3A_20 = arith.addi %mul3A_18, %add3A_19 : i32
    "tpu.region"() ({
      %run_scoped3A = tpu.sem_alloc : memref<!tpu.dma_semaphore, #tpu.memory_space<semaphore_mem>>
      %dma_start3A_217 = arith.constant 0 : i32
      %dma_start3A_218 = tpu.memref_slice %arg15[%add3A_20, %dma_start3A_217] : memref<10240x128xf32, #tpu.memory_space<vmem_shared>> -> memref<128x128xf32, #tpu.memory_space<vmem_shared>>
      %dma_start3A_219 = arith.constant 0 : i32
      %dma_start3A_220 = tpu.memref_slice %arg15[%add3A_20, %dma_start3A_219] : memref<10240x128xf32, #tpu.memory_space<vmem_shared>> -> memref<128x128xf32, #tpu.memory_space<vmem_shared>>
      tpu.enqueue_dma source(%arg11 : memref<128x128xf32, #tpu.memory_space<vmem>>) target(%dma_start3A_220 : memref<128x128xf32, #tpu.memory_space<vmem_shared>>) target_semaphore(%run_scoped3A : memref<!tpu.dma_semaphore, #tpu.memory_space<semaphore_mem>>)
      %dma_wait3A = arith.constant 0 : i32
      %dma_wait3A_221 = tpu.memref_slice %arg15[%add3A_20, %dma_wait3A] : memref<10240x128xf32, #tpu.memory_space<vmem_shared>> -> memref<128x128xf32, #tpu.memory_space<vmem_shared>>
      %dma_wait3A_222 = arith.constant 0 : i32
      %dma_wait3A_223 = tpu.memref_slice %arg15[%add3A_20, %dma_wait3A_222] : memref<10240x128xf32, #tpu.memory_space<vmem_shared>> -> memref<128x128xf32, #tpu.memory_space<vmem_shared>>
      tpu.wait_dma2 semaphore(%run_scoped3A : memref<!tpu.dma_semaphore, #tpu.memory_space<semaphore_mem>>) src(%arg11 : memref<128x128xf32, #tpu.memory_space<vmem>>) dst(%dma_wait3A_223 : memref<128x128xf32, #tpu.memory_space<vmem_shared>>)
      tpu.yield
    }) : () -> ()
    %barrier3A = arith.constant 0 : index
    tpu.barrier barrier_id(%barrier3A)
    %get3A = arith.constant 0 : i32
    %get3A_21 = arith.index_cast %get3A : i32 to index
    %get3A_22 = arith.constant 0 : index
    %get3A_23 = tpu.vector_load %arg6[%get3A_21, %get3A_22] {strides = array<i32>} : memref<80x128xi32, #tpu.memory_space<vmem>>, vector<1x16xi32>,
    %get3A_24 = vector.shape_cast %get3A_23 : vector<1x16xi32> to vector<16xi32>
    %and3A = arith.constant 16383 : i32
    %and3A_25 = vector.broadcast %and3A : i32 to vector<16xi32>
    %and3A_26 = arith.andi %get3A_24, %and3A_25 : vector<16xi32>
    %swap3A = arith.constant 0 : index
    %swap3A_27 = tpu.vector_load %arg7[%swap3A] {strides = array<i32>} : memref<128xi32, #tpu.memory_space<vmem>>, vector<16xi32>,
    %swap3A_28 = vector.shape_cast %swap3A_27 : vector<16xi32> to vector<16xi32>
    %swap3A_29 = vector.shape_cast %and3A_26 : vector<16xi32> to vector<16xi32>
    tpu.vector_store %arg7[%swap3A], %swap3A_29 {strides = array<i32>} : memref<128xi32, #tpu.memory_space<vmem>>, vector<16xi32>,
    %shift_right_logical3A = arith.constant 14 : i32
    %shift_right_logical3A_30 = vector.broadcast %shift_right_logical3A : i32 to vector<16xi32>
    %shift_right_logical3A_31 = arith.shrui %get3A_24, %shift_right_logical3A_30 : vector<16xi32>
    %swap3A_32 = arith.constant 0 : index
    %swap3A_33 = tpu.vector_load %arg8[%swap3A_32] {strides = array<i32>} : memref<128xi32, #tpu.memory_space<vmem>>, vector<16xi32>,
    %swap3A_34 = vector.shape_cast %swap3A_33 : vector<16xi32> to vector<16xi32>
    %swap3A_35 = vector.shape_cast %shift_right_logical3A_31 : vector<16xi32> to vector<16xi32>
    tpu.vector_store %arg8[%swap3A_32], %swap3A_35 {strides = array<i32>} : memref<128xi32, #tpu.memory_space<vmem>>, vector<16xi32>,
    %get3A_36 = arith.constant 0 : i32
    %get3A_37 = arith.index_cast %get3A_36 : i32 to index
    %get3A_38 = arith.constant 16 : index
    %get3A_39 = tpu.vector_load %arg6[%get3A_37, %get3A_38] {strides = array<i32>} : memref<80x128xi32, #tpu.memory_space<vmem>>, vector<1x16xi32>,
    %get3A_40 = vector.shape_cast %get3A_39 : vector<1x16xi32> to vector<16xi32>
    %and3A_41 = arith.constant 16383 : i32
    %and3A_42 = vector.broadcast %and3A_41 : i32 to vector<16xi32>
    %and3A_43 = arith.andi %get3A_40, %and3A_42 : vector<16xi32>
    %swap3A_44 = arith.constant 16 : index
    %swap3A_45 = tpu.vector_load %arg7[%swap3A_44] {strides = array<i32>} : memref<128xi32, #tpu.memory_space<vmem>>, vector<16xi32>,
    %swap3A_46 = vector.shape_cast %swap3A_45 : vector<16xi32> to vector<16xi32>
    %swap3A_47 = vector.shape_cast %and3A_43 : vector<16xi32> to vector<16xi32>
    tpu.vector_store %arg7[%swap3A_44], %swap3A_47 {strides = array<i32>} : memref<128xi32, #tpu.memory_space<vmem>>, vector<16xi32>,
    %shift_right_logical3A_48 = arith.constant 14 : i32
    %shift_right_logical3A_49 = vector.broadcast %shift_right_logical3A_48 : i32 to vector<16xi32>
    %shift_right_logical3A_50 = arith.shrui %get3A_40, %shift_right_logical3A_49 : vector<16xi32>
    %swap3A_51 = arith.constant 16 : index
    %swap3A_52 = tpu.vector_load %arg8[%swap3A_51] {strides = array<i32>} : memref<128xi32, #tpu.memory_space<vmem>>, vector<16xi32>,
    %swap3A_53 = vector.shape_cast %swap3A_52 : vector<16xi32> to vector<16xi32>
    %swap3A_54 = vector.shape_cast %shift_right_logical3A_50 : vector<16xi32> to vector<16xi32>
    tpu.vector_store %arg8[%swap3A_51], %swap3A_54 {strides = array<i32>} : memref<128xi32, #tpu.memory_space<vmem>>, vector<16xi32>,
    %get3A_55 = arith.constant 0 : i32
    %get3A_56 = arith.index_cast %get3A_55 : i32 to index
    %get3A_57 = arith.constant 32 : index
    %get3A_58 = tpu.vector_load %arg6[%get3A_56, %get3A_57] {strides = array<i32>} : memref<80x128xi32, #tpu.memory_space<vmem>>, vector<1x16xi32>,
    %get3A_59 = vector.shape_cast %get3A_58 : vector<1x16xi32> to vector<16xi32>
    %and3A_60 = arith.constant 16383 : i32
    %and3A_61 = vector.broadcast %and3A_60 : i32 to vector<16xi32>
    %and3A_62 = arith.andi %get3A_59, %and3A_61 : vector<16xi32>
    %swap3A_63 = arith.constant 32 : index
    %swap3A_64 = tpu.vector_load %arg7[%swap3A_63] {strides = array<i32>} : memref<128xi32, #tpu.memory_space<vmem>>, vector<16xi32>,
    %swap3A_65 = vector.shape_cast %swap3A_64 : vector<16xi32> to vector<16xi32>
    %swap3A_66 = vector.shape_cast %and3A_62 : vector<16xi32> to vector<16xi32>
    tpu.vector_store %arg7[%swap3A_63], %swap3A_66 {strides = array<i32>} : memref<128xi32, #tpu.memory_space<vmem>>, vector<16xi32>,
    %shift_right_logical3A_67 = arith.constant 14 : i32
    %shift_right_logical3A_68 = vector.broadcast %shift_right_logical3A_67 : i32 to vector<16xi32>
    %shift_right_logical3A_69 = arith.shrui %get3A_59, %shift_right_logical3A_68 : vector<16xi32>
    %swap3A_70 = arith.constant 32 : index
    %swap3A_71 = tpu.vector_load %arg8[%swap3A_70] {strides = array<i32>} : memref<128xi32, #tpu.memory_space<vmem>>, vector<16xi32>,
    %swap3A_72 = vector.shape_cast %swap3A_71 : vector<16xi32> to vector<16xi32>
    %swap3A_73 = vector.shape_cast %shift_right_logical3A_69 : vector<16xi32> to vector<16xi32>
    tpu.vector_store %arg8[%swap3A_70], %swap3A_73 {strides = array<i32>} : memref<128xi32, #tpu.memory_space<vmem>>, vector<16xi32>,
    %get3A_74 = arith.constant 0 : i32
    %get3A_75 = arith.index_cast %get3A_74 : i32 to index
    %get3A_76 = arith.constant 48 : index
    %get3A_77 = tpu.vector_load %arg6[%get3A_75, %get3A_76] {strides = array<i32>} : memref<80x128xi32, #tpu.memory_space<vmem>>, vector<1x16xi32>,
    %get3A_78 = vector.shape_cast %get3A_77 : vector<1x16xi32> to vector<16xi32>
    %and3A_79 = arith.constant 16383 : i32
    %and3A_80 = vector.broadcast %and3A_79 : i32 to vector<16xi32>
    %and3A_81 = arith.andi %get3A_78, %and3A_80 : vector<16xi32>
    %swap3A_82 = arith.constant 48 : index
    %swap3A_83 = tpu.vector_load %arg7[%swap3A_82] {strides = array<i32>} : memref<128xi32, #tpu.memory_space<vmem>>, vector<16xi32>,
    %swap3A_84 = vector.shape_cast %swap3A_83 : vector<16xi32> to vector<16xi32>
    %swap3A_85 = vector.shape_cast %and3A_81 : vector<16xi32> to vector<16xi32>
    tpu.vector_store %arg7[%swap3A_82], %swap3A_85 {strides = array<i32>} : memref<128xi32, #tpu.memory_space<vmem>>, vector<16xi32>,
    %shift_right_logical3A_86 = arith.constant 14 : i32
    %shift_right_logical3A_87 = vector.broadcast %shift_right_logical3A_86 : i32 to vector<16xi32>
    %shift_right_logical3A_88 = arith.shrui %get3A_78, %shift_right_logical3A_87 : vector<16xi32>
    %swap3A_89 = arith.constant 48 : index
    %swap3A_90 = tpu.vector_load %arg8[%swap3A_89] {strides = array<i32>} : memref<128xi32, #tpu.memory_space<vmem>>, vector<16xi32>,
    %swap3A_91 = vector.shape_cast %swap3A_90 : vector<16xi32> to vector<16xi32>
    %swap3A_92 = vector.shape_cast %shift_right_logical3A_88 : vector<16xi32> to vector<16xi32>
    tpu.vector_store %arg8[%swap3A_89], %swap3A_92 {strides = array<i32>} : memref<128xi32, #tpu.memory_space<vmem>>, vector<16xi32>,
    %get3A_93 = arith.constant 0 : i32
    %get3A_94 = arith.index_cast %get3A_93 : i32 to index
    %get3A_95 = arith.constant 64 : index
    %get3A_96 = tpu.vector_load %arg6[%get3A_94, %get3A_95] {strides = array<i32>} : memref<80x128xi32, #tpu.memory_space<vmem>>, vector<1x16xi32>,
    %get3A_97 = vector.shape_cast %get3A_96 : vector<1x16xi32> to vector<16xi32>
    %and3A_98 = arith.constant 16383 : i32
    %and3A_99 = vector.broadcast %and3A_98 : i32 to vector<16xi32>
    %and3A_100 = arith.andi %get3A_97, %and3A_99 : vector<16xi32>
    %swap3A_101 = arith.constant 64 : index
    %swap3A_102 = tpu.vector_load %arg7[%swap3A_101] {strides = array<i32>} : memref<128xi32, #tpu.memory_space<vmem>>, vector<16xi32>,
    %swap3A_103 = vector.shape_cast %swap3A_102 : vector<16xi32> to vector<16xi32>
    %swap3A_104 = vector.shape_cast %and3A_100 : vector<16xi32> to vector<16xi32>
    tpu.vector_store %arg7[%swap3A_101], %swap3A_104 {strides = array<i32>} : memref<128xi32, #tpu.memory_space<vmem>>, vector<16xi32>,
    %shift_right_logical3A_105 = arith.constant 14 : i32
    %shift_right_logical3A_106 = vector.broadcast %shift_right_logical3A_105 : i32 to vector<16xi32>
    %shift_right_logical3A_107 = arith.shrui %get3A_97, %shift_right_logical3A_106 : vector<16xi32>
    %swap3A_108 = arith.constant 64 : index
    %swap3A_109 = tpu.vector_load %arg8[%swap3A_108] {strides = array<i32>} : memref<128xi32, #tpu.memory_space<vmem>>, vector<16xi32>,
    %swap3A_110 = vector.shape_cast %swap3A_109 : vector<16xi32> to vector<16xi32>
    %swap3A_111 = vector.shape_cast %shift_right_logical3A_107 : vector<16xi32> to vector<16xi32>
    tpu.vector_store %arg8[%swap3A_108], %swap3A_111 {strides = array<i32>} : memref<128xi32, #tpu.memory_space<vmem>>, vector<16xi32>,
    %get3A_112 = arith.constant 0 : i32
    %get3A_113 = arith.index_cast %get3A_112 : i32 to index
    %get3A_114 = arith.constant 80 : index
    %get3A_115 = tpu.vector_load %arg6[%get3A_113, %get3A_114] {strides = array<i32>} : memref<80x128xi32, #tpu.memory_space<vmem>>, vector<1x16xi32>,
    %get3A_116 = vector.shape_cast %get3A_115 : vector<1x16xi32> to vector<16xi32>
    %and3A_117 = arith.constant 16383 : i32
    %and3A_118 = vector.broadcast %and3A_117 : i32 to vector<16xi32>
    %and3A_119 = arith.andi %get3A_116, %and3A_118 : vector<16xi32>
    %swap3A_120 = arith.constant 80 : index
    %swap3A_121 = tpu.vector_load %arg7[%swap3A_120] {strides = array<i32>} : memref<128xi32, #tpu.memory_space<vmem>>, vector<16xi32>,
    %swap3A_122 = vector.shape_cast %swap3A_121 : vector<16xi32> to vector<16xi32>
    %swap3A_123 = vector.shape_cast %and3A_119 : vector<16xi32> to vector<16xi32>
    tpu.vector_store %arg7[%swap3A_120], %swap3A_123 {strides = array<i32>} : memref<128xi32, #tpu.memory_space<vmem>>, vector<16xi32>,
    %shift_right_logical3A_124 = arith.constant 14 : i32
    %shift_right_logical3A_125 = vector.broadcast %shift_right_logical3A_124 : i32 to vector<16xi32>
    %shift_right_logical3A_126 = arith.shrui %get3A_116, %shift_right_logical3A_125 : vector<16xi32>
    %swap3A_127 = arith.constant 80 : index
    %swap3A_128 = tpu.vector_load %arg8[%swap3A_127] {strides = array<i32>} : memref<128xi32, #tpu.memory_space<vmem>>, vector<16xi32>,
    %swap3A_129 = vector.shape_cast %swap3A_128 : vector<16xi32> to vector<16xi32>
    %swap3A_130 = vector.shape_cast %shift_right_logical3A_126 : vector<16xi32> to vector<16xi32>
    tpu.vector_store %arg8[%swap3A_127], %swap3A_130 {strides = array<i32>} : memref<128xi32, #tpu.memory_space<vmem>>, vector<16xi32>,
    %get3A_131 = arith.constant 0 : i32
    %get3A_132 = arith.index_cast %get3A_131 : i32 to index
    %get3A_133 = arith.constant 96 : index
    %get3A_134 = tpu.vector_load %arg6[%get3A_132, %get3A_133] {strides = array<i32>} : memref<80x128xi32, #tpu.memory_space<vmem>>, vector<1x16xi32>,
    %get3A_135 = vector.shape_cast %get3A_134 : vector<1x16xi32> to vector<16xi32>
    %and3A_136 = arith.constant 16383 : i32
    %and3A_137 = vector.broadcast %and3A_136 : i32 to vector<16xi32>
    %and3A_138 = arith.andi %get3A_135, %and3A_137 : vector<16xi32>
    %swap3A_139 = arith.constant 96 : index
    %swap3A_140 = tpu.vector_load %arg7[%swap3A_139] {strides = array<i32>} : memref<128xi32, #tpu.memory_space<vmem>>, vector<16xi32>,
    %swap3A_141 = vector.shape_cast %swap3A_140 : vector<16xi32> to vector<16xi32>
    %swap3A_142 = vector.shape_cast %and3A_138 : vector<16xi32> to vector<16xi32>
    tpu.vector_store %arg7[%swap3A_139], %swap3A_142 {strides = array<i32>} : memref<128xi32, #tpu.memory_space<vmem>>, vector<16xi32>,
    %shift_right_logical3A_143 = arith.constant 14 : i32
    %shift_right_logical3A_144 = vector.broadcast %shift_right_logical3A_143 : i32 to vector<16xi32>
    %shift_right_logical3A_145 = arith.shrui %get3A_135, %shift_right_logical3A_144 : vector<16xi32>
    %swap3A_146 = arith.constant 96 : index
    %swap3A_147 = tpu.vector_load %arg8[%swap3A_146] {strides = array<i32>} : memref<128xi32, #tpu.memory_space<vmem>>, vector<16xi32>,
    %swap3A_148 = vector.shape_cast %swap3A_147 : vector<16xi32> to vector<16xi32>
    %swap3A_149 = vector.shape_cast %shift_right_logical3A_145 : vector<16xi32> to vector<16xi32>
    tpu.vector_store %arg8[%swap3A_146], %swap3A_149 {strides = array<i32>} : memref<128xi32, #tpu.memory_space<vmem>>, vector<16xi32>,
    %get3A_150 = arith.constant 0 : i32
    %get3A_151 = arith.index_cast %get3A_150 : i32 to index
    %get3A_152 = arith.constant 112 : index
    %get3A_153 = tpu.vector_load %arg6[%get3A_151, %get3A_152] {strides = array<i32>} : memref<80x128xi32, #tpu.memory_space<vmem>>, vector<1x16xi32>,
    %get3A_154 = vector.shape_cast %get3A_153 : vector<1x16xi32> to vector<16xi32>
    %and3A_155 = arith.constant 16383 : i32
    %and3A_156 = vector.broadcast %and3A_155 : i32 to vector<16xi32>
    %and3A_157 = arith.andi %get3A_154, %and3A_156 : vector<16xi32>
    %swap3A_158 = arith.constant 112 : index
    %swap3A_159 = tpu.vector_load %arg7[%swap3A_158] {strides = array<i32>} : memref<128xi32, #tpu.memory_space<vmem>>, vector<16xi32>,
    %swap3A_160 = vector.shape_cast %swap3A_159 : vector<16xi32> to vector<16xi32>
    %swap3A_161 = vector.shape_cast %and3A_157 : vector<16xi32> to vector<16xi32>
    tpu.vector_store %arg7[%swap3A_158], %swap3A_161 {strides = array<i32>} : memref<128xi32, #tpu.memory_space<vmem>>, vector<16xi32>,
    %shift_right_logical3A_162 = arith.constant 14 : i32
    %shift_right_logical3A_163 = vector.broadcast %shift_right_logical3A_162 : i32 to vector<16xi32>
    %shift_right_logical3A_164 = arith.shrui %get3A_154, %shift_right_logical3A_163 : vector<16xi32>
    %swap3A_165 = arith.constant 112 : index
    %swap3A_166 = tpu.vector_load %arg8[%swap3A_165] {strides = array<i32>} : memref<128xi32, #tpu.memory_space<vmem>>, vector<16xi32>,
    %swap3A_167 = vector.shape_cast %swap3A_166 : vector<16xi32> to vector<16xi32>
    %swap3A_168 = vector.shape_cast %shift_right_logical3A_164 : vector<16xi32> to vector<16xi32>
    tpu.vector_store %arg8[%swap3A_165], %swap3A_168 {strides = array<i32>} : memref<128xi32, #tpu.memory_space<vmem>>, vector<16xi32>,
    %dma_start3A = arith.constant 0 : i32
    %dma_start3A_169 = arith.constant 0 : i32
    %dma_start3A_170 = tpu.memref_slice %arg2[%dma_start3A, %dma_start3A_169] : memref<10240x128xf32, #tpu.memory_space<hbm>> -> memref<10240x128xf32, #tpu.memory_space<hbm>>
    tpu.enqueue_indirect_dma source(%dma_start3A_170 : memref<10240x128xf32, #tpu.memory_space<hbm>>) target(%arg11 : memref<128x128xf32, #tpu.memory_space<vmem>>) offsets(%arg7 : memref<128xi32, #tpu.memory_space<vmem>>) semaphore(%arg13 : memref<!tpu.dma_semaphore, #tpu.memory_space<semaphore_mem>>)
    %scan3A = arith.constant 0 : i32
    %scan3A_171 = arith.constant 0 : i32
    %scan3A_172 = arith.constant 40 : i32
    %scan3A_173 = arith.addi %scan3A_171, %scan3A_172 : i32
    %scan3A_174 = arith.constant 1 : i32
    scf.for %scan3A_217 = %scan3A_171 to %scan3A_173 step %scan3A_174  : i32 {
      %mul3A_218 = arith.constant 2 : i32
      %mul3A_219 = arith.muli %mul3A_218, %scan3A_217 : i32
      %add3A_220 = arith.constant 1 : i32
      %add3A_221 = arith.addi %mul3A_219, %add3A_220 : i32
      %get3A_222 = arith.index_cast %add3A_221 : i32 to index
      %get3A_223 = arith.constant 0 : index
      %get3A_224 = tpu.vector_load %arg6[%get3A_222, %get3A_223] {strides = array<i32>} : memref<80x128xi32, #tpu.memory_space<vmem>>, vector<1x16xi32>,
      %get3A_225 = vector.shape_cast %get3A_224 : vector<1x16xi32> to vector<16xi32>
      %and3A_226 = arith.constant 16383 : i32
      %and3A_227 = vector.broadcast %and3A_226 : i32 to vector<16xi32>
      %and3A_228 = arith.andi %get3A_225, %and3A_227 : vector<16xi32>
      %swap3A_229 = arith.constant 0 : index
      %swap3A_230 = tpu.vector_load %arg9[%swap3A_229] {strides = array<i32>} : memref<128xi32, #tpu.memory_space<vmem>>, vector<16xi32>,
      %swap3A_231 = vector.shape_cast %swap3A_230 : vector<16xi32> to vector<16xi32>
      %swap3A_232 = vector.shape_cast %and3A_228 : vector<16xi32> to vector<16xi32>
      tpu.vector_store %arg9[%swap3A_229], %swap3A_232 {strides = array<i32>} : memref<128xi32, #tpu.memory_space<vmem>>, vector<16xi32>,
      %shift_right_logical3A_233 = arith.constant 14 : i32
      %shift_right_logical3A_234 = vector.broadcast %shift_right_logical3A_233 : i32 to vector<16xi32>
      %shift_right_logical3A_235 = arith.shrui %get3A_225, %shift_right_logical3A_234 : vector<16xi32>
      %swap3A_236 = arith.constant 0 : index
      %swap3A_237 = tpu.vector_load %arg10[%swap3A_236] {strides = array<i32>} : memref<128xi32, #tpu.memory_space<vmem>>, vector<16xi32>,
      %swap3A_238 = vector.shape_cast %swap3A_237 : vector<16xi32> to vector<16xi32>
      %swap3A_239 = vector.shape_cast %shift_right_logical3A_235 : vector<16xi32> to vector<16xi32>
      tpu.vector_store %arg10[%swap3A_236], %swap3A_239 {strides = array<i32>} : memref<128xi32, #tpu.memory_space<vmem>>, vector<16xi32>,
      %get3A_240 = arith.index_cast %add3A_221 : i32 to index
      %get3A_241 = arith.constant 16 : index
      %get3A_242 = tpu.vector_load %arg6[%get3A_240, %get3A_241] {strides = array<i32>} : memref<80x128xi32, #tpu.memory_space<vmem>>, vector<1x16xi32>,
      %get3A_243 = vector.shape_cast %get3A_242 : vector<1x16xi32> to vector<16xi32>
      %and3A_244 = arith.constant 16383 : i32
      %and3A_245 = vector.broadcast %and3A_244 : i32 to vector<16xi32>
      %and3A_246 = arith.andi %get3A_243, %and3A_245 : vector<16xi32>
      %swap3A_247 = arith.constant 16 : index
      %swap3A_248 = tpu.vector_load %arg9[%swap3A_247] {strides = array<i32>} : memref<128xi32, #tpu.memory_space<vmem>>, vector<16xi32>,
      %swap3A_249 = vector.shape_cast %swap3A_248 : vector<16xi32> to vector<16xi32>
      %swap3A_250 = vector.shape_cast %and3A_246 : vector<16xi32> to vector<16xi32>
      tpu.vector_store %arg9[%swap3A_247], %swap3A_250 {strides = array<i32>} : memref<128xi32, #tpu.memory_space<vmem>>, vector<16xi32>,
      %shift_right_logical3A_251 = arith.constant 14 : i32
      %shift_right_logical3A_252 = vector.broadcast %shift_right_logical3A_251 : i32 to vector<16xi32>
      %shift_right_logical3A_253 = arith.shrui %get3A_243, %shift_right_logical3A_252 : vector<16xi32>
      %swap3A_254 = arith.constant 16 : index
      %swap3A_255 = tpu.vector_load %arg10[%swap3A_254] {strides = array<i32>} : memref<128xi32, #tpu.memory_space<vmem>>, vector<16xi32>,
      %swap3A_256 = vector.shape_cast %swap3A_255 : vector<16xi32> to vector<16xi32>
      %swap3A_257 = vector.shape_cast %shift_right_logical3A_253 : vector<16xi32> to vector<16xi32>
      tpu.vector_store %arg10[%swap3A_254], %swap3A_257 {strides = array<i32>} : memref<128xi32, #tpu.memory_space<vmem>>, vector<16xi32>,
      %get3A_258 = arith.index_cast %add3A_221 : i32 to index
      %get3A_259 = arith.constant 32 : index
      %get3A_260 = tpu.vector_load %arg6[%get3A_258, %get3A_259] {strides = array<i32>} : memref<80x128xi32, #tpu.memory_space<vmem>>, vector<1x16xi32>,
      %get3A_261 = vector.shape_cast %get3A_260 : vector<1x16xi32> to vector<16xi32>
      %and3A_262 = arith.constant 16383 : i32
      %and3A_263 = vector.broadcast %and3A_262 : i32 to vector<16xi32>
      %and3A_264 = arith.andi %get3A_261, %and3A_263 : vector<16xi32>
      %swap3A_265 = arith.constant 32 : index
      %swap3A_266 = tpu.vector_load %arg9[%swap3A_265] {strides = array<i32>} : memref<128xi32, #tpu.memory_space<vmem>>, vector<16xi32>,
      %swap3A_267 = vector.shape_cast %swap3A_266 : vector<16xi32> to vector<16xi32>
      %swap3A_268 = vector.shape_cast %and3A_264 : vector<16xi32> to vector<16xi32>
      tpu.vector_store %arg9[%swap3A_265], %swap3A_268 {strides = array<i32>} : memref<128xi32, #tpu.memory_space<vmem>>, vector<16xi32>,
      %shift_right_logical3A_269 = arith.constant 14 : i32
      %shift_right_logical3A_270 = vector.broadcast %shift_right_logical3A_269 : i32 to vector<16xi32>
      %shift_right_logical3A_271 = arith.shrui %get3A_261, %shift_right_logical3A_270 : vector<16xi32>
      %swap3A_272 = arith.constant 32 : index
      %swap3A_273 = tpu.vector_load %arg10[%swap3A_272] {strides = array<i32>} : memref<128xi32, #tpu.memory_space<vmem>>, vector<16xi32>,
      %swap3A_274 = vector.shape_cast %swap3A_273 : vector<16xi32> to vector<16xi32>
      %swap3A_275 = vector.shape_cast %shift_right_logical3A_271 : vector<16xi32> to vector<16xi32>
      tpu.vector_store %arg10[%swap3A_272], %swap3A_275 {strides = array<i32>} : memref<128xi32, #tpu.memory_space<vmem>>, vector<16xi32>,
      %get3A_276 = arith.index_cast %add3A_221 : i32 to index
      %get3A_277 = arith.constant 48 : index
      %get3A_278 = tpu.vector_load %arg6[%get3A_276, %get3A_277] {strides = array<i32>} : memref<80x128xi32, #tpu.memory_space<vmem>>, vector<1x16xi32>,
      %get3A_279 = vector.shape_cast %get3A_278 : vector<1x16xi32> to vector<16xi32>
      %and3A_280 = arith.constant 16383 : i32
      %and3A_281 = vector.broadcast %and3A_280 : i32 to vector<16xi32>
      %and3A_282 = arith.andi %get3A_279, %and3A_281 : vector<16xi32>
      %swap3A_283 = arith.constant 48 : index
      %swap3A_284 = tpu.vector_load %arg9[%swap3A_283] {strides = array<i32>} : memref<128xi32, #tpu.memory_space<vmem>>, vector<16xi32>,
      %swap3A_285 = vector.shape_cast %swap3A_284 : vector<16xi32> to vector<16xi32>
      %swap3A_286 = vector.shape_cast %and3A_282 : vector<16xi32> to vector<16xi32>
      tpu.vector_store %arg9[%swap3A_283], %swap3A_286 {strides = array<i32>} : memref<128xi32, #tpu.memory_space<vmem>>, vector<16xi32>,
      %shift_right_logical3A_287 = arith.constant 14 : i32
      %shift_right_logical3A_288 = vector.broadcast %shift_right_logical3A_287 : i32 to vector<16xi32>
      %shift_right_logical3A_289 = arith.shrui %get3A_279, %shift_right_logical3A_288 : vector<16xi32>
      %swap3A_290 = arith.constant 48 : index
      %swap3A_291 = tpu.vector_load %arg10[%swap3A_290] {strides = array<i32>} : memref<128xi32, #tpu.memory_space<vmem>>, vector<16xi32>,
      %swap3A_292 = vector.shape_cast %swap3A_291 : vector<16xi32> to vector<16xi32>
      %swap3A_293 = vector.shape_cast %shift_right_logical3A_289 : vector<16xi32> to vector<16xi32>
      tpu.vector_store %arg10[%swap3A_290], %swap3A_293 {strides = array<i32>} : memref<128xi32, #tpu.memory_space<vmem>>, vector<16xi32>,
      %get3A_294 = arith.index_cast %add3A_221 : i32 to index
      %get3A_295 = arith.constant 64 : index
      %get3A_296 = tpu.vector_load %arg6[%get3A_294, %get3A_295] {strides = array<i32>} : memref<80x128xi32, #tpu.memory_space<vmem>>, vector<1x16xi32>,
      %get3A_297 = vector.shape_cast %get3A_296 : vector<1x16xi32> to vector<16xi32>
      %and3A_298 = arith.constant 16383 : i32
      %and3A_299 = vector.broadcast %and3A_298 : i32 to vector<16xi32>
      %and3A_300 = arith.andi %get3A_297, %and3A_299 : vector<16xi32>
      %swap3A_301 = arith.constant 64 : index
      %swap3A_302 = tpu.vector_load %arg9[%swap3A_301] {strides = array<i32>} : memref<128xi32, #tpu.memory_space<vmem>>, vector<16xi32>,
      %swap3A_303 = vector.shape_cast %swap3A_302 : vector<16xi32> to vector<16xi32>
      %swap3A_304 = vector.shape_cast %and3A_300 : vector<16xi32> to vector<16xi32>
      tpu.vector_store %arg9[%swap3A_301], %swap3A_304 {strides = array<i32>} : memref<128xi32, #tpu.memory_space<vmem>>, vector<16xi32>,
      %shift_right_logical3A_305 = arith.constant 14 : i32
      %shift_right_logical3A_306 = vector.broadcast %shift_right_logical3A_305 : i32 to vector<16xi32>
      %shift_right_logical3A_307 = arith.shrui %get3A_297, %shift_right_logical3A_306 : vector<16xi32>
      %swap3A_308 = arith.constant 64 : index
      %swap3A_309 = tpu.vector_load %arg10[%swap3A_308] {strides = array<i32>} : memref<128xi32, #tpu.memory_space<vmem>>, vector<16xi32>,
      %swap3A_310 = vector.shape_cast %swap3A_309 : vector<16xi32> to vector<16xi32>
      %swap3A_311 = vector.shape_cast %shift_right_logical3A_307 : vector<16xi32> to vector<16xi32>
      tpu.vector_store %arg10[%swap3A_308], %swap3A_311 {strides = array<i32>} : memref<128xi32, #tpu.memory_space<vmem>>, vector<16xi32>,
      %get3A_312 = arith.index_cast %add3A_221 : i32 to index
      %get3A_313 = arith.constant 80 : index
      %get3A_314 = tpu.vector_load %arg6[%get3A_312, %get3A_313] {strides = array<i32>} : memref<80x128xi32, #tpu.memory_space<vmem>>, vector<1x16xi32>,
      %get3A_315 = vector.shape_cast %get3A_314 : vector<1x16xi32> to vector<16xi32>
      %and3A_316 = arith.constant 16383 : i32
      %and3A_317 = vector.broadcast %and3A_316 : i32 to vector<16xi32>
      %and3A_318 = arith.andi %get3A_315, %and3A_317 : vector<16xi32>
      %swap3A_319 = arith.constant 80 : index
      %swap3A_320 = tpu.vector_load %arg9[%swap3A_319] {strides = array<i32>} : memref<128xi32, #tpu.memory_space<vmem>>, vector<16xi32>,
      %swap3A_321 = vector.shape_cast %swap3A_320 : vector<16xi32> to vector<16xi32>
      %swap3A_322 = vector.shape_cast %and3A_318 : vector<16xi32> to vector<16xi32>
      tpu.vector_store %arg9[%swap3A_319], %swap3A_322 {strides = array<i32>} : memref<128xi32, #tpu.memory_space<vmem>>, vector<16xi32>,
      %shift_right_logical3A_323 = arith.constant 14 : i32
      %shift_right_logical3A_324 = vector.broadcast %shift_right_logical3A_323 : i32 to vector<16xi32>
      %shift_right_logical3A_325 = arith.shrui %get3A_315, %shift_right_logical3A_324 : vector<16xi32>
      %swap3A_326 = arith.constant 80 : index
      %swap3A_327 = tpu.vector_load %arg10[%swap3A_326] {strides = array<i32>} : memref<128xi32, #tpu.memory_space<vmem>>, vector<16xi32>,
      %swap3A_328 = vector.shape_cast %swap3A_327 : vector<16xi32> to vector<16xi32>
      %swap3A_329 = vector.shape_cast %shift_right_logical3A_325 : vector<16xi32> to vector<16xi32>
      tpu.vector_store %arg10[%swap3A_326], %swap3A_329 {strides = array<i32>} : memref<128xi32, #tpu.memory_space<vmem>>, vector<16xi32>,
      %get3A_330 = arith.index_cast %add3A_221 : i32 to index
      %get3A_331 = arith.constant 96 : index
      %get3A_332 = tpu.vector_load %arg6[%get3A_330, %get3A_331] {strides = array<i32>} : memref<80x128xi32, #tpu.memory_space<vmem>>, vector<1x16xi32>,
      %get3A_333 = vector.shape_cast %get3A_332 : vector<1x16xi32> to vector<16xi32>
      %and3A_334 = arith.constant 16383 : i32
      %and3A_335 = vector.broadcast %and3A_334 : i32 to vector<16xi32>
      %and3A_336 = arith.andi %get3A_333, %and3A_335 : vector<16xi32>
      %swap3A_337 = arith.constant 96 : index
      %swap3A_338 = tpu.vector_load %arg9[%swap3A_337] {strides = array<i32>} : memref<128xi32, #tpu.memory_space<vmem>>, vector<16xi32>,
      %swap3A_339 = vector.shape_cast %swap3A_338 : vector<16xi32> to vector<16xi32>
      %swap3A_340 = vector.shape_cast %and3A_336 : vector<16xi32> to vector<16xi32>
      tpu.vector_store %arg9[%swap3A_337], %swap3A_340 {strides = array<i32>} : memref<128xi32, #tpu.memory_space<vmem>>, vector<16xi32>,
      %shift_right_logical3A_341 = arith.constant 14 : i32
      %shift_right_logical3A_342 = vector.broadcast %shift_right_logical3A_341 : i32 to vector<16xi32>
      %shift_right_logical3A_343 = arith.shrui %get3A_333, %shift_right_logical3A_342 : vector<16xi32>
      %swap3A_344 = arith.constant 96 : index
      %swap3A_345 = tpu.vector_load %arg10[%swap3A_344] {strides = array<i32>} : memref<128xi32, #tpu.memory_space<vmem>>, vector<16xi32>,
      %swap3A_346 = vector.shape_cast %swap3A_345 : vector<16xi32> to vector<16xi32>
      %swap3A_347 = vector.shape_cast %shift_right_logical3A_343 : vector<16xi32> to vector<16xi32>
      tpu.vector_store %arg10[%swap3A_344], %swap3A_347 {strides = array<i32>} : memref<128xi32, #tpu.memory_space<vmem>>, vector<16xi32>,
      %get3A_348 = arith.index_cast %add3A_221 : i32 to index
      %get3A_349 = arith.constant 112 : index
      %get3A_350 = tpu.vector_load %arg6[%get3A_348, %get3A_349] {strides = array<i32>} : memref<80x128xi32, #tpu.memory_space<vmem>>, vector<1x16xi32>,
      %get3A_351 = vector.shape_cast %get3A_350 : vector<1x16xi32> to vector<16xi32>
      %and3A_352 = arith.constant 16383 : i32
      %and3A_353 = vector.broadcast %and3A_352 : i32 to vector<16xi32>
      %and3A_354 = arith.andi %get3A_351, %and3A_353 : vector<16xi32>
      %swap3A_355 = arith.constant 112 : index
      %swap3A_356 = tpu.vector_load %arg9[%swap3A_355] {strides = array<i32>} : memref<128xi32, #tpu.memory_space<vmem>>, vector<16xi32>,
      %swap3A_357 = vector.shape_cast %swap3A_356 : vector<16xi32> to vector<16xi32>
      %swap3A_358 = vector.shape_cast %and3A_354 : vector<16xi32> to vector<16xi32>
      tpu.vector_store %arg9[%swap3A_355], %swap3A_358 {strides = array<i32>} : memref<128xi32, #tpu.memory_space<vmem>>, vector<16xi32>,
      %shift_right_logical3A_359 = arith.constant 14 : i32
      %shift_right_logical3A_360 = vector.broadcast %shift_right_logical3A_359 : i32 to vector<16xi32>
      %shift_right_logical3A_361 = arith.shrui %get3A_351, %shift_right_logical3A_360 : vector<16xi32>
      %swap3A_362 = arith.constant 112 : index
      %swap3A_363 = tpu.vector_load %arg10[%swap3A_362] {strides = array<i32>} : memref<128xi32, #tpu.memory_space<vmem>>, vector<16xi32>,
      %swap3A_364 = vector.shape_cast %swap3A_363 : vector<16xi32> to vector<16xi32>
      %swap3A_365 = vector.shape_cast %shift_right_logical3A_361 : vector<16xi32> to vector<16xi32>
      tpu.vector_store %arg10[%swap3A_362], %swap3A_365 {strides = array<i32>} : memref<128xi32, #tpu.memory_space<vmem>>, vector<16xi32>,
      %dma_start3A_366 = arith.constant 0 : i32
      %dma_start3A_367 = arith.constant 0 : i32
      %dma_start3A_368 = tpu.memref_slice %arg2[%dma_start3A_366, %dma_start3A_367] : memref<10240x128xf32, #tpu.memory_space<hbm>> -> memref<10240x128xf32, #tpu.memory_space<hbm>>
      tpu.enqueue_indirect_dma source(%dma_start3A_368 : memref<10240x128xf32, #tpu.memory_space<hbm>>) target(%arg12 : memref<128x128xf32, #tpu.memory_space<vmem>>) offsets(%arg9 : memref<128xi32, #tpu.memory_space<vmem>>) semaphore(%arg14 : memref<!tpu.dma_semaphore, #tpu.memory_space<semaphore_mem>>)
      %dma_wait3A = arith.constant 0 : i32
      %dma_wait3A_369 = arith.constant 0 : i32
      %dma_wait3A_370 = tpu.memref_slice %arg4[%dma_wait3A, %dma_wait3A_369] : memref<10240x128xf32, #tpu.memory_space<hbm>> -> memref<128x128xf32, #tpu.memory_space<hbm>>
      %dma_wait3A_371 = arith.constant 0 : i32
      %dma_wait3A_372 = arith.constant 0 : i32
      %dma_wait3A_373 = tpu.memref_slice %arg4[%dma_wait3A_371, %dma_wait3A_372] : memref<10240x128xf32, #tpu.memory_space<hbm>> -> memref<128x128xf32, #tpu.memory_space<hbm>>
      tpu.wait_dma2 semaphore(%arg13 : memref<!tpu.dma_semaphore, #tpu.memory_space<semaphore_mem>>) src(%dma_wait3A_373 : memref<128x128xf32, #tpu.memory_space<hbm>>) dst(%arg11 : memref<128x128xf32, #tpu.memory_space<vmem>>)
      "tpu.region"() ({
        %run_scoped3A = tpu.sem_alloc : memref<!tpu.dma_semaphore, #tpu.memory_space<semaphore_mem>>
        %dma_start3A_384 = arith.constant 0 : i32
        %dma_start3A_385 = arith.constant 0 : i32
        %dma_start3A_386 = tpu.memref_slice %arg15[%dma_start3A_384, %dma_start3A_385] : memref<10240x128xf32, #tpu.memory_space<vmem_shared>> -> memref<10240x128xf32, #tpu.memory_space<vmem_shared>>
        tpu.enqueue_indirect_dma source(%arg11 : memref<128x128xf32, #tpu.memory_space<vmem>>) target(%dma_start3A_386 : memref<10240x128xf32, #tpu.memory_space<vmem_shared>>) offsets(%arg8 : memref<128xi32, #tpu.memory_space<vmem>>) semaphore(%run_scoped3A : memref<!tpu.dma_semaphore, #tpu.memory_space<semaphore_mem>>) {add = true}
        %dma_wait3A_387 = arith.constant 0 : i32
        %dma_wait3A_388 = arith.constant 0 : i32
        %dma_wait3A_389 = tpu.memref_slice %arg15[%dma_wait3A_387, %dma_wait3A_388] : memref<10240x128xf32, #tpu.memory_space<vmem_shared>> -> memref<10240x128xf32, #tpu.memory_space<vmem_shared>>
        tpu.wait_indirect_dma semaphore(%run_scoped3A : memref<!tpu.dma_semaphore, #tpu.memory_space<semaphore_mem>>) src(%arg11 : memref<128x128xf32, #tpu.memory_space<vmem>>) dst(%dma_wait3A_389 : memref<10240x128xf32, #tpu.memory_space<vmem_shared>>)
        tpu.yield
      }) : () -> ()
      %add3A_374 = arith.constant 2 : i32
      %add3A_375 = arith.addi %mul3A_219, %add3A_374 : i32
      %lt3A = arith.constant 80 : i32
      %lt3A_376 = arith.cmpi slt, %add3A_375, %lt3A : i32
      %convert_element_type3A = arith.extui %lt3A_376 : i1 to i32
      %cond3A = arith.constant 0 : i32
      %cond3A_377 = arith.cmpi ne, %convert_element_type3A, %cond3A : i32
      scf.if %cond3A_377 {
        %add3A_384 = arith.constant 2 : i32
        %add3A_385 = arith.addi %mul3A_219, %add3A_384 : i32
        %get3A_386 = arith.index_cast %add3A_385 : i32 to index
        %get3A_387 = arith.constant 0 : index
        %get3A_388 = tpu.vector_load %arg6[%get3A_386, %get3A_387] {strides = array<i32>} : memref<80x128xi32, #tpu.memory_space<vmem>>, vector<1x16xi32>,
        %get3A_389 = vector.shape_cast %get3A_388 : vector<1x16xi32> to vector<16xi32>
        %and3A_390 = arith.constant 16383 : i32
        %and3A_391 = vector.broadcast %and3A_390 : i32 to vector<16xi32>
        %and3A_392 = arith.andi %get3A_389, %and3A_391 : vector<16xi32>
        %swap3A_393 = arith.constant 0 : index
        %swap3A_394 = tpu.vector_load %arg7[%swap3A_393] {strides = array<i32>} : memref<128xi32, #tpu.memory_space<vmem>>, vector<16xi32>,
        %swap3A_395 = vector.shape_cast %swap3A_394 : vector<16xi32> to vector<16xi32>
        %swap3A_396 = vector.shape_cast %and3A_392 : vector<16xi32> to vector<16xi32>
        tpu.vector_store %arg7[%swap3A_393], %swap3A_396 {strides = array<i32>} : memref<128xi32, #tpu.memory_space<vmem>>, vector<16xi32>,
        %shift_right_logical3A_397 = arith.constant 14 : i32
        %shift_right_logical3A_398 = vector.broadcast %shift_right_logical3A_397 : i32 to vector<16xi32>
        %shift_right_logical3A_399 = arith.shrui %get3A_389, %shift_right_logical3A_398 : vector<16xi32>
        %swap3A_400 = arith.constant 0 : index
        %swap3A_401 = tpu.vector_load %arg8[%swap3A_400] {strides = array<i32>} : memref<128xi32, #tpu.memory_space<vmem>>, vector<16xi32>,
        %swap3A_402 = vector.shape_cast %swap3A_401 : vector<16xi32> to vector<16xi32>
        %swap3A_403 = vector.shape_cast %shift_right_logical3A_399 : vector<16xi32> to vector<16xi32>
        tpu.vector_store %arg8[%swap3A_400], %swap3A_403 {strides = array<i32>} : memref<128xi32, #tpu.memory_space<vmem>>, vector<16xi32>,
        %get3A_404 = arith.index_cast %add3A_385 : i32 to index
        %get3A_405 = arith.constant 16 : index
        %get3A_406 = tpu.vector_load %arg6[%get3A_404, %get3A_405] {strides = array<i32>} : memref<80x128xi32, #tpu.memory_space<vmem>>, vector<1x16xi32>,
        %get3A_407 = vector.shape_cast %get3A_406 : vector<1x16xi32> to vector<16xi32>
        %and3A_408 = arith.constant 16383 : i32
        %and3A_409 = vector.broadcast %and3A_408 : i32 to vector<16xi32>
        %and3A_410 = arith.andi %get3A_407, %and3A_409 : vector<16xi32>
        %swap3A_411 = arith.constant 16 : index
        %swap3A_412 = tpu.vector_load %arg7[%swap3A_411] {strides = array<i32>} : memref<128xi32, #tpu.memory_space<vmem>>, vector<16xi32>,
        %swap3A_413 = vector.shape_cast %swap3A_412 : vector<16xi32> to vector<16xi32>
        %swap3A_414 = vector.shape_cast %and3A_410 : vector<16xi32> to vector<16xi32>
        tpu.vector_store %arg7[%swap3A_411], %swap3A_414 {strides = array<i32>} : memref<128xi32, #tpu.memory_space<vmem>>, vector<16xi32>,
        %shift_right_logical3A_415 = arith.constant 14 : i32
        %shift_right_logical3A_416 = vector.broadcast %shift_right_logical3A_415 : i32 to vector<16xi32>
        %shift_right_logical3A_417 = arith.shrui %get3A_407, %shift_right_logical3A_416 : vector<16xi32>
        %swap3A_418 = arith.constant 16 : index
        %swap3A_419 = tpu.vector_load %arg8[%swap3A_418] {strides = array<i32>} : memref<128xi32, #tpu.memory_space<vmem>>, vector<16xi32>,
        %swap3A_420 = vector.shape_cast %swap3A_419 : vector<16xi32> to vector<16xi32>
        %swap3A_421 = vector.shape_cast %shift_right_logical3A_417 : vector<16xi32> to vector<16xi32>
        tpu.vector_store %arg8[%swap3A_418], %swap3A_421 {strides = array<i32>} : memref<128xi32, #tpu.memory_space<vmem>>, vector<16xi32>,
        %get3A_422 = arith.index_cast %add3A_385 : i32 to index
        %get3A_423 = arith.constant 32 : index
        %get3A_424 = tpu.vector_load %arg6[%get3A_422, %get3A_423] {strides = array<i32>} : memref<80x128xi32, #tpu.memory_space<vmem>>, vector<1x16xi32>,
        %get3A_425 = vector.shape_cast %get3A_424 : vector<1x16xi32> to vector<16xi32>
        %and3A_426 = arith.constant 16383 : i32
        %and3A_427 = vector.broadcast %and3A_426 : i32 to vector<16xi32>
        %and3A_428 = arith.andi %get3A_425, %and3A_427 : vector<16xi32>
        %swap3A_429 = arith.constant 32 : index
        %swap3A_430 = tpu.vector_load %arg7[%swap3A_429] {strides = array<i32>} : memref<128xi32, #tpu.memory_space<vmem>>, vector<16xi32>,
        %swap3A_431 = vector.shape_cast %swap3A_430 : vector<16xi32> to vector<16xi32>
        %swap3A_432 = vector.shape_cast %and3A_428 : vector<16xi32> to vector<16xi32>
        tpu.vector_store %arg7[%swap3A_429], %swap3A_432 {strides = array<i32>} : memref<128xi32, #tpu.memory_space<vmem>>, vector<16xi32>,
        %shift_right_logical3A_433 = arith.constant 14 : i32
        %shift_right_logical3A_434 = vector.broadcast %shift_right_logical3A_433 : i32 to vector<16xi32>
        %shift_right_logical3A_435 = arith.shrui %get3A_425, %shift_right_logical3A_434 : vector<16xi32>
        %swap3A_436 = arith.constant 32 : index
        %swap3A_437 = tpu.vector_load %arg8[%swap3A_436] {strides = array<i32>} : memref<128xi32, #tpu.memory_space<vmem>>, vector<16xi32>,
        %swap3A_438 = vector.shape_cast %swap3A_437 : vector<16xi32> to vector<16xi32>
        %swap3A_439 = vector.shape_cast %shift_right_logical3A_435 : vector<16xi32> to vector<16xi32>
        tpu.vector_store %arg8[%swap3A_436], %swap3A_439 {strides = array<i32>} : memref<128xi32, #tpu.memory_space<vmem>>, vector<16xi32>,
        %get3A_440 = arith.index_cast %add3A_385 : i32 to index
        %get3A_441 = arith.constant 48 : index
        %get3A_442 = tpu.vector_load %arg6[%get3A_440, %get3A_441] {strides = array<i32>} : memref<80x128xi32, #tpu.memory_space<vmem>>, vector<1x16xi32>,
        %get3A_443 = vector.shape_cast %get3A_442 : vector<1x16xi32> to vector<16xi32>
        %and3A_444 = arith.constant 16383 : i32
        %and3A_445 = vector.broadcast %and3A_444 : i32 to vector<16xi32>
        %and3A_446 = arith.andi %get3A_443, %and3A_445 : vector<16xi32>
        %swap3A_447 = arith.constant 48 : index
        %swap3A_448 = tpu.vector_load %arg7[%swap3A_447] {strides = array<i32>} : memref<128xi32, #tpu.memory_space<vmem>>, vector<16xi32>,
        %swap3A_449 = vector.shape_cast %swap3A_448 : vector<16xi32> to vector<16xi32>
        %swap3A_450 = vector.shape_cast %and3A_446 : vector<16xi32> to vector<16xi32>
        tpu.vector_store %arg7[%swap3A_447], %swap3A_450 {strides = array<i32>} : memref<128xi32, #tpu.memory_space<vmem>>, vector<16xi32>,
        %shift_right_logical3A_451 = arith.constant 14 : i32
        %shift_right_logical3A_452 = vector.broadcast %shift_right_logical3A_451 : i32 to vector<16xi32>
        %shift_right_logical3A_453 = arith.shrui %get3A_443, %shift_right_logical3A_452 : vector<16xi32>
        %swap3A_454 = arith.constant 48 : index
        %swap3A_455 = tpu.vector_load %arg8[%swap3A_454] {strides = array<i32>} : memref<128xi32, #tpu.memory_space<vmem>>, vector<16xi32>,
        %swap3A_456 = vector.shape_cast %swap3A_455 : vector<16xi32> to vector<16xi32>
        %swap3A_457 = vector.shape_cast %shift_right_logical3A_453 : vector<16xi32> to vector<16xi32>
        tpu.vector_store %arg8[%swap3A_454], %swap3A_457 {strides = array<i32>} : memref<128xi32, #tpu.memory_space<vmem>>, vector<16xi32>,
        %get3A_458 = arith.index_cast %add3A_385 : i32 to index
        %get3A_459 = arith.constant 64 : index
        %get3A_460 = tpu.vector_load %arg6[%get3A_458, %get3A_459] {strides = array<i32>} : memref<80x128xi32, #tpu.memory_space<vmem>>, vector<1x16xi32>,
        %get3A_461 = vector.shape_cast %get3A_460 : vector<1x16xi32> to vector<16xi32>
        %and3A_462 = arith.constant 16383 : i32
        %and3A_463 = vector.broadcast %and3A_462 : i32 to vector<16xi32>
        %and3A_464 = arith.andi %get3A_461, %and3A_463 : vector<16xi32>
        %swap3A_465 = arith.constant 64 : index
        %swap3A_466 = tpu.vector_load %arg7[%swap3A_465] {strides = array<i32>} : memref<128xi32, #tpu.memory_space<vmem>>, vector<16xi32>,
        %swap3A_467 = vector.shape_cast %swap3A_466 : vector<16xi32> to vector<16xi32>
        %swap3A_468 = vector.shape_cast %and3A_464 : vector<16xi32> to vector<16xi32>
        tpu.vector_store %arg7[%swap3A_465], %swap3A_468 {strides = array<i32>} : memref<128xi32, #tpu.memory_space<vmem>>, vector<16xi32>,
        %shift_right_logical3A_469 = arith.constant 14 : i32
        %shift_right_logical3A_470 = vector.broadcast %shift_right_logical3A_469 : i32 to vector<16xi32>
        %shift_right_logical3A_471 = arith.shrui %get3A_461, %shift_right_logical3A_470 : vector<16xi32>
        %swap3A_472 = arith.constant 64 : index
        %swap3A_473 = tpu.vector_load %arg8[%swap3A_472] {strides = array<i32>} : memref<128xi32, #tpu.memory_space<vmem>>, vector<16xi32>,
        %swap3A_474 = vector.shape_cast %swap3A_473 : vector<16xi32> to vector<16xi32>
        %swap3A_475 = vector.shape_cast %shift_right_logical3A_471 : vector<16xi32> to vector<16xi32>
        tpu.vector_store %arg8[%swap3A_472], %swap3A_475 {strides = array<i32>} : memref<128xi32, #tpu.memory_space<vmem>>, vector<16xi32>,
        %get3A_476 = arith.index_cast %add3A_385 : i32 to index
        %get3A_477 = arith.constant 80 : index
        %get3A_478 = tpu.vector_load %arg6[%get3A_476, %get3A_477] {strides = array<i32>} : memref<80x128xi32, #tpu.memory_space<vmem>>, vector<1x16xi32>,
        %get3A_479 = vector.shape_cast %get3A_478 : vector<1x16xi32> to vector<16xi32>
        %and3A_480 = arith.constant 16383 : i32
        %and3A_481 = vector.broadcast %and3A_480 : i32 to vector<16xi32>
        %and3A_482 = arith.andi %get3A_479, %and3A_481 : vector<16xi32>
        %swap3A_483 = arith.constant 80 : index
        %swap3A_484 = tpu.vector_load %arg7[%swap3A_483] {strides = array<i32>} : memref<128xi32, #tpu.memory_space<vmem>>, vector<16xi32>,
        %swap3A_485 = vector.shape_cast %swap3A_484 : vector<16xi32> to vector<16xi32>
        %swap3A_486 = vector.shape_cast %and3A_482 : vector<16xi32> to vector<16xi32>
        tpu.vector_store %arg7[%swap3A_483], %swap3A_486 {strides = array<i32>} : memref<128xi32, #tpu.memory_space<vmem>>, vector<16xi32>,
        %shift_right_logical3A_487 = arith.constant 14 : i32
        %shift_right_logical3A_488 = vector.broadcast %shift_right_logical3A_487 : i32 to vector<16xi32>
        %shift_right_logical3A_489 = arith.shrui %get3A_479, %shift_right_logical3A_488 : vector<16xi32>
        %swap3A_490 = arith.constant 80 : index
        %swap3A_491 = tpu.vector_load %arg8[%swap3A_490] {strides = array<i32>} : memref<128xi32, #tpu.memory_space<vmem>>, vector<16xi32>,
        %swap3A_492 = vector.shape_cast %swap3A_491 : vector<16xi32> to vector<16xi32>
        %swap3A_493 = vector.shape_cast %shift_right_logical3A_489 : vector<16xi32> to vector<16xi32>
        tpu.vector_store %arg8[%swap3A_490], %swap3A_493 {strides = array<i32>} : memref<128xi32, #tpu.memory_space<vmem>>, vector<16xi32>,
        %get3A_494 = arith.index_cast %add3A_385 : i32 to index
        %get3A_495 = arith.constant 96 : index
        %get3A_496 = tpu.vector_load %arg6[%get3A_494, %get3A_495] {strides = array<i32>} : memref<80x128xi32, #tpu.memory_space<vmem>>, vector<1x16xi32>,
        %get3A_497 = vector.shape_cast %get3A_496 : vector<1x16xi32> to vector<16xi32>
        %and3A_498 = arith.constant 16383 : i32
        %and3A_499 = vector.broadcast %and3A_498 : i32 to vector<16xi32>
        %and3A_500 = arith.andi %get3A_497, %and3A_499 : vector<16xi32>
        %swap3A_501 = arith.constant 96 : index
        %swap3A_502 = tpu.vector_load %arg7[%swap3A_501] {strides = array<i32>} : memref<128xi32, #tpu.memory_space<vmem>>, vector<16xi32>,
        %swap3A_503 = vector.shape_cast %swap3A_502 : vector<16xi32> to vector<16xi32>
        %swap3A_504 = vector.shape_cast %and3A_500 : vector<16xi32> to vector<16xi32>
        tpu.vector_store %arg7[%swap3A_501], %swap3A_504 {strides = array<i32>} : memref<128xi32, #tpu.memory_space<vmem>>, vector<16xi32>,
        %shift_right_logical3A_505 = arith.constant 14 : i32
        %shift_right_logical3A_506 = vector.broadcast %shift_right_logical3A_505 : i32 to vector<16xi32>
        %shift_right_logical3A_507 = arith.shrui %get3A_497, %shift_right_logical3A_506 : vector<16xi32>
        %swap3A_508 = arith.constant 96 : index
        %swap3A_509 = tpu.vector_load %arg8[%swap3A_508] {strides = array<i32>} : memref<128xi32, #tpu.memory_space<vmem>>, vector<16xi32>,
        %swap3A_510 = vector.shape_cast %swap3A_509 : vector<16xi32> to vector<16xi32>
        %swap3A_511 = vector.shape_cast %shift_right_logical3A_507 : vector<16xi32> to vector<16xi32>
        tpu.vector_store %arg8[%swap3A_508], %swap3A_511 {strides = array<i32>} : memref<128xi32, #tpu.memory_space<vmem>>, vector<16xi32>,
        %get3A_512 = arith.index_cast %add3A_385 : i32 to index
        %get3A_513 = arith.constant 112 : index
        %get3A_514 = tpu.vector_load %arg6[%get3A_512, %get3A_513] {strides = array<i32>} : memref<80x128xi32, #tpu.memory_space<vmem>>, vector<1x16xi32>,
        %get3A_515 = vector.shape_cast %get3A_514 : vector<1x16xi32> to vector<16xi32>
        %and3A_516 = arith.constant 16383 : i32
        %and3A_517 = vector.broadcast %and3A_516 : i32 to vector<16xi32>
        %and3A_518 = arith.andi %get3A_515, %and3A_517 : vector<16xi32>
        %swap3A_519 = arith.constant 112 : index
        %swap3A_520 = tpu.vector_load %arg7[%swap3A_519] {strides = array<i32>} : memref<128xi32, #tpu.memory_space<vmem>>, vector<16xi32>,
        %swap3A_521 = vector.shape_cast %swap3A_520 : vector<16xi32> to vector<16xi32>
        %swap3A_522 = vector.shape_cast %and3A_518 : vector<16xi32> to vector<16xi32>
        tpu.vector_store %arg7[%swap3A_519], %swap3A_522 {strides = array<i32>} : memref<128xi32, #tpu.memory_space<vmem>>, vector<16xi32>,
        %shift_right_logical3A_523 = arith.constant 14 : i32
        %shift_right_logical3A_524 = vector.broadcast %shift_right_logical3A_523 : i32 to vector<16xi32>
        %shift_right_logical3A_525 = arith.shrui %get3A_515, %shift_right_logical3A_524 : vector<16xi32>
        %swap3A_526 = arith.constant 112 : index
        %swap3A_527 = tpu.vector_load %arg8[%swap3A_526] {strides = array<i32>} : memref<128xi32, #tpu.memory_space<vmem>>, vector<16xi32>,
        %swap3A_528 = vector.shape_cast %swap3A_527 : vector<16xi32> to vector<16xi32>
        %swap3A_529 = vector.shape_cast %shift_right_logical3A_525 : vector<16xi32> to vector<16xi32>
        tpu.vector_store %arg8[%swap3A_526], %swap3A_529 {strides = array<i32>} : memref<128xi32, #tpu.memory_space<vmem>>, vector<16xi32>,
        %dma_start3A_530 = arith.constant 0 : i32
        %dma_start3A_531 = arith.constant 0 : i32
        %dma_start3A_532 = tpu.memref_slice %arg2[%dma_start3A_530, %dma_start3A_531] : memref<10240x128xf32, #tpu.memory_space<hbm>> -> memref<10240x128xf32, #tpu.memory_space<hbm>>
        tpu.enqueue_indirect_dma source(%dma_start3A_532 : memref<10240x128xf32, #tpu.memory_space<hbm>>) target(%arg11 : memref<128x128xf32, #tpu.memory_space<vmem>>) offsets(%arg7 : memref<128xi32, #tpu.memory_space<vmem>>) semaphore(%arg13 : memref<!tpu.dma_semaphore, #tpu.memory_space<semaphore_mem>>)
      } else {
      }
      %dma_wait3A_378 = arith.constant 0 : i32
      %dma_wait3A_379 = arith.constant 0 : i32
      %dma_wait3A_380 = tpu.memref_slice %arg4[%dma_wait3A_378, %dma_wait3A_379] : memref<10240x128xf32, #tpu.memory_space<hbm>> -> memref<128x128xf32, #tpu.memory_space<hbm>>
      %dma_wait3A_381 = arith.constant 0 : i32
      %dma_wait3A_382 = arith.constant 0 : i32
      %dma_wait3A_383 = tpu.memref_slice %arg4[%dma_wait3A_381, %dma_wait3A_382] : memref<10240x128xf32, #tpu.memory_space<hbm>> -> memref<128x128xf32, #tpu.memory_space<hbm>>
      tpu.wait_dma2 semaphore(%arg14 : memref<!tpu.dma_semaphore, #tpu.memory_space<semaphore_mem>>) src(%dma_wait3A_383 : memref<128x128xf32, #tpu.memory_space<hbm>>) dst(%arg12 : memref<128x128xf32, #tpu.memory_space<vmem>>)
      "tpu.region"() ({
        %run_scoped3A = tpu.sem_alloc : memref<!tpu.dma_semaphore, #tpu.memory_space<semaphore_mem>>
        %dma_start3A_384 = arith.constant 0 : i32
        %dma_start3A_385 = arith.constant 0 : i32
        %dma_start3A_386 = tpu.memref_slice %arg15[%dma_start3A_384, %dma_start3A_385] : memref<10240x128xf32, #tpu.memory_space<vmem_shared>> -> memref<10240x128xf32, #tpu.memory_space<vmem_shared>>
        tpu.enqueue_indirect_dma source(%arg12 : memref<128x128xf32, #tpu.memory_space<vmem>>) target(%dma_start3A_386 : memref<10240x128xf32, #tpu.memory_space<vmem_shared>>) offsets(%arg10 : memref<128xi32, #tpu.memory_space<vmem>>) semaphore(%run_scoped3A : memref<!tpu.dma_semaphore, #tpu.memory_space<semaphore_mem>>) {add = true}
        %dma_wait3A_387 = arith.constant 0 : i32
        %dma_wait3A_388 = arith.constant 0 : i32
        %dma_wait3A_389 = tpu.memref_slice %arg15[%dma_wait3A_387, %dma_wait3A_388] : memref<10240x128xf32, #tpu.memory_space<vmem_shared>> -> memref<10240x128xf32, #tpu.memory_space<vmem_shared>>
        tpu.wait_indirect_dma semaphore(%run_scoped3A : memref<!tpu.dma_semaphore, #tpu.memory_space<semaphore_mem>>) src(%arg12 : memref<128x128xf32, #tpu.memory_space<vmem>>) dst(%dma_wait3A_389 : memref<10240x128xf32, #tpu.memory_space<vmem_shared>>)
        tpu.yield
      }) : () -> ()
    }
    %scan3A_175 = arith.constant 40 : i32
    %barrier3A_176 = arith.constant 0 : index
    tpu.barrier barrier_id(%barrier3A_176)
    %mul3A_177 = arith.constant 640 : i32
    %mul3A_178 = arith.muli %arg1, %mul3A_177 : i32
    %add3A_179 = arith.constant 0 : i32
    %add3A_180 = arith.addi %mul3A_178, %add3A_179 : i32
    "tpu.region"() ({
      %run_scoped3A = tpu.sem_alloc : memref<!tpu.dma_semaphore, #tpu.memory_space<semaphore_mem>>
      %dma_start3A_217 = arith.constant 0 : i32
      %dma_start3A_218 = tpu.memref_slice %arg15[%add3A_180, %dma_start3A_217] : memref<10240x128xf32, #tpu.memory_space<vmem_shared>> -> memref<128x128xf32, #tpu.memory_space<vmem_shared>>
      %dma_start3A_219 = arith.constant 0 : i32
      %dma_start3A_220 = tpu.memref_slice %arg15[%add3A_180, %dma_start3A_219] : memref<10240x128xf32, #tpu.memory_space<vmem_shared>> -> memref<128x128xf32, #tpu.memory_space<vmem_shared>>
      tpu.enqueue_dma source(%dma_start3A_220 : memref<128x128xf32, #tpu.memory_space<vmem_shared>>) target(%arg11 : memref<128x128xf32, #tpu.memory_space<vmem>>) target_semaphore(%run_scoped3A : memref<!tpu.dma_semaphore, #tpu.memory_space<semaphore_mem>>)
      %dma_wait3A = arith.constant 0 : i32
      %dma_wait3A_221 = tpu.memref_slice %arg15[%add3A_180, %dma_wait3A] : memref<10240x128xf32, #tpu.memory_space<vmem_shared>> -> memref<128x128xf32, #tpu.memory_space<vmem_shared>>
      %dma_wait3A_222 = arith.constant 0 : i32
      %dma_wait3A_223 = tpu.memref_slice %arg15[%add3A_180, %dma_wait3A_222] : memref<10240x128xf32, #tpu.memory_space<vmem_shared>> -> memref<128x128xf32, #tpu.memory_space<vmem_shared>>
      tpu.wait_dma2 semaphore(%run_scoped3A : memref<!tpu.dma_semaphore, #tpu.memory_space<semaphore_mem>>) src(%dma_wait3A_223 : memref<128x128xf32, #tpu.memory_space<vmem_shared>>) dst(%arg11 : memref<128x128xf32, #tpu.memory_space<vmem>>)
      tpu.yield
    }) : () -> ()
    %mul3A_181 = arith.constant 640 : i32
    %mul3A_182 = arith.muli %arg1, %mul3A_181 : i32
    %add3A_183 = arith.constant 0 : i32
    %add3A_184 = arith.addi %mul3A_182, %add3A_183 : i32
    "tpu.region"() ({
      %run_scoped3A = tpu.sem_alloc : memref<!tpu.dma_semaphore, #tpu.memory_space<semaphore_mem>>
      %dma_start3A_217 = arith.constant 0 : i32
      %dma_start3A_218 = tpu.memref_slice %arg5[%arg0, %add3A_184, %dma_start3A_217] : memref<2x10240x128xf32, #tpu.memory_space<hbm>> -> memref<1x128x128xf32, #tpu.memory_space<hbm>>
      %dma_start3A_219 = tpu.memref_squeeze %dma_start3A_218 : memref<1x128x128xf32, #tpu.memory_space<hbm>> -> memref<128x128xf32, #tpu.memory_space<hbm>>
      %dma_start3A_220 = arith.constant 0 : i32
      %dma_start3A_221 = tpu.memref_slice %arg5[%arg0, %add3A_184, %dma_start3A_220] : memref<2x10240x128xf32, #tpu.memory_space<hbm>> -> memref<1x128x128xf32, #tpu.memory_space<hbm>>
      %dma_start3A_222 = tpu.memref_squeeze %dma_start3A_221 : memref<1x128x128xf32, #tpu.memory_space<hbm>> -> memref<128x128xf32, #tpu.memory_space<hbm>>
      tpu.enqueue_dma source(%arg11 : memref<128x128xf32, #tpu.memory_space<vmem>>) target(%dma_start3A_222 : memref<128x128xf32, #tpu.memory_space<hbm>>) target_semaphore(%run_scoped3A : memref<!tpu.dma_semaphore, #tpu.memory_space<semaphore_mem>>)
      %dma_wait3A = arith.constant 0 : i32
      %dma_wait3A_223 = tpu.memref_slice %arg5[%arg0, %add3A_184, %dma_wait3A] : memref<2x10240x128xf32, #tpu.memory_space<hbm>> -> memref<1x128x128xf32, #tpu.memory_space<hbm>>
      %dma_wait3A_224 = tpu.memref_squeeze %dma_wait3A_223 : memref<1x128x128xf32, #tpu.memory_space<hbm>> -> memref<128x128xf32, #tpu.memory_space<hbm>>
      %dma_wait3A_225 = arith.constant 0 : i32
      %dma_wait3A_226 = tpu.memref_slice %arg5[%arg0, %add3A_184, %dma_wait3A_225] : memref<2x10240x128xf32, #tpu.memory_space<hbm>> -> memref<1x128x128xf32, #tpu.memory_space<hbm>>
      %dma_wait3A_227 = tpu.memref_squeeze %dma_wait3A_226 : memref<1x128x128xf32, #tpu.memory_space<hbm>> -> memref<128x128xf32, #tpu.memory_space<hbm>>
      tpu.wait_dma2 semaphore(%run_scoped3A : memref<!tpu.dma_semaphore, #tpu.memory_space<semaphore_mem>>) src(%arg11 : memref<128x128xf32, #tpu.memory_space<vmem>>) dst(%dma_wait3A_227 : memref<128x128xf32, #tpu.memory_space<hbm>>)
      tpu.yield
    }) : () -> ()
    %mul3A_185 = arith.constant 640 : i32
    %mul3A_186 = arith.muli %arg1, %mul3A_185 : i32
    %add3A_187 = arith.constant 128 : i32
    %add3A_188 = arith.addi %mul3A_186, %add3A_187 : i32
    "tpu.region"() ({
      %run_scoped3A = tpu.sem_alloc : memref<!tpu.dma_semaphore, #tpu.memory_space<semaphore_mem>>
      %dma_start3A_217 = arith.constant 0 : i32
      %dma_start3A_218 = tpu.memref_slice %arg15[%add3A_188, %dma_start3A_217] : memref<10240x128xf32, #tpu.memory_space<vmem_shared>> -> memref<128x128xf32, #tpu.memory_space<vmem_shared>>
      %dma_start3A_219 = arith.constant 0 : i32
      %dma_start3A_220 = tpu.memref_slice %arg15[%add3A_188, %dma_start3A_219] : memref<10240x128xf32, #tpu.memory_space<vmem_shared>> -> memref<128x128xf32, #tpu.memory_space<vmem_shared>>
      tpu.enqueue_dma source(%dma_start3A_220 : memref<128x128xf32, #tpu.memory_space<vmem_shared>>) target(%arg11 : memref<128x128xf32, #tpu.memory_space<vmem>>) target_semaphore(%run_scoped3A : memref<!tpu.dma_semaphore, #tpu.memory_space<semaphore_mem>>)
      %dma_wait3A = arith.constant 0 : i32
      %dma_wait3A_221 = tpu.memref_slice %arg15[%add3A_188, %dma_wait3A] : memref<10240x128xf32, #tpu.memory_space<vmem_shared>> -> memref<128x128xf32, #tpu.memory_space<vmem_shared>>
      %dma_wait3A_222 = arith.constant 0 : i32
      %dma_wait3A_223 = tpu.memref_slice %arg15[%add3A_188, %dma_wait3A_222] : memref<10240x128xf32, #tpu.memory_space<vmem_shared>> -> memref<128x128xf32, #tpu.memory_space<vmem_shared>>
      tpu.wait_dma2 semaphore(%run_scoped3A : memref<!tpu.dma_semaphore, #tpu.memory_space<semaphore_mem>>) src(%dma_wait3A_223 : memref<128x128xf32, #tpu.memory_space<vmem_shared>>) dst(%arg11 : memref<128x128xf32, #tpu.memory_space<vmem>>)
      tpu.yield
    }) : () -> ()
    %mul3A_189 = arith.constant 640 : i32
    %mul3A_190 = arith.muli %arg1, %mul3A_189 : i32
    %add3A_191 = arith.constant 128 : i32
    %add3A_192 = arith.addi %mul3A_190, %add3A_191 : i32
    "tpu.region"() ({
      %run_scoped3A = tpu.sem_alloc : memref<!tpu.dma_semaphore, #tpu.memory_space<semaphore_mem>>
      %dma_start3A_217 = arith.constant 0 : i32
      %dma_start3A_218 = tpu.memref_slice %arg5[%arg0, %add3A_192, %dma_start3A_217] : memref<2x10240x128xf32, #tpu.memory_space<hbm>> -> memref<1x128x128xf32, #tpu.memory_space<hbm>>
      %dma_start3A_219 = tpu.memref_squeeze %dma_start3A_218 : memref<1x128x128xf32, #tpu.memory_space<hbm>> -> memref<128x128xf32, #tpu.memory_space<hbm>>
      %dma_start3A_220 = arith.constant 0 : i32
      %dma_start3A_221 = tpu.memref_slice %arg5[%arg0, %add3A_192, %dma_start3A_220] : memref<2x10240x128xf32, #tpu.memory_space<hbm>> -> memref<1x128x128xf32, #tpu.memory_space<hbm>>
      %dma_start3A_222 = tpu.memref_squeeze %dma_start3A_221 : memref<1x128x128xf32, #tpu.memory_space<hbm>> -> memref<128x128xf32, #tpu.memory_space<hbm>>
      tpu.enqueue_dma source(%arg11 : memref<128x128xf32, #tpu.memory_space<vmem>>) target(%dma_start3A_222 : memref<128x128xf32, #tpu.memory_space<hbm>>) target_semaphore(%run_scoped3A : memref<!tpu.dma_semaphore, #tpu.memory_space<semaphore_mem>>)
      %dma_wait3A = arith.constant 0 : i32
      %dma_wait3A_223 = tpu.memref_slice %arg5[%arg0, %add3A_192, %dma_wait3A] : memref<2x10240x128xf32, #tpu.memory_space<hbm>> -> memref<1x128x128xf32, #tpu.memory_space<hbm>>
      %dma_wait3A_224 = tpu.memref_squeeze %dma_wait3A_223 : memref<1x128x128xf32, #tpu.memory_space<hbm>> -> memref<128x128xf32, #tpu.memory_space<hbm>>
      %dma_wait3A_225 = arith.constant 0 : i32
      %dma_wait3A_226 = tpu.memref_slice %arg5[%arg0, %add3A_192, %dma_wait3A_225] : memref<2x10240x128xf32, #tpu.memory_space<hbm>> -> memref<1x128x128xf32, #tpu.memory_space<hbm>>
      %dma_wait3A_227 = tpu.memref_squeeze %dma_wait3A_226 : memref<1x128x128xf32, #tpu.memory_space<hbm>> -> memref<128x128xf32, #tpu.memory_space<hbm>>
      tpu.wait_dma2 semaphore(%run_scoped3A : memref<!tpu.dma_semaphore, #tpu.memory_space<semaphore_mem>>) src(%arg11 : memref<128x128xf32, #tpu.memory_space<vmem>>) dst(%dma_wait3A_227 : memref<128x128xf32, #tpu.memory_space<hbm>>)
      tpu.yield
    }) : () -> ()
    %mul3A_193 = arith.constant 640 : i32
    %mul3A_194 = arith.muli %arg1, %mul3A_193 : i32
    %add3A_195 = arith.constant 256 : i32
    %add3A_196 = arith.addi %mul3A_194, %add3A_195 : i32
    "tpu.region"() ({
      %run_scoped3A = tpu.sem_alloc : memref<!tpu.dma_semaphore, #tpu.memory_space<semaphore_mem>>
      %dma_start3A_217 = arith.constant 0 : i32
      %dma_start3A_218 = tpu.memref_slice %arg15[%add3A_196, %dma_start3A_217] : memref<10240x128xf32, #tpu.memory_space<vmem_shared>> -> memref<128x128xf32, #tpu.memory_space<vmem_shared>>
      %dma_start3A_219 = arith.constant 0 : i32
      %dma_start3A_220 = tpu.memref_slice %arg15[%add3A_196, %dma_start3A_219] : memref<10240x128xf32, #tpu.memory_space<vmem_shared>> -> memref<128x128xf32, #tpu.memory_space<vmem_shared>>
      tpu.enqueue_dma source(%dma_start3A_220 : memref<128x128xf32, #tpu.memory_space<vmem_shared>>) target(%arg11 : memref<128x128xf32, #tpu.memory_space<vmem>>) target_semaphore(%run_scoped3A : memref<!tpu.dma_semaphore, #tpu.memory_space<semaphore_mem>>)
      %dma_wait3A = arith.constant 0 : i32
      %dma_wait3A_221 = tpu.memref_slice %arg15[%add3A_196, %dma_wait3A] : memref<10240x128xf32, #tpu.memory_space<vmem_shared>> -> memref<128x128xf32, #tpu.memory_space<vmem_shared>>
      %dma_wait3A_222 = arith.constant 0 : i32
      %dma_wait3A_223 = tpu.memref_slice %arg15[%add3A_196, %dma_wait3A_222] : memref<10240x128xf32, #tpu.memory_space<vmem_shared>> -> memref<128x128xf32, #tpu.memory_space<vmem_shared>>
      tpu.wait_dma2 semaphore(%run_scoped3A : memref<!tpu.dma_semaphore, #tpu.memory_space<semaphore_mem>>) src(%dma_wait3A_223 : memref<128x128xf32, #tpu.memory_space<vmem_shared>>) dst(%arg11 : memref<128x128xf32, #tpu.memory_space<vmem>>)
      tpu.yield
    }) : () -> ()
    %mul3A_197 = arith.constant 640 : i32
    %mul3A_198 = arith.muli %arg1, %mul3A_197 : i32
    %add3A_199 = arith.constant 256 : i32
    %add3A_200 = arith.addi %mul3A_198, %add3A_199 : i32
    "tpu.region"() ({
      %run_scoped3A = tpu.sem_alloc : memref<!tpu.dma_semaphore, #tpu.memory_space<semaphore_mem>>
      %dma_start3A_217 = arith.constant 0 : i32
      %dma_start3A_218 = tpu.memref_slice %arg5[%arg0, %add3A_200, %dma_start3A_217] : memref<2x10240x128xf32, #tpu.memory_space<hbm>> -> memref<1x128x128xf32, #tpu.memory_space<hbm>>
      %dma_start3A_219 = tpu.memref_squeeze %dma_start3A_218 : memref<1x128x128xf32, #tpu.memory_space<hbm>> -> memref<128x128xf32, #tpu.memory_space<hbm>>
      %dma_start3A_220 = arith.constant 0 : i32
      %dma_start3A_221 = tpu.memref_slice %arg5[%arg0, %add3A_200, %dma_start3A_220] : memref<2x10240x128xf32, #tpu.memory_space<hbm>> -> memref<1x128x128xf32, #tpu.memory_space<hbm>>
      %dma_start3A_222 = tpu.memref_squeeze %dma_start3A_221 : memref<1x128x128xf32, #tpu.memory_space<hbm>> -> memref<128x128xf32, #tpu.memory_space<hbm>>
      tpu.enqueue_dma source(%arg11 : memref<128x128xf32, #tpu.memory_space<vmem>>) target(%dma_start3A_222 : memref<128x128xf32, #tpu.memory_space<hbm>>) target_semaphore(%run_scoped3A : memref<!tpu.dma_semaphore, #tpu.memory_space<semaphore_mem>>)
      %dma_wait3A = arith.constant 0 : i32
      %dma_wait3A_223 = tpu.memref_slice %arg5[%arg0, %add3A_200, %dma_wait3A] : memref<2x10240x128xf32, #tpu.memory_space<hbm>> -> memref<1x128x128xf32, #tpu.memory_space<hbm>>
      %dma_wait3A_224 = tpu.memref_squeeze %dma_wait3A_223 : memref<1x128x128xf32, #tpu.memory_space<hbm>> -> memref<128x128xf32, #tpu.memory_space<hbm>>
      %dma_wait3A_225 = arith.constant 0 : i32
      %dma_wait3A_226 = tpu.memref_slice %arg5[%arg0, %add3A_200, %dma_wait3A_225] : memref<2x10240x128xf32, #tpu.memory_space<hbm>> -> memref<1x128x128xf32, #tpu.memory_space<hbm>>
      %dma_wait3A_227 = tpu.memref_squeeze %dma_wait3A_226 : memref<1x128x128xf32, #tpu.memory_space<hbm>> -> memref<128x128xf32, #tpu.memory_space<hbm>>
      tpu.wait_dma2 semaphore(%run_scoped3A : memref<!tpu.dma_semaphore, #tpu.memory_space<semaphore_mem>>) src(%arg11 : memref<128x128xf32, #tpu.memory_space<vmem>>) dst(%dma_wait3A_227 : memref<128x128xf32, #tpu.memory_space<hbm>>)
      tpu.yield
    }) : () -> ()
    %mul3A_201 = arith.constant 640 : i32
    %mul3A_202 = arith.muli %arg1, %mul3A_201 : i32
    %add3A_203 = arith.constant 384 : i32
    %add3A_204 = arith.addi %mul3A_202, %add3A_203 : i32
    "tpu.region"() ({
      %run_scoped3A = tpu.sem_alloc : memref<!tpu.dma_semaphore, #tpu.memory_space<semaphore_mem>>
      %dma_start3A_217 = arith.constant 0 : i32
      %dma_start3A_218 = tpu.memref_slice %arg15[%add3A_204, %dma_start3A_217] : memref<10240x128xf32, #tpu.memory_space<vmem_shared>> -> memref<128x128xf32, #tpu.memory_space<vmem_shared>>
      %dma_start3A_219 = arith.constant 0 : i32
      %dma_start3A_220 = tpu.memref_slice %arg15[%add3A_204, %dma_start3A_219] : memref<10240x128xf32, #tpu.memory_space<vmem_shared>> -> memref<128x128xf32, #tpu.memory_space<vmem_shared>>
      tpu.enqueue_dma source(%dma_start3A_220 : memref<128x128xf32, #tpu.memory_space<vmem_shared>>) target(%arg11 : memref<128x128xf32, #tpu.memory_space<vmem>>) target_semaphore(%run_scoped3A : memref<!tpu.dma_semaphore, #tpu.memory_space<semaphore_mem>>)
      %dma_wait3A = arith.constant 0 : i32
      %dma_wait3A_221 = tpu.memref_slice %arg15[%add3A_204, %dma_wait3A] : memref<10240x128xf32, #tpu.memory_space<vmem_shared>> -> memref<128x128xf32, #tpu.memory_space<vmem_shared>>
      %dma_wait3A_222 = arith.constant 0 : i32
      %dma_wait3A_223 = tpu.memref_slice %arg15[%add3A_204, %dma_wait3A_222] : memref<10240x128xf32, #tpu.memory_space<vmem_shared>> -> memref<128x128xf32, #tpu.memory_space<vmem_shared>>
      tpu.wait_dma2 semaphore(%run_scoped3A : memref<!tpu.dma_semaphore, #tpu.memory_space<semaphore_mem>>) src(%dma_wait3A_223 : memref<128x128xf32, #tpu.memory_space<vmem_shared>>) dst(%arg11 : memref<128x128xf32, #tpu.memory_space<vmem>>)
      tpu.yield
    }) : () -> ()
    %mul3A_205 = arith.constant 640 : i32
    %mul3A_206 = arith.muli %arg1, %mul3A_205 : i32
    %add3A_207 = arith.constant 384 : i32
    %add3A_208 = arith.addi %mul3A_206, %add3A_207 : i32
    "tpu.region"() ({
      %run_scoped3A = tpu.sem_alloc : memref<!tpu.dma_semaphore, #tpu.memory_space<semaphore_mem>>
      %dma_start3A_217 = arith.constant 0 : i32
      %dma_start3A_218 = tpu.memref_slice %arg5[%arg0, %add3A_208, %dma_start3A_217] : memref<2x10240x128xf32, #tpu.memory_space<hbm>> -> memref<1x128x128xf32, #tpu.memory_space<hbm>>
      %dma_start3A_219 = tpu.memref_squeeze %dma_start3A_218 : memref<1x128x128xf32, #tpu.memory_space<hbm>> -> memref<128x128xf32, #tpu.memory_space<hbm>>
      %dma_start3A_220 = arith.constant 0 : i32
      %dma_start3A_221 = tpu.memref_slice %arg5[%arg0, %add3A_208, %dma_start3A_220] : memref<2x10240x128xf32, #tpu.memory_space<hbm>> -> memref<1x128x128xf32, #tpu.memory_space<hbm>>
      %dma_start3A_222 = tpu.memref_squeeze %dma_start3A_221 : memref<1x128x128xf32, #tpu.memory_space<hbm>> -> memref<128x128xf32, #tpu.memory_space<hbm>>
      tpu.enqueue_dma source(%arg11 : memref<128x128xf32, #tpu.memory_space<vmem>>) target(%dma_start3A_222 : memref<128x128xf32, #tpu.memory_space<hbm>>) target_semaphore(%run_scoped3A : memref<!tpu.dma_semaphore, #tpu.memory_space<semaphore_mem>>)
      %dma_wait3A = arith.constant 0 : i32
      %dma_wait3A_223 = tpu.memref_slice %arg5[%arg0, %add3A_208, %dma_wait3A] : memref<2x10240x128xf32, #tpu.memory_space<hbm>> -> memref<1x128x128xf32, #tpu.memory_space<hbm>>
      %dma_wait3A_224 = tpu.memref_squeeze %dma_wait3A_223 : memref<1x128x128xf32, #tpu.memory_space<hbm>> -> memref<128x128xf32, #tpu.memory_space<hbm>>
      %dma_wait3A_225 = arith.constant 0 : i32
      %dma_wait3A_226 = tpu.memref_slice %arg5[%arg0, %add3A_208, %dma_wait3A_225] : memref<2x10240x128xf32, #tpu.memory_space<hbm>> -> memref<1x128x128xf32, #tpu.memory_space<hbm>>
      %dma_wait3A_227 = tpu.memref_squeeze %dma_wait3A_226 : memref<1x128x128xf32, #tpu.memory_space<hbm>> -> memref<128x128xf32, #tpu.memory_space<hbm>>
      tpu.wait_dma2 semaphore(%run_scoped3A : memref<!tpu.dma_semaphore, #tpu.memory_space<semaphore_mem>>) src(%arg11 : memref<128x128xf32, #tpu.memory_space<vmem>>) dst(%dma_wait3A_227 : memref<128x128xf32, #tpu.memory_space<hbm>>)
      tpu.yield
    }) : () -> ()
    %mul3A_209 = arith.constant 640 : i32
    %mul3A_210 = arith.muli %arg1, %mul3A_209 : i32
    %add3A_211 = arith.constant 512 : i32
    %add3A_212 = arith.addi %mul3A_210, %add3A_211 : i32
    "tpu.region"() ({
      %run_scoped3A = tpu.sem_alloc : memref<!tpu.dma_semaphore, #tpu.memory_space<semaphore_mem>>
      %dma_start3A_217 = arith.constant 0 : i32
      %dma_start3A_218 = tpu.memref_slice %arg15[%add3A_212, %dma_start3A_217] : memref<10240x128xf32, #tpu.memory_space<vmem_shared>> -> memref<128x128xf32, #tpu.memory_space<vmem_shared>>
      %dma_start3A_219 = arith.constant 0 : i32
      %dma_start3A_220 = tpu.memref_slice %arg15[%add3A_212, %dma_start3A_219] : memref<10240x128xf32, #tpu.memory_space<vmem_shared>> -> memref<128x128xf32, #tpu.memory_space<vmem_shared>>
      tpu.enqueue_dma source(%dma_start3A_220 : memref<128x128xf32, #tpu.memory_space<vmem_shared>>) target(%arg11 : memref<128x128xf32, #tpu.memory_space<vmem>>) target_semaphore(%run_scoped3A : memref<!tpu.dma_semaphore, #tpu.memory_space<semaphore_mem>>)
      %dma_wait3A = arith.constant 0 : i32
      %dma_wait3A_221 = tpu.memref_slice %arg15[%add3A_212, %dma_wait3A] : memref<10240x128xf32, #tpu.memory_space<vmem_shared>> -> memref<128x128xf32, #tpu.memory_space<vmem_shared>>
      %dma_wait3A_222 = arith.constant 0 : i32
      %dma_wait3A_223 = tpu.memref_slice %arg15[%add3A_212, %dma_wait3A_222] : memref<10240x128xf32, #tpu.memory_space<vmem_shared>> -> memref<128x128xf32, #tpu.memory_space<vmem_shared>>
      tpu.wait_dma2 semaphore(%run_scoped3A : memref<!tpu.dma_semaphore, #tpu.memory_space<semaphore_mem>>) src(%dma_wait3A_223 : memref<128x128xf32, #tpu.memory_space<vmem_shared>>) dst(%arg11 : memref<128x128xf32, #tpu.memory_space<vmem>>)
      tpu.yield
    }) : () -> ()
    %mul3A_213 = arith.constant 640 : i32
    %mul3A_214 = arith.muli %arg1, %mul3A_213 : i32
    %add3A_215 = arith.constant 512 : i32
    %add3A_216 = arith.addi %mul3A_214, %add3A_215 : i32
    "tpu.region"() ({
      %run_scoped3A = tpu.sem_alloc : memref<!tpu.dma_semaphore, #tpu.memory_space<semaphore_mem>>
      %dma_start3A_217 = arith.constant 0 : i32
      %dma_start3A_218 = tpu.memref_slice %arg5[%arg0, %add3A_216, %dma_start3A_217] : memref<2x10240x128xf32, #tpu.memory_space<hbm>> -> memref<1x128x128xf32, #tpu.memory_space<hbm>>
      %dma_start3A_219 = tpu.memref_squeeze %dma_start3A_218 : memref<1x128x128xf32, #tpu.memory_space<hbm>> -> memref<128x128xf32, #tpu.memory_space<hbm>>
      %dma_start3A_220 = arith.constant 0 : i32
      %dma_start3A_221 = tpu.memref_slice %arg5[%arg0, %add3A_216, %dma_start3A_220] : memref<2x10240x128xf32, #tpu.memory_space<hbm>> -> memref<1x128x128xf32, #tpu.memory_space<hbm>>
      %dma_start3A_222 = tpu.memref_squeeze %dma_start3A_221 : memref<1x128x128xf32, #tpu.memory_space<hbm>> -> memref<128x128xf32, #tpu.memory_space<hbm>>
      tpu.enqueue_dma source(%arg11 : memref<128x128xf32, #tpu.memory_space<vmem>>) target(%dma_start3A_222 : memref<128x128xf32, #tpu.memory_space<hbm>>) target_semaphore(%run_scoped3A : memref<!tpu.dma_semaphore, #tpu.memory_space<semaphore_mem>>)
      %dma_wait3A = arith.constant 0 : i32
      %dma_wait3A_223 = tpu.memref_slice %arg5[%arg0, %add3A_216, %dma_wait3A] : memref<2x10240x128xf32, #tpu.memory_space<hbm>> -> memref<1x128x128xf32, #tpu.memory_space<hbm>>
      %dma_wait3A_224 = tpu.memref_squeeze %dma_wait3A_223 : memref<1x128x128xf32, #tpu.memory_space<hbm>> -> memref<128x128xf32, #tpu.memory_space<hbm>>
      %dma_wait3A_225 = arith.constant 0 : i32
      %dma_wait3A_226 = tpu.memref_slice %arg5[%arg0, %add3A_216, %dma_wait3A_225] : memref<2x10240x128xf32, #tpu.memory_space<hbm>> -> memref<1x128x128xf32, #tpu.memory_space<hbm>>
      %dma_wait3A_227 = tpu.memref_squeeze %dma_wait3A_226 : memref<1x128x128xf32, #tpu.memory_space<hbm>> -> memref<128x128xf32, #tpu.memory_space<hbm>>
      tpu.wait_dma2 semaphore(%run_scoped3A : memref<!tpu.dma_semaphore, #tpu.memory_space<semaphore_mem>>) src(%arg11 : memref<128x128xf32, #tpu.memory_space<vmem>>) dst(%dma_wait3A_227 : memref<128x128xf32, #tpu.memory_space<hbm>>)
      tpu.yield
    }) : () -> ()
    return
  }
}

#map = affine_map<(d0, d1) -> (0, 0)>
#map1 = affine_map<(d0, d1) -> (0, 0, 0)>
module attributes {stable_mosaic.version = 14 : i64} {
  func.func @_gs_kernel(%arg0: i32, %arg1: i32, %arg2: memref<10240x128xf32, #tpu.memory_space<hbm>>, %arg3: memref<32x80x128xi32, #tpu.memory_space<hbm>>, %arg4: memref<10240x128xf32, #tpu.memory_space<hbm>>, %arg5: memref<2x10240x128xf32, #tpu.memory_space<hbm>>, %arg6: memref<80x128xi32, #tpu.memory_space<vmem>>, %arg7: memref<128xi32, #tpu.memory_space<vmem>>, %arg8: memref<128xi32, #tpu.memory_space<vmem>>, %arg9: memref<128xi32, #tpu.memory_space<vmem>>, %arg10: memref<128xi32, #tpu.memory_space<vmem>>, %arg11: memref<128x128xf32, #tpu.memory_space<vmem>>, %arg12: memref<128x128xf32, #tpu.memory_space<vmem>>, %arg13: memref<!tpu.dma_semaphore, #tpu.memory_space<semaphore_mem>>, %arg14: memref<!tpu.dma_semaphore, #tpu.memory_space<semaphore_mem>>, %arg15: memref<10240x128xf32, #tpu.memory_space<vmem_shared>>) attributes {dimension_semantics = [#tpu.dimension_semantics<core_parallel>, #tpu.dimension_semantics<subcore_parallel>], iteration_bounds = array<i64: 2, 16>, scalar_prefetch = 0 : i64, scratch_operands = 10 : i64, tpu.core_type = #tpu.core_type<sc_vector_subcore>, window_params = [{transform_indices = #map}, {transform_indices = #map1}, {transform_indices = #map}, {transform_indices = #map1}]} {
    %mul3A = arith.constant 2 : i32
    %mul3A_0 = arith.muli %arg1, %mul3A : i32
    %add3A = arith.addi %mul3A_0, %arg0 : i32
    "tpu.region"() ({
      %run_scoped3A = tpu.sem_alloc : memref<!tpu.dma_semaphore, #tpu.memory_space<semaphore_mem>>
      %dma_start3A_217 = arith.constant 0 : i32
      %dma_start3A_218 = arith.constant 0 : i32
      %dma_start3A_219 = tpu.memref_slice %arg3[%add3A, %dma_start3A_217, %dma_start3A_218] : memref<32x80x128xi32, #tpu.memory_space<hbm>> -> memref<1x80x128xi32, #tpu.memory_space<hbm>>
      %dma_start3A_220 = tpu.memref_squeeze %dma_start3A_219 : memref<1x80x128xi32, #tpu.memory_space<hbm>> -> memref<80x128xi32, #tpu.memory_space<hbm>>
      %dma_start3A_221 = arith.constant 0 : i32
      %dma_start3A_222 = arith.constant 0 : i32
      %dma_start3A_223 = tpu.memref_slice %arg3[%add3A, %dma_start3A_221, %dma_start3A_222] : memref<32x80x128xi32, #tpu.memory_space<hbm>> -> memref<1x80x128xi32, #tpu.memory_space<hbm>>
      %dma_start3A_224 = tpu.memref_squeeze %dma_start3A_223 : memref<1x80x128xi32, #tpu.memory_space<hbm>> -> memref<80x128xi32, #tpu.memory_space<hbm>>
      tpu.enqueue_dma source(%dma_start3A_224 : memref<80x128xi32, #tpu.memory_space<hbm>>) target(%arg6 : memref<80x128xi32, #tpu.memory_space<vmem>>) target_semaphore(%run_scoped3A : memref<!tpu.dma_semaphore, #tpu.memory_space<semaphore_mem>>)
      %dma_wait3A = arith.constant 0 : i32
      %dma_wait3A_225 = arith.constant 0 : i32
      %dma_wait3A_226 = tpu.memref_slice %arg3[%add3A, %dma_wait3A, %dma_wait3A_225] : memref<32x80x128xi32, #tpu.memory_space<hbm>> -> memref<1x80x128xi32, #tpu.memory_space<hbm>>
      %dma_wait3A_227 = tpu.memref_squeeze %dma_wait3A_226 : memref<1x80x128xi32, #tpu.memory_space<hbm>> -> memref<80x128xi32, #tpu.memory_space<hbm>>
      %dma_wait3A_228 = arith.constant 0 : i32
      %dma_wait3A_229 = arith.constant 0 : i32
      %dma_wait3A_230 = tpu.memref_slice %arg3[%add3A, %dma_wait3A_228, %dma_wait3A_229] : memref<32x80x128xi32, #tpu.memory_space<hbm>> -> memref<1x80x128xi32, #tpu.memory_space<hbm>>
      %dma_wait3A_231 = tpu.memref_squeeze %dma_wait3A_230 : memref<1x80x128xi32, #tpu.memory_space<hbm>> -> memref<80x128xi32, #tpu.memory_space<hbm>>
      tpu.wait_dma2 semaphore(%run_scoped3A : memref<!tpu.dma_semaphore, #tpu.memory_space<semaphore_mem>>) src(%dma_wait3A_231 : memref<80x128xi32, #tpu.memory_space<hbm>>) dst(%arg6 : memref<80x128xi32, #tpu.memory_space<vmem>>)
      tpu.yield
    }) : () -> ()
    "tpu.region"() ({
      %run_scoped3A = tpu.sem_alloc : memref<!tpu.dma_semaphore, #tpu.memory_space<semaphore_mem>>
      %dma_start3A_217 = arith.constant 0 : i32
      %dma_start3A_218 = arith.constant 0 : i32
      %dma_start3A_219 = tpu.memref_slice %arg4[%dma_start3A_217, %dma_start3A_218] : memref<10240x128xf32, #tpu.memory_space<hbm>> -> memref<128x128xf32, #tpu.memory_space<hbm>>
      %dma_start3A_220 = arith.constant 0 : i32
      %dma_start3A_221 = arith.constant 0 : i32
      %dma_start3A_222 = tpu.memref_slice %arg4[%dma_start3A_220, %dma_start3A_221] : memref<10240x128xf32, #tpu.memory_space<hbm>> -> memref<128x128xf32, #tpu.memory_space<hbm>>
      tpu.enqueue_dma source(%dma_start3A_222 : memref<128x128xf32, #tpu.memory_space<hbm>>) target(%arg11 : memref<128x128xf32, #tpu.memory_space<vmem>>) target_semaphore(%run_scoped3A : memref<!tpu.dma_semaphore, #tpu.memory_space<semaphore_mem>>)
      %dma_wait3A = arith.constant 0 : i32
      %dma_wait3A_223 = arith.constant 0 : i32
      %dma_wait3A_224 = tpu.memref_slice %arg4[%dma_wait3A, %dma_wait3A_223] : memref<10240x128xf32, #tpu.memory_space<hbm>> -> memref<128x128xf32, #tpu.memory_space<hbm>>
      %dma_wait3A_225 = arith.constant 0 : i32
      %dma_wait3A_226 = arith.constant 0 : i32
      %dma_wait3A_227 = tpu.memref_slice %arg4[%dma_wait3A_225, %dma_wait3A_226] : memref<10240x128xf32, #tpu.memory_space<hbm>> -> memref<128x128xf32, #tpu.memory_space<hbm>>
      tpu.wait_dma2 semaphore(%run_scoped3A : memref<!tpu.dma_semaphore, #tpu.memory_space<semaphore_mem>>) src(%dma_wait3A_227 : memref<128x128xf32, #tpu.memory_space<hbm>>) dst(%arg11 : memref<128x128xf32, #tpu.memory_space<vmem>>)
      tpu.yield
    }) : () -> ()
    %mul3A_1 = arith.constant 640 : i32
    %mul3A_2 = arith.muli %arg1, %mul3A_1 : i32
    %add3A_3 = arith.constant 0 : i32
    %add3A_4 = arith.addi %mul3A_2, %add3A_3 : i32
    "tpu.region"() ({
      %run_scoped3A = tpu.sem_alloc : memref<!tpu.dma_semaphore, #tpu.memory_space<semaphore_mem>>
      %dma_start3A_217 = arith.constant 0 : i32
      %dma_start3A_218 = tpu.memref_slice %arg15[%add3A_4, %dma_start3A_217] : memref<10240x128xf32, #tpu.memory_space<vmem_shared>> -> memref<128x128xf32, #tpu.memory_space<vmem_shared>>
      %dma_start3A_219 = arith.constant 0 : i32
      %dma_start3A_220 = tpu.memref_slice %arg15[%add3A_4, %dma_start3A_219] : memref<10240x128xf32, #tpu.memory_space<vmem_shared>> -> memref<128x128xf32, #tpu.memory_space<vmem_shared>>
      tpu.enqueue_dma source(%arg11 : memref<128x128xf32, #tpu.memory_space<vmem>>) target(%dma_start3A_220 : memref<128x128xf32, #tpu.memory_space<vmem_shared>>) target_semaphore(%run_scoped3A : memref<!tpu.dma_semaphore, #tpu.memory_space<semaphore_mem>>)
      %dma_wait3A = arith.constant 0 : i32
      %dma_wait3A_221 = tpu.memref_slice %arg15[%add3A_4, %dma_wait3A] : memref<10240x128xf32, #tpu.memory_space<vmem_shared>> -> memref<128x128xf32, #tpu.memory_space<vmem_shared>>
      %dma_wait3A_222 = arith.constant 0 : i32
      %dma_wait3A_223 = tpu.memref_slice %arg15[%add3A_4, %dma_wait3A_222] : memref<10240x128xf32, #tpu.memory_space<vmem_shared>> -> memref<128x128xf32, #tpu.memory_space<vmem_shared>>
      tpu.wait_dma2 semaphore(%run_scoped3A : memref<!tpu.dma_semaphore, #tpu.memory_space<semaphore_mem>>) src(%arg11 : memref<128x128xf32, #tpu.memory_space<vmem>>) dst(%dma_wait3A_223 : memref<128x128xf32, #tpu.memory_space<vmem_shared>>)
      tpu.yield
    }) : () -> ()
    %mul3A_5 = arith.constant 640 : i32
    %mul3A_6 = arith.muli %arg1, %mul3A_5 : i32
    %add3A_7 = arith.constant 128 : i32
    %add3A_8 = arith.addi %mul3A_6, %add3A_7 : i32
    "tpu.region"() ({
      %run_scoped3A = tpu.sem_alloc : memref<!tpu.dma_semaphore, #tpu.memory_space<semaphore_mem>>
      %dma_start3A_217 = arith.constant 0 : i32
      %dma_start3A_218 = tpu.memref_slice %arg15[%add3A_8, %dma_start3A_217] : memref<10240x128xf32, #tpu.memory_space<vmem_shared>> -> memref<128x128xf32, #tpu.memory_space<vmem_shared>>
      %dma_start3A_219 = arith.constant 0 : i32
      %dma_start3A_220 = tpu.memref_slice %arg15[%add3A_8, %dma_start3A_219] : memref<10240x128xf32, #tpu.memory_space<vmem_shared>> -> memref<128x128xf32, #tpu.memory_space<vmem_shared>>
      tpu.enqueue_dma source(%arg11 : memref<128x128xf32, #tpu.memory_space<vmem>>) target(%dma_start3A_220 : memref<128x128xf32, #tpu.memory_space<vmem_shared>>) target_semaphore(%run_scoped3A : memref<!tpu.dma_semaphore, #tpu.memory_space<semaphore_mem>>)
      %dma_wait3A = arith.constant 0 : i32
      %dma_wait3A_221 = tpu.memref_slice %arg15[%add3A_8, %dma_wait3A] : memref<10240x128xf32, #tpu.memory_space<vmem_shared>> -> memref<128x128xf32, #tpu.memory_space<vmem_shared>>
      %dma_wait3A_222 = arith.constant 0 : i32
      %dma_wait3A_223 = tpu.memref_slice %arg15[%add3A_8, %dma_wait3A_222] : memref<10240x128xf32, #tpu.memory_space<vmem_shared>> -> memref<128x128xf32, #tpu.memory_space<vmem_shared>>
      tpu.wait_dma2 semaphore(%run_scoped3A : memref<!tpu.dma_semaphore, #tpu.memory_space<semaphore_mem>>) src(%arg11 : memref<128x128xf32, #tpu.memory_space<vmem>>) dst(%dma_wait3A_223 : memref<128x128xf32, #tpu.memory_space<vmem_shared>>)
      tpu.yield
    }) : () -> ()
    %mul3A_9 = arith.constant 640 : i32
    %mul3A_10 = arith.muli %arg1, %mul3A_9 : i32
    %add3A_11 = arith.constant 256 : i32
    %add3A_12 = arith.addi %mul3A_10, %add3A_11 : i32
    "tpu.region"() ({
      %run_scoped3A = tpu.sem_alloc : memref<!tpu.dma_semaphore, #tpu.memory_space<semaphore_mem>>
      %dma_start3A_217 = arith.constant 0 : i32
      %dma_start3A_218 = tpu.memref_slice %arg15[%add3A_12, %dma_start3A_217] : memref<10240x128xf32, #tpu.memory_space<vmem_shared>> -> memref<128x128xf32, #tpu.memory_space<vmem_shared>>
      %dma_start3A_219 = arith.constant 0 : i32
      %dma_start3A_220 = tpu.memref_slice %arg15[%add3A_12, %dma_start3A_219] : memref<10240x128xf32, #tpu.memory_space<vmem_shared>> -> memref<128x128xf32, #tpu.memory_space<vmem_shared>>
      tpu.enqueue_dma source(%arg11 : memref<128x128xf32, #tpu.memory_space<vmem>>) target(%dma_start3A_220 : memref<128x128xf32, #tpu.memory_space<vmem_shared>>) target_semaphore(%run_scoped3A : memref<!tpu.dma_semaphore, #tpu.memory_space<semaphore_mem>>)
      %dma_wait3A = arith.constant 0 : i32
      %dma_wait3A_221 = tpu.memref_slice %arg15[%add3A_12, %dma_wait3A] : memref<10240x128xf32, #tpu.memory_space<vmem_shared>> -> memref<128x128xf32, #tpu.memory_space<vmem_shared>>
      %dma_wait3A_222 = arith.constant 0 : i32
      %dma_wait3A_223 = tpu.memref_slice %arg15[%add3A_12, %dma_wait3A_222] : memref<10240x128xf32, #tpu.memory_space<vmem_shared>> -> memref<128x128xf32, #tpu.memory_space<vmem_shared>>
      tpu.wait_dma2 semaphore(%run_scoped3A : memref<!tpu.dma_semaphore, #tpu.memory_space<semaphore_mem>>) src(%arg11 : memref<128x128xf32, #tpu.memory_space<vmem>>) dst(%dma_wait3A_223 : memref<128x128xf32, #tpu.memory_space<vmem_shared>>)
      tpu.yield
    }) : () -> ()
    %mul3A_13 = arith.constant 640 : i32
    %mul3A_14 = arith.muli %arg1, %mul3A_13 : i32
    %add3A_15 = arith.constant 384 : i32
    %add3A_16 = arith.addi %mul3A_14, %add3A_15 : i32
    "tpu.region"() ({
      %run_scoped3A = tpu.sem_alloc : memref<!tpu.dma_semaphore, #tpu.memory_space<semaphore_mem>>
      %dma_start3A_217 = arith.constant 0 : i32
      %dma_start3A_218 = tpu.memref_slice %arg15[%add3A_16, %dma_start3A_217] : memref<10240x128xf32, #tpu.memory_space<vmem_shared>> -> memref<128x128xf32, #tpu.memory_space<vmem_shared>>
      %dma_start3A_219 = arith.constant 0 : i32
      %dma_start3A_220 = tpu.memref_slice %arg15[%add3A_16, %dma_start3A_219] : memref<10240x128xf32, #tpu.memory_space<vmem_shared>> -> memref<128x128xf32, #tpu.memory_space<vmem_shared>>
      tpu.enqueue_dma source(%arg11 : memref<128x128xf32, #tpu.memory_space<vmem>>) target(%dma_start3A_220 : memref<128x128xf32, #tpu.memory_space<vmem_shared>>) target_semaphore(%run_scoped3A : memref<!tpu.dma_semaphore, #tpu.memory_space<semaphore_mem>>)
      %dma_wait3A = arith.constant 0 : i32
      %dma_wait3A_221 = tpu.memref_slice %arg15[%add3A_16, %dma_wait3A] : memref<10240x128xf32, #tpu.memory_space<vmem_shared>> -> memref<128x128xf32, #tpu.memory_space<vmem_shared>>
      %dma_wait3A_222 = arith.constant 0 : i32
      %dma_wait3A_223 = tpu.memref_slice %arg15[%add3A_16, %dma_wait3A_222] : memref<10240x128xf32, #tpu.memory_space<vmem_shared>> -> memref<128x128xf32, #tpu.memory_space<vmem_shared>>
      tpu.wait_dma2 semaphore(%run_scoped3A : memref<!tpu.dma_semaphore, #tpu.memory_space<semaphore_mem>>) src(%arg11 : memref<128x128xf32, #tpu.memory_space<vmem>>) dst(%dma_wait3A_223 : memref<128x128xf32, #tpu.memory_space<vmem_shared>>)
      tpu.yield
    }) : () -> ()
    %mul3A_17 = arith.constant 640 : i32
    %mul3A_18 = arith.muli %arg1, %mul3A_17 : i32
    %add3A_19 = arith.constant 512 : i32
    %add3A_20 = arith.addi %mul3A_18, %add3A_19 : i32
    "tpu.region"() ({
      %run_scoped3A = tpu.sem_alloc : memref<!tpu.dma_semaphore, #tpu.memory_space<semaphore_mem>>
      %dma_start3A_217 = arith.constant 0 : i32
      %dma_start3A_218 = tpu.memref_slice %arg15[%add3A_20, %dma_start3A_217] : memref<10240x128xf32, #tpu.memory_space<vmem_shared>> -> memref<128x128xf32, #tpu.memory_space<vmem_shared>>
      %dma_start3A_219 = arith.constant 0 : i32
      %dma_start3A_220 = tpu.memref_slice %arg15[%add3A_20, %dma_start3A_219] : memref<10240x128xf32, #tpu.memory_space<vmem_shared>> -> memref<128x128xf32, #tpu.memory_space<vmem_shared>>
      tpu.enqueue_dma source(%arg11 : memref<128x128xf32, #tpu.memory_space<vmem>>) target(%dma_start3A_220 : memref<128x128xf32, #tpu.memory_space<vmem_shared>>) target_semaphore(%run_scoped3A : memref<!tpu.dma_semaphore, #tpu.memory_space<semaphore_mem>>)
      %dma_wait3A = arith.constant 0 : i32
      %dma_wait3A_221 = tpu.memref_slice %arg15[%add3A_20, %dma_wait3A] : memref<10240x128xf32, #tpu.memory_space<vmem_shared>> -> memref<128x128xf32, #tpu.memory_space<vmem_shared>>
      %dma_wait3A_222 = arith.constant 0 : i32
      %dma_wait3A_223 = tpu.memref_slice %arg15[%add3A_20, %dma_wait3A_222] : memref<10240x128xf32, #tpu.memory_space<vmem_shared>> -> memref<128x128xf32, #tpu.memory_space<vmem_shared>>
      tpu.wait_dma2 semaphore(%run_scoped3A : memref<!tpu.dma_semaphore, #tpu.memory_space<semaphore_mem>>) src(%arg11 : memref<128x128xf32, #tpu.memory_space<vmem>>) dst(%dma_wait3A_223 : memref<128x128xf32, #tpu.memory_space<vmem_shared>>)
      tpu.yield
    }) : () -> ()
    %barrier3A = arith.constant 0 : index
    tpu.barrier barrier_id(%barrier3A)
    %get3A = arith.constant 0 : i32
    %get3A_21 = arith.index_cast %get3A : i32 to index
    %get3A_22 = arith.constant 0 : index
    %get3A_23 = tpu.vector_load %arg6[%get3A_21, %get3A_22] {strides = array<i32>} : memref<80x128xi32, #tpu.memory_space<vmem>>, vector<1x16xi32>,
    %get3A_24 = vector.shape_cast %get3A_23 : vector<1x16xi32> to vector<16xi32>
    %and3A = arith.constant 16383 : i32
    %and3A_25 = vector.broadcast %and3A : i32 to vector<16xi32>
    %and3A_26 = arith.andi %get3A_24, %and3A_25 : vector<16xi32>
    %swap3A = arith.constant 0 : index
    %swap3A_27 = tpu.vector_load %arg7[%swap3A] {strides = array<i32>} : memref<128xi32, #tpu.memory_space<vmem>>, vector<16xi32>,
    %swap3A_28 = vector.shape_cast %swap3A_27 : vector<16xi32> to vector<16xi32>
    %swap3A_29 = vector.shape_cast %and3A_26 : vector<16xi32> to vector<16xi32>
    tpu.vector_store %arg7[%swap3A], %swap3A_29 {strides = array<i32>} : memref<128xi32, #tpu.memory_space<vmem>>, vector<16xi32>,
    %shift_right_logical3A = arith.constant 14 : i32
    %shift_right_logical3A_30 = vector.broadcast %shift_right_logical3A : i32 to vector<16xi32>
    %shift_right_logical3A_31 = arith.shrui %get3A_24, %shift_right_logical3A_30 : vector<16xi32>
    %swap3A_32 = arith.constant 0 : index
    %swap3A_33 = tpu.vector_load %arg8[%swap3A_32] {strides = array<i32>} : memref<128xi32, #tpu.memory_space<vmem>>, vector<16xi32>,
    %swap3A_34 = vector.shape_cast %swap3A_33 : vector<16xi32> to vector<16xi32>
    %swap3A_35 = vector.shape_cast %shift_right_logical3A_31 : vector<16xi32> to vector<16xi32>
    tpu.vector_store %arg8[%swap3A_32], %swap3A_35 {strides = array<i32>} : memref<128xi32, #tpu.memory_space<vmem>>, vector<16xi32>,
    %get3A_36 = arith.constant 0 : i32
    %get3A_37 = arith.index_cast %get3A_36 : i32 to index
    %get3A_38 = arith.constant 16 : index
    %get3A_39 = tpu.vector_load %arg6[%get3A_37, %get3A_38] {strides = array<i32>} : memref<80x128xi32, #tpu.memory_space<vmem>>, vector<1x16xi32>,
    %get3A_40 = vector.shape_cast %get3A_39 : vector<1x16xi32> to vector<16xi32>
    %and3A_41 = arith.constant 16383 : i32
    %and3A_42 = vector.broadcast %and3A_41 : i32 to vector<16xi32>
    %and3A_43 = arith.andi %get3A_40, %and3A_42 : vector<16xi32>
    %swap3A_44 = arith.constant 16 : index
    %swap3A_45 = tpu.vector_load %arg7[%swap3A_44] {strides = array<i32>} : memref<128xi32, #tpu.memory_space<vmem>>, vector<16xi32>,
    %swap3A_46 = vector.shape_cast %swap3A_45 : vector<16xi32> to vector<16xi32>
    %swap3A_47 = vector.shape_cast %and3A_43 : vector<16xi32> to vector<16xi32>
    tpu.vector_store %arg7[%swap3A_44], %swap3A_47 {strides = array<i32>} : memref<128xi32, #tpu.memory_space<vmem>>, vector<16xi32>,
    %shift_right_logical3A_48 = arith.constant 14 : i32
    %shift_right_logical3A_49 = vector.broadcast %shift_right_logical3A_48 : i32 to vector<16xi32>
    %shift_right_logical3A_50 = arith.shrui %get3A_40, %shift_right_logical3A_49 : vector<16xi32>
    %swap3A_51 = arith.constant 16 : index
    %swap3A_52 = tpu.vector_load %arg8[%swap3A_51] {strides = array<i32>} : memref<128xi32, #tpu.memory_space<vmem>>, vector<16xi32>,
    %swap3A_53 = vector.shape_cast %swap3A_52 : vector<16xi32> to vector<16xi32>
    %swap3A_54 = vector.shape_cast %shift_right_logical3A_50 : vector<16xi32> to vector<16xi32>
    tpu.vector_store %arg8[%swap3A_51], %swap3A_54 {strides = array<i32>} : memref<128xi32, #tpu.memory_space<vmem>>, vector<16xi32>,
    %get3A_55 = arith.constant 0 : i32
    %get3A_56 = arith.index_cast %get3A_55 : i32 to index
    %get3A_57 = arith.constant 32 : index
    %get3A_58 = tpu.vector_load %arg6[%get3A_56, %get3A_57] {strides = array<i32>} : memref<80x128xi32, #tpu.memory_space<vmem>>, vector<1x16xi32>,
    %get3A_59 = vector.shape_cast %get3A_58 : vector<1x16xi32> to vector<16xi32>
    %and3A_60 = arith.constant 16383 : i32
    %and3A_61 = vector.broadcast %and3A_60 : i32 to vector<16xi32>
    %and3A_62 = arith.andi %get3A_59, %and3A_61 : vector<16xi32>
    %swap3A_63 = arith.constant 32 : index
    %swap3A_64 = tpu.vector_load %arg7[%swap3A_63] {strides = array<i32>} : memref<128xi32, #tpu.memory_space<vmem>>, vector<16xi32>,
    %swap3A_65 = vector.shape_cast %swap3A_64 : vector<16xi32> to vector<16xi32>
    %swap3A_66 = vector.shape_cast %and3A_62 : vector<16xi32> to vector<16xi32>
    tpu.vector_store %arg7[%swap3A_63], %swap3A_66 {strides = array<i32>} : memref<128xi32, #tpu.memory_space<vmem>>, vector<16xi32>,
    %shift_right_logical3A_67 = arith.constant 14 : i32
    %shift_right_logical3A_68 = vector.broadcast %shift_right_logical3A_67 : i32 to vector<16xi32>
    %shift_right_logical3A_69 = arith.shrui %get3A_59, %shift_right_logical3A_68 : vector<16xi32>
    %swap3A_70 = arith.constant 32 : index
    %swap3A_71 = tpu.vector_load %arg8[%swap3A_70] {strides = array<i32>} : memref<128xi32, #tpu.memory_space<vmem>>, vector<16xi32>,
    %swap3A_72 = vector.shape_cast %swap3A_71 : vector<16xi32> to vector<16xi32>
    %swap3A_73 = vector.shape_cast %shift_right_logical3A_69 : vector<16xi32> to vector<16xi32>
    tpu.vector_store %arg8[%swap3A_70], %swap3A_73 {strides = array<i32>} : memref<128xi32, #tpu.memory_space<vmem>>, vector<16xi32>,
    %get3A_74 = arith.constant 0 : i32
    %get3A_75 = arith.index_cast %get3A_74 : i32 to index
    %get3A_76 = arith.constant 48 : index
    %get3A_77 = tpu.vector_load %arg6[%get3A_75, %get3A_76] {strides = array<i32>} : memref<80x128xi32, #tpu.memory_space<vmem>>, vector<1x16xi32>,
    %get3A_78 = vector.shape_cast %get3A_77 : vector<1x16xi32> to vector<16xi32>
    %and3A_79 = arith.constant 16383 : i32
    %and3A_80 = vector.broadcast %and3A_79 : i32 to vector<16xi32>
    %and3A_81 = arith.andi %get3A_78, %and3A_80 : vector<16xi32>
    %swap3A_82 = arith.constant 48 : index
    %swap3A_83 = tpu.vector_load %arg7[%swap3A_82] {strides = array<i32>} : memref<128xi32, #tpu.memory_space<vmem>>, vector<16xi32>,
    %swap3A_84 = vector.shape_cast %swap3A_83 : vector<16xi32> to vector<16xi32>
    %swap3A_85 = vector.shape_cast %and3A_81 : vector<16xi32> to vector<16xi32>
    tpu.vector_store %arg7[%swap3A_82], %swap3A_85 {strides = array<i32>} : memref<128xi32, #tpu.memory_space<vmem>>, vector<16xi32>,
    %shift_right_logical3A_86 = arith.constant 14 : i32
    %shift_right_logical3A_87 = vector.broadcast %shift_right_logical3A_86 : i32 to vector<16xi32>
    %shift_right_logical3A_88 = arith.shrui %get3A_78, %shift_right_logical3A_87 : vector<16xi32>
    %swap3A_89 = arith.constant 48 : index
    %swap3A_90 = tpu.vector_load %arg8[%swap3A_89] {strides = array<i32>} : memref<128xi32, #tpu.memory_space<vmem>>, vector<16xi32>,
    %swap3A_91 = vector.shape_cast %swap3A_90 : vector<16xi32> to vector<16xi32>
    %swap3A_92 = vector.shape_cast %shift_right_logical3A_88 : vector<16xi32> to vector<16xi32>
    tpu.vector_store %arg8[%swap3A_89], %swap3A_92 {strides = array<i32>} : memref<128xi32, #tpu.memory_space<vmem>>, vector<16xi32>,
    %get3A_93 = arith.constant 0 : i32
    %get3A_94 = arith.index_cast %get3A_93 : i32 to index
    %get3A_95 = arith.constant 64 : index
    %get3A_96 = tpu.vector_load %arg6[%get3A_94, %get3A_95] {strides = array<i32>} : memref<80x128xi32, #tpu.memory_space<vmem>>, vector<1x16xi32>,
    %get3A_97 = vector.shape_cast %get3A_96 : vector<1x16xi32> to vector<16xi32>
    %and3A_98 = arith.constant 16383 : i32
    %and3A_99 = vector.broadcast %and3A_98 : i32 to vector<16xi32>
    %and3A_100 = arith.andi %get3A_97, %and3A_99 : vector<16xi32>
    %swap3A_101 = arith.constant 64 : index
    %swap3A_102 = tpu.vector_load %arg7[%swap3A_101] {strides = array<i32>} : memref<128xi32, #tpu.memory_space<vmem>>, vector<16xi32>,
    %swap3A_103 = vector.shape_cast %swap3A_102 : vector<16xi32> to vector<16xi32>
    %swap3A_104 = vector.shape_cast %and3A_100 : vector<16xi32> to vector<16xi32>
    tpu.vector_store %arg7[%swap3A_101], %swap3A_104 {strides = array<i32>} : memref<128xi32, #tpu.memory_space<vmem>>, vector<16xi32>,
    %shift_right_logical3A_105 = arith.constant 14 : i32
    %shift_right_logical3A_106 = vector.broadcast %shift_right_logical3A_105 : i32 to vector<16xi32>
    %shift_right_logical3A_107 = arith.shrui %get3A_97, %shift_right_logical3A_106 : vector<16xi32>
    %swap3A_108 = arith.constant 64 : index
    %swap3A_109 = tpu.vector_load %arg8[%swap3A_108] {strides = array<i32>} : memref<128xi32, #tpu.memory_space<vmem>>, vector<16xi32>,
    %swap3A_110 = vector.shape_cast %swap3A_109 : vector<16xi32> to vector<16xi32>
    %swap3A_111 = vector.shape_cast %shift_right_logical3A_107 : vector<16xi32> to vector<16xi32>
    tpu.vector_store %arg8[%swap3A_108], %swap3A_111 {strides = array<i32>} : memref<128xi32, #tpu.memory_space<vmem>>, vector<16xi32>,
    %get3A_112 = arith.constant 0 : i32
    %get3A_113 = arith.index_cast %get3A_112 : i32 to index
    %get3A_114 = arith.constant 80 : index
    %get3A_115 = tpu.vector_load %arg6[%get3A_113, %get3A_114] {strides = array<i32>} : memref<80x128xi32, #tpu.memory_space<vmem>>, vector<1x16xi32>,
    %get3A_116 = vector.shape_cast %get3A_115 : vector<1x16xi32> to vector<16xi32>
    %and3A_117 = arith.constant 16383 : i32
    %and3A_118 = vector.broadcast %and3A_117 : i32 to vector<16xi32>
    %and3A_119 = arith.andi %get3A_116, %and3A_118 : vector<16xi32>
    %swap3A_120 = arith.constant 80 : index
    %swap3A_121 = tpu.vector_load %arg7[%swap3A_120] {strides = array<i32>} : memref<128xi32, #tpu.memory_space<vmem>>, vector<16xi32>,
    %swap3A_122 = vector.shape_cast %swap3A_121 : vector<16xi32> to vector<16xi32>
    %swap3A_123 = vector.shape_cast %and3A_119 : vector<16xi32> to vector<16xi32>
    tpu.vector_store %arg7[%swap3A_120], %swap3A_123 {strides = array<i32>} : memref<128xi32, #tpu.memory_space<vmem>>, vector<16xi32>,
    %shift_right_logical3A_124 = arith.constant 14 : i32
    %shift_right_logical3A_125 = vector.broadcast %shift_right_logical3A_124 : i32 to vector<16xi32>
    %shift_right_logical3A_126 = arith.shrui %get3A_116, %shift_right_logical3A_125 : vector<16xi32>
    %swap3A_127 = arith.constant 80 : index
    %swap3A_128 = tpu.vector_load %arg8[%swap3A_127] {strides = array<i32>} : memref<128xi32, #tpu.memory_space<vmem>>, vector<16xi32>,
    %swap3A_129 = vector.shape_cast %swap3A_128 : vector<16xi32> to vector<16xi32>
    %swap3A_130 = vector.shape_cast %shift_right_logical3A_126 : vector<16xi32> to vector<16xi32>
    tpu.vector_store %arg8[%swap3A_127], %swap3A_130 {strides = array<i32>} : memref<128xi32, #tpu.memory_space<vmem>>, vector<16xi32>,
    %get3A_131 = arith.constant 0 : i32
    %get3A_132 = arith.index_cast %get3A_131 : i32 to index
    %get3A_133 = arith.constant 96 : index
    %get3A_134 = tpu.vector_load %arg6[%get3A_132, %get3A_133] {strides = array<i32>} : memref<80x128xi32, #tpu.memory_space<vmem>>, vector<1x16xi32>,
    %get3A_135 = vector.shape_cast %get3A_134 : vector<1x16xi32> to vector<16xi32>
    %and3A_136 = arith.constant 16383 : i32
    %and3A_137 = vector.broadcast %and3A_136 : i32 to vector<16xi32>
    %and3A_138 = arith.andi %get3A_135, %and3A_137 : vector<16xi32>
    %swap3A_139 = arith.constant 96 : index
    %swap3A_140 = tpu.vector_load %arg7[%swap3A_139] {strides = array<i32>} : memref<128xi32, #tpu.memory_space<vmem>>, vector<16xi32>,
    %swap3A_141 = vector.shape_cast %swap3A_140 : vector<16xi32> to vector<16xi32>
    %swap3A_142 = vector.shape_cast %and3A_138 : vector<16xi32> to vector<16xi32>
    tpu.vector_store %arg7[%swap3A_139], %swap3A_142 {strides = array<i32>} : memref<128xi32, #tpu.memory_space<vmem>>, vector<16xi32>,
    %shift_right_logical3A_143 = arith.constant 14 : i32
    %shift_right_logical3A_144 = vector.broadcast %shift_right_logical3A_143 : i32 to vector<16xi32>
    %shift_right_logical3A_145 = arith.shrui %get3A_135, %shift_right_logical3A_144 : vector<16xi32>
    %swap3A_146 = arith.constant 96 : index
    %swap3A_147 = tpu.vector_load %arg8[%swap3A_146] {strides = array<i32>} : memref<128xi32, #tpu.memory_space<vmem>>, vector<16xi32>,
    %swap3A_148 = vector.shape_cast %swap3A_147 : vector<16xi32> to vector<16xi32>
    %swap3A_149 = vector.shape_cast %shift_right_logical3A_145 : vector<16xi32> to vector<16xi32>
    tpu.vector_store %arg8[%swap3A_146], %swap3A_149 {strides = array<i32>} : memref<128xi32, #tpu.memory_space<vmem>>, vector<16xi32>,
    %get3A_150 = arith.constant 0 : i32
    %get3A_151 = arith.index_cast %get3A_150 : i32 to index
    %get3A_152 = arith.constant 112 : index
    %get3A_153 = tpu.vector_load %arg6[%get3A_151, %get3A_152] {strides = array<i32>} : memref<80x128xi32, #tpu.memory_space<vmem>>, vector<1x16xi32>,
    %get3A_154 = vector.shape_cast %get3A_153 : vector<1x16xi32> to vector<16xi32>
    %and3A_155 = arith.constant 16383 : i32
    %and3A_156 = vector.broadcast %and3A_155 : i32 to vector<16xi32>
    %and3A_157 = arith.andi %get3A_154, %and3A_156 : vector<16xi32>
    %swap3A_158 = arith.constant 112 : index
    %swap3A_159 = tpu.vector_load %arg7[%swap3A_158] {strides = array<i32>} : memref<128xi32, #tpu.memory_space<vmem>>, vector<16xi32>,
    %swap3A_160 = vector.shape_cast %swap3A_159 : vector<16xi32> to vector<16xi32>
    %swap3A_161 = vector.shape_cast %and3A_157 : vector<16xi32> to vector<16xi32>
    tpu.vector_store %arg7[%swap3A_158], %swap3A_161 {strides = array<i32>} : memref<128xi32, #tpu.memory_space<vmem>>, vector<16xi32>,
    %shift_right_logical3A_162 = arith.constant 14 : i32
    %shift_right_logical3A_163 = vector.broadcast %shift_right_logical3A_162 : i32 to vector<16xi32>
    %shift_right_logical3A_164 = arith.shrui %get3A_154, %shift_right_logical3A_163 : vector<16xi32>
    %swap3A_165 = arith.constant 112 : index
    %swap3A_166 = tpu.vector_load %arg8[%swap3A_165] {strides = array<i32>} : memref<128xi32, #tpu.memory_space<vmem>>, vector<16xi32>,
    %swap3A_167 = vector.shape_cast %swap3A_166 : vector<16xi32> to vector<16xi32>
    %swap3A_168 = vector.shape_cast %shift_right_logical3A_164 : vector<16xi32> to vector<16xi32>
    tpu.vector_store %arg8[%swap3A_165], %swap3A_168 {strides = array<i32>} : memref<128xi32, #tpu.memory_space<vmem>>, vector<16xi32>,
    %dma_start3A = arith.constant 0 : i32
    %dma_start3A_169 = arith.constant 0 : i32
    %dma_start3A_170 = tpu.memref_slice %arg2[%dma_start3A, %dma_start3A_169] : memref<10240x128xf32, #tpu.memory_space<hbm>> -> memref<10240x128xf32, #tpu.memory_space<hbm>>
    tpu.enqueue_indirect_dma source(%dma_start3A_170 : memref<10240x128xf32, #tpu.memory_space<hbm>>) target(%arg11 : memref<128x128xf32, #tpu.memory_space<vmem>>) offsets(%arg7 : memref<128xi32, #tpu.memory_space<vmem>>) semaphore(%arg13 : memref<!tpu.dma_semaphore, #tpu.memory_space<semaphore_mem>>)
    %scan3A = arith.constant 0 : i32
    %scan3A_171 = arith.constant 0 : i32
    %scan3A_172 = arith.constant 40 : i32
    %scan3A_173 = arith.addi %scan3A_171, %scan3A_172 : i32
    %scan3A_174 = arith.constant 1 : i32
    scf.for %scan3A_217 = %scan3A_171 to %scan3A_173 step %scan3A_174  : i32 {
      %mul3A_218 = arith.constant 2 : i32
      %mul3A_219 = arith.muli %mul3A_218, %scan3A_217 : i32
      %add3A_220 = arith.constant 1 : i32
      %add3A_221 = arith.addi %mul3A_219, %add3A_220 : i32
      %get3A_222 = arith.index_cast %add3A_221 : i32 to index
      %get3A_223 = arith.constant 0 : index
      %get3A_224 = tpu.vector_load %arg6[%get3A_222, %get3A_223] {strides = array<i32>} : memref<80x128xi32, #tpu.memory_space<vmem>>, vector<1x16xi32>,
      %get3A_225 = vector.shape_cast %get3A_224 : vector<1x16xi32> to vector<16xi32>
      %and3A_226 = arith.constant 16383 : i32
      %and3A_227 = vector.broadcast %and3A_226 : i32 to vector<16xi32>
      %and3A_228 = arith.andi %get3A_225, %and3A_227 : vector<16xi32>
      %swap3A_229 = arith.constant 0 : index
      %swap3A_230 = tpu.vector_load %arg9[%swap3A_229] {strides = array<i32>} : memref<128xi32, #tpu.memory_space<vmem>>, vector<16xi32>,
      %swap3A_231 = vector.shape_cast %swap3A_230 : vector<16xi32> to vector<16xi32>
      %swap3A_232 = vector.shape_cast %and3A_228 : vector<16xi32> to vector<16xi32>
      tpu.vector_store %arg9[%swap3A_229], %swap3A_232 {strides = array<i32>} : memref<128xi32, #tpu.memory_space<vmem>>, vector<16xi32>,
      %shift_right_logical3A_233 = arith.constant 14 : i32
      %shift_right_logical3A_234 = vector.broadcast %shift_right_logical3A_233 : i32 to vector<16xi32>
      %shift_right_logical3A_235 = arith.shrui %get3A_225, %shift_right_logical3A_234 : vector<16xi32>
      %swap3A_236 = arith.constant 0 : index
      %swap3A_237 = tpu.vector_load %arg10[%swap3A_236] {strides = array<i32>} : memref<128xi32, #tpu.memory_space<vmem>>, vector<16xi32>,
      %swap3A_238 = vector.shape_cast %swap3A_237 : vector<16xi32> to vector<16xi32>
      %swap3A_239 = vector.shape_cast %shift_right_logical3A_235 : vector<16xi32> to vector<16xi32>
      tpu.vector_store %arg10[%swap3A_236], %swap3A_239 {strides = array<i32>} : memref<128xi32, #tpu.memory_space<vmem>>, vector<16xi32>,
      %get3A_240 = arith.index_cast %add3A_221 : i32 to index
      %get3A_241 = arith.constant 16 : index
      %get3A_242 = tpu.vector_load %arg6[%get3A_240, %get3A_241] {strides = array<i32>} : memref<80x128xi32, #tpu.memory_space<vmem>>, vector<1x16xi32>,
      %get3A_243 = vector.shape_cast %get3A_242 : vector<1x16xi32> to vector<16xi32>
      %and3A_244 = arith.constant 16383 : i32
      %and3A_245 = vector.broadcast %and3A_244 : i32 to vector<16xi32>
      %and3A_246 = arith.andi %get3A_243, %and3A_245 : vector<16xi32>
      %swap3A_247 = arith.constant 16 : index
      %swap3A_248 = tpu.vector_load %arg9[%swap3A_247] {strides = array<i32>} : memref<128xi32, #tpu.memory_space<vmem>>, vector<16xi32>,
      %swap3A_249 = vector.shape_cast %swap3A_248 : vector<16xi32> to vector<16xi32>
      %swap3A_250 = vector.shape_cast %and3A_246 : vector<16xi32> to vector<16xi32>
      tpu.vector_store %arg9[%swap3A_247], %swap3A_250 {strides = array<i32>} : memref<128xi32, #tpu.memory_space<vmem>>, vector<16xi32>,
      %shift_right_logical3A_251 = arith.constant 14 : i32
      %shift_right_logical3A_252 = vector.broadcast %shift_right_logical3A_251 : i32 to vector<16xi32>
      %shift_right_logical3A_253 = arith.shrui %get3A_243, %shift_right_logical3A_252 : vector<16xi32>
      %swap3A_254 = arith.constant 16 : index
      %swap3A_255 = tpu.vector_load %arg10[%swap3A_254] {strides = array<i32>} : memref<128xi32, #tpu.memory_space<vmem>>, vector<16xi32>,
      %swap3A_256 = vector.shape_cast %swap3A_255 : vector<16xi32> to vector<16xi32>
      %swap3A_257 = vector.shape_cast %shift_right_logical3A_253 : vector<16xi32> to vector<16xi32>
      tpu.vector_store %arg10[%swap3A_254], %swap3A_257 {strides = array<i32>} : memref<128xi32, #tpu.memory_space<vmem>>, vector<16xi32>,
      %get3A_258 = arith.index_cast %add3A_221 : i32 to index
      %get3A_259 = arith.constant 32 : index
      %get3A_260 = tpu.vector_load %arg6[%get3A_258, %get3A_259] {strides = array<i32>} : memref<80x128xi32, #tpu.memory_space<vmem>>, vector<1x16xi32>,
      %get3A_261 = vector.shape_cast %get3A_260 : vector<1x16xi32> to vector<16xi32>
      %and3A_262 = arith.constant 16383 : i32
      %and3A_263 = vector.broadcast %and3A_262 : i32 to vector<16xi32>
      %and3A_264 = arith.andi %get3A_261, %and3A_263 : vector<16xi32>
      %swap3A_265 = arith.constant 32 : index
      %swap3A_266 = tpu.vector_load %arg9[%swap3A_265] {strides = array<i32>} : memref<128xi32, #tpu.memory_space<vmem>>, vector<16xi32>,
      %swap3A_267 = vector.shape_cast %swap3A_266 : vector<16xi32> to vector<16xi32>
      %swap3A_268 = vector.shape_cast %and3A_264 : vector<16xi32> to vector<16xi32>
      tpu.vector_store %arg9[%swap3A_265], %swap3A_268 {strides = array<i32>} : memref<128xi32, #tpu.memory_space<vmem>>, vector<16xi32>,
      %shift_right_logical3A_269 = arith.constant 14 : i32
      %shift_right_logical3A_270 = vector.broadcast %shift_right_logical3A_269 : i32 to vector<16xi32>
      %shift_right_logical3A_271 = arith.shrui %get3A_261, %shift_right_logical3A_270 : vector<16xi32>
      %swap3A_272 = arith.constant 32 : index
      %swap3A_273 = tpu.vector_load %arg10[%swap3A_272] {strides = array<i32>} : memref<128xi32, #tpu.memory_space<vmem>>, vector<16xi32>,
      %swap3A_274 = vector.shape_cast %swap3A_273 : vector<16xi32> to vector<16xi32>
      %swap3A_275 = vector.shape_cast %shift_right_logical3A_271 : vector<16xi32> to vector<16xi32>
      tpu.vector_store %arg10[%swap3A_272], %swap3A_275 {strides = array<i32>} : memref<128xi32, #tpu.memory_space<vmem>>, vector<16xi32>,
      %get3A_276 = arith.index_cast %add3A_221 : i32 to index
      %get3A_277 = arith.constant 48 : index
      %get3A_278 = tpu.vector_load %arg6[%get3A_276, %get3A_277] {strides = array<i32>} : memref<80x128xi32, #tpu.memory_space<vmem>>, vector<1x16xi32>,
      %get3A_279 = vector.shape_cast %get3A_278 : vector<1x16xi32> to vector<16xi32>
      %and3A_280 = arith.constant 16383 : i32
      %and3A_281 = vector.broadcast %and3A_280 : i32 to vector<16xi32>
      %and3A_282 = arith.andi %get3A_279, %and3A_281 : vector<16xi32>
      %swap3A_283 = arith.constant 48 : index
      %swap3A_284 = tpu.vector_load %arg9[%swap3A_283] {strides = array<i32>} : memref<128xi32, #tpu.memory_space<vmem>>, vector<16xi32>,
      %swap3A_285 = vector.shape_cast %swap3A_284 : vector<16xi32> to vector<16xi32>
      %swap3A_286 = vector.shape_cast %and3A_282 : vector<16xi32> to vector<16xi32>
      tpu.vector_store %arg9[%swap3A_283], %swap3A_286 {strides = array<i32>} : memref<128xi32, #tpu.memory_space<vmem>>, vector<16xi32>,
      %shift_right_logical3A_287 = arith.constant 14 : i32
      %shift_right_logical3A_288 = vector.broadcast %shift_right_logical3A_287 : i32 to vector<16xi32>
      %shift_right_logical3A_289 = arith.shrui %get3A_279, %shift_right_logical3A_288 : vector<16xi32>
      %swap3A_290 = arith.constant 48 : index
      %swap3A_291 = tpu.vector_load %arg10[%swap3A_290] {strides = array<i32>} : memref<128xi32, #tpu.memory_space<vmem>>, vector<16xi32>,
      %swap3A_292 = vector.shape_cast %swap3A_291 : vector<16xi32> to vector<16xi32>
      %swap3A_293 = vector.shape_cast %shift_right_logical3A_289 : vector<16xi32> to vector<16xi32>
      tpu.vector_store %arg10[%swap3A_290], %swap3A_293 {strides = array<i32>} : memref<128xi32, #tpu.memory_space<vmem>>, vector<16xi32>,
      %get3A_294 = arith.index_cast %add3A_221 : i32 to index
      %get3A_295 = arith.constant 64 : index
      %get3A_296 = tpu.vector_load %arg6[%get3A_294, %get3A_295] {strides = array<i32>} : memref<80x128xi32, #tpu.memory_space<vmem>>, vector<1x16xi32>,
      %get3A_297 = vector.shape_cast %get3A_296 : vector<1x16xi32> to vector<16xi32>
      %and3A_298 = arith.constant 16383 : i32
      %and3A_299 = vector.broadcast %and3A_298 : i32 to vector<16xi32>
      %and3A_300 = arith.andi %get3A_297, %and3A_299 : vector<16xi32>
      %swap3A_301 = arith.constant 64 : index
      %swap3A_302 = tpu.vector_load %arg9[%swap3A_301] {strides = array<i32>} : memref<128xi32, #tpu.memory_space<vmem>>, vector<16xi32>,
      %swap3A_303 = vector.shape_cast %swap3A_302 : vector<16xi32> to vector<16xi32>
      %swap3A_304 = vector.shape_cast %and3A_300 : vector<16xi32> to vector<16xi32>
      tpu.vector_store %arg9[%swap3A_301], %swap3A_304 {strides = array<i32>} : memref<128xi32, #tpu.memory_space<vmem>>, vector<16xi32>,
      %shift_right_logical3A_305 = arith.constant 14 : i32
      %shift_right_logical3A_306 = vector.broadcast %shift_right_logical3A_305 : i32 to vector<16xi32>
      %shift_right_logical3A_307 = arith.shrui %get3A_297, %shift_right_logical3A_306 : vector<16xi32>
      %swap3A_308 = arith.constant 64 : index
      %swap3A_309 = tpu.vector_load %arg10[%swap3A_308] {strides = array<i32>} : memref<128xi32, #tpu.memory_space<vmem>>, vector<16xi32>,
      %swap3A_310 = vector.shape_cast %swap3A_309 : vector<16xi32> to vector<16xi32>
      %swap3A_311 = vector.shape_cast %shift_right_logical3A_307 : vector<16xi32> to vector<16xi32>
      tpu.vector_store %arg10[%swap3A_308], %swap3A_311 {strides = array<i32>} : memref<128xi32, #tpu.memory_space<vmem>>, vector<16xi32>,
      %get3A_312 = arith.index_cast %add3A_221 : i32 to index
      %get3A_313 = arith.constant 80 : index
      %get3A_314 = tpu.vector_load %arg6[%get3A_312, %get3A_313] {strides = array<i32>} : memref<80x128xi32, #tpu.memory_space<vmem>>, vector<1x16xi32>,
      %get3A_315 = vector.shape_cast %get3A_314 : vector<1x16xi32> to vector<16xi32>
      %and3A_316 = arith.constant 16383 : i32
      %and3A_317 = vector.broadcast %and3A_316 : i32 to vector<16xi32>
      %and3A_318 = arith.andi %get3A_315, %and3A_317 : vector<16xi32>
      %swap3A_319 = arith.constant 80 : index
      %swap3A_320 = tpu.vector_load %arg9[%swap3A_319] {strides = array<i32>} : memref<128xi32, #tpu.memory_space<vmem>>, vector<16xi32>,
      %swap3A_321 = vector.shape_cast %swap3A_320 : vector<16xi32> to vector<16xi32>
      %swap3A_322 = vector.shape_cast %and3A_318 : vector<16xi32> to vector<16xi32>
      tpu.vector_store %arg9[%swap3A_319], %swap3A_322 {strides = array<i32>} : memref<128xi32, #tpu.memory_space<vmem>>, vector<16xi32>,
      %shift_right_logical3A_323 = arith.constant 14 : i32
      %shift_right_logical3A_324 = vector.broadcast %shift_right_logical3A_323 : i32 to vector<16xi32>
      %shift_right_logical3A_325 = arith.shrui %get3A_315, %shift_right_logical3A_324 : vector<16xi32>
      %swap3A_326 = arith.constant 80 : index
      %swap3A_327 = tpu.vector_load %arg10[%swap3A_326] {strides = array<i32>} : memref<128xi32, #tpu.memory_space<vmem>>, vector<16xi32>,
      %swap3A_328 = vector.shape_cast %swap3A_327 : vector<16xi32> to vector<16xi32>
      %swap3A_329 = vector.shape_cast %shift_right_logical3A_325 : vector<16xi32> to vector<16xi32>
      tpu.vector_store %arg10[%swap3A_326], %swap3A_329 {strides = array<i32>} : memref<128xi32, #tpu.memory_space<vmem>>, vector<16xi32>,
      %get3A_330 = arith.index_cast %add3A_221 : i32 to index
      %get3A_331 = arith.constant 96 : index
      %get3A_332 = tpu.vector_load %arg6[%get3A_330, %get3A_331] {strides = array<i32>} : memref<80x128xi32, #tpu.memory_space<vmem>>, vector<1x16xi32>,
      %get3A_333 = vector.shape_cast %get3A_332 : vector<1x16xi32> to vector<16xi32>
      %and3A_334 = arith.constant 16383 : i32
      %and3A_335 = vector.broadcast %and3A_334 : i32 to vector<16xi32>
      %and3A_336 = arith.andi %get3A_333, %and3A_335 : vector<16xi32>
      %swap3A_337 = arith.constant 96 : index
      %swap3A_338 = tpu.vector_load %arg9[%swap3A_337] {strides = array<i32>} : memref<128xi32, #tpu.memory_space<vmem>>, vector<16xi32>,
      %swap3A_339 = vector.shape_cast %swap3A_338 : vector<16xi32> to vector<16xi32>
      %swap3A_340 = vector.shape_cast %and3A_336 : vector<16xi32> to vector<16xi32>
      tpu.vector_store %arg9[%swap3A_337], %swap3A_340 {strides = array<i32>} : memref<128xi32, #tpu.memory_space<vmem>>, vector<16xi32>,
      %shift_right_logical3A_341 = arith.constant 14 : i32
      %shift_right_logical3A_342 = vector.broadcast %shift_right_logical3A_341 : i32 to vector<16xi32>
      %shift_right_logical3A_343 = arith.shrui %get3A_333, %shift_right_logical3A_342 : vector<16xi32>
      %swap3A_344 = arith.constant 96 : index
      %swap3A_345 = tpu.vector_load %arg10[%swap3A_344] {strides = array<i32>} : memref<128xi32, #tpu.memory_space<vmem>>, vector<16xi32>,
      %swap3A_346 = vector.shape_cast %swap3A_345 : vector<16xi32> to vector<16xi32>
      %swap3A_347 = vector.shape_cast %shift_right_logical3A_343 : vector<16xi32> to vector<16xi32>
      tpu.vector_store %arg10[%swap3A_344], %swap3A_347 {strides = array<i32>} : memref<128xi32, #tpu.memory_space<vmem>>, vector<16xi32>,
      %get3A_348 = arith.index_cast %add3A_221 : i32 to index
      %get3A_349 = arith.constant 112 : index
      %get3A_350 = tpu.vector_load %arg6[%get3A_348, %get3A_349] {strides = array<i32>} : memref<80x128xi32, #tpu.memory_space<vmem>>, vector<1x16xi32>,
      %get3A_351 = vector.shape_cast %get3A_350 : vector<1x16xi32> to vector<16xi32>
      %and3A_352 = arith.constant 16383 : i32
      %and3A_353 = vector.broadcast %and3A_352 : i32 to vector<16xi32>
      %and3A_354 = arith.andi %get3A_351, %and3A_353 : vector<16xi32>
      %swap3A_355 = arith.constant 112 : index
      %swap3A_356 = tpu.vector_load %arg9[%swap3A_355] {strides = array<i32>} : memref<128xi32, #tpu.memory_space<vmem>>, vector<16xi32>,
      %swap3A_357 = vector.shape_cast %swap3A_356 : vector<16xi32> to vector<16xi32>
      %swap3A_358 = vector.shape_cast %and3A_354 : vector<16xi32> to vector<16xi32>
      tpu.vector_store %arg9[%swap3A_355], %swap3A_358 {strides = array<i32>} : memref<128xi32, #tpu.memory_space<vmem>>, vector<16xi32>,
      %shift_right_logical3A_359 = arith.constant 14 : i32
      %shift_right_logical3A_360 = vector.broadcast %shift_right_logical3A_359 : i32 to vector<16xi32>
      %shift_right_logical3A_361 = arith.shrui %get3A_351, %shift_right_logical3A_360 : vector<16xi32>
      %swap3A_362 = arith.constant 112 : index
      %swap3A_363 = tpu.vector_load %arg10[%swap3A_362] {strides = array<i32>} : memref<128xi32, #tpu.memory_space<vmem>>, vector<16xi32>,
      %swap3A_364 = vector.shape_cast %swap3A_363 : vector<16xi32> to vector<16xi32>
      %swap3A_365 = vector.shape_cast %shift_right_logical3A_361 : vector<16xi32> to vector<16xi32>
      tpu.vector_store %arg10[%swap3A_362], %swap3A_365 {strides = array<i32>} : memref<128xi32, #tpu.memory_space<vmem>>, vector<16xi32>,
      %dma_start3A_366 = arith.constant 0 : i32
      %dma_start3A_367 = arith.constant 0 : i32
      %dma_start3A_368 = tpu.memref_slice %arg2[%dma_start3A_366, %dma_start3A_367] : memref<10240x128xf32, #tpu.memory_space<hbm>> -> memref<10240x128xf32, #tpu.memory_space<hbm>>
      tpu.enqueue_indirect_dma source(%dma_start3A_368 : memref<10240x128xf32, #tpu.memory_space<hbm>>) target(%arg12 : memref<128x128xf32, #tpu.memory_space<vmem>>) offsets(%arg9 : memref<128xi32, #tpu.memory_space<vmem>>) semaphore(%arg14 : memref<!tpu.dma_semaphore, #tpu.memory_space<semaphore_mem>>)
      %dma_wait3A = arith.constant 0 : i32
      %dma_wait3A_369 = arith.constant 0 : i32
      %dma_wait3A_370 = tpu.memref_slice %arg4[%dma_wait3A, %dma_wait3A_369] : memref<10240x128xf32, #tpu.memory_space<hbm>> -> memref<128x128xf32, #tpu.memory_space<hbm>>
      %dma_wait3A_371 = arith.constant 0 : i32
      %dma_wait3A_372 = arith.constant 0 : i32
      %dma_wait3A_373 = tpu.memref_slice %arg4[%dma_wait3A_371, %dma_wait3A_372] : memref<10240x128xf32, #tpu.memory_space<hbm>> -> memref<128x128xf32, #tpu.memory_space<hbm>>
      tpu.wait_dma2 semaphore(%arg13 : memref<!tpu.dma_semaphore, #tpu.memory_space<semaphore_mem>>) src(%dma_wait3A_373 : memref<128x128xf32, #tpu.memory_space<hbm>>) dst(%arg11 : memref<128x128xf32, #tpu.memory_space<vmem>>)
      "tpu.region"() ({
        %run_scoped3A = tpu.sem_alloc : memref<!tpu.dma_semaphore, #tpu.memory_space<semaphore_mem>>
        %dma_start3A_384 = arith.constant 0 : i32
        %dma_start3A_385 = arith.constant 0 : i32
        %dma_start3A_386 = tpu.memref_slice %arg15[%dma_start3A_384, %dma_start3A_385] : memref<10240x128xf32, #tpu.memory_space<vmem_shared>> -> memref<10240x128xf32, #tpu.memory_space<vmem_shared>>
        tpu.enqueue_indirect_dma source(%arg11 : memref<128x128xf32, #tpu.memory_space<vmem>>) target(%dma_start3A_386 : memref<10240x128xf32, #tpu.memory_space<vmem_shared>>) offsets(%arg8 : memref<128xi32, #tpu.memory_space<vmem>>) semaphore(%run_scoped3A : memref<!tpu.dma_semaphore, #tpu.memory_space<semaphore_mem>>) {add = true}
        %dma_wait3A_387 = arith.constant 0 : i32
        %dma_wait3A_388 = arith.constant 0 : i32
        %dma_wait3A_389 = tpu.memref_slice %arg15[%dma_wait3A_387, %dma_wait3A_388] : memref<10240x128xf32, #tpu.memory_space<vmem_shared>> -> memref<10240x128xf32, #tpu.memory_space<vmem_shared>>
        tpu.wait_indirect_dma semaphore(%run_scoped3A : memref<!tpu.dma_semaphore, #tpu.memory_space<semaphore_mem>>) src(%arg11 : memref<128x128xf32, #tpu.memory_space<vmem>>) dst(%dma_wait3A_389 : memref<10240x128xf32, #tpu.memory_space<vmem_shared>>)
        tpu.yield
      }) : () -> ()
      %add3A_374 = arith.constant 2 : i32
      %add3A_375 = arith.addi %mul3A_219, %add3A_374 : i32
      %lt3A = arith.constant 80 : i32
      %lt3A_376 = arith.cmpi slt, %add3A_375, %lt3A : i32
      %convert_element_type3A = arith.extui %lt3A_376 : i1 to i32
      %cond3A = arith.constant 0 : i32
      %cond3A_377 = arith.cmpi ne, %convert_element_type3A, %cond3A : i32
      scf.if %cond3A_377 {
        %add3A_384 = arith.constant 2 : i32
        %add3A_385 = arith.addi %mul3A_219, %add3A_384 : i32
        %get3A_386 = arith.index_cast %add3A_385 : i32 to index
        %get3A_387 = arith.constant 0 : index
        %get3A_388 = tpu.vector_load %arg6[%get3A_386, %get3A_387] {strides = array<i32>} : memref<80x128xi32, #tpu.memory_space<vmem>>, vector<1x16xi32>,
        %get3A_389 = vector.shape_cast %get3A_388 : vector<1x16xi32> to vector<16xi32>
        %and3A_390 = arith.constant 16383 : i32
        %and3A_391 = vector.broadcast %and3A_390 : i32 to vector<16xi32>
        %and3A_392 = arith.andi %get3A_389, %and3A_391 : vector<16xi32>
        %swap3A_393 = arith.constant 0 : index
        %swap3A_394 = tpu.vector_load %arg7[%swap3A_393] {strides = array<i32>} : memref<128xi32, #tpu.memory_space<vmem>>, vector<16xi32>,
        %swap3A_395 = vector.shape_cast %swap3A_394 : vector<16xi32> to vector<16xi32>
        %swap3A_396 = vector.shape_cast %and3A_392 : vector<16xi32> to vector<16xi32>
        tpu.vector_store %arg7[%swap3A_393], %swap3A_396 {strides = array<i32>} : memref<128xi32, #tpu.memory_space<vmem>>, vector<16xi32>,
        %shift_right_logical3A_397 = arith.constant 14 : i32
        %shift_right_logical3A_398 = vector.broadcast %shift_right_logical3A_397 : i32 to vector<16xi32>
        %shift_right_logical3A_399 = arith.shrui %get3A_389, %shift_right_logical3A_398 : vector<16xi32>
        %swap3A_400 = arith.constant 0 : index
        %swap3A_401 = tpu.vector_load %arg8[%swap3A_400] {strides = array<i32>} : memref<128xi32, #tpu.memory_space<vmem>>, vector<16xi32>,
        %swap3A_402 = vector.shape_cast %swap3A_401 : vector<16xi32> to vector<16xi32>
        %swap3A_403 = vector.shape_cast %shift_right_logical3A_399 : vector<16xi32> to vector<16xi32>
        tpu.vector_store %arg8[%swap3A_400], %swap3A_403 {strides = array<i32>} : memref<128xi32, #tpu.memory_space<vmem>>, vector<16xi32>,
        %get3A_404 = arith.index_cast %add3A_385 : i32 to index
        %get3A_405 = arith.constant 16 : index
        %get3A_406 = tpu.vector_load %arg6[%get3A_404, %get3A_405] {strides = array<i32>} : memref<80x128xi32, #tpu.memory_space<vmem>>, vector<1x16xi32>,
        %get3A_407 = vector.shape_cast %get3A_406 : vector<1x16xi32> to vector<16xi32>
        %and3A_408 = arith.constant 16383 : i32
        %and3A_409 = vector.broadcast %and3A_408 : i32 to vector<16xi32>
        %and3A_410 = arith.andi %get3A_407, %and3A_409 : vector<16xi32>
        %swap3A_411 = arith.constant 16 : index
        %swap3A_412 = tpu.vector_load %arg7[%swap3A_411] {strides = array<i32>} : memref<128xi32, #tpu.memory_space<vmem>>, vector<16xi32>,
        %swap3A_413 = vector.shape_cast %swap3A_412 : vector<16xi32> to vector<16xi32>
        %swap3A_414 = vector.shape_cast %and3A_410 : vector<16xi32> to vector<16xi32>
        tpu.vector_store %arg7[%swap3A_411], %swap3A_414 {strides = array<i32>} : memref<128xi32, #tpu.memory_space<vmem>>, vector<16xi32>,
        %shift_right_logical3A_415 = arith.constant 14 : i32
        %shift_right_logical3A_416 = vector.broadcast %shift_right_logical3A_415 : i32 to vector<16xi32>
        %shift_right_logical3A_417 = arith.shrui %get3A_407, %shift_right_logical3A_416 : vector<16xi32>
        %swap3A_418 = arith.constant 16 : index
        %swap3A_419 = tpu.vector_load %arg8[%swap3A_418] {strides = array<i32>} : memref<128xi32, #tpu.memory_space<vmem>>, vector<16xi32>,
        %swap3A_420 = vector.shape_cast %swap3A_419 : vector<16xi32> to vector<16xi32>
        %swap3A_421 = vector.shape_cast %shift_right_logical3A_417 : vector<16xi32> to vector<16xi32>
        tpu.vector_store %arg8[%swap3A_418], %swap3A_421 {strides = array<i32>} : memref<128xi32, #tpu.memory_space<vmem>>, vector<16xi32>,
        %get3A_422 = arith.index_cast %add3A_385 : i32 to index
        %get3A_423 = arith.constant 32 : index
        %get3A_424 = tpu.vector_load %arg6[%get3A_422, %get3A_423] {strides = array<i32>} : memref<80x128xi32, #tpu.memory_space<vmem>>, vector<1x16xi32>,
        %get3A_425 = vector.shape_cast %get3A_424 : vector<1x16xi32> to vector<16xi32>
        %and3A_426 = arith.constant 16383 : i32
        %and3A_427 = vector.broadcast %and3A_426 : i32 to vector<16xi32>
        %and3A_428 = arith.andi %get3A_425, %and3A_427 : vector<16xi32>
        %swap3A_429 = arith.constant 32 : index
        %swap3A_430 = tpu.vector_load %arg7[%swap3A_429] {strides = array<i32>} : memref<128xi32, #tpu.memory_space<vmem>>, vector<16xi32>,
        %swap3A_431 = vector.shape_cast %swap3A_430 : vector<16xi32> to vector<16xi32>
        %swap3A_432 = vector.shape_cast %and3A_428 : vector<16xi32> to vector<16xi32>
        tpu.vector_store %arg7[%swap3A_429], %swap3A_432 {strides = array<i32>} : memref<128xi32, #tpu.memory_space<vmem>>, vector<16xi32>,
        %shift_right_logical3A_433 = arith.constant 14 : i32
        %shift_right_logical3A_434 = vector.broadcast %shift_right_logical3A_433 : i32 to vector<16xi32>
        %shift_right_logical3A_435 = arith.shrui %get3A_425, %shift_right_logical3A_434 : vector<16xi32>
        %swap3A_436 = arith.constant 32 : index
        %swap3A_437 = tpu.vector_load %arg8[%swap3A_436] {strides = array<i32>} : memref<128xi32, #tpu.memory_space<vmem>>, vector<16xi32>,
        %swap3A_438 = vector.shape_cast %swap3A_437 : vector<16xi32> to vector<16xi32>
        %swap3A_439 = vector.shape_cast %shift_right_logical3A_435 : vector<16xi32> to vector<16xi32>
        tpu.vector_store %arg8[%swap3A_436], %swap3A_439 {strides = array<i32>} : memref<128xi32, #tpu.memory_space<vmem>>, vector<16xi32>,
        %get3A_440 = arith.index_cast %add3A_385 : i32 to index
        %get3A_441 = arith.constant 48 : index
        %get3A_442 = tpu.vector_load %arg6[%get3A_440, %get3A_441] {strides = array<i32>} : memref<80x128xi32, #tpu.memory_space<vmem>>, vector<1x16xi32>,
        %get3A_443 = vector.shape_cast %get3A_442 : vector<1x16xi32> to vector<16xi32>
        %and3A_444 = arith.constant 16383 : i32
        %and3A_445 = vector.broadcast %and3A_444 : i32 to vector<16xi32>
        %and3A_446 = arith.andi %get3A_443, %and3A_445 : vector<16xi32>
        %swap3A_447 = arith.constant 48 : index
        %swap3A_448 = tpu.vector_load %arg7[%swap3A_447] {strides = array<i32>} : memref<128xi32, #tpu.memory_space<vmem>>, vector<16xi32>,
        %swap3A_449 = vector.shape_cast %swap3A_448 : vector<16xi32> to vector<16xi32>
        %swap3A_450 = vector.shape_cast %and3A_446 : vector<16xi32> to vector<16xi32>
        tpu.vector_store %arg7[%swap3A_447], %swap3A_450 {strides = array<i32>} : memref<128xi32, #tpu.memory_space<vmem>>, vector<16xi32>,
        %shift_right_logical3A_451 = arith.constant 14 : i32
        %shift_right_logical3A_452 = vector.broadcast %shift_right_logical3A_451 : i32 to vector<16xi32>
        %shift_right_logical3A_453 = arith.shrui %get3A_443, %shift_right_logical3A_452 : vector<16xi32>
        %swap3A_454 = arith.constant 48 : index
        %swap3A_455 = tpu.vector_load %arg8[%swap3A_454] {strides = array<i32>} : memref<128xi32, #tpu.memory_space<vmem>>, vector<16xi32>,
        %swap3A_456 = vector.shape_cast %swap3A_455 : vector<16xi32> to vector<16xi32>
        %swap3A_457 = vector.shape_cast %shift_right_logical3A_453 : vector<16xi32> to vector<16xi32>
        tpu.vector_store %arg8[%swap3A_454], %swap3A_457 {strides = array<i32>} : memref<128xi32, #tpu.memory_space<vmem>>, vector<16xi32>,
        %get3A_458 = arith.index_cast %add3A_385 : i32 to index
        %get3A_459 = arith.constant 64 : index
        %get3A_460 = tpu.vector_load %arg6[%get3A_458, %get3A_459] {strides = array<i32>} : memref<80x128xi32, #tpu.memory_space<vmem>>, vector<1x16xi32>,
        %get3A_461 = vector.shape_cast %get3A_460 : vector<1x16xi32> to vector<16xi32>
        %and3A_462 = arith.constant 16383 : i32
        %and3A_463 = vector.broadcast %and3A_462 : i32 to vector<16xi32>
        %and3A_464 = arith.andi %get3A_461, %and3A_463 : vector<16xi32>
        %swap3A_465 = arith.constant 64 : index
        %swap3A_466 = tpu.vector_load %arg7[%swap3A_465] {strides = array<i32>} : memref<128xi32, #tpu.memory_space<vmem>>, vector<16xi32>,
        %swap3A_467 = vector.shape_cast %swap3A_466 : vector<16xi32> to vector<16xi32>
        %swap3A_468 = vector.shape_cast %and3A_464 : vector<16xi32> to vector<16xi32>
        tpu.vector_store %arg7[%swap3A_465], %swap3A_468 {strides = array<i32>} : memref<128xi32, #tpu.memory_space<vmem>>, vector<16xi32>,
        %shift_right_logical3A_469 = arith.constant 14 : i32
        %shift_right_logical3A_470 = vector.broadcast %shift_right_logical3A_469 : i32 to vector<16xi32>
        %shift_right_logical3A_471 = arith.shrui %get3A_461, %shift_right_logical3A_470 : vector<16xi32>
        %swap3A_472 = arith.constant 64 : index
        %swap3A_473 = tpu.vector_load %arg8[%swap3A_472] {strides = array<i32>} : memref<128xi32, #tpu.memory_space<vmem>>, vector<16xi32>,
        %swap3A_474 = vector.shape_cast %swap3A_473 : vector<16xi32> to vector<16xi32>
        %swap3A_475 = vector.shape_cast %shift_right_logical3A_471 : vector<16xi32> to vector<16xi32>
        tpu.vector_store %arg8[%swap3A_472], %swap3A_475 {strides = array<i32>} : memref<128xi32, #tpu.memory_space<vmem>>, vector<16xi32>,
        %get3A_476 = arith.index_cast %add3A_385 : i32 to index
        %get3A_477 = arith.constant 80 : index
        %get3A_478 = tpu.vector_load %arg6[%get3A_476, %get3A_477] {strides = array<i32>} : memref<80x128xi32, #tpu.memory_space<vmem>>, vector<1x16xi32>,
        %get3A_479 = vector.shape_cast %get3A_478 : vector<1x16xi32> to vector<16xi32>
        %and3A_480 = arith.constant 16383 : i32
        %and3A_481 = vector.broadcast %and3A_480 : i32 to vector<16xi32>
        %and3A_482 = arith.andi %get3A_479, %and3A_481 : vector<16xi32>
        %swap3A_483 = arith.constant 80 : index
        %swap3A_484 = tpu.vector_load %arg7[%swap3A_483] {strides = array<i32>} : memref<128xi32, #tpu.memory_space<vmem>>, vector<16xi32>,
        %swap3A_485 = vector.shape_cast %swap3A_484 : vector<16xi32> to vector<16xi32>
        %swap3A_486 = vector.shape_cast %and3A_482 : vector<16xi32> to vector<16xi32>
        tpu.vector_store %arg7[%swap3A_483], %swap3A_486 {strides = array<i32>} : memref<128xi32, #tpu.memory_space<vmem>>, vector<16xi32>,
        %shift_right_logical3A_487 = arith.constant 14 : i32
        %shift_right_logical3A_488 = vector.broadcast %shift_right_logical3A_487 : i32 to vector<16xi32>
        %shift_right_logical3A_489 = arith.shrui %get3A_479, %shift_right_logical3A_488 : vector<16xi32>
        %swap3A_490 = arith.constant 80 : index
        %swap3A_491 = tpu.vector_load %arg8[%swap3A_490] {strides = array<i32>} : memref<128xi32, #tpu.memory_space<vmem>>, vector<16xi32>,
        %swap3A_492 = vector.shape_cast %swap3A_491 : vector<16xi32> to vector<16xi32>
        %swap3A_493 = vector.shape_cast %shift_right_logical3A_489 : vector<16xi32> to vector<16xi32>
        tpu.vector_store %arg8[%swap3A_490], %swap3A_493 {strides = array<i32>} : memref<128xi32, #tpu.memory_space<vmem>>, vector<16xi32>,
        %get3A_494 = arith.index_cast %add3A_385 : i32 to index
        %get3A_495 = arith.constant 96 : index
        %get3A_496 = tpu.vector_load %arg6[%get3A_494, %get3A_495] {strides = array<i32>} : memref<80x128xi32, #tpu.memory_space<vmem>>, vector<1x16xi32>,
        %get3A_497 = vector.shape_cast %get3A_496 : vector<1x16xi32> to vector<16xi32>
        %and3A_498 = arith.constant 16383 : i32
        %and3A_499 = vector.broadcast %and3A_498 : i32 to vector<16xi32>
        %and3A_500 = arith.andi %get3A_497, %and3A_499 : vector<16xi32>
        %swap3A_501 = arith.constant 96 : index
        %swap3A_502 = tpu.vector_load %arg7[%swap3A_501] {strides = array<i32>} : memref<128xi32, #tpu.memory_space<vmem>>, vector<16xi32>,
        %swap3A_503 = vector.shape_cast %swap3A_502 : vector<16xi32> to vector<16xi32>
        %swap3A_504 = vector.shape_cast %and3A_500 : vector<16xi32> to vector<16xi32>
        tpu.vector_store %arg7[%swap3A_501], %swap3A_504 {strides = array<i32>} : memref<128xi32, #tpu.memory_space<vmem>>, vector<16xi32>,
        %shift_right_logical3A_505 = arith.constant 14 : i32
        %shift_right_logical3A_506 = vector.broadcast %shift_right_logical3A_505 : i32 to vector<16xi32>
        %shift_right_logical3A_507 = arith.shrui %get3A_497, %shift_right_logical3A_506 : vector<16xi32>
        %swap3A_508 = arith.constant 96 : index
        %swap3A_509 = tpu.vector_load %arg8[%swap3A_508] {strides = array<i32>} : memref<128xi32, #tpu.memory_space<vmem>>, vector<16xi32>,
        %swap3A_510 = vector.shape_cast %swap3A_509 : vector<16xi32> to vector<16xi32>
        %swap3A_511 = vector.shape_cast %shift_right_logical3A_507 : vector<16xi32> to vector<16xi32>
        tpu.vector_store %arg8[%swap3A_508], %swap3A_511 {strides = array<i32>} : memref<128xi32, #tpu.memory_space<vmem>>, vector<16xi32>,
        %get3A_512 = arith.index_cast %add3A_385 : i32 to index
        %get3A_513 = arith.constant 112 : index
        %get3A_514 = tpu.vector_load %arg6[%get3A_512, %get3A_513] {strides = array<i32>} : memref<80x128xi32, #tpu.memory_space<vmem>>, vector<1x16xi32>,
        %get3A_515 = vector.shape_cast %get3A_514 : vector<1x16xi32> to vector<16xi32>
        %and3A_516 = arith.constant 16383 : i32
        %and3A_517 = vector.broadcast %and3A_516 : i32 to vector<16xi32>
        %and3A_518 = arith.andi %get3A_515, %and3A_517 : vector<16xi32>
        %swap3A_519 = arith.constant 112 : index
        %swap3A_520 = tpu.vector_load %arg7[%swap3A_519] {strides = array<i32>} : memref<128xi32, #tpu.memory_space<vmem>>, vector<16xi32>,
        %swap3A_521 = vector.shape_cast %swap3A_520 : vector<16xi32> to vector<16xi32>
        %swap3A_522 = vector.shape_cast %and3A_518 : vector<16xi32> to vector<16xi32>
        tpu.vector_store %arg7[%swap3A_519], %swap3A_522 {strides = array<i32>} : memref<128xi32, #tpu.memory_space<vmem>>, vector<16xi32>,
        %shift_right_logical3A_523 = arith.constant 14 : i32
        %shift_right_logical3A_524 = vector.broadcast %shift_right_logical3A_523 : i32 to vector<16xi32>
        %shift_right_logical3A_525 = arith.shrui %get3A_515, %shift_right_logical3A_524 : vector<16xi32>
        %swap3A_526 = arith.constant 112 : index
        %swap3A_527 = tpu.vector_load %arg8[%swap3A_526] {strides = array<i32>} : memref<128xi32, #tpu.memory_space<vmem>>, vector<16xi32>,
        %swap3A_528 = vector.shape_cast %swap3A_527 : vector<16xi32> to vector<16xi32>
        %swap3A_529 = vector.shape_cast %shift_right_logical3A_525 : vector<16xi32> to vector<16xi32>
        tpu.vector_store %arg8[%swap3A_526], %swap3A_529 {strides = array<i32>} : memref<128xi32, #tpu.memory_space<vmem>>, vector<16xi32>,
        %dma_start3A_530 = arith.constant 0 : i32
        %dma_start3A_531 = arith.constant 0 : i32
        %dma_start3A_532 = tpu.memref_slice %arg2[%dma_start3A_530, %dma_start3A_531] : memref<10240x128xf32, #tpu.memory_space<hbm>> -> memref<10240x128xf32, #tpu.memory_space<hbm>>
        tpu.enqueue_indirect_dma source(%dma_start3A_532 : memref<10240x128xf32, #tpu.memory_space<hbm>>) target(%arg11 : memref<128x128xf32, #tpu.memory_space<vmem>>) offsets(%arg7 : memref<128xi32, #tpu.memory_space<vmem>>) semaphore(%arg13 : memref<!tpu.dma_semaphore, #tpu.memory_space<semaphore_mem>>)
      } else {
      }
      %dma_wait3A_378 = arith.constant 0 : i32
      %dma_wait3A_379 = arith.constant 0 : i32
      %dma_wait3A_380 = tpu.memref_slice %arg4[%dma_wait3A_378, %dma_wait3A_379] : memref<10240x128xf32, #tpu.memory_space<hbm>> -> memref<128x128xf32, #tpu.memory_space<hbm>>
      %dma_wait3A_381 = arith.constant 0 : i32
      %dma_wait3A_382 = arith.constant 0 : i32
      %dma_wait3A_383 = tpu.memref_slice %arg4[%dma_wait3A_381, %dma_wait3A_382] : memref<10240x128xf32, #tpu.memory_space<hbm>> -> memref<128x128xf32, #tpu.memory_space<hbm>>
      tpu.wait_dma2 semaphore(%arg14 : memref<!tpu.dma_semaphore, #tpu.memory_space<semaphore_mem>>) src(%dma_wait3A_383 : memref<128x128xf32, #tpu.memory_space<hbm>>) dst(%arg12 : memref<128x128xf32, #tpu.memory_space<vmem>>)
      "tpu.region"() ({
        %run_scoped3A = tpu.sem_alloc : memref<!tpu.dma_semaphore, #tpu.memory_space<semaphore_mem>>
        %dma_start3A_384 = arith.constant 0 : i32
        %dma_start3A_385 = arith.constant 0 : i32
        %dma_start3A_386 = tpu.memref_slice %arg15[%dma_start3A_384, %dma_start3A_385] : memref<10240x128xf32, #tpu.memory_space<vmem_shared>> -> memref<10240x128xf32, #tpu.memory_space<vmem_shared>>
        tpu.enqueue_indirect_dma source(%arg12 : memref<128x128xf32, #tpu.memory_space<vmem>>) target(%dma_start3A_386 : memref<10240x128xf32, #tpu.memory_space<vmem_shared>>) offsets(%arg10 : memref<128xi32, #tpu.memory_space<vmem>>) semaphore(%run_scoped3A : memref<!tpu.dma_semaphore, #tpu.memory_space<semaphore_mem>>) {add = true}
        %dma_wait3A_387 = arith.constant 0 : i32
        %dma_wait3A_388 = arith.constant 0 : i32
        %dma_wait3A_389 = tpu.memref_slice %arg15[%dma_wait3A_387, %dma_wait3A_388] : memref<10240x128xf32, #tpu.memory_space<vmem_shared>> -> memref<10240x128xf32, #tpu.memory_space<vmem_shared>>
        tpu.wait_indirect_dma semaphore(%run_scoped3A : memref<!tpu.dma_semaphore, #tpu.memory_space<semaphore_mem>>) src(%arg12 : memref<128x128xf32, #tpu.memory_space<vmem>>) dst(%dma_wait3A_389 : memref<10240x128xf32, #tpu.memory_space<vmem_shared>>)
        tpu.yield
      }) : () -> ()
    }
    %scan3A_175 = arith.constant 40 : i32
    %barrier3A_176 = arith.constant 0 : index
    tpu.barrier barrier_id(%barrier3A_176)
    %mul3A_177 = arith.constant 640 : i32
    %mul3A_178 = arith.muli %arg1, %mul3A_177 : i32
    %add3A_179 = arith.constant 0 : i32
    %add3A_180 = arith.addi %mul3A_178, %add3A_179 : i32
    "tpu.region"() ({
      %run_scoped3A = tpu.sem_alloc : memref<!tpu.dma_semaphore, #tpu.memory_space<semaphore_mem>>
      %dma_start3A_217 = arith.constant 0 : i32
      %dma_start3A_218 = tpu.memref_slice %arg15[%add3A_180, %dma_start3A_217] : memref<10240x128xf32, #tpu.memory_space<vmem_shared>> -> memref<128x128xf32, #tpu.memory_space<vmem_shared>>
      %dma_start3A_219 = arith.constant 0 : i32
      %dma_start3A_220 = tpu.memref_slice %arg15[%add3A_180, %dma_start3A_219] : memref<10240x128xf32, #tpu.memory_space<vmem_shared>> -> memref<128x128xf32, #tpu.memory_space<vmem_shared>>
      tpu.enqueue_dma source(%dma_start3A_220 : memref<128x128xf32, #tpu.memory_space<vmem_shared>>) target(%arg11 : memref<128x128xf32, #tpu.memory_space<vmem>>) target_semaphore(%run_scoped3A : memref<!tpu.dma_semaphore, #tpu.memory_space<semaphore_mem>>)
      %dma_wait3A = arith.constant 0 : i32
      %dma_wait3A_221 = tpu.memref_slice %arg15[%add3A_180, %dma_wait3A] : memref<10240x128xf32, #tpu.memory_space<vmem_shared>> -> memref<128x128xf32, #tpu.memory_space<vmem_shared>>
      %dma_wait3A_222 = arith.constant 0 : i32
      %dma_wait3A_223 = tpu.memref_slice %arg15[%add3A_180, %dma_wait3A_222] : memref<10240x128xf32, #tpu.memory_space<vmem_shared>> -> memref<128x128xf32, #tpu.memory_space<vmem_shared>>
      tpu.wait_dma2 semaphore(%run_scoped3A : memref<!tpu.dma_semaphore, #tpu.memory_space<semaphore_mem>>) src(%dma_wait3A_223 : memref<128x128xf32, #tpu.memory_space<vmem_shared>>) dst(%arg11 : memref<128x128xf32, #tpu.memory_space<vmem>>)
      tpu.yield
    }) : () -> ()
    %mul3A_181 = arith.constant 640 : i32
    %mul3A_182 = arith.muli %arg1, %mul3A_181 : i32
    %add3A_183 = arith.constant 0 : i32
    %add3A_184 = arith.addi %mul3A_182, %add3A_183 : i32
    "tpu.region"() ({
      %run_scoped3A = tpu.sem_alloc : memref<!tpu.dma_semaphore, #tpu.memory_space<semaphore_mem>>
      %dma_start3A_217 = arith.constant 0 : i32
      %dma_start3A_218 = tpu.memref_slice %arg5[%arg0, %add3A_184, %dma_start3A_217] : memref<2x10240x128xf32, #tpu.memory_space<hbm>> -> memref<1x128x128xf32, #tpu.memory_space<hbm>>
      %dma_start3A_219 = tpu.memref_squeeze %dma_start3A_218 : memref<1x128x128xf32, #tpu.memory_space<hbm>> -> memref<128x128xf32, #tpu.memory_space<hbm>>
      %dma_start3A_220 = arith.constant 0 : i32
      %dma_start3A_221 = tpu.memref_slice %arg5[%arg0, %add3A_184, %dma_start3A_220] : memref<2x10240x128xf32, #tpu.memory_space<hbm>> -> memref<1x128x128xf32, #tpu.memory_space<hbm>>
      %dma_start3A_222 = tpu.memref_squeeze %dma_start3A_221 : memref<1x128x128xf32, #tpu.memory_space<hbm>> -> memref<128x128xf32, #tpu.memory_space<hbm>>
      tpu.enqueue_dma source(%arg11 : memref<128x128xf32, #tpu.memory_space<vmem>>) target(%dma_start3A_222 : memref<128x128xf32, #tpu.memory_space<hbm>>) target_semaphore(%run_scoped3A : memref<!tpu.dma_semaphore, #tpu.memory_space<semaphore_mem>>)
      %dma_wait3A = arith.constant 0 : i32
      %dma_wait3A_223 = tpu.memref_slice %arg5[%arg0, %add3A_184, %dma_wait3A] : memref<2x10240x128xf32, #tpu.memory_space<hbm>> -> memref<1x128x128xf32, #tpu.memory_space<hbm>>
      %dma_wait3A_224 = tpu.memref_squeeze %dma_wait3A_223 : memref<1x128x128xf32, #tpu.memory_space<hbm>> -> memref<128x128xf32, #tpu.memory_space<hbm>>
      %dma_wait3A_225 = arith.constant 0 : i32
      %dma_wait3A_226 = tpu.memref_slice %arg5[%arg0, %add3A_184, %dma_wait3A_225] : memref<2x10240x128xf32, #tpu.memory_space<hbm>> -> memref<1x128x128xf32, #tpu.memory_space<hbm>>
      %dma_wait3A_227 = tpu.memref_squeeze %dma_wait3A_226 : memref<1x128x128xf32, #tpu.memory_space<hbm>> -> memref<128x128xf32, #tpu.memory_space<hbm>>
      tpu.wait_dma2 semaphore(%run_scoped3A : memref<!tpu.dma_semaphore, #tpu.memory_space<semaphore_mem>>) src(%arg11 : memref<128x128xf32, #tpu.memory_space<vmem>>) dst(%dma_wait3A_227 : memref<128x128xf32, #tpu.memory_space<hbm>>)
      tpu.yield
    }) : () -> ()
    %mul3A_185 = arith.constant 640 : i32
    %mul3A_186 = arith.muli %arg1, %mul3A_185 : i32
    %add3A_187 = arith.constant 128 : i32
    %add3A_188 = arith.addi %mul3A_186, %add3A_187 : i32
    "tpu.region"() ({
      %run_scoped3A = tpu.sem_alloc : memref<!tpu.dma_semaphore, #tpu.memory_space<semaphore_mem>>
      %dma_start3A_217 = arith.constant 0 : i32
      %dma_start3A_218 = tpu.memref_slice %arg15[%add3A_188, %dma_start3A_217] : memref<10240x128xf32, #tpu.memory_space<vmem_shared>> -> memref<128x128xf32, #tpu.memory_space<vmem_shared>>
      %dma_start3A_219 = arith.constant 0 : i32
      %dma_start3A_220 = tpu.memref_slice %arg15[%add3A_188, %dma_start3A_219] : memref<10240x128xf32, #tpu.memory_space<vmem_shared>> -> memref<128x128xf32, #tpu.memory_space<vmem_shared>>
      tpu.enqueue_dma source(%dma_start3A_220 : memref<128x128xf32, #tpu.memory_space<vmem_shared>>) target(%arg11 : memref<128x128xf32, #tpu.memory_space<vmem>>) target_semaphore(%run_scoped3A : memref<!tpu.dma_semaphore, #tpu.memory_space<semaphore_mem>>)
      %dma_wait3A = arith.constant 0 : i32
      %dma_wait3A_221 = tpu.memref_slice %arg15[%add3A_188, %dma_wait3A] : memref<10240x128xf32, #tpu.memory_space<vmem_shared>> -> memref<128x128xf32, #tpu.memory_space<vmem_shared>>
      %dma_wait3A_222 = arith.constant 0 : i32
      %dma_wait3A_223 = tpu.memref_slice %arg15[%add3A_188, %dma_wait3A_222] : memref<10240x128xf32, #tpu.memory_space<vmem_shared>> -> memref<128x128xf32, #tpu.memory_space<vmem_shared>>
      tpu.wait_dma2 semaphore(%run_scoped3A : memref<!tpu.dma_semaphore, #tpu.memory_space<semaphore_mem>>) src(%dma_wait3A_223 : memref<128x128xf32, #tpu.memory_space<vmem_shared>>) dst(%arg11 : memref<128x128xf32, #tpu.memory_space<vmem>>)
      tpu.yield
    }) : () -> ()
    %mul3A_189 = arith.constant 640 : i32
    %mul3A_190 = arith.muli %arg1, %mul3A_189 : i32
    %add3A_191 = arith.constant 128 : i32
    %add3A_192 = arith.addi %mul3A_190, %add3A_191 : i32
    "tpu.region"() ({
      %run_scoped3A = tpu.sem_alloc : memref<!tpu.dma_semaphore, #tpu.memory_space<semaphore_mem>>
      %dma_start3A_217 = arith.constant 0 : i32
      %dma_start3A_218 = tpu.memref_slice %arg5[%arg0, %add3A_192, %dma_start3A_217] : memref<2x10240x128xf32, #tpu.memory_space<hbm>> -> memref<1x128x128xf32, #tpu.memory_space<hbm>>
      %dma_start3A_219 = tpu.memref_squeeze %dma_start3A_218 : memref<1x128x128xf32, #tpu.memory_space<hbm>> -> memref<128x128xf32, #tpu.memory_space<hbm>>
      %dma_start3A_220 = arith.constant 0 : i32
      %dma_start3A_221 = tpu.memref_slice %arg5[%arg0, %add3A_192, %dma_start3A_220] : memref<2x10240x128xf32, #tpu.memory_space<hbm>> -> memref<1x128x128xf32, #tpu.memory_space<hbm>>
      %dma_start3A_222 = tpu.memref_squeeze %dma_start3A_221 : memref<1x128x128xf32, #tpu.memory_space<hbm>> -> memref<128x128xf32, #tpu.memory_space<hbm>>
      tpu.enqueue_dma source(%arg11 : memref<128x128xf32, #tpu.memory_space<vmem>>) target(%dma_start3A_222 : memref<128x128xf32, #tpu.memory_space<hbm>>) target_semaphore(%run_scoped3A : memref<!tpu.dma_semaphore, #tpu.memory_space<semaphore_mem>>)
      %dma_wait3A = arith.constant 0 : i32
      %dma_wait3A_223 = tpu.memref_slice %arg5[%arg0, %add3A_192, %dma_wait3A] : memref<2x10240x128xf32, #tpu.memory_space<hbm>> -> memref<1x128x128xf32, #tpu.memory_space<hbm>>
      %dma_wait3A_224 = tpu.memref_squeeze %dma_wait3A_223 : memref<1x128x128xf32, #tpu.memory_space<hbm>> -> memref<128x128xf32, #tpu.memory_space<hbm>>
      %dma_wait3A_225 = arith.constant 0 : i32
      %dma_wait3A_226 = tpu.memref_slice %arg5[%arg0, %add3A_192, %dma_wait3A_225] : memref<2x10240x128xf32, #tpu.memory_space<hbm>> -> memref<1x128x128xf32, #tpu.memory_space<hbm>>
      %dma_wait3A_227 = tpu.memref_squeeze %dma_wait3A_226 : memref<1x128x128xf32, #tpu.memory_space<hbm>> -> memref<128x128xf32, #tpu.memory_space<hbm>>
      tpu.wait_dma2 semaphore(%run_scoped3A : memref<!tpu.dma_semaphore, #tpu.memory_space<semaphore_mem>>) src(%arg11 : memref<128x128xf32, #tpu.memory_space<vmem>>) dst(%dma_wait3A_227 : memref<128x128xf32, #tpu.memory_space<hbm>>)
      tpu.yield
    }) : () -> ()
    %mul3A_193 = arith.constant 640 : i32
    %mul3A_194 = arith.muli %arg1, %mul3A_193 : i32
    %add3A_195 = arith.constant 256 : i32
    %add3A_196 = arith.addi %mul3A_194, %add3A_195 : i32
    "tpu.region"() ({
      %run_scoped3A = tpu.sem_alloc : memref<!tpu.dma_semaphore, #tpu.memory_space<semaphore_mem>>
      %dma_start3A_217 = arith.constant 0 : i32
      %dma_start3A_218 = tpu.memref_slice %arg15[%add3A_196, %dma_start3A_217] : memref<10240x128xf32, #tpu.memory_space<vmem_shared>> -> memref<128x128xf32, #tpu.memory_space<vmem_shared>>
      %dma_start3A_219 = arith.constant 0 : i32
      %dma_start3A_220 = tpu.memref_slice %arg15[%add3A_196, %dma_start3A_219] : memref<10240x128xf32, #tpu.memory_space<vmem_shared>> -> memref<128x128xf32, #tpu.memory_space<vmem_shared>>
      tpu.enqueue_dma source(%dma_start3A_220 : memref<128x128xf32, #tpu.memory_space<vmem_shared>>) target(%arg11 : memref<128x128xf32, #tpu.memory_space<vmem>>) target_semaphore(%run_scoped3A : memref<!tpu.dma_semaphore, #tpu.memory_space<semaphore_mem>>)
      %dma_wait3A = arith.constant 0 : i32
      %dma_wait3A_221 = tpu.memref_slice %arg15[%add3A_196, %dma_wait3A] : memref<10240x128xf32, #tpu.memory_space<vmem_shared>> -> memref<128x128xf32, #tpu.memory_space<vmem_shared>>
      %dma_wait3A_222 = arith.constant 0 : i32
      %dma_wait3A_223 = tpu.memref_slice %arg15[%add3A_196, %dma_wait3A_222] : memref<10240x128xf32, #tpu.memory_space<vmem_shared>> -> memref<128x128xf32, #tpu.memory_space<vmem_shared>>
      tpu.wait_dma2 semaphore(%run_scoped3A : memref<!tpu.dma_semaphore, #tpu.memory_space<semaphore_mem>>) src(%dma_wait3A_223 : memref<128x128xf32, #tpu.memory_space<vmem_shared>>) dst(%arg11 : memref<128x128xf32, #tpu.memory_space<vmem>>)
      tpu.yield
    }) : () -> ()
    %mul3A_197 = arith.constant 640 : i32
    %mul3A_198 = arith.muli %arg1, %mul3A_197 : i32
    %add3A_199 = arith.constant 256 : i32
    %add3A_200 = arith.addi %mul3A_198, %add3A_199 : i32
    "tpu.region"() ({
      %run_scoped3A = tpu.sem_alloc : memref<!tpu.dma_semaphore, #tpu.memory_space<semaphore_mem>>
      %dma_start3A_217 = arith.constant 0 : i32
      %dma_start3A_218 = tpu.memref_slice %arg5[%arg0, %add3A_200, %dma_start3A_217] : memref<2x10240x128xf32, #tpu.memory_space<hbm>> -> memref<1x128x128xf32, #tpu.memory_space<hbm>>
      %dma_start3A_219 = tpu.memref_squeeze %dma_start3A_218 : memref<1x128x128xf32, #tpu.memory_space<hbm>> -> memref<128x128xf32, #tpu.memory_space<hbm>>
      %dma_start3A_220 = arith.constant 0 : i32
      %dma_start3A_221 = tpu.memref_slice %arg5[%arg0, %add3A_200, %dma_start3A_220] : memref<2x10240x128xf32, #tpu.memory_space<hbm>> -> memref<1x128x128xf32, #tpu.memory_space<hbm>>
      %dma_start3A_222 = tpu.memref_squeeze %dma_start3A_221 : memref<1x128x128xf32, #tpu.memory_space<hbm>> -> memref<128x128xf32, #tpu.memory_space<hbm>>
      tpu.enqueue_dma source(%arg11 : memref<128x128xf32, #tpu.memory_space<vmem>>) target(%dma_start3A_222 : memref<128x128xf32, #tpu.memory_space<hbm>>) target_semaphore(%run_scoped3A : memref<!tpu.dma_semaphore, #tpu.memory_space<semaphore_mem>>)
      %dma_wait3A = arith.constant 0 : i32
      %dma_wait3A_223 = tpu.memref_slice %arg5[%arg0, %add3A_200, %dma_wait3A] : memref<2x10240x128xf32, #tpu.memory_space<hbm>> -> memref<1x128x128xf32, #tpu.memory_space<hbm>>
      %dma_wait3A_224 = tpu.memref_squeeze %dma_wait3A_223 : memref<1x128x128xf32, #tpu.memory_space<hbm>> -> memref<128x128xf32, #tpu.memory_space<hbm>>
      %dma_wait3A_225 = arith.constant 0 : i32
      %dma_wait3A_226 = tpu.memref_slice %arg5[%arg0, %add3A_200, %dma_wait3A_225] : memref<2x10240x128xf32, #tpu.memory_space<hbm>> -> memref<1x128x128xf32, #tpu.memory_space<hbm>>
      %dma_wait3A_227 = tpu.memref_squeeze %dma_wait3A_226 : memref<1x128x128xf32, #tpu.memory_space<hbm>> -> memref<128x128xf32, #tpu.memory_space<hbm>>
      tpu.wait_dma2 semaphore(%run_scoped3A : memref<!tpu.dma_semaphore, #tpu.memory_space<semaphore_mem>>) src(%arg11 : memref<128x128xf32, #tpu.memory_space<vmem>>) dst(%dma_wait3A_227 : memref<128x128xf32, #tpu.memory_space<hbm>>)
      tpu.yield
    }) : () -> ()
    %mul3A_201 = arith.constant 640 : i32
    %mul3A_202 = arith.muli %arg1, %mul3A_201 : i32
    %add3A_203 = arith.constant 384 : i32
    %add3A_204 = arith.addi %mul3A_202, %add3A_203 : i32
    "tpu.region"() ({
      %run_scoped3A = tpu.sem_alloc : memref<!tpu.dma_semaphore, #tpu.memory_space<semaphore_mem>>
      %dma_start3A_217 = arith.constant 0 : i32
      %dma_start3A_218 = tpu.memref_slice %arg15[%add3A_204, %dma_start3A_217] : memref<10240x128xf32, #tpu.memory_space<vmem_shared>> -> memref<128x128xf32, #tpu.memory_space<vmem_shared>>
      %dma_start3A_219 = arith.constant 0 : i32
      %dma_start3A_220 = tpu.memref_slice %arg15[%add3A_204, %dma_start3A_219] : memref<10240x128xf32, #tpu.memory_space<vmem_shared>> -> memref<128x128xf32, #tpu.memory_space<vmem_shared>>
      tpu.enqueue_dma source(%dma_start3A_220 : memref<128x128xf32, #tpu.memory_space<vmem_shared>>) target(%arg11 : memref<128x128xf32, #tpu.memory_space<vmem>>) target_semaphore(%run_scoped3A : memref<!tpu.dma_semaphore, #tpu.memory_space<semaphore_mem>>)
      %dma_wait3A = arith.constant 0 : i32
      %dma_wait3A_221 = tpu.memref_slice %arg15[%add3A_204, %dma_wait3A] : memref<10240x128xf32, #tpu.memory_space<vmem_shared>> -> memref<128x128xf32, #tpu.memory_space<vmem_shared>>
      %dma_wait3A_222 = arith.constant 0 : i32
      %dma_wait3A_223 = tpu.memref_slice %arg15[%add3A_204, %dma_wait3A_222] : memref<10240x128xf32, #tpu.memory_space<vmem_shared>> -> memref<128x128xf32, #tpu.memory_space<vmem_shared>>
      tpu.wait_dma2 semaphore(%run_scoped3A : memref<!tpu.dma_semaphore, #tpu.memory_space<semaphore_mem>>) src(%dma_wait3A_223 : memref<128x128xf32, #tpu.memory_space<vmem_shared>>) dst(%arg11 : memref<128x128xf32, #tpu.memory_space<vmem>>)
      tpu.yield
    }) : () -> ()
    %mul3A_205 = arith.constant 640 : i32
    %mul3A_206 = arith.muli %arg1, %mul3A_205 : i32
    %add3A_207 = arith.constant 384 : i32
    %add3A_208 = arith.addi %mul3A_206, %add3A_207 : i32
    "tpu.region"() ({
      %run_scoped3A = tpu.sem_alloc : memref<!tpu.dma_semaphore, #tpu.memory_space<semaphore_mem>>
      %dma_start3A_217 = arith.constant 0 : i32
      %dma_start3A_218 = tpu.memref_slice %arg5[%arg0, %add3A_208, %dma_start3A_217] : memref<2x10240x128xf32, #tpu.memory_space<hbm>> -> memref<1x128x128xf32, #tpu.memory_space<hbm>>
      %dma_start3A_219 = tpu.memref_squeeze %dma_start3A_218 : memref<1x128x128xf32, #tpu.memory_space<hbm>> -> memref<128x128xf32, #tpu.memory_space<hbm>>
      %dma_start3A_220 = arith.constant 0 : i32
      %dma_start3A_221 = tpu.memref_slice %arg5[%arg0, %add3A_208, %dma_start3A_220] : memref<2x10240x128xf32, #tpu.memory_space<hbm>> -> memref<1x128x128xf32, #tpu.memory_space<hbm>>
      %dma_start3A_222 = tpu.memref_squeeze %dma_start3A_221 : memref<1x128x128xf32, #tpu.memory_space<hbm>> -> memref<128x128xf32, #tpu.memory_space<hbm>>
      tpu.enqueue_dma source(%arg11 : memref<128x128xf32, #tpu.memory_space<vmem>>) target(%dma_start3A_222 : memref<128x128xf32, #tpu.memory_space<hbm>>) target_semaphore(%run_scoped3A : memref<!tpu.dma_semaphore, #tpu.memory_space<semaphore_mem>>)
      %dma_wait3A = arith.constant 0 : i32
      %dma_wait3A_223 = tpu.memref_slice %arg5[%arg0, %add3A_208, %dma_wait3A] : memref<2x10240x128xf32, #tpu.memory_space<hbm>> -> memref<1x128x128xf32, #tpu.memory_space<hbm>>
      %dma_wait3A_224 = tpu.memref_squeeze %dma_wait3A_223 : memref<1x128x128xf32, #tpu.memory_space<hbm>> -> memref<128x128xf32, #tpu.memory_space<hbm>>
      %dma_wait3A_225 = arith.constant 0 : i32
      %dma_wait3A_226 = tpu.memref_slice %arg5[%arg0, %add3A_208, %dma_wait3A_225] : memref<2x10240x128xf32, #tpu.memory_space<hbm>> -> memref<1x128x128xf32, #tpu.memory_space<hbm>>
      %dma_wait3A_227 = tpu.memref_squeeze %dma_wait3A_226 : memref<1x128x128xf32, #tpu.memory_space<hbm>> -> memref<128x128xf32, #tpu.memory_space<hbm>>
      tpu.wait_dma2 semaphore(%run_scoped3A : memref<!tpu.dma_semaphore, #tpu.memory_space<semaphore_mem>>) src(%arg11 : memref<128x128xf32, #tpu.memory_space<vmem>>) dst(%dma_wait3A_227 : memref<128x128xf32, #tpu.memory_space<hbm>>)
      tpu.yield
    }) : () -> ()
    %mul3A_209 = arith.constant 640 : i32
    %mul3A_210 = arith.muli %arg1, %mul3A_209 : i32
    %add3A_211 = arith.constant 512 : i32
    %add3A_212 = arith.addi %mul3A_210, %add3A_211 : i32
    "tpu.region"() ({
      %run_scoped3A = tpu.sem_alloc : memref<!tpu.dma_semaphore, #tpu.memory_space<semaphore_mem>>
      %dma_start3A_217 = arith.constant 0 : i32
      %dma_start3A_218 = tpu.memref_slice %arg15[%add3A_212, %dma_start3A_217] : memref<10240x128xf32, #tpu.memory_space<vmem_shared>> -> memref<128x128xf32, #tpu.memory_space<vmem_shared>>
      %dma_start3A_219 = arith.constant 0 : i32
      %dma_start3A_220 = tpu.memref_slice %arg15[%add3A_212, %dma_start3A_219] : memref<10240x128xf32, #tpu.memory_space<vmem_shared>> -> memref<128x128xf32, #tpu.memory_space<vmem_shared>>
      tpu.enqueue_dma source(%dma_start3A_220 : memref<128x128xf32, #tpu.memory_space<vmem_shared>>) target(%arg11 : memref<128x128xf32, #tpu.memory_space<vmem>>) target_semaphore(%run_scoped3A : memref<!tpu.dma_semaphore, #tpu.memory_space<semaphore_mem>>)
      %dma_wait3A = arith.constant 0 : i32
      %dma_wait3A_221 = tpu.memref_slice %arg15[%add3A_212, %dma_wait3A] : memref<10240x128xf32, #tpu.memory_space<vmem_shared>> -> memref<128x128xf32, #tpu.memory_space<vmem_shared>>
      %dma_wait3A_222 = arith.constant 0 : i32
      %dma_wait3A_223 = tpu.memref_slice %arg15[%add3A_212, %dma_wait3A_222] : memref<10240x128xf32, #tpu.memory_space<vmem_shared>> -> memref<128x128xf32, #tpu.memory_space<vmem_shared>>
      tpu.wait_dma2 semaphore(%run_scoped3A : memref<!tpu.dma_semaphore, #tpu.memory_space<semaphore_mem>>) src(%dma_wait3A_223 : memref<128x128xf32, #tpu.memory_space<vmem_shared>>) dst(%arg11 : memref<128x128xf32, #tpu.memory_space<vmem>>)
      tpu.yield
    }) : () -> ()
    %mul3A_213 = arith.constant 640 : i32
    %mul3A_214 = arith.muli %arg1, %mul3A_213 : i32
    %add3A_215 = arith.constant 512 : i32
    %add3A_216 = arith.addi %mul3A_214, %add3A_215 : i32
    "tpu.region"() ({
      %run_scoped3A = tpu.sem_alloc : memref<!tpu.dma_semaphore, #tpu.memory_space<semaphore_mem>>
      %dma_start3A_217 = arith.constant 0 : i32
      %dma_start3A_218 = tpu.memref_slice %arg5[%arg0, %add3A_216, %dma_start3A_217] : memref<2x10240x128xf32, #tpu.memory_space<hbm>> -> memref<1x128x128xf32, #tpu.memory_space<hbm>>
      %dma_start3A_219 = tpu.memref_squeeze %dma_start3A_218 : memref<1x128x128xf32, #tpu.memory_space<hbm>> -> memref<128x128xf32, #tpu.memory_space<hbm>>
      %dma_start3A_220 = arith.constant 0 : i32
      %dma_start3A_221 = tpu.memref_slice %arg5[%arg0, %add3A_216, %dma_start3A_220] : memref<2x10240x128xf32, #tpu.memory_space<hbm>> -> memref<1x128x128xf32, #tpu.memory_space<hbm>>
      %dma_start3A_222 = tpu.memref_squeeze %dma_start3A_221 : memref<1x128x128xf32, #tpu.memory_space<hbm>> -> memref<128x128xf32, #tpu.memory_space<hbm>>
      tpu.enqueue_dma source(%arg11 : memref<128x128xf32, #tpu.memory_space<vmem>>) target(%dma_start3A_222 : memref<128x128xf32, #tpu.memory_space<hbm>>) target_semaphore(%run_scoped3A : memref<!tpu.dma_semaphore, #tpu.memory_space<semaphore_mem>>)
      %dma_wait3A = arith.constant 0 : i32
      %dma_wait3A_223 = tpu.memref_slice %arg5[%arg0, %add3A_216, %dma_wait3A] : memref<2x10240x128xf32, #tpu.memory_space<hbm>> -> memref<1x128x128xf32, #tpu.memory_space<hbm>>
      %dma_wait3A_224 = tpu.memref_squeeze %dma_wait3A_223 : memref<1x128x128xf32, #tpu.memory_space<hbm>> -> memref<128x128xf32, #tpu.memory_space<hbm>>
      %dma_wait3A_225 = arith.constant 0 : i32
      %dma_wait3A_226 = tpu.memref_slice %arg5[%arg0, %add3A_216, %dma_wait3A_225] : memref<2x10240x128xf32, #tpu.memory_space<hbm>> -> memref<1x128x128xf32, #tpu.memory_space<hbm>>
      %dma_wait3A_227 = tpu.memref_squeeze %dma_wait3A_226 : memref<1x128x128xf32, #tpu.memory_space<hbm>> -> memref<128x128xf32, #tpu.memory_space<hbm>>
      tpu.wait_dma2 semaphore(%run_scoped3A : memref<!tpu.dma_semaphore, #tpu.memory_space<semaphore_mem>>) src(%arg11 : memref<128x128xf32, #tpu.memory_space<vmem>>) dst(%dma_wait3A_227 : memref<128x128xf32, #tpu.memory_space<hbm>>)
      tpu.yield
    }) : () -> ()
    return
  }
}

#map = affine_map<(d0, d1) -> (0, 0)>
#map1 = affine_map<(d0, d1) -> (0, 0, 0)>
module attributes {stable_mosaic.version = 14 : i64} {
  func.func @_gs_kernel(%arg0: i32, %arg1: i32, %arg2: memref<10240x128xf32, #tpu.memory_space<hbm>>, %arg3: memref<32x80x128xi32, #tpu.memory_space<hbm>>, %arg4: memref<10240x128xf32, #tpu.memory_space<hbm>>, %arg5: memref<2x10240x128xf32, #tpu.memory_space<hbm>>, %arg6: memref<80x128xi32, #tpu.memory_space<vmem>>, %arg7: memref<128xi32, #tpu.memory_space<vmem>>, %arg8: memref<128xi32, #tpu.memory_space<vmem>>, %arg9: memref<128xi32, #tpu.memory_space<vmem>>, %arg10: memref<128xi32, #tpu.memory_space<vmem>>, %arg11: memref<128x128xf32, #tpu.memory_space<vmem>>, %arg12: memref<128x128xf32, #tpu.memory_space<vmem>>, %arg13: memref<!tpu.dma_semaphore, #tpu.memory_space<semaphore_mem>>, %arg14: memref<!tpu.dma_semaphore, #tpu.memory_space<semaphore_mem>>, %arg15: memref<10240x128xf32, #tpu.memory_space<vmem_shared>>) attributes {dimension_semantics = [#tpu.dimension_semantics<core_parallel>, #tpu.dimension_semantics<subcore_parallel>], iteration_bounds = array<i64: 2, 16>, scalar_prefetch = 0 : i64, scratch_operands = 10 : i64, tpu.core_type = #tpu.core_type<sc_vector_subcore>, window_params = [{transform_indices = #map}, {transform_indices = #map1}, {transform_indices = #map}, {transform_indices = #map1}]} {
    %mul3A = arith.constant 2 : i32
    %mul3A_0 = arith.muli %arg1, %mul3A : i32
    %add3A = arith.addi %mul3A_0, %arg0 : i32
    "tpu.region"() ({
      %run_scoped3A = tpu.sem_alloc : memref<!tpu.dma_semaphore, #tpu.memory_space<semaphore_mem>>
      %dma_start3A_217 = arith.constant 0 : i32
      %dma_start3A_218 = arith.constant 0 : i32
      %dma_start3A_219 = tpu.memref_slice %arg3[%add3A, %dma_start3A_217, %dma_start3A_218] : memref<32x80x128xi32, #tpu.memory_space<hbm>> -> memref<1x80x128xi32, #tpu.memory_space<hbm>>
      %dma_start3A_220 = tpu.memref_squeeze %dma_start3A_219 : memref<1x80x128xi32, #tpu.memory_space<hbm>> -> memref<80x128xi32, #tpu.memory_space<hbm>>
      %dma_start3A_221 = arith.constant 0 : i32
      %dma_start3A_222 = arith.constant 0 : i32
      %dma_start3A_223 = tpu.memref_slice %arg3[%add3A, %dma_start3A_221, %dma_start3A_222] : memref<32x80x128xi32, #tpu.memory_space<hbm>> -> memref<1x80x128xi32, #tpu.memory_space<hbm>>
      %dma_start3A_224 = tpu.memref_squeeze %dma_start3A_223 : memref<1x80x128xi32, #tpu.memory_space<hbm>> -> memref<80x128xi32, #tpu.memory_space<hbm>>
      tpu.enqueue_dma source(%dma_start3A_224 : memref<80x128xi32, #tpu.memory_space<hbm>>) target(%arg6 : memref<80x128xi32, #tpu.memory_space<vmem>>) target_semaphore(%run_scoped3A : memref<!tpu.dma_semaphore, #tpu.memory_space<semaphore_mem>>)
      %dma_wait3A = arith.constant 0 : i32
      %dma_wait3A_225 = arith.constant 0 : i32
      %dma_wait3A_226 = tpu.memref_slice %arg3[%add3A, %dma_wait3A, %dma_wait3A_225] : memref<32x80x128xi32, #tpu.memory_space<hbm>> -> memref<1x80x128xi32, #tpu.memory_space<hbm>>
      %dma_wait3A_227 = tpu.memref_squeeze %dma_wait3A_226 : memref<1x80x128xi32, #tpu.memory_space<hbm>> -> memref<80x128xi32, #tpu.memory_space<hbm>>
      %dma_wait3A_228 = arith.constant 0 : i32
      %dma_wait3A_229 = arith.constant 0 : i32
      %dma_wait3A_230 = tpu.memref_slice %arg3[%add3A, %dma_wait3A_228, %dma_wait3A_229] : memref<32x80x128xi32, #tpu.memory_space<hbm>> -> memref<1x80x128xi32, #tpu.memory_space<hbm>>
      %dma_wait3A_231 = tpu.memref_squeeze %dma_wait3A_230 : memref<1x80x128xi32, #tpu.memory_space<hbm>> -> memref<80x128xi32, #tpu.memory_space<hbm>>
      tpu.wait_dma2 semaphore(%run_scoped3A : memref<!tpu.dma_semaphore, #tpu.memory_space<semaphore_mem>>) src(%dma_wait3A_231 : memref<80x128xi32, #tpu.memory_space<hbm>>) dst(%arg6 : memref<80x128xi32, #tpu.memory_space<vmem>>)
      tpu.yield
    }) : () -> ()
    "tpu.region"() ({
      %run_scoped3A = tpu.sem_alloc : memref<!tpu.dma_semaphore, #tpu.memory_space<semaphore_mem>>
      %dma_start3A_217 = arith.constant 0 : i32
      %dma_start3A_218 = arith.constant 0 : i32
      %dma_start3A_219 = tpu.memref_slice %arg4[%dma_start3A_217, %dma_start3A_218] : memref<10240x128xf32, #tpu.memory_space<hbm>> -> memref<128x128xf32, #tpu.memory_space<hbm>>
      %dma_start3A_220 = arith.constant 0 : i32
      %dma_start3A_221 = arith.constant 0 : i32
      %dma_start3A_222 = tpu.memref_slice %arg4[%dma_start3A_220, %dma_start3A_221] : memref<10240x128xf32, #tpu.memory_space<hbm>> -> memref<128x128xf32, #tpu.memory_space<hbm>>
      tpu.enqueue_dma source(%dma_start3A_222 : memref<128x128xf32, #tpu.memory_space<hbm>>) target(%arg11 : memref<128x128xf32, #tpu.memory_space<vmem>>) target_semaphore(%run_scoped3A : memref<!tpu.dma_semaphore, #tpu.memory_space<semaphore_mem>>)
      %dma_wait3A = arith.constant 0 : i32
      %dma_wait3A_223 = arith.constant 0 : i32
      %dma_wait3A_224 = tpu.memref_slice %arg4[%dma_wait3A, %dma_wait3A_223] : memref<10240x128xf32, #tpu.memory_space<hbm>> -> memref<128x128xf32, #tpu.memory_space<hbm>>
      %dma_wait3A_225 = arith.constant 0 : i32
      %dma_wait3A_226 = arith.constant 0 : i32
      %dma_wait3A_227 = tpu.memref_slice %arg4[%dma_wait3A_225, %dma_wait3A_226] : memref<10240x128xf32, #tpu.memory_space<hbm>> -> memref<128x128xf32, #tpu.memory_space<hbm>>
      tpu.wait_dma2 semaphore(%run_scoped3A : memref<!tpu.dma_semaphore, #tpu.memory_space<semaphore_mem>>) src(%dma_wait3A_227 : memref<128x128xf32, #tpu.memory_space<hbm>>) dst(%arg11 : memref<128x128xf32, #tpu.memory_space<vmem>>)
      tpu.yield
    }) : () -> ()
    %mul3A_1 = arith.constant 640 : i32
    %mul3A_2 = arith.muli %arg1, %mul3A_1 : i32
    %add3A_3 = arith.constant 0 : i32
    %add3A_4 = arith.addi %mul3A_2, %add3A_3 : i32
    "tpu.region"() ({
      %run_scoped3A = tpu.sem_alloc : memref<!tpu.dma_semaphore, #tpu.memory_space<semaphore_mem>>
      %dma_start3A_217 = arith.constant 0 : i32
      %dma_start3A_218 = tpu.memref_slice %arg15[%add3A_4, %dma_start3A_217] : memref<10240x128xf32, #tpu.memory_space<vmem_shared>> -> memref<128x128xf32, #tpu.memory_space<vmem_shared>>
      %dma_start3A_219 = arith.constant 0 : i32
      %dma_start3A_220 = tpu.memref_slice %arg15[%add3A_4, %dma_start3A_219] : memref<10240x128xf32, #tpu.memory_space<vmem_shared>> -> memref<128x128xf32, #tpu.memory_space<vmem_shared>>
      tpu.enqueue_dma source(%arg11 : memref<128x128xf32, #tpu.memory_space<vmem>>) target(%dma_start3A_220 : memref<128x128xf32, #tpu.memory_space<vmem_shared>>) target_semaphore(%run_scoped3A : memref<!tpu.dma_semaphore, #tpu.memory_space<semaphore_mem>>)
      %dma_wait3A = arith.constant 0 : i32
      %dma_wait3A_221 = tpu.memref_slice %arg15[%add3A_4, %dma_wait3A] : memref<10240x128xf32, #tpu.memory_space<vmem_shared>> -> memref<128x128xf32, #tpu.memory_space<vmem_shared>>
      %dma_wait3A_222 = arith.constant 0 : i32
      %dma_wait3A_223 = tpu.memref_slice %arg15[%add3A_4, %dma_wait3A_222] : memref<10240x128xf32, #tpu.memory_space<vmem_shared>> -> memref<128x128xf32, #tpu.memory_space<vmem_shared>>
      tpu.wait_dma2 semaphore(%run_scoped3A : memref<!tpu.dma_semaphore, #tpu.memory_space<semaphore_mem>>) src(%arg11 : memref<128x128xf32, #tpu.memory_space<vmem>>) dst(%dma_wait3A_223 : memref<128x128xf32, #tpu.memory_space<vmem_shared>>)
      tpu.yield
    }) : () -> ()
    %mul3A_5 = arith.constant 640 : i32
    %mul3A_6 = arith.muli %arg1, %mul3A_5 : i32
    %add3A_7 = arith.constant 128 : i32
    %add3A_8 = arith.addi %mul3A_6, %add3A_7 : i32
    "tpu.region"() ({
      %run_scoped3A = tpu.sem_alloc : memref<!tpu.dma_semaphore, #tpu.memory_space<semaphore_mem>>
      %dma_start3A_217 = arith.constant 0 : i32
      %dma_start3A_218 = tpu.memref_slice %arg15[%add3A_8, %dma_start3A_217] : memref<10240x128xf32, #tpu.memory_space<vmem_shared>> -> memref<128x128xf32, #tpu.memory_space<vmem_shared>>
      %dma_start3A_219 = arith.constant 0 : i32
      %dma_start3A_220 = tpu.memref_slice %arg15[%add3A_8, %dma_start3A_219] : memref<10240x128xf32, #tpu.memory_space<vmem_shared>> -> memref<128x128xf32, #tpu.memory_space<vmem_shared>>
      tpu.enqueue_dma source(%arg11 : memref<128x128xf32, #tpu.memory_space<vmem>>) target(%dma_start3A_220 : memref<128x128xf32, #tpu.memory_space<vmem_shared>>) target_semaphore(%run_scoped3A : memref<!tpu.dma_semaphore, #tpu.memory_space<semaphore_mem>>)
      %dma_wait3A = arith.constant 0 : i32
      %dma_wait3A_221 = tpu.memref_slice %arg15[%add3A_8, %dma_wait3A] : memref<10240x128xf32, #tpu.memory_space<vmem_shared>> -> memref<128x128xf32, #tpu.memory_space<vmem_shared>>
      %dma_wait3A_222 = arith.constant 0 : i32
      %dma_wait3A_223 = tpu.memref_slice %arg15[%add3A_8, %dma_wait3A_222] : memref<10240x128xf32, #tpu.memory_space<vmem_shared>> -> memref<128x128xf32, #tpu.memory_space<vmem_shared>>
      tpu.wait_dma2 semaphore(%run_scoped3A : memref<!tpu.dma_semaphore, #tpu.memory_space<semaphore_mem>>) src(%arg11 : memref<128x128xf32, #tpu.memory_space<vmem>>) dst(%dma_wait3A_223 : memref<128x128xf32, #tpu.memory_space<vmem_shared>>)
      tpu.yield
    }) : () -> ()
    %mul3A_9 = arith.constant 640 : i32
    %mul3A_10 = arith.muli %arg1, %mul3A_9 : i32
    %add3A_11 = arith.constant 256 : i32
    %add3A_12 = arith.addi %mul3A_10, %add3A_11 : i32
    "tpu.region"() ({
      %run_scoped3A = tpu.sem_alloc : memref<!tpu.dma_semaphore, #tpu.memory_space<semaphore_mem>>
      %dma_start3A_217 = arith.constant 0 : i32
      %dma_start3A_218 = tpu.memref_slice %arg15[%add3A_12, %dma_start3A_217] : memref<10240x128xf32, #tpu.memory_space<vmem_shared>> -> memref<128x128xf32, #tpu.memory_space<vmem_shared>>
      %dma_start3A_219 = arith.constant 0 : i32
      %dma_start3A_220 = tpu.memref_slice %arg15[%add3A_12, %dma_start3A_219] : memref<10240x128xf32, #tpu.memory_space<vmem_shared>> -> memref<128x128xf32, #tpu.memory_space<vmem_shared>>
      tpu.enqueue_dma source(%arg11 : memref<128x128xf32, #tpu.memory_space<vmem>>) target(%dma_start3A_220 : memref<128x128xf32, #tpu.memory_space<vmem_shared>>) target_semaphore(%run_scoped3A : memref<!tpu.dma_semaphore, #tpu.memory_space<semaphore_mem>>)
      %dma_wait3A = arith.constant 0 : i32
      %dma_wait3A_221 = tpu.memref_slice %arg15[%add3A_12, %dma_wait3A] : memref<10240x128xf32, #tpu.memory_space<vmem_shared>> -> memref<128x128xf32, #tpu.memory_space<vmem_shared>>
      %dma_wait3A_222 = arith.constant 0 : i32
      %dma_wait3A_223 = tpu.memref_slice %arg15[%add3A_12, %dma_wait3A_222] : memref<10240x128xf32, #tpu.memory_space<vmem_shared>> -> memref<128x128xf32, #tpu.memory_space<vmem_shared>>
      tpu.wait_dma2 semaphore(%run_scoped3A : memref<!tpu.dma_semaphore, #tpu.memory_space<semaphore_mem>>) src(%arg11 : memref<128x128xf32, #tpu.memory_space<vmem>>) dst(%dma_wait3A_223 : memref<128x128xf32, #tpu.memory_space<vmem_shared>>)
      tpu.yield
    }) : () -> ()
    %mul3A_13 = arith.constant 640 : i32
    %mul3A_14 = arith.muli %arg1, %mul3A_13 : i32
    %add3A_15 = arith.constant 384 : i32
    %add3A_16 = arith.addi %mul3A_14, %add3A_15 : i32
    "tpu.region"() ({
      %run_scoped3A = tpu.sem_alloc : memref<!tpu.dma_semaphore, #tpu.memory_space<semaphore_mem>>
      %dma_start3A_217 = arith.constant 0 : i32
      %dma_start3A_218 = tpu.memref_slice %arg15[%add3A_16, %dma_start3A_217] : memref<10240x128xf32, #tpu.memory_space<vmem_shared>> -> memref<128x128xf32, #tpu.memory_space<vmem_shared>>
      %dma_start3A_219 = arith.constant 0 : i32
      %dma_start3A_220 = tpu.memref_slice %arg15[%add3A_16, %dma_start3A_219] : memref<10240x128xf32, #tpu.memory_space<vmem_shared>> -> memref<128x128xf32, #tpu.memory_space<vmem_shared>>
      tpu.enqueue_dma source(%arg11 : memref<128x128xf32, #tpu.memory_space<vmem>>) target(%dma_start3A_220 : memref<128x128xf32, #tpu.memory_space<vmem_shared>>) target_semaphore(%run_scoped3A : memref<!tpu.dma_semaphore, #tpu.memory_space<semaphore_mem>>)
      %dma_wait3A = arith.constant 0 : i32
      %dma_wait3A_221 = tpu.memref_slice %arg15[%add3A_16, %dma_wait3A] : memref<10240x128xf32, #tpu.memory_space<vmem_shared>> -> memref<128x128xf32, #tpu.memory_space<vmem_shared>>
      %dma_wait3A_222 = arith.constant 0 : i32
      %dma_wait3A_223 = tpu.memref_slice %arg15[%add3A_16, %dma_wait3A_222] : memref<10240x128xf32, #tpu.memory_space<vmem_shared>> -> memref<128x128xf32, #tpu.memory_space<vmem_shared>>
      tpu.wait_dma2 semaphore(%run_scoped3A : memref<!tpu.dma_semaphore, #tpu.memory_space<semaphore_mem>>) src(%arg11 : memref<128x128xf32, #tpu.memory_space<vmem>>) dst(%dma_wait3A_223 : memref<128x128xf32, #tpu.memory_space<vmem_shared>>)
      tpu.yield
    }) : () -> ()
    %mul3A_17 = arith.constant 640 : i32
    %mul3A_18 = arith.muli %arg1, %mul3A_17 : i32
    %add3A_19 = arith.constant 512 : i32
    %add3A_20 = arith.addi %mul3A_18, %add3A_19 : i32
    "tpu.region"() ({
      %run_scoped3A = tpu.sem_alloc : memref<!tpu.dma_semaphore, #tpu.memory_space<semaphore_mem>>
      %dma_start3A_217 = arith.constant 0 : i32
      %dma_start3A_218 = tpu.memref_slice %arg15[%add3A_20, %dma_start3A_217] : memref<10240x128xf32, #tpu.memory_space<vmem_shared>> -> memref<128x128xf32, #tpu.memory_space<vmem_shared>>
      %dma_start3A_219 = arith.constant 0 : i32
      %dma_start3A_220 = tpu.memref_slice %arg15[%add3A_20, %dma_start3A_219] : memref<10240x128xf32, #tpu.memory_space<vmem_shared>> -> memref<128x128xf32, #tpu.memory_space<vmem_shared>>
      tpu.enqueue_dma source(%arg11 : memref<128x128xf32, #tpu.memory_space<vmem>>) target(%dma_start3A_220 : memref<128x128xf32, #tpu.memory_space<vmem_shared>>) target_semaphore(%run_scoped3A : memref<!tpu.dma_semaphore, #tpu.memory_space<semaphore_mem>>)
      %dma_wait3A = arith.constant 0 : i32
      %dma_wait3A_221 = tpu.memref_slice %arg15[%add3A_20, %dma_wait3A] : memref<10240x128xf32, #tpu.memory_space<vmem_shared>> -> memref<128x128xf32, #tpu.memory_space<vmem_shared>>
      %dma_wait3A_222 = arith.constant 0 : i32
      %dma_wait3A_223 = tpu.memref_slice %arg15[%add3A_20, %dma_wait3A_222] : memref<10240x128xf32, #tpu.memory_space<vmem_shared>> -> memref<128x128xf32, #tpu.memory_space<vmem_shared>>
      tpu.wait_dma2 semaphore(%run_scoped3A : memref<!tpu.dma_semaphore, #tpu.memory_space<semaphore_mem>>) src(%arg11 : memref<128x128xf32, #tpu.memory_space<vmem>>) dst(%dma_wait3A_223 : memref<128x128xf32, #tpu.memory_space<vmem_shared>>)
      tpu.yield
    }) : () -> ()
    %barrier3A = arith.constant 0 : index
    tpu.barrier barrier_id(%barrier3A)
    %get3A = arith.constant 0 : i32
    %get3A_21 = arith.index_cast %get3A : i32 to index
    %get3A_22 = arith.constant 0 : index
    %get3A_23 = tpu.vector_load %arg6[%get3A_21, %get3A_22] {strides = array<i32>} : memref<80x128xi32, #tpu.memory_space<vmem>>, vector<1x16xi32>,
    %get3A_24 = vector.shape_cast %get3A_23 : vector<1x16xi32> to vector<16xi32>
    %and3A = arith.constant 16383 : i32
    %and3A_25 = vector.broadcast %and3A : i32 to vector<16xi32>
    %and3A_26 = arith.andi %get3A_24, %and3A_25 : vector<16xi32>
    %swap3A = arith.constant 0 : index
    %swap3A_27 = tpu.vector_load %arg7[%swap3A] {strides = array<i32>} : memref<128xi32, #tpu.memory_space<vmem>>, vector<16xi32>,
    %swap3A_28 = vector.shape_cast %swap3A_27 : vector<16xi32> to vector<16xi32>
    %swap3A_29 = vector.shape_cast %and3A_26 : vector<16xi32> to vector<16xi32>
    tpu.vector_store %arg7[%swap3A], %swap3A_29 {strides = array<i32>} : memref<128xi32, #tpu.memory_space<vmem>>, vector<16xi32>,
    %shift_right_logical3A = arith.constant 14 : i32
    %shift_right_logical3A_30 = vector.broadcast %shift_right_logical3A : i32 to vector<16xi32>
    %shift_right_logical3A_31 = arith.shrui %get3A_24, %shift_right_logical3A_30 : vector<16xi32>
    %swap3A_32 = arith.constant 0 : index
    %swap3A_33 = tpu.vector_load %arg8[%swap3A_32] {strides = array<i32>} : memref<128xi32, #tpu.memory_space<vmem>>, vector<16xi32>,
    %swap3A_34 = vector.shape_cast %swap3A_33 : vector<16xi32> to vector<16xi32>
    %swap3A_35 = vector.shape_cast %shift_right_logical3A_31 : vector<16xi32> to vector<16xi32>
    tpu.vector_store %arg8[%swap3A_32], %swap3A_35 {strides = array<i32>} : memref<128xi32, #tpu.memory_space<vmem>>, vector<16xi32>,
    %get3A_36 = arith.constant 0 : i32
    %get3A_37 = arith.index_cast %get3A_36 : i32 to index
    %get3A_38 = arith.constant 16 : index
    %get3A_39 = tpu.vector_load %arg6[%get3A_37, %get3A_38] {strides = array<i32>} : memref<80x128xi32, #tpu.memory_space<vmem>>, vector<1x16xi32>,
    %get3A_40 = vector.shape_cast %get3A_39 : vector<1x16xi32> to vector<16xi32>
    %and3A_41 = arith.constant 16383 : i32
    %and3A_42 = vector.broadcast %and3A_41 : i32 to vector<16xi32>
    %and3A_43 = arith.andi %get3A_40, %and3A_42 : vector<16xi32>
    %swap3A_44 = arith.constant 16 : index
    %swap3A_45 = tpu.vector_load %arg7[%swap3A_44] {strides = array<i32>} : memref<128xi32, #tpu.memory_space<vmem>>, vector<16xi32>,
    %swap3A_46 = vector.shape_cast %swap3A_45 : vector<16xi32> to vector<16xi32>
    %swap3A_47 = vector.shape_cast %and3A_43 : vector<16xi32> to vector<16xi32>
    tpu.vector_store %arg7[%swap3A_44], %swap3A_47 {strides = array<i32>} : memref<128xi32, #tpu.memory_space<vmem>>, vector<16xi32>,
    %shift_right_logical3A_48 = arith.constant 14 : i32
    %shift_right_logical3A_49 = vector.broadcast %shift_right_logical3A_48 : i32 to vector<16xi32>
    %shift_right_logical3A_50 = arith.shrui %get3A_40, %shift_right_logical3A_49 : vector<16xi32>
    %swap3A_51 = arith.constant 16 : index
    %swap3A_52 = tpu.vector_load %arg8[%swap3A_51] {strides = array<i32>} : memref<128xi32, #tpu.memory_space<vmem>>, vector<16xi32>,
    %swap3A_53 = vector.shape_cast %swap3A_52 : vector<16xi32> to vector<16xi32>
    %swap3A_54 = vector.shape_cast %shift_right_logical3A_50 : vector<16xi32> to vector<16xi32>
    tpu.vector_store %arg8[%swap3A_51], %swap3A_54 {strides = array<i32>} : memref<128xi32, #tpu.memory_space<vmem>>, vector<16xi32>,
    %get3A_55 = arith.constant 0 : i32
    %get3A_56 = arith.index_cast %get3A_55 : i32 to index
    %get3A_57 = arith.constant 32 : index
    %get3A_58 = tpu.vector_load %arg6[%get3A_56, %get3A_57] {strides = array<i32>} : memref<80x128xi32, #tpu.memory_space<vmem>>, vector<1x16xi32>,
    %get3A_59 = vector.shape_cast %get3A_58 : vector<1x16xi32> to vector<16xi32>
    %and3A_60 = arith.constant 16383 : i32
    %and3A_61 = vector.broadcast %and3A_60 : i32 to vector<16xi32>
    %and3A_62 = arith.andi %get3A_59, %and3A_61 : vector<16xi32>
    %swap3A_63 = arith.constant 32 : index
    %swap3A_64 = tpu.vector_load %arg7[%swap3A_63] {strides = array<i32>} : memref<128xi32, #tpu.memory_space<vmem>>, vector<16xi32>,
    %swap3A_65 = vector.shape_cast %swap3A_64 : vector<16xi32> to vector<16xi32>
    %swap3A_66 = vector.shape_cast %and3A_62 : vector<16xi32> to vector<16xi32>
    tpu.vector_store %arg7[%swap3A_63], %swap3A_66 {strides = array<i32>} : memref<128xi32, #tpu.memory_space<vmem>>, vector<16xi32>,
    %shift_right_logical3A_67 = arith.constant 14 : i32
    %shift_right_logical3A_68 = vector.broadcast %shift_right_logical3A_67 : i32 to vector<16xi32>
    %shift_right_logical3A_69 = arith.shrui %get3A_59, %shift_right_logical3A_68 : vector<16xi32>
    %swap3A_70 = arith.constant 32 : index
    %swap3A_71 = tpu.vector_load %arg8[%swap3A_70] {strides = array<i32>} : memref<128xi32, #tpu.memory_space<vmem>>, vector<16xi32>,
    %swap3A_72 = vector.shape_cast %swap3A_71 : vector<16xi32> to vector<16xi32>
    %swap3A_73 = vector.shape_cast %shift_right_logical3A_69 : vector<16xi32> to vector<16xi32>
    tpu.vector_store %arg8[%swap3A_70], %swap3A_73 {strides = array<i32>} : memref<128xi32, #tpu.memory_space<vmem>>, vector<16xi32>,
    %get3A_74 = arith.constant 0 : i32
    %get3A_75 = arith.index_cast %get3A_74 : i32 to index
    %get3A_76 = arith.constant 48 : index
    %get3A_77 = tpu.vector_load %arg6[%get3A_75, %get3A_76] {strides = array<i32>} : memref<80x128xi32, #tpu.memory_space<vmem>>, vector<1x16xi32>,
    %get3A_78 = vector.shape_cast %get3A_77 : vector<1x16xi32> to vector<16xi32>
    %and3A_79 = arith.constant 16383 : i32
    %and3A_80 = vector.broadcast %and3A_79 : i32 to vector<16xi32>
    %and3A_81 = arith.andi %get3A_78, %and3A_80 : vector<16xi32>
    %swap3A_82 = arith.constant 48 : index
    %swap3A_83 = tpu.vector_load %arg7[%swap3A_82] {strides = array<i32>} : memref<128xi32, #tpu.memory_space<vmem>>, vector<16xi32>,
    %swap3A_84 = vector.shape_cast %swap3A_83 : vector<16xi32> to vector<16xi32>
    %swap3A_85 = vector.shape_cast %and3A_81 : vector<16xi32> to vector<16xi32>
    tpu.vector_store %arg7[%swap3A_82], %swap3A_85 {strides = array<i32>} : memref<128xi32, #tpu.memory_space<vmem>>, vector<16xi32>,
    %shift_right_logical3A_86 = arith.constant 14 : i32
    %shift_right_logical3A_87 = vector.broadcast %shift_right_logical3A_86 : i32 to vector<16xi32>
    %shift_right_logical3A_88 = arith.shrui %get3A_78, %shift_right_logical3A_87 : vector<16xi32>
    %swap3A_89 = arith.constant 48 : index
    %swap3A_90 = tpu.vector_load %arg8[%swap3A_89] {strides = array<i32>} : memref<128xi32, #tpu.memory_space<vmem>>, vector<16xi32>,
    %swap3A_91 = vector.shape_cast %swap3A_90 : vector<16xi32> to vector<16xi32>
    %swap3A_92 = vector.shape_cast %shift_right_logical3A_88 : vector<16xi32> to vector<16xi32>
    tpu.vector_store %arg8[%swap3A_89], %swap3A_92 {strides = array<i32>} : memref<128xi32, #tpu.memory_space<vmem>>, vector<16xi32>,
    %get3A_93 = arith.constant 0 : i32
    %get3A_94 = arith.index_cast %get3A_93 : i32 to index
    %get3A_95 = arith.constant 64 : index
    %get3A_96 = tpu.vector_load %arg6[%get3A_94, %get3A_95] {strides = array<i32>} : memref<80x128xi32, #tpu.memory_space<vmem>>, vector<1x16xi32>,
    %get3A_97 = vector.shape_cast %get3A_96 : vector<1x16xi32> to vector<16xi32>
    %and3A_98 = arith.constant 16383 : i32
    %and3A_99 = vector.broadcast %and3A_98 : i32 to vector<16xi32>
    %and3A_100 = arith.andi %get3A_97, %and3A_99 : vector<16xi32>
    %swap3A_101 = arith.constant 64 : index
    %swap3A_102 = tpu.vector_load %arg7[%swap3A_101] {strides = array<i32>} : memref<128xi32, #tpu.memory_space<vmem>>, vector<16xi32>,
    %swap3A_103 = vector.shape_cast %swap3A_102 : vector<16xi32> to vector<16xi32>
    %swap3A_104 = vector.shape_cast %and3A_100 : vector<16xi32> to vector<16xi32>
    tpu.vector_store %arg7[%swap3A_101], %swap3A_104 {strides = array<i32>} : memref<128xi32, #tpu.memory_space<vmem>>, vector<16xi32>,
    %shift_right_logical3A_105 = arith.constant 14 : i32
    %shift_right_logical3A_106 = vector.broadcast %shift_right_logical3A_105 : i32 to vector<16xi32>
    %shift_right_logical3A_107 = arith.shrui %get3A_97, %shift_right_logical3A_106 : vector<16xi32>
    %swap3A_108 = arith.constant 64 : index
    %swap3A_109 = tpu.vector_load %arg8[%swap3A_108] {strides = array<i32>} : memref<128xi32, #tpu.memory_space<vmem>>, vector<16xi32>,
    %swap3A_110 = vector.shape_cast %swap3A_109 : vector<16xi32> to vector<16xi32>
    %swap3A_111 = vector.shape_cast %shift_right_logical3A_107 : vector<16xi32> to vector<16xi32>
    tpu.vector_store %arg8[%swap3A_108], %swap3A_111 {strides = array<i32>} : memref<128xi32, #tpu.memory_space<vmem>>, vector<16xi32>,
    %get3A_112 = arith.constant 0 : i32
    %get3A_113 = arith.index_cast %get3A_112 : i32 to index
    %get3A_114 = arith.constant 80 : index
    %get3A_115 = tpu.vector_load %arg6[%get3A_113, %get3A_114] {strides = array<i32>} : memref<80x128xi32, #tpu.memory_space<vmem>>, vector<1x16xi32>,
    %get3A_116 = vector.shape_cast %get3A_115 : vector<1x16xi32> to vector<16xi32>
    %and3A_117 = arith.constant 16383 : i32
    %and3A_118 = vector.broadcast %and3A_117 : i32 to vector<16xi32>
    %and3A_119 = arith.andi %get3A_116, %and3A_118 : vector<16xi32>
    %swap3A_120 = arith.constant 80 : index
    %swap3A_121 = tpu.vector_load %arg7[%swap3A_120] {strides = array<i32>} : memref<128xi32, #tpu.memory_space<vmem>>, vector<16xi32>,
    %swap3A_122 = vector.shape_cast %swap3A_121 : vector<16xi32> to vector<16xi32>
    %swap3A_123 = vector.shape_cast %and3A_119 : vector<16xi32> to vector<16xi32>
    tpu.vector_store %arg7[%swap3A_120], %swap3A_123 {strides = array<i32>} : memref<128xi32, #tpu.memory_space<vmem>>, vector<16xi32>,
    %shift_right_logical3A_124 = arith.constant 14 : i32
    %shift_right_logical3A_125 = vector.broadcast %shift_right_logical3A_124 : i32 to vector<16xi32>
    %shift_right_logical3A_126 = arith.shrui %get3A_116, %shift_right_logical3A_125 : vector<16xi32>
    %swap3A_127 = arith.constant 80 : index
    %swap3A_128 = tpu.vector_load %arg8[%swap3A_127] {strides = array<i32>} : memref<128xi32, #tpu.memory_space<vmem>>, vector<16xi32>,
    %swap3A_129 = vector.shape_cast %swap3A_128 : vector<16xi32> to vector<16xi32>
    %swap3A_130 = vector.shape_cast %shift_right_logical3A_126 : vector<16xi32> to vector<16xi32>
    tpu.vector_store %arg8[%swap3A_127], %swap3A_130 {strides = array<i32>} : memref<128xi32, #tpu.memory_space<vmem>>, vector<16xi32>,
    %get3A_131 = arith.constant 0 : i32
    %get3A_132 = arith.index_cast %get3A_131 : i32 to index
    %get3A_133 = arith.constant 96 : index
    %get3A_134 = tpu.vector_load %arg6[%get3A_132, %get3A_133] {strides = array<i32>} : memref<80x128xi32, #tpu.memory_space<vmem>>, vector<1x16xi32>,
    %get3A_135 = vector.shape_cast %get3A_134 : vector<1x16xi32> to vector<16xi32>
    %and3A_136 = arith.constant 16383 : i32
    %and3A_137 = vector.broadcast %and3A_136 : i32 to vector<16xi32>
    %and3A_138 = arith.andi %get3A_135, %and3A_137 : vector<16xi32>
    %swap3A_139 = arith.constant 96 : index
    %swap3A_140 = tpu.vector_load %arg7[%swap3A_139] {strides = array<i32>} : memref<128xi32, #tpu.memory_space<vmem>>, vector<16xi32>,
    %swap3A_141 = vector.shape_cast %swap3A_140 : vector<16xi32> to vector<16xi32>
    %swap3A_142 = vector.shape_cast %and3A_138 : vector<16xi32> to vector<16xi32>
    tpu.vector_store %arg7[%swap3A_139], %swap3A_142 {strides = array<i32>} : memref<128xi32, #tpu.memory_space<vmem>>, vector<16xi32>,
    %shift_right_logical3A_143 = arith.constant 14 : i32
    %shift_right_logical3A_144 = vector.broadcast %shift_right_logical3A_143 : i32 to vector<16xi32>
    %shift_right_logical3A_145 = arith.shrui %get3A_135, %shift_right_logical3A_144 : vector<16xi32>
    %swap3A_146 = arith.constant 96 : index
    %swap3A_147 = tpu.vector_load %arg8[%swap3A_146] {strides = array<i32>} : memref<128xi32, #tpu.memory_space<vmem>>, vector<16xi32>,
    %swap3A_148 = vector.shape_cast %swap3A_147 : vector<16xi32> to vector<16xi32>
    %swap3A_149 = vector.shape_cast %shift_right_logical3A_145 : vector<16xi32> to vector<16xi32>
    tpu.vector_store %arg8[%swap3A_146], %swap3A_149 {strides = array<i32>} : memref<128xi32, #tpu.memory_space<vmem>>, vector<16xi32>,
    %get3A_150 = arith.constant 0 : i32
    %get3A_151 = arith.index_cast %get3A_150 : i32 to index
    %get3A_152 = arith.constant 112 : index
    %get3A_153 = tpu.vector_load %arg6[%get3A_151, %get3A_152] {strides = array<i32>} : memref<80x128xi32, #tpu.memory_space<vmem>>, vector<1x16xi32>,
    %get3A_154 = vector.shape_cast %get3A_153 : vector<1x16xi32> to vector<16xi32>
    %and3A_155 = arith.constant 16383 : i32
    %and3A_156 = vector.broadcast %and3A_155 : i32 to vector<16xi32>
    %and3A_157 = arith.andi %get3A_154, %and3A_156 : vector<16xi32>
    %swap3A_158 = arith.constant 112 : index
    %swap3A_159 = tpu.vector_load %arg7[%swap3A_158] {strides = array<i32>} : memref<128xi32, #tpu.memory_space<vmem>>, vector<16xi32>,
    %swap3A_160 = vector.shape_cast %swap3A_159 : vector<16xi32> to vector<16xi32>
    %swap3A_161 = vector.shape_cast %and3A_157 : vector<16xi32> to vector<16xi32>
    tpu.vector_store %arg7[%swap3A_158], %swap3A_161 {strides = array<i32>} : memref<128xi32, #tpu.memory_space<vmem>>, vector<16xi32>,
    %shift_right_logical3A_162 = arith.constant 14 : i32
    %shift_right_logical3A_163 = vector.broadcast %shift_right_logical3A_162 : i32 to vector<16xi32>
    %shift_right_logical3A_164 = arith.shrui %get3A_154, %shift_right_logical3A_163 : vector<16xi32>
    %swap3A_165 = arith.constant 112 : index
    %swap3A_166 = tpu.vector_load %arg8[%swap3A_165] {strides = array<i32>} : memref<128xi32, #tpu.memory_space<vmem>>, vector<16xi32>,
    %swap3A_167 = vector.shape_cast %swap3A_166 : vector<16xi32> to vector<16xi32>
    %swap3A_168 = vector.shape_cast %shift_right_logical3A_164 : vector<16xi32> to vector<16xi32>
    tpu.vector_store %arg8[%swap3A_165], %swap3A_168 {strides = array<i32>} : memref<128xi32, #tpu.memory_space<vmem>>, vector<16xi32>,
    %dma_start3A = arith.constant 0 : i32
    %dma_start3A_169 = arith.constant 0 : i32
    %dma_start3A_170 = tpu.memref_slice %arg2[%dma_start3A, %dma_start3A_169] : memref<10240x128xf32, #tpu.memory_space<hbm>> -> memref<10240x128xf32, #tpu.memory_space<hbm>>
    tpu.enqueue_indirect_dma source(%dma_start3A_170 : memref<10240x128xf32, #tpu.memory_space<hbm>>) target(%arg11 : memref<128x128xf32, #tpu.memory_space<vmem>>) offsets(%arg7 : memref<128xi32, #tpu.memory_space<vmem>>) semaphore(%arg13 : memref<!tpu.dma_semaphore, #tpu.memory_space<semaphore_mem>>)
    %scan3A = arith.constant 0 : i32
    %scan3A_171 = arith.constant 0 : i32
    %scan3A_172 = arith.constant 40 : i32
    %scan3A_173 = arith.addi %scan3A_171, %scan3A_172 : i32
    %scan3A_174 = arith.constant 1 : i32
    scf.for %scan3A_217 = %scan3A_171 to %scan3A_173 step %scan3A_174  : i32 {
      %mul3A_218 = arith.constant 2 : i32
      %mul3A_219 = arith.muli %mul3A_218, %scan3A_217 : i32
      %add3A_220 = arith.constant 1 : i32
      %add3A_221 = arith.addi %mul3A_219, %add3A_220 : i32
      %get3A_222 = arith.index_cast %add3A_221 : i32 to index
      %get3A_223 = arith.constant 0 : index
      %get3A_224 = tpu.vector_load %arg6[%get3A_222, %get3A_223] {strides = array<i32>} : memref<80x128xi32, #tpu.memory_space<vmem>>, vector<1x16xi32>,
      %get3A_225 = vector.shape_cast %get3A_224 : vector<1x16xi32> to vector<16xi32>
      %and3A_226 = arith.constant 16383 : i32
      %and3A_227 = vector.broadcast %and3A_226 : i32 to vector<16xi32>
      %and3A_228 = arith.andi %get3A_225, %and3A_227 : vector<16xi32>
      %swap3A_229 = arith.constant 0 : index
      %swap3A_230 = tpu.vector_load %arg9[%swap3A_229] {strides = array<i32>} : memref<128xi32, #tpu.memory_space<vmem>>, vector<16xi32>,
      %swap3A_231 = vector.shape_cast %swap3A_230 : vector<16xi32> to vector<16xi32>
      %swap3A_232 = vector.shape_cast %and3A_228 : vector<16xi32> to vector<16xi32>
      tpu.vector_store %arg9[%swap3A_229], %swap3A_232 {strides = array<i32>} : memref<128xi32, #tpu.memory_space<vmem>>, vector<16xi32>,
      %shift_right_logical3A_233 = arith.constant 14 : i32
      %shift_right_logical3A_234 = vector.broadcast %shift_right_logical3A_233 : i32 to vector<16xi32>
      %shift_right_logical3A_235 = arith.shrui %get3A_225, %shift_right_logical3A_234 : vector<16xi32>
      %swap3A_236 = arith.constant 0 : index
      %swap3A_237 = tpu.vector_load %arg10[%swap3A_236] {strides = array<i32>} : memref<128xi32, #tpu.memory_space<vmem>>, vector<16xi32>,
      %swap3A_238 = vector.shape_cast %swap3A_237 : vector<16xi32> to vector<16xi32>
      %swap3A_239 = vector.shape_cast %shift_right_logical3A_235 : vector<16xi32> to vector<16xi32>
      tpu.vector_store %arg10[%swap3A_236], %swap3A_239 {strides = array<i32>} : memref<128xi32, #tpu.memory_space<vmem>>, vector<16xi32>,
      %get3A_240 = arith.index_cast %add3A_221 : i32 to index
      %get3A_241 = arith.constant 16 : index
      %get3A_242 = tpu.vector_load %arg6[%get3A_240, %get3A_241] {strides = array<i32>} : memref<80x128xi32, #tpu.memory_space<vmem>>, vector<1x16xi32>,
      %get3A_243 = vector.shape_cast %get3A_242 : vector<1x16xi32> to vector<16xi32>
      %and3A_244 = arith.constant 16383 : i32
      %and3A_245 = vector.broadcast %and3A_244 : i32 to vector<16xi32>
      %and3A_246 = arith.andi %get3A_243, %and3A_245 : vector<16xi32>
      %swap3A_247 = arith.constant 16 : index
      %swap3A_248 = tpu.vector_load %arg9[%swap3A_247] {strides = array<i32>} : memref<128xi32, #tpu.memory_space<vmem>>, vector<16xi32>,
      %swap3A_249 = vector.shape_cast %swap3A_248 : vector<16xi32> to vector<16xi32>
      %swap3A_250 = vector.shape_cast %and3A_246 : vector<16xi32> to vector<16xi32>
      tpu.vector_store %arg9[%swap3A_247], %swap3A_250 {strides = array<i32>} : memref<128xi32, #tpu.memory_space<vmem>>, vector<16xi32>,
      %shift_right_logical3A_251 = arith.constant 14 : i32
      %shift_right_logical3A_252 = vector.broadcast %shift_right_logical3A_251 : i32 to vector<16xi32>
      %shift_right_logical3A_253 = arith.shrui %get3A_243, %shift_right_logical3A_252 : vector<16xi32>
      %swap3A_254 = arith.constant 16 : index
      %swap3A_255 = tpu.vector_load %arg10[%swap3A_254] {strides = array<i32>} : memref<128xi32, #tpu.memory_space<vmem>>, vector<16xi32>,
      %swap3A_256 = vector.shape_cast %swap3A_255 : vector<16xi32> to vector<16xi32>
      %swap3A_257 = vector.shape_cast %shift_right_logical3A_253 : vector<16xi32> to vector<16xi32>
      tpu.vector_store %arg10[%swap3A_254], %swap3A_257 {strides = array<i32>} : memref<128xi32, #tpu.memory_space<vmem>>, vector<16xi32>,
      %get3A_258 = arith.index_cast %add3A_221 : i32 to index
      %get3A_259 = arith.constant 32 : index
      %get3A_260 = tpu.vector_load %arg6[%get3A_258, %get3A_259] {strides = array<i32>} : memref<80x128xi32, #tpu.memory_space<vmem>>, vector<1x16xi32>,
      %get3A_261 = vector.shape_cast %get3A_260 : vector<1x16xi32> to vector<16xi32>
      %and3A_262 = arith.constant 16383 : i32
      %and3A_263 = vector.broadcast %and3A_262 : i32 to vector<16xi32>
      %and3A_264 = arith.andi %get3A_261, %and3A_263 : vector<16xi32>
      %swap3A_265 = arith.constant 32 : index
      %swap3A_266 = tpu.vector_load %arg9[%swap3A_265] {strides = array<i32>} : memref<128xi32, #tpu.memory_space<vmem>>, vector<16xi32>,
      %swap3A_267 = vector.shape_cast %swap3A_266 : vector<16xi32> to vector<16xi32>
      %swap3A_268 = vector.shape_cast %and3A_264 : vector<16xi32> to vector<16xi32>
      tpu.vector_store %arg9[%swap3A_265], %swap3A_268 {strides = array<i32>} : memref<128xi32, #tpu.memory_space<vmem>>, vector<16xi32>,
      %shift_right_logical3A_269 = arith.constant 14 : i32
      %shift_right_logical3A_270 = vector.broadcast %shift_right_logical3A_269 : i32 to vector<16xi32>
      %shift_right_logical3A_271 = arith.shrui %get3A_261, %shift_right_logical3A_270 : vector<16xi32>
      %swap3A_272 = arith.constant 32 : index
      %swap3A_273 = tpu.vector_load %arg10[%swap3A_272] {strides = array<i32>} : memref<128xi32, #tpu.memory_space<vmem>>, vector<16xi32>,
      %swap3A_274 = vector.shape_cast %swap3A_273 : vector<16xi32> to vector<16xi32>
      %swap3A_275 = vector.shape_cast %shift_right_logical3A_271 : vector<16xi32> to vector<16xi32>
      tpu.vector_store %arg10[%swap3A_272], %swap3A_275 {strides = array<i32>} : memref<128xi32, #tpu.memory_space<vmem>>, vector<16xi32>,
      %get3A_276 = arith.index_cast %add3A_221 : i32 to index
      %get3A_277 = arith.constant 48 : index
      %get3A_278 = tpu.vector_load %arg6[%get3A_276, %get3A_277] {strides = array<i32>} : memref<80x128xi32, #tpu.memory_space<vmem>>, vector<1x16xi32>,
      %get3A_279 = vector.shape_cast %get3A_278 : vector<1x16xi32> to vector<16xi32>
      %and3A_280 = arith.constant 16383 : i32
      %and3A_281 = vector.broadcast %and3A_280 : i32 to vector<16xi32>
      %and3A_282 = arith.andi %get3A_279, %and3A_281 : vector<16xi32>
      %swap3A_283 = arith.constant 48 : index
      %swap3A_284 = tpu.vector_load %arg9[%swap3A_283] {strides = array<i32>} : memref<128xi32, #tpu.memory_space<vmem>>, vector<16xi32>,
      %swap3A_285 = vector.shape_cast %swap3A_284 : vector<16xi32> to vector<16xi32>
      %swap3A_286 = vector.shape_cast %and3A_282 : vector<16xi32> to vector<16xi32>
      tpu.vector_store %arg9[%swap3A_283], %swap3A_286 {strides = array<i32>} : memref<128xi32, #tpu.memory_space<vmem>>, vector<16xi32>,
      %shift_right_logical3A_287 = arith.constant 14 : i32
      %shift_right_logical3A_288 = vector.broadcast %shift_right_logical3A_287 : i32 to vector<16xi32>
      %shift_right_logical3A_289 = arith.shrui %get3A_279, %shift_right_logical3A_288 : vector<16xi32>
      %swap3A_290 = arith.constant 48 : index
      %swap3A_291 = tpu.vector_load %arg10[%swap3A_290] {strides = array<i32>} : memref<128xi32, #tpu.memory_space<vmem>>, vector<16xi32>,
      %swap3A_292 = vector.shape_cast %swap3A_291 : vector<16xi32> to vector<16xi32>
      %swap3A_293 = vector.shape_cast %shift_right_logical3A_289 : vector<16xi32> to vector<16xi32>
      tpu.vector_store %arg10[%swap3A_290], %swap3A_293 {strides = array<i32>} : memref<128xi32, #tpu.memory_space<vmem>>, vector<16xi32>,
      %get3A_294 = arith.index_cast %add3A_221 : i32 to index
      %get3A_295 = arith.constant 64 : index
      %get3A_296 = tpu.vector_load %arg6[%get3A_294, %get3A_295] {strides = array<i32>} : memref<80x128xi32, #tpu.memory_space<vmem>>, vector<1x16xi32>,
      %get3A_297 = vector.shape_cast %get3A_296 : vector<1x16xi32> to vector<16xi32>
      %and3A_298 = arith.constant 16383 : i32
      %and3A_299 = vector.broadcast %and3A_298 : i32 to vector<16xi32>
      %and3A_300 = arith.andi %get3A_297, %and3A_299 : vector<16xi32>
      %swap3A_301 = arith.constant 64 : index
      %swap3A_302 = tpu.vector_load %arg9[%swap3A_301] {strides = array<i32>} : memref<128xi32, #tpu.memory_space<vmem>>, vector<16xi32>,
      %swap3A_303 = vector.shape_cast %swap3A_302 : vector<16xi32> to vector<16xi32>
      %swap3A_304 = vector.shape_cast %and3A_300 : vector<16xi32> to vector<16xi32>
      tpu.vector_store %arg9[%swap3A_301], %swap3A_304 {strides = array<i32>} : memref<128xi32, #tpu.memory_space<vmem>>, vector<16xi32>,
      %shift_right_logical3A_305 = arith.constant 14 : i32
      %shift_right_logical3A_306 = vector.broadcast %shift_right_logical3A_305 : i32 to vector<16xi32>
      %shift_right_logical3A_307 = arith.shrui %get3A_297, %shift_right_logical3A_306 : vector<16xi32>
      %swap3A_308 = arith.constant 64 : index
      %swap3A_309 = tpu.vector_load %arg10[%swap3A_308] {strides = array<i32>} : memref<128xi32, #tpu.memory_space<vmem>>, vector<16xi32>,
      %swap3A_310 = vector.shape_cast %swap3A_309 : vector<16xi32> to vector<16xi32>
      %swap3A_311 = vector.shape_cast %shift_right_logical3A_307 : vector<16xi32> to vector<16xi32>
      tpu.vector_store %arg10[%swap3A_308], %swap3A_311 {strides = array<i32>} : memref<128xi32, #tpu.memory_space<vmem>>, vector<16xi32>,
      %get3A_312 = arith.index_cast %add3A_221 : i32 to index
      %get3A_313 = arith.constant 80 : index
      %get3A_314 = tpu.vector_load %arg6[%get3A_312, %get3A_313] {strides = array<i32>} : memref<80x128xi32, #tpu.memory_space<vmem>>, vector<1x16xi32>,
      %get3A_315 = vector.shape_cast %get3A_314 : vector<1x16xi32> to vector<16xi32>
      %and3A_316 = arith.constant 16383 : i32
      %and3A_317 = vector.broadcast %and3A_316 : i32 to vector<16xi32>
      %and3A_318 = arith.andi %get3A_315, %and3A_317 : vector<16xi32>
      %swap3A_319 = arith.constant 80 : index
      %swap3A_320 = tpu.vector_load %arg9[%swap3A_319] {strides = array<i32>} : memref<128xi32, #tpu.memory_space<vmem>>, vector<16xi32>,
      %swap3A_321 = vector.shape_cast %swap3A_320 : vector<16xi32> to vector<16xi32>
      %swap3A_322 = vector.shape_cast %and3A_318 : vector<16xi32> to vector<16xi32>
      tpu.vector_store %arg9[%swap3A_319], %swap3A_322 {strides = array<i32>} : memref<128xi32, #tpu.memory_space<vmem>>, vector<16xi32>,
      %shift_right_logical3A_323 = arith.constant 14 : i32
      %shift_right_logical3A_324 = vector.broadcast %shift_right_logical3A_323 : i32 to vector<16xi32>
      %shift_right_logical3A_325 = arith.shrui %get3A_315, %shift_right_logical3A_324 : vector<16xi32>
      %swap3A_326 = arith.constant 80 : index
      %swap3A_327 = tpu.vector_load %arg10[%swap3A_326] {strides = array<i32>} : memref<128xi32, #tpu.memory_space<vmem>>, vector<16xi32>,
      %swap3A_328 = vector.shape_cast %swap3A_327 : vector<16xi32> to vector<16xi32>
      %swap3A_329 = vector.shape_cast %shift_right_logical3A_325 : vector<16xi32> to vector<16xi32>
      tpu.vector_store %arg10[%swap3A_326], %swap3A_329 {strides = array<i32>} : memref<128xi32, #tpu.memory_space<vmem>>, vector<16xi32>,
      %get3A_330 = arith.index_cast %add3A_221 : i32 to index
      %get3A_331 = arith.constant 96 : index
      %get3A_332 = tpu.vector_load %arg6[%get3A_330, %get3A_331] {strides = array<i32>} : memref<80x128xi32, #tpu.memory_space<vmem>>, vector<1x16xi32>,
      %get3A_333 = vector.shape_cast %get3A_332 : vector<1x16xi32> to vector<16xi32>
      %and3A_334 = arith.constant 16383 : i32
      %and3A_335 = vector.broadcast %and3A_334 : i32 to vector<16xi32>
      %and3A_336 = arith.andi %get3A_333, %and3A_335 : vector<16xi32>
      %swap3A_337 = arith.constant 96 : index
      %swap3A_338 = tpu.vector_load %arg9[%swap3A_337] {strides = array<i32>} : memref<128xi32, #tpu.memory_space<vmem>>, vector<16xi32>,
      %swap3A_339 = vector.shape_cast %swap3A_338 : vector<16xi32> to vector<16xi32>
      %swap3A_340 = vector.shape_cast %and3A_336 : vector<16xi32> to vector<16xi32>
      tpu.vector_store %arg9[%swap3A_337], %swap3A_340 {strides = array<i32>} : memref<128xi32, #tpu.memory_space<vmem>>, vector<16xi32>,
      %shift_right_logical3A_341 = arith.constant 14 : i32
      %shift_right_logical3A_342 = vector.broadcast %shift_right_logical3A_341 : i32 to vector<16xi32>
      %shift_right_logical3A_343 = arith.shrui %get3A_333, %shift_right_logical3A_342 : vector<16xi32>
      %swap3A_344 = arith.constant 96 : index
      %swap3A_345 = tpu.vector_load %arg10[%swap3A_344] {strides = array<i32>} : memref<128xi32, #tpu.memory_space<vmem>>, vector<16xi32>,
      %swap3A_346 = vector.shape_cast %swap3A_345 : vector<16xi32> to vector<16xi32>
      %swap3A_347 = vector.shape_cast %shift_right_logical3A_343 : vector<16xi32> to vector<16xi32>
      tpu.vector_store %arg10[%swap3A_344], %swap3A_347 {strides = array<i32>} : memref<128xi32, #tpu.memory_space<vmem>>, vector<16xi32>,
      %get3A_348 = arith.index_cast %add3A_221 : i32 to index
      %get3A_349 = arith.constant 112 : index
      %get3A_350 = tpu.vector_load %arg6[%get3A_348, %get3A_349] {strides = array<i32>} : memref<80x128xi32, #tpu.memory_space<vmem>>, vector<1x16xi32>,
      %get3A_351 = vector.shape_cast %get3A_350 : vector<1x16xi32> to vector<16xi32>
      %and3A_352 = arith.constant 16383 : i32
      %and3A_353 = vector.broadcast %and3A_352 : i32 to vector<16xi32>
      %and3A_354 = arith.andi %get3A_351, %and3A_353 : vector<16xi32>
      %swap3A_355 = arith.constant 112 : index
      %swap3A_356 = tpu.vector_load %arg9[%swap3A_355] {strides = array<i32>} : memref<128xi32, #tpu.memory_space<vmem>>, vector<16xi32>,
      %swap3A_357 = vector.shape_cast %swap3A_356 : vector<16xi32> to vector<16xi32>
      %swap3A_358 = vector.shape_cast %and3A_354 : vector<16xi32> to vector<16xi32>
      tpu.vector_store %arg9[%swap3A_355], %swap3A_358 {strides = array<i32>} : memref<128xi32, #tpu.memory_space<vmem>>, vector<16xi32>,
      %shift_right_logical3A_359 = arith.constant 14 : i32
      %shift_right_logical3A_360 = vector.broadcast %shift_right_logical3A_359 : i32 to vector<16xi32>
      %shift_right_logical3A_361 = arith.shrui %get3A_351, %shift_right_logical3A_360 : vector<16xi32>
      %swap3A_362 = arith.constant 112 : index
      %swap3A_363 = tpu.vector_load %arg10[%swap3A_362] {strides = array<i32>} : memref<128xi32, #tpu.memory_space<vmem>>, vector<16xi32>,
      %swap3A_364 = vector.shape_cast %swap3A_363 : vector<16xi32> to vector<16xi32>
      %swap3A_365 = vector.shape_cast %shift_right_logical3A_361 : vector<16xi32> to vector<16xi32>
      tpu.vector_store %arg10[%swap3A_362], %swap3A_365 {strides = array<i32>} : memref<128xi32, #tpu.memory_space<vmem>>, vector<16xi32>,
      %dma_start3A_366 = arith.constant 0 : i32
      %dma_start3A_367 = arith.constant 0 : i32
      %dma_start3A_368 = tpu.memref_slice %arg2[%dma_start3A_366, %dma_start3A_367] : memref<10240x128xf32, #tpu.memory_space<hbm>> -> memref<10240x128xf32, #tpu.memory_space<hbm>>
      tpu.enqueue_indirect_dma source(%dma_start3A_368 : memref<10240x128xf32, #tpu.memory_space<hbm>>) target(%arg12 : memref<128x128xf32, #tpu.memory_space<vmem>>) offsets(%arg9 : memref<128xi32, #tpu.memory_space<vmem>>) semaphore(%arg14 : memref<!tpu.dma_semaphore, #tpu.memory_space<semaphore_mem>>)
      %dma_wait3A = arith.constant 0 : i32
      %dma_wait3A_369 = arith.constant 0 : i32
      %dma_wait3A_370 = tpu.memref_slice %arg4[%dma_wait3A, %dma_wait3A_369] : memref<10240x128xf32, #tpu.memory_space<hbm>> -> memref<128x128xf32, #tpu.memory_space<hbm>>
      %dma_wait3A_371 = arith.constant 0 : i32
      %dma_wait3A_372 = arith.constant 0 : i32
      %dma_wait3A_373 = tpu.memref_slice %arg4[%dma_wait3A_371, %dma_wait3A_372] : memref<10240x128xf32, #tpu.memory_space<hbm>> -> memref<128x128xf32, #tpu.memory_space<hbm>>
      tpu.wait_dma2 semaphore(%arg13 : memref<!tpu.dma_semaphore, #tpu.memory_space<semaphore_mem>>) src(%dma_wait3A_373 : memref<128x128xf32, #tpu.memory_space<hbm>>) dst(%arg11 : memref<128x128xf32, #tpu.memory_space<vmem>>)
      "tpu.region"() ({
        %run_scoped3A = tpu.sem_alloc : memref<!tpu.dma_semaphore, #tpu.memory_space<semaphore_mem>>
        %dma_start3A_384 = arith.constant 0 : i32
        %dma_start3A_385 = arith.constant 0 : i32
        %dma_start3A_386 = tpu.memref_slice %arg15[%dma_start3A_384, %dma_start3A_385] : memref<10240x128xf32, #tpu.memory_space<vmem_shared>> -> memref<10240x128xf32, #tpu.memory_space<vmem_shared>>
        tpu.enqueue_indirect_dma source(%arg11 : memref<128x128xf32, #tpu.memory_space<vmem>>) target(%dma_start3A_386 : memref<10240x128xf32, #tpu.memory_space<vmem_shared>>) offsets(%arg8 : memref<128xi32, #tpu.memory_space<vmem>>) semaphore(%run_scoped3A : memref<!tpu.dma_semaphore, #tpu.memory_space<semaphore_mem>>) {add = true}
        %dma_wait3A_387 = arith.constant 0 : i32
        %dma_wait3A_388 = arith.constant 0 : i32
        %dma_wait3A_389 = tpu.memref_slice %arg15[%dma_wait3A_387, %dma_wait3A_388] : memref<10240x128xf32, #tpu.memory_space<vmem_shared>> -> memref<10240x128xf32, #tpu.memory_space<vmem_shared>>
        tpu.wait_indirect_dma semaphore(%run_scoped3A : memref<!tpu.dma_semaphore, #tpu.memory_space<semaphore_mem>>) src(%arg11 : memref<128x128xf32, #tpu.memory_space<vmem>>) dst(%dma_wait3A_389 : memref<10240x128xf32, #tpu.memory_space<vmem_shared>>)
        tpu.yield
      }) : () -> ()
      %add3A_374 = arith.constant 2 : i32
      %add3A_375 = arith.addi %mul3A_219, %add3A_374 : i32
      %lt3A = arith.constant 80 : i32
      %lt3A_376 = arith.cmpi slt, %add3A_375, %lt3A : i32
      %convert_element_type3A = arith.extui %lt3A_376 : i1 to i32
      %cond3A = arith.constant 0 : i32
      %cond3A_377 = arith.cmpi ne, %convert_element_type3A, %cond3A : i32
      scf.if %cond3A_377 {
        %add3A_384 = arith.constant 2 : i32
        %add3A_385 = arith.addi %mul3A_219, %add3A_384 : i32
        %get3A_386 = arith.index_cast %add3A_385 : i32 to index
        %get3A_387 = arith.constant 0 : index
        %get3A_388 = tpu.vector_load %arg6[%get3A_386, %get3A_387] {strides = array<i32>} : memref<80x128xi32, #tpu.memory_space<vmem>>, vector<1x16xi32>,
        %get3A_389 = vector.shape_cast %get3A_388 : vector<1x16xi32> to vector<16xi32>
        %and3A_390 = arith.constant 16383 : i32
        %and3A_391 = vector.broadcast %and3A_390 : i32 to vector<16xi32>
        %and3A_392 = arith.andi %get3A_389, %and3A_391 : vector<16xi32>
        %swap3A_393 = arith.constant 0 : index
        %swap3A_394 = tpu.vector_load %arg7[%swap3A_393] {strides = array<i32>} : memref<128xi32, #tpu.memory_space<vmem>>, vector<16xi32>,
        %swap3A_395 = vector.shape_cast %swap3A_394 : vector<16xi32> to vector<16xi32>
        %swap3A_396 = vector.shape_cast %and3A_392 : vector<16xi32> to vector<16xi32>
        tpu.vector_store %arg7[%swap3A_393], %swap3A_396 {strides = array<i32>} : memref<128xi32, #tpu.memory_space<vmem>>, vector<16xi32>,
        %shift_right_logical3A_397 = arith.constant 14 : i32
        %shift_right_logical3A_398 = vector.broadcast %shift_right_logical3A_397 : i32 to vector<16xi32>
        %shift_right_logical3A_399 = arith.shrui %get3A_389, %shift_right_logical3A_398 : vector<16xi32>
        %swap3A_400 = arith.constant 0 : index
        %swap3A_401 = tpu.vector_load %arg8[%swap3A_400] {strides = array<i32>} : memref<128xi32, #tpu.memory_space<vmem>>, vector<16xi32>,
        %swap3A_402 = vector.shape_cast %swap3A_401 : vector<16xi32> to vector<16xi32>
        %swap3A_403 = vector.shape_cast %shift_right_logical3A_399 : vector<16xi32> to vector<16xi32>
        tpu.vector_store %arg8[%swap3A_400], %swap3A_403 {strides = array<i32>} : memref<128xi32, #tpu.memory_space<vmem>>, vector<16xi32>,
        %get3A_404 = arith.index_cast %add3A_385 : i32 to index
        %get3A_405 = arith.constant 16 : index
        %get3A_406 = tpu.vector_load %arg6[%get3A_404, %get3A_405] {strides = array<i32>} : memref<80x128xi32, #tpu.memory_space<vmem>>, vector<1x16xi32>,
        %get3A_407 = vector.shape_cast %get3A_406 : vector<1x16xi32> to vector<16xi32>
        %and3A_408 = arith.constant 16383 : i32
        %and3A_409 = vector.broadcast %and3A_408 : i32 to vector<16xi32>
        %and3A_410 = arith.andi %get3A_407, %and3A_409 : vector<16xi32>
        %swap3A_411 = arith.constant 16 : index
        %swap3A_412 = tpu.vector_load %arg7[%swap3A_411] {strides = array<i32>} : memref<128xi32, #tpu.memory_space<vmem>>, vector<16xi32>,
        %swap3A_413 = vector.shape_cast %swap3A_412 : vector<16xi32> to vector<16xi32>
        %swap3A_414 = vector.shape_cast %and3A_410 : vector<16xi32> to vector<16xi32>
        tpu.vector_store %arg7[%swap3A_411], %swap3A_414 {strides = array<i32>} : memref<128xi32, #tpu.memory_space<vmem>>, vector<16xi32>,
        %shift_right_logical3A_415 = arith.constant 14 : i32
        %shift_right_logical3A_416 = vector.broadcast %shift_right_logical3A_415 : i32 to vector<16xi32>
        %shift_right_logical3A_417 = arith.shrui %get3A_407, %shift_right_logical3A_416 : vector<16xi32>
        %swap3A_418 = arith.constant 16 : index
        %swap3A_419 = tpu.vector_load %arg8[%swap3A_418] {strides = array<i32>} : memref<128xi32, #tpu.memory_space<vmem>>, vector<16xi32>,
        %swap3A_420 = vector.shape_cast %swap3A_419 : vector<16xi32> to vector<16xi32>
        %swap3A_421 = vector.shape_cast %shift_right_logical3A_417 : vector<16xi32> to vector<16xi32>
        tpu.vector_store %arg8[%swap3A_418], %swap3A_421 {strides = array<i32>} : memref<128xi32, #tpu.memory_space<vmem>>, vector<16xi32>,
        %get3A_422 = arith.index_cast %add3A_385 : i32 to index
        %get3A_423 = arith.constant 32 : index
        %get3A_424 = tpu.vector_load %arg6[%get3A_422, %get3A_423] {strides = array<i32>} : memref<80x128xi32, #tpu.memory_space<vmem>>, vector<1x16xi32>,
        %get3A_425 = vector.shape_cast %get3A_424 : vector<1x16xi32> to vector<16xi32>
        %and3A_426 = arith.constant 16383 : i32
        %and3A_427 = vector.broadcast %and3A_426 : i32 to vector<16xi32>
        %and3A_428 = arith.andi %get3A_425, %and3A_427 : vector<16xi32>
        %swap3A_429 = arith.constant 32 : index
        %swap3A_430 = tpu.vector_load %arg7[%swap3A_429] {strides = array<i32>} : memref<128xi32, #tpu.memory_space<vmem>>, vector<16xi32>,
        %swap3A_431 = vector.shape_cast %swap3A_430 : vector<16xi32> to vector<16xi32>
        %swap3A_432 = vector.shape_cast %and3A_428 : vector<16xi32> to vector<16xi32>
        tpu.vector_store %arg7[%swap3A_429], %swap3A_432 {strides = array<i32>} : memref<128xi32, #tpu.memory_space<vmem>>, vector<16xi32>,
        %shift_right_logical3A_433 = arith.constant 14 : i32
        %shift_right_logical3A_434 = vector.broadcast %shift_right_logical3A_433 : i32 to vector<16xi32>
        %shift_right_logical3A_435 = arith.shrui %get3A_425, %shift_right_logical3A_434 : vector<16xi32>
        %swap3A_436 = arith.constant 32 : index
        %swap3A_437 = tpu.vector_load %arg8[%swap3A_436] {strides = array<i32>} : memref<128xi32, #tpu.memory_space<vmem>>, vector<16xi32>,
        %swap3A_438 = vector.shape_cast %swap3A_437 : vector<16xi32> to vector<16xi32>
        %swap3A_439 = vector.shape_cast %shift_right_logical3A_435 : vector<16xi32> to vector<16xi32>
        tpu.vector_store %arg8[%swap3A_436], %swap3A_439 {strides = array<i32>} : memref<128xi32, #tpu.memory_space<vmem>>, vector<16xi32>,
        %get3A_440 = arith.index_cast %add3A_385 : i32 to index
        %get3A_441 = arith.constant 48 : index
        %get3A_442 = tpu.vector_load %arg6[%get3A_440, %get3A_441] {strides = array<i32>} : memref<80x128xi32, #tpu.memory_space<vmem>>, vector<1x16xi32>,
        %get3A_443 = vector.shape_cast %get3A_442 : vector<1x16xi32> to vector<16xi32>
        %and3A_444 = arith.constant 16383 : i32
        %and3A_445 = vector.broadcast %and3A_444 : i32 to vector<16xi32>
        %and3A_446 = arith.andi %get3A_443, %and3A_445 : vector<16xi32>
        %swap3A_447 = arith.constant 48 : index
        %swap3A_448 = tpu.vector_load %arg7[%swap3A_447] {strides = array<i32>} : memref<128xi32, #tpu.memory_space<vmem>>, vector<16xi32>,
        %swap3A_449 = vector.shape_cast %swap3A_448 : vector<16xi32> to vector<16xi32>
        %swap3A_450 = vector.shape_cast %and3A_446 : vector<16xi32> to vector<16xi32>
        tpu.vector_store %arg7[%swap3A_447], %swap3A_450 {strides = array<i32>} : memref<128xi32, #tpu.memory_space<vmem>>, vector<16xi32>,
        %shift_right_logical3A_451 = arith.constant 14 : i32
        %shift_right_logical3A_452 = vector.broadcast %shift_right_logical3A_451 : i32 to vector<16xi32>
        %shift_right_logical3A_453 = arith.shrui %get3A_443, %shift_right_logical3A_452 : vector<16xi32>
        %swap3A_454 = arith.constant 48 : index
        %swap3A_455 = tpu.vector_load %arg8[%swap3A_454] {strides = array<i32>} : memref<128xi32, #tpu.memory_space<vmem>>, vector<16xi32>,
        %swap3A_456 = vector.shape_cast %swap3A_455 : vector<16xi32> to vector<16xi32>
        %swap3A_457 = vector.shape_cast %shift_right_logical3A_453 : vector<16xi32> to vector<16xi32>
        tpu.vector_store %arg8[%swap3A_454], %swap3A_457 {strides = array<i32>} : memref<128xi32, #tpu.memory_space<vmem>>, vector<16xi32>,
        %get3A_458 = arith.index_cast %add3A_385 : i32 to index
        %get3A_459 = arith.constant 64 : index
        %get3A_460 = tpu.vector_load %arg6[%get3A_458, %get3A_459] {strides = array<i32>} : memref<80x128xi32, #tpu.memory_space<vmem>>, vector<1x16xi32>,
        %get3A_461 = vector.shape_cast %get3A_460 : vector<1x16xi32> to vector<16xi32>
        %and3A_462 = arith.constant 16383 : i32
        %and3A_463 = vector.broadcast %and3A_462 : i32 to vector<16xi32>
        %and3A_464 = arith.andi %get3A_461, %and3A_463 : vector<16xi32>
        %swap3A_465 = arith.constant 64 : index
        %swap3A_466 = tpu.vector_load %arg7[%swap3A_465] {strides = array<i32>} : memref<128xi32, #tpu.memory_space<vmem>>, vector<16xi32>,
        %swap3A_467 = vector.shape_cast %swap3A_466 : vector<16xi32> to vector<16xi32>
        %swap3A_468 = vector.shape_cast %and3A_464 : vector<16xi32> to vector<16xi32>
        tpu.vector_store %arg7[%swap3A_465], %swap3A_468 {strides = array<i32>} : memref<128xi32, #tpu.memory_space<vmem>>, vector<16xi32>,
        %shift_right_logical3A_469 = arith.constant 14 : i32
        %shift_right_logical3A_470 = vector.broadcast %shift_right_logical3A_469 : i32 to vector<16xi32>
        %shift_right_logical3A_471 = arith.shrui %get3A_461, %shift_right_logical3A_470 : vector<16xi32>
        %swap3A_472 = arith.constant 64 : index
        %swap3A_473 = tpu.vector_load %arg8[%swap3A_472] {strides = array<i32>} : memref<128xi32, #tpu.memory_space<vmem>>, vector<16xi32>,
        %swap3A_474 = vector.shape_cast %swap3A_473 : vector<16xi32> to vector<16xi32>
        %swap3A_475 = vector.shape_cast %shift_right_logical3A_471 : vector<16xi32> to vector<16xi32>
        tpu.vector_store %arg8[%swap3A_472], %swap3A_475 {strides = array<i32>} : memref<128xi32, #tpu.memory_space<vmem>>, vector<16xi32>,
        %get3A_476 = arith.index_cast %add3A_385 : i32 to index
        %get3A_477 = arith.constant 80 : index
        %get3A_478 = tpu.vector_load %arg6[%get3A_476, %get3A_477] {strides = array<i32>} : memref<80x128xi32, #tpu.memory_space<vmem>>, vector<1x16xi32>,
        %get3A_479 = vector.shape_cast %get3A_478 : vector<1x16xi32> to vector<16xi32>
        %and3A_480 = arith.constant 16383 : i32
        %and3A_481 = vector.broadcast %and3A_480 : i32 to vector<16xi32>
        %and3A_482 = arith.andi %get3A_479, %and3A_481 : vector<16xi32>
        %swap3A_483 = arith.constant 80 : index
        %swap3A_484 = tpu.vector_load %arg7[%swap3A_483] {strides = array<i32>} : memref<128xi32, #tpu.memory_space<vmem>>, vector<16xi32>,
        %swap3A_485 = vector.shape_cast %swap3A_484 : vector<16xi32> to vector<16xi32>
        %swap3A_486 = vector.shape_cast %and3A_482 : vector<16xi32> to vector<16xi32>
        tpu.vector_store %arg7[%swap3A_483], %swap3A_486 {strides = array<i32>} : memref<128xi32, #tpu.memory_space<vmem>>, vector<16xi32>,
        %shift_right_logical3A_487 = arith.constant 14 : i32
        %shift_right_logical3A_488 = vector.broadcast %shift_right_logical3A_487 : i32 to vector<16xi32>
        %shift_right_logical3A_489 = arith.shrui %get3A_479, %shift_right_logical3A_488 : vector<16xi32>
        %swap3A_490 = arith.constant 80 : index
        %swap3A_491 = tpu.vector_load %arg8[%swap3A_490] {strides = array<i32>} : memref<128xi32, #tpu.memory_space<vmem>>, vector<16xi32>,
        %swap3A_492 = vector.shape_cast %swap3A_491 : vector<16xi32> to vector<16xi32>
        %swap3A_493 = vector.shape_cast %shift_right_logical3A_489 : vector<16xi32> to vector<16xi32>
        tpu.vector_store %arg8[%swap3A_490], %swap3A_493 {strides = array<i32>} : memref<128xi32, #tpu.memory_space<vmem>>, vector<16xi32>,
        %get3A_494 = arith.index_cast %add3A_385 : i32 to index
        %get3A_495 = arith.constant 96 : index
        %get3A_496 = tpu.vector_load %arg6[%get3A_494, %get3A_495] {strides = array<i32>} : memref<80x128xi32, #tpu.memory_space<vmem>>, vector<1x16xi32>,
        %get3A_497 = vector.shape_cast %get3A_496 : vector<1x16xi32> to vector<16xi32>
        %and3A_498 = arith.constant 16383 : i32
        %and3A_499 = vector.broadcast %and3A_498 : i32 to vector<16xi32>
        %and3A_500 = arith.andi %get3A_497, %and3A_499 : vector<16xi32>
        %swap3A_501 = arith.constant 96 : index
        %swap3A_502 = tpu.vector_load %arg7[%swap3A_501] {strides = array<i32>} : memref<128xi32, #tpu.memory_space<vmem>>, vector<16xi32>,
        %swap3A_503 = vector.shape_cast %swap3A_502 : vector<16xi32> to vector<16xi32>
        %swap3A_504 = vector.shape_cast %and3A_500 : vector<16xi32> to vector<16xi32>
        tpu.vector_store %arg7[%swap3A_501], %swap3A_504 {strides = array<i32>} : memref<128xi32, #tpu.memory_space<vmem>>, vector<16xi32>,
        %shift_right_logical3A_505 = arith.constant 14 : i32
        %shift_right_logical3A_506 = vector.broadcast %shift_right_logical3A_505 : i32 to vector<16xi32>
        %shift_right_logical3A_507 = arith.shrui %get3A_497, %shift_right_logical3A_506 : vector<16xi32>
        %swap3A_508 = arith.constant 96 : index
        %swap3A_509 = tpu.vector_load %arg8[%swap3A_508] {strides = array<i32>} : memref<128xi32, #tpu.memory_space<vmem>>, vector<16xi32>,
        %swap3A_510 = vector.shape_cast %swap3A_509 : vector<16xi32> to vector<16xi32>
        %swap3A_511 = vector.shape_cast %shift_right_logical3A_507 : vector<16xi32> to vector<16xi32>
        tpu.vector_store %arg8[%swap3A_508], %swap3A_511 {strides = array<i32>} : memref<128xi32, #tpu.memory_space<vmem>>, vector<16xi32>,
        %get3A_512 = arith.index_cast %add3A_385 : i32 to index
        %get3A_513 = arith.constant 112 : index
        %get3A_514 = tpu.vector_load %arg6[%get3A_512, %get3A_513] {strides = array<i32>} : memref<80x128xi32, #tpu.memory_space<vmem>>, vector<1x16xi32>,
        %get3A_515 = vector.shape_cast %get3A_514 : vector<1x16xi32> to vector<16xi32>
        %and3A_516 = arith.constant 16383 : i32
        %and3A_517 = vector.broadcast %and3A_516 : i32 to vector<16xi32>
        %and3A_518 = arith.andi %get3A_515, %and3A_517 : vector<16xi32>
        %swap3A_519 = arith.constant 112 : index
        %swap3A_520 = tpu.vector_load %arg7[%swap3A_519] {strides = array<i32>} : memref<128xi32, #tpu.memory_space<vmem>>, vector<16xi32>,
        %swap3A_521 = vector.shape_cast %swap3A_520 : vector<16xi32> to vector<16xi32>
        %swap3A_522 = vector.shape_cast %and3A_518 : vector<16xi32> to vector<16xi32>
        tpu.vector_store %arg7[%swap3A_519], %swap3A_522 {strides = array<i32>} : memref<128xi32, #tpu.memory_space<vmem>>, vector<16xi32>,
        %shift_right_logical3A_523 = arith.constant 14 : i32
        %shift_right_logical3A_524 = vector.broadcast %shift_right_logical3A_523 : i32 to vector<16xi32>
        %shift_right_logical3A_525 = arith.shrui %get3A_515, %shift_right_logical3A_524 : vector<16xi32>
        %swap3A_526 = arith.constant 112 : index
        %swap3A_527 = tpu.vector_load %arg8[%swap3A_526] {strides = array<i32>} : memref<128xi32, #tpu.memory_space<vmem>>, vector<16xi32>,
        %swap3A_528 = vector.shape_cast %swap3A_527 : vector<16xi32> to vector<16xi32>
        %swap3A_529 = vector.shape_cast %shift_right_logical3A_525 : vector<16xi32> to vector<16xi32>
        tpu.vector_store %arg8[%swap3A_526], %swap3A_529 {strides = array<i32>} : memref<128xi32, #tpu.memory_space<vmem>>, vector<16xi32>,
        %dma_start3A_530 = arith.constant 0 : i32
        %dma_start3A_531 = arith.constant 0 : i32
        %dma_start3A_532 = tpu.memref_slice %arg2[%dma_start3A_530, %dma_start3A_531] : memref<10240x128xf32, #tpu.memory_space<hbm>> -> memref<10240x128xf32, #tpu.memory_space<hbm>>
        tpu.enqueue_indirect_dma source(%dma_start3A_532 : memref<10240x128xf32, #tpu.memory_space<hbm>>) target(%arg11 : memref<128x128xf32, #tpu.memory_space<vmem>>) offsets(%arg7 : memref<128xi32, #tpu.memory_space<vmem>>) semaphore(%arg13 : memref<!tpu.dma_semaphore, #tpu.memory_space<semaphore_mem>>)
      } else {
      }
      %dma_wait3A_378 = arith.constant 0 : i32
      %dma_wait3A_379 = arith.constant 0 : i32
      %dma_wait3A_380 = tpu.memref_slice %arg4[%dma_wait3A_378, %dma_wait3A_379] : memref<10240x128xf32, #tpu.memory_space<hbm>> -> memref<128x128xf32, #tpu.memory_space<hbm>>
      %dma_wait3A_381 = arith.constant 0 : i32
      %dma_wait3A_382 = arith.constant 0 : i32
      %dma_wait3A_383 = tpu.memref_slice %arg4[%dma_wait3A_381, %dma_wait3A_382] : memref<10240x128xf32, #tpu.memory_space<hbm>> -> memref<128x128xf32, #tpu.memory_space<hbm>>
      tpu.wait_dma2 semaphore(%arg14 : memref<!tpu.dma_semaphore, #tpu.memory_space<semaphore_mem>>) src(%dma_wait3A_383 : memref<128x128xf32, #tpu.memory_space<hbm>>) dst(%arg12 : memref<128x128xf32, #tpu.memory_space<vmem>>)
      "tpu.region"() ({
        %run_scoped3A = tpu.sem_alloc : memref<!tpu.dma_semaphore, #tpu.memory_space<semaphore_mem>>
        %dma_start3A_384 = arith.constant 0 : i32
        %dma_start3A_385 = arith.constant 0 : i32
        %dma_start3A_386 = tpu.memref_slice %arg15[%dma_start3A_384, %dma_start3A_385] : memref<10240x128xf32, #tpu.memory_space<vmem_shared>> -> memref<10240x128xf32, #tpu.memory_space<vmem_shared>>
        tpu.enqueue_indirect_dma source(%arg12 : memref<128x128xf32, #tpu.memory_space<vmem>>) target(%dma_start3A_386 : memref<10240x128xf32, #tpu.memory_space<vmem_shared>>) offsets(%arg10 : memref<128xi32, #tpu.memory_space<vmem>>) semaphore(%run_scoped3A : memref<!tpu.dma_semaphore, #tpu.memory_space<semaphore_mem>>) {add = true}
        %dma_wait3A_387 = arith.constant 0 : i32
        %dma_wait3A_388 = arith.constant 0 : i32
        %dma_wait3A_389 = tpu.memref_slice %arg15[%dma_wait3A_387, %dma_wait3A_388] : memref<10240x128xf32, #tpu.memory_space<vmem_shared>> -> memref<10240x128xf32, #tpu.memory_space<vmem_shared>>
        tpu.wait_indirect_dma semaphore(%run_scoped3A : memref<!tpu.dma_semaphore, #tpu.memory_space<semaphore_mem>>) src(%arg12 : memref<128x128xf32, #tpu.memory_space<vmem>>) dst(%dma_wait3A_389 : memref<10240x128xf32, #tpu.memory_space<vmem_shared>>)
        tpu.yield
      }) : () -> ()
    }
    %scan3A_175 = arith.constant 40 : i32
    %barrier3A_176 = arith.constant 0 : index
    tpu.barrier barrier_id(%barrier3A_176)
    %mul3A_177 = arith.constant 640 : i32
    %mul3A_178 = arith.muli %arg1, %mul3A_177 : i32
    %add3A_179 = arith.constant 0 : i32
    %add3A_180 = arith.addi %mul3A_178, %add3A_179 : i32
    "tpu.region"() ({
      %run_scoped3A = tpu.sem_alloc : memref<!tpu.dma_semaphore, #tpu.memory_space<semaphore_mem>>
      %dma_start3A_217 = arith.constant 0 : i32
      %dma_start3A_218 = tpu.memref_slice %arg15[%add3A_180, %dma_start3A_217] : memref<10240x128xf32, #tpu.memory_space<vmem_shared>> -> memref<128x128xf32, #tpu.memory_space<vmem_shared>>
      %dma_start3A_219 = arith.constant 0 : i32
      %dma_start3A_220 = tpu.memref_slice %arg15[%add3A_180, %dma_start3A_219] : memref<10240x128xf32, #tpu.memory_space<vmem_shared>> -> memref<128x128xf32, #tpu.memory_space<vmem_shared>>
      tpu.enqueue_dma source(%dma_start3A_220 : memref<128x128xf32, #tpu.memory_space<vmem_shared>>) target(%arg11 : memref<128x128xf32, #tpu.memory_space<vmem>>) target_semaphore(%run_scoped3A : memref<!tpu.dma_semaphore, #tpu.memory_space<semaphore_mem>>)
      %dma_wait3A = arith.constant 0 : i32
      %dma_wait3A_221 = tpu.memref_slice %arg15[%add3A_180, %dma_wait3A] : memref<10240x128xf32, #tpu.memory_space<vmem_shared>> -> memref<128x128xf32, #tpu.memory_space<vmem_shared>>
      %dma_wait3A_222 = arith.constant 0 : i32
      %dma_wait3A_223 = tpu.memref_slice %arg15[%add3A_180, %dma_wait3A_222] : memref<10240x128xf32, #tpu.memory_space<vmem_shared>> -> memref<128x128xf32, #tpu.memory_space<vmem_shared>>
      tpu.wait_dma2 semaphore(%run_scoped3A : memref<!tpu.dma_semaphore, #tpu.memory_space<semaphore_mem>>) src(%dma_wait3A_223 : memref<128x128xf32, #tpu.memory_space<vmem_shared>>) dst(%arg11 : memref<128x128xf32, #tpu.memory_space<vmem>>)
      tpu.yield
    }) : () -> ()
    %mul3A_181 = arith.constant 640 : i32
    %mul3A_182 = arith.muli %arg1, %mul3A_181 : i32
    %add3A_183 = arith.constant 0 : i32
    %add3A_184 = arith.addi %mul3A_182, %add3A_183 : i32
    "tpu.region"() ({
      %run_scoped3A = tpu.sem_alloc : memref<!tpu.dma_semaphore, #tpu.memory_space<semaphore_mem>>
      %dma_start3A_217 = arith.constant 0 : i32
      %dma_start3A_218 = tpu.memref_slice %arg5[%arg0, %add3A_184, %dma_start3A_217] : memref<2x10240x128xf32, #tpu.memory_space<hbm>> -> memref<1x128x128xf32, #tpu.memory_space<hbm>>
      %dma_start3A_219 = tpu.memref_squeeze %dma_start3A_218 : memref<1x128x128xf32, #tpu.memory_space<hbm>> -> memref<128x128xf32, #tpu.memory_space<hbm>>
      %dma_start3A_220 = arith.constant 0 : i32
      %dma_start3A_221 = tpu.memref_slice %arg5[%arg0, %add3A_184, %dma_start3A_220] : memref<2x10240x128xf32, #tpu.memory_space<hbm>> -> memref<1x128x128xf32, #tpu.memory_space<hbm>>
      %dma_start3A_222 = tpu.memref_squeeze %dma_start3A_221 : memref<1x128x128xf32, #tpu.memory_space<hbm>> -> memref<128x128xf32, #tpu.memory_space<hbm>>
      tpu.enqueue_dma source(%arg11 : memref<128x128xf32, #tpu.memory_space<vmem>>) target(%dma_start3A_222 : memref<128x128xf32, #tpu.memory_space<hbm>>) target_semaphore(%run_scoped3A : memref<!tpu.dma_semaphore, #tpu.memory_space<semaphore_mem>>)
      %dma_wait3A = arith.constant 0 : i32
      %dma_wait3A_223 = tpu.memref_slice %arg5[%arg0, %add3A_184, %dma_wait3A] : memref<2x10240x128xf32, #tpu.memory_space<hbm>> -> memref<1x128x128xf32, #tpu.memory_space<hbm>>
      %dma_wait3A_224 = tpu.memref_squeeze %dma_wait3A_223 : memref<1x128x128xf32, #tpu.memory_space<hbm>> -> memref<128x128xf32, #tpu.memory_space<hbm>>
      %dma_wait3A_225 = arith.constant 0 : i32
      %dma_wait3A_226 = tpu.memref_slice %arg5[%arg0, %add3A_184, %dma_wait3A_225] : memref<2x10240x128xf32, #tpu.memory_space<hbm>> -> memref<1x128x128xf32, #tpu.memory_space<hbm>>
      %dma_wait3A_227 = tpu.memref_squeeze %dma_wait3A_226 : memref<1x128x128xf32, #tpu.memory_space<hbm>> -> memref<128x128xf32, #tpu.memory_space<hbm>>
      tpu.wait_dma2 semaphore(%run_scoped3A : memref<!tpu.dma_semaphore, #tpu.memory_space<semaphore_mem>>) src(%arg11 : memref<128x128xf32, #tpu.memory_space<vmem>>) dst(%dma_wait3A_227 : memref<128x128xf32, #tpu.memory_space<hbm>>)
      tpu.yield
    }) : () -> ()
    %mul3A_185 = arith.constant 640 : i32
    %mul3A_186 = arith.muli %arg1, %mul3A_185 : i32
    %add3A_187 = arith.constant 128 : i32
    %add3A_188 = arith.addi %mul3A_186, %add3A_187 : i32
    "tpu.region"() ({
      %run_scoped3A = tpu.sem_alloc : memref<!tpu.dma_semaphore, #tpu.memory_space<semaphore_mem>>
      %dma_start3A_217 = arith.constant 0 : i32
      %dma_start3A_218 = tpu.memref_slice %arg15[%add3A_188, %dma_start3A_217] : memref<10240x128xf32, #tpu.memory_space<vmem_shared>> -> memref<128x128xf32, #tpu.memory_space<vmem_shared>>
      %dma_start3A_219 = arith.constant 0 : i32
      %dma_start3A_220 = tpu.memref_slice %arg15[%add3A_188, %dma_start3A_219] : memref<10240x128xf32, #tpu.memory_space<vmem_shared>> -> memref<128x128xf32, #tpu.memory_space<vmem_shared>>
      tpu.enqueue_dma source(%dma_start3A_220 : memref<128x128xf32, #tpu.memory_space<vmem_shared>>) target(%arg11 : memref<128x128xf32, #tpu.memory_space<vmem>>) target_semaphore(%run_scoped3A : memref<!tpu.dma_semaphore, #tpu.memory_space<semaphore_mem>>)
      %dma_wait3A = arith.constant 0 : i32
      %dma_wait3A_221 = tpu.memref_slice %arg15[%add3A_188, %dma_wait3A] : memref<10240x128xf32, #tpu.memory_space<vmem_shared>> -> memref<128x128xf32, #tpu.memory_space<vmem_shared>>
      %dma_wait3A_222 = arith.constant 0 : i32
      %dma_wait3A_223 = tpu.memref_slice %arg15[%add3A_188, %dma_wait3A_222] : memref<10240x128xf32, #tpu.memory_space<vmem_shared>> -> memref<128x128xf32, #tpu.memory_space<vmem_shared>>
      tpu.wait_dma2 semaphore(%run_scoped3A : memref<!tpu.dma_semaphore, #tpu.memory_space<semaphore_mem>>) src(%dma_wait3A_223 : memref<128x128xf32, #tpu.memory_space<vmem_shared>>) dst(%arg11 : memref<128x128xf32, #tpu.memory_space<vmem>>)
      tpu.yield
    }) : () -> ()
    %mul3A_189 = arith.constant 640 : i32
    %mul3A_190 = arith.muli %arg1, %mul3A_189 : i32
    %add3A_191 = arith.constant 128 : i32
    %add3A_192 = arith.addi %mul3A_190, %add3A_191 : i32
    "tpu.region"() ({
      %run_scoped3A = tpu.sem_alloc : memref<!tpu.dma_semaphore, #tpu.memory_space<semaphore_mem>>
      %dma_start3A_217 = arith.constant 0 : i32
      %dma_start3A_218 = tpu.memref_slice %arg5[%arg0, %add3A_192, %dma_start3A_217] : memref<2x10240x128xf32, #tpu.memory_space<hbm>> -> memref<1x128x128xf32, #tpu.memory_space<hbm>>
      %dma_start3A_219 = tpu.memref_squeeze %dma_start3A_218 : memref<1x128x128xf32, #tpu.memory_space<hbm>> -> memref<128x128xf32, #tpu.memory_space<hbm>>
      %dma_start3A_220 = arith.constant 0 : i32
      %dma_start3A_221 = tpu.memref_slice %arg5[%arg0, %add3A_192, %dma_start3A_220] : memref<2x10240x128xf32, #tpu.memory_space<hbm>> -> memref<1x128x128xf32, #tpu.memory_space<hbm>>
      %dma_start3A_222 = tpu.memref_squeeze %dma_start3A_221 : memref<1x128x128xf32, #tpu.memory_space<hbm>> -> memref<128x128xf32, #tpu.memory_space<hbm>>
      tpu.enqueue_dma source(%arg11 : memref<128x128xf32, #tpu.memory_space<vmem>>) target(%dma_start3A_222 : memref<128x128xf32, #tpu.memory_space<hbm>>) target_semaphore(%run_scoped3A : memref<!tpu.dma_semaphore, #tpu.memory_space<semaphore_mem>>)
      %dma_wait3A = arith.constant 0 : i32
      %dma_wait3A_223 = tpu.memref_slice %arg5[%arg0, %add3A_192, %dma_wait3A] : memref<2x10240x128xf32, #tpu.memory_space<hbm>> -> memref<1x128x128xf32, #tpu.memory_space<hbm>>
      %dma_wait3A_224 = tpu.memref_squeeze %dma_wait3A_223 : memref<1x128x128xf32, #tpu.memory_space<hbm>> -> memref<128x128xf32, #tpu.memory_space<hbm>>
      %dma_wait3A_225 = arith.constant 0 : i32
      %dma_wait3A_226 = tpu.memref_slice %arg5[%arg0, %add3A_192, %dma_wait3A_225] : memref<2x10240x128xf32, #tpu.memory_space<hbm>> -> memref<1x128x128xf32, #tpu.memory_space<hbm>>
      %dma_wait3A_227 = tpu.memref_squeeze %dma_wait3A_226 : memref<1x128x128xf32, #tpu.memory_space<hbm>> -> memref<128x128xf32, #tpu.memory_space<hbm>>
      tpu.wait_dma2 semaphore(%run_scoped3A : memref<!tpu.dma_semaphore, #tpu.memory_space<semaphore_mem>>) src(%arg11 : memref<128x128xf32, #tpu.memory_space<vmem>>) dst(%dma_wait3A_227 : memref<128x128xf32, #tpu.memory_space<hbm>>)
      tpu.yield
    }) : () -> ()
    %mul3A_193 = arith.constant 640 : i32
    %mul3A_194 = arith.muli %arg1, %mul3A_193 : i32
    %add3A_195 = arith.constant 256 : i32
    %add3A_196 = arith.addi %mul3A_194, %add3A_195 : i32
    "tpu.region"() ({
      %run_scoped3A = tpu.sem_alloc : memref<!tpu.dma_semaphore, #tpu.memory_space<semaphore_mem>>
      %dma_start3A_217 = arith.constant 0 : i32
      %dma_start3A_218 = tpu.memref_slice %arg15[%add3A_196, %dma_start3A_217] : memref<10240x128xf32, #tpu.memory_space<vmem_shared>> -> memref<128x128xf32, #tpu.memory_space<vmem_shared>>
      %dma_start3A_219 = arith.constant 0 : i32
      %dma_start3A_220 = tpu.memref_slice %arg15[%add3A_196, %dma_start3A_219] : memref<10240x128xf32, #tpu.memory_space<vmem_shared>> -> memref<128x128xf32, #tpu.memory_space<vmem_shared>>
      tpu.enqueue_dma source(%dma_start3A_220 : memref<128x128xf32, #tpu.memory_space<vmem_shared>>) target(%arg11 : memref<128x128xf32, #tpu.memory_space<vmem>>) target_semaphore(%run_scoped3A : memref<!tpu.dma_semaphore, #tpu.memory_space<semaphore_mem>>)
      %dma_wait3A = arith.constant 0 : i32
      %dma_wait3A_221 = tpu.memref_slice %arg15[%add3A_196, %dma_wait3A] : memref<10240x128xf32, #tpu.memory_space<vmem_shared>> -> memref<128x128xf32, #tpu.memory_space<vmem_shared>>
      %dma_wait3A_222 = arith.constant 0 : i32
      %dma_wait3A_223 = tpu.memref_slice %arg15[%add3A_196, %dma_wait3A_222] : memref<10240x128xf32, #tpu.memory_space<vmem_shared>> -> memref<128x128xf32, #tpu.memory_space<vmem_shared>>
      tpu.wait_dma2 semaphore(%run_scoped3A : memref<!tpu.dma_semaphore, #tpu.memory_space<semaphore_mem>>) src(%dma_wait3A_223 : memref<128x128xf32, #tpu.memory_space<vmem_shared>>) dst(%arg11 : memref<128x128xf32, #tpu.memory_space<vmem>>)
      tpu.yield
    }) : () -> ()
    %mul3A_197 = arith.constant 640 : i32
    %mul3A_198 = arith.muli %arg1, %mul3A_197 : i32
    %add3A_199 = arith.constant 256 : i32
    %add3A_200 = arith.addi %mul3A_198, %add3A_199 : i32
    "tpu.region"() ({
      %run_scoped3A = tpu.sem_alloc : memref<!tpu.dma_semaphore, #tpu.memory_space<semaphore_mem>>
      %dma_start3A_217 = arith.constant 0 : i32
      %dma_start3A_218 = tpu.memref_slice %arg5[%arg0, %add3A_200, %dma_start3A_217] : memref<2x10240x128xf32, #tpu.memory_space<hbm>> -> memref<1x128x128xf32, #tpu.memory_space<hbm>>
      %dma_start3A_219 = tpu.memref_squeeze %dma_start3A_218 : memref<1x128x128xf32, #tpu.memory_space<hbm>> -> memref<128x128xf32, #tpu.memory_space<hbm>>
      %dma_start3A_220 = arith.constant 0 : i32
      %dma_start3A_221 = tpu.memref_slice %arg5[%arg0, %add3A_200, %dma_start3A_220] : memref<2x10240x128xf32, #tpu.memory_space<hbm>> -> memref<1x128x128xf32, #tpu.memory_space<hbm>>
      %dma_start3A_222 = tpu.memref_squeeze %dma_start3A_221 : memref<1x128x128xf32, #tpu.memory_space<hbm>> -> memref<128x128xf32, #tpu.memory_space<hbm>>
      tpu.enqueue_dma source(%arg11 : memref<128x128xf32, #tpu.memory_space<vmem>>) target(%dma_start3A_222 : memref<128x128xf32, #tpu.memory_space<hbm>>) target_semaphore(%run_scoped3A : memref<!tpu.dma_semaphore, #tpu.memory_space<semaphore_mem>>)
      %dma_wait3A = arith.constant 0 : i32
      %dma_wait3A_223 = tpu.memref_slice %arg5[%arg0, %add3A_200, %dma_wait3A] : memref<2x10240x128xf32, #tpu.memory_space<hbm>> -> memref<1x128x128xf32, #tpu.memory_space<hbm>>
      %dma_wait3A_224 = tpu.memref_squeeze %dma_wait3A_223 : memref<1x128x128xf32, #tpu.memory_space<hbm>> -> memref<128x128xf32, #tpu.memory_space<hbm>>
      %dma_wait3A_225 = arith.constant 0 : i32
      %dma_wait3A_226 = tpu.memref_slice %arg5[%arg0, %add3A_200, %dma_wait3A_225] : memref<2x10240x128xf32, #tpu.memory_space<hbm>> -> memref<1x128x128xf32, #tpu.memory_space<hbm>>
      %dma_wait3A_227 = tpu.memref_squeeze %dma_wait3A_226 : memref<1x128x128xf32, #tpu.memory_space<hbm>> -> memref<128x128xf32, #tpu.memory_space<hbm>>
      tpu.wait_dma2 semaphore(%run_scoped3A : memref<!tpu.dma_semaphore, #tpu.memory_space<semaphore_mem>>) src(%arg11 : memref<128x128xf32, #tpu.memory_space<vmem>>) dst(%dma_wait3A_227 : memref<128x128xf32, #tpu.memory_space<hbm>>)
      tpu.yield
    }) : () -> ()
    %mul3A_201 = arith.constant 640 : i32
    %mul3A_202 = arith.muli %arg1, %mul3A_201 : i32
    %add3A_203 = arith.constant 384 : i32
    %add3A_204 = arith.addi %mul3A_202, %add3A_203 : i32
    "tpu.region"() ({
      %run_scoped3A = tpu.sem_alloc : memref<!tpu.dma_semaphore, #tpu.memory_space<semaphore_mem>>
      %dma_start3A_217 = arith.constant 0 : i32
      %dma_start3A_218 = tpu.memref_slice %arg15[%add3A_204, %dma_start3A_217] : memref<10240x128xf32, #tpu.memory_space<vmem_shared>> -> memref<128x128xf32, #tpu.memory_space<vmem_shared>>
      %dma_start3A_219 = arith.constant 0 : i32
      %dma_start3A_220 = tpu.memref_slice %arg15[%add3A_204, %dma_start3A_219] : memref<10240x128xf32, #tpu.memory_space<vmem_shared>> -> memref<128x128xf32, #tpu.memory_space<vmem_shared>>
      tpu.enqueue_dma source(%dma_start3A_220 : memref<128x128xf32, #tpu.memory_space<vmem_shared>>) target(%arg11 : memref<128x128xf32, #tpu.memory_space<vmem>>) target_semaphore(%run_scoped3A : memref<!tpu.dma_semaphore, #tpu.memory_space<semaphore_mem>>)
      %dma_wait3A = arith.constant 0 : i32
      %dma_wait3A_221 = tpu.memref_slice %arg15[%add3A_204, %dma_wait3A] : memref<10240x128xf32, #tpu.memory_space<vmem_shared>> -> memref<128x128xf32, #tpu.memory_space<vmem_shared>>
      %dma_wait3A_222 = arith.constant 0 : i32
      %dma_wait3A_223 = tpu.memref_slice %arg15[%add3A_204, %dma_wait3A_222] : memref<10240x128xf32, #tpu.memory_space<vmem_shared>> -> memref<128x128xf32, #tpu.memory_space<vmem_shared>>
      tpu.wait_dma2 semaphore(%run_scoped3A : memref<!tpu.dma_semaphore, #tpu.memory_space<semaphore_mem>>) src(%dma_wait3A_223 : memref<128x128xf32, #tpu.memory_space<vmem_shared>>) dst(%arg11 : memref<128x128xf32, #tpu.memory_space<vmem>>)
      tpu.yield
    }) : () -> ()
    %mul3A_205 = arith.constant 640 : i32
    %mul3A_206 = arith.muli %arg1, %mul3A_205 : i32
    %add3A_207 = arith.constant 384 : i32
    %add3A_208 = arith.addi %mul3A_206, %add3A_207 : i32
    "tpu.region"() ({
      %run_scoped3A = tpu.sem_alloc : memref<!tpu.dma_semaphore, #tpu.memory_space<semaphore_mem>>
      %dma_start3A_217 = arith.constant 0 : i32
      %dma_start3A_218 = tpu.memref_slice %arg5[%arg0, %add3A_208, %dma_start3A_217] : memref<2x10240x128xf32, #tpu.memory_space<hbm>> -> memref<1x128x128xf32, #tpu.memory_space<hbm>>
      %dma_start3A_219 = tpu.memref_squeeze %dma_start3A_218 : memref<1x128x128xf32, #tpu.memory_space<hbm>> -> memref<128x128xf32, #tpu.memory_space<hbm>>
      %dma_start3A_220 = arith.constant 0 : i32
      %dma_start3A_221 = tpu.memref_slice %arg5[%arg0, %add3A_208, %dma_start3A_220] : memref<2x10240x128xf32, #tpu.memory_space<hbm>> -> memref<1x128x128xf32, #tpu.memory_space<hbm>>
      %dma_start3A_222 = tpu.memref_squeeze %dma_start3A_221 : memref<1x128x128xf32, #tpu.memory_space<hbm>> -> memref<128x128xf32, #tpu.memory_space<hbm>>
      tpu.enqueue_dma source(%arg11 : memref<128x128xf32, #tpu.memory_space<vmem>>) target(%dma_start3A_222 : memref<128x128xf32, #tpu.memory_space<hbm>>) target_semaphore(%run_scoped3A : memref<!tpu.dma_semaphore, #tpu.memory_space<semaphore_mem>>)
      %dma_wait3A = arith.constant 0 : i32
      %dma_wait3A_223 = tpu.memref_slice %arg5[%arg0, %add3A_208, %dma_wait3A] : memref<2x10240x128xf32, #tpu.memory_space<hbm>> -> memref<1x128x128xf32, #tpu.memory_space<hbm>>
      %dma_wait3A_224 = tpu.memref_squeeze %dma_wait3A_223 : memref<1x128x128xf32, #tpu.memory_space<hbm>> -> memref<128x128xf32, #tpu.memory_space<hbm>>
      %dma_wait3A_225 = arith.constant 0 : i32
      %dma_wait3A_226 = tpu.memref_slice %arg5[%arg0, %add3A_208, %dma_wait3A_225] : memref<2x10240x128xf32, #tpu.memory_space<hbm>> -> memref<1x128x128xf32, #tpu.memory_space<hbm>>
      %dma_wait3A_227 = tpu.memref_squeeze %dma_wait3A_226 : memref<1x128x128xf32, #tpu.memory_space<hbm>> -> memref<128x128xf32, #tpu.memory_space<hbm>>
      tpu.wait_dma2 semaphore(%run_scoped3A : memref<!tpu.dma_semaphore, #tpu.memory_space<semaphore_mem>>) src(%arg11 : memref<128x128xf32, #tpu.memory_space<vmem>>) dst(%dma_wait3A_227 : memref<128x128xf32, #tpu.memory_space<hbm>>)
      tpu.yield
    }) : () -> ()
    %mul3A_209 = arith.constant 640 : i32
    %mul3A_210 = arith.muli %arg1, %mul3A_209 : i32
    %add3A_211 = arith.constant 512 : i32
    %add3A_212 = arith.addi %mul3A_210, %add3A_211 : i32
    "tpu.region"() ({
      %run_scoped3A = tpu.sem_alloc : memref<!tpu.dma_semaphore, #tpu.memory_space<semaphore_mem>>
      %dma_start3A_217 = arith.constant 0 : i32
      %dma_start3A_218 = tpu.memref_slice %arg15[%add3A_212, %dma_start3A_217] : memref<10240x128xf32, #tpu.memory_space<vmem_shared>> -> memref<128x128xf32, #tpu.memory_space<vmem_shared>>
      %dma_start3A_219 = arith.constant 0 : i32
      %dma_start3A_220 = tpu.memref_slice %arg15[%add3A_212, %dma_start3A_219] : memref<10240x128xf32, #tpu.memory_space<vmem_shared>> -> memref<128x128xf32, #tpu.memory_space<vmem_shared>>
      tpu.enqueue_dma source(%dma_start3A_220 : memref<128x128xf32, #tpu.memory_space<vmem_shared>>) target(%arg11 : memref<128x128xf32, #tpu.memory_space<vmem>>) target_semaphore(%run_scoped3A : memref<!tpu.dma_semaphore, #tpu.memory_space<semaphore_mem>>)
      %dma_wait3A = arith.constant 0 : i32
      %dma_wait3A_221 = tpu.memref_slice %arg15[%add3A_212, %dma_wait3A] : memref<10240x128xf32, #tpu.memory_space<vmem_shared>> -> memref<128x128xf32, #tpu.memory_space<vmem_shared>>
      %dma_wait3A_222 = arith.constant 0 : i32
      %dma_wait3A_223 = tpu.memref_slice %arg15[%add3A_212, %dma_wait3A_222] : memref<10240x128xf32, #tpu.memory_space<vmem_shared>> -> memref<128x128xf32, #tpu.memory_space<vmem_shared>>
      tpu.wait_dma2 semaphore(%run_scoped3A : memref<!tpu.dma_semaphore, #tpu.memory_space<semaphore_mem>>) src(%dma_wait3A_223 : memref<128x128xf32, #tpu.memory_space<vmem_shared>>) dst(%arg11 : memref<128x128xf32, #tpu.memory_space<vmem>>)
      tpu.yield
    }) : () -> ()
    %mul3A_213 = arith.constant 640 : i32
    %mul3A_214 = arith.muli %arg1, %mul3A_213 : i32
    %add3A_215 = arith.constant 512 : i32
    %add3A_216 = arith.addi %mul3A_214, %add3A_215 : i32
    "tpu.region"() ({
      %run_scoped3A = tpu.sem_alloc : memref<!tpu.dma_semaphore, #tpu.memory_space<semaphore_mem>>
      %dma_start3A_217 = arith.constant 0 : i32
      %dma_start3A_218 = tpu.memref_slice %arg5[%arg0, %add3A_216, %dma_start3A_217] : memref<2x10240x128xf32, #tpu.memory_space<hbm>> -> memref<1x128x128xf32, #tpu.memory_space<hbm>>
      %dma_start3A_219 = tpu.memref_squeeze %dma_start3A_218 : memref<1x128x128xf32, #tpu.memory_space<hbm>> -> memref<128x128xf32, #tpu.memory_space<hbm>>
      %dma_start3A_220 = arith.constant 0 : i32
      %dma_start3A_221 = tpu.memref_slice %arg5[%arg0, %add3A_216, %dma_start3A_220] : memref<2x10240x128xf32, #tpu.memory_space<hbm>> -> memref<1x128x128xf32, #tpu.memory_space<hbm>>
      %dma_start3A_222 = tpu.memref_squeeze %dma_start3A_221 : memref<1x128x128xf32, #tpu.memory_space<hbm>> -> memref<128x128xf32, #tpu.memory_space<hbm>>
      tpu.enqueue_dma source(%arg11 : memref<128x128xf32, #tpu.memory_space<vmem>>) target(%dma_start3A_222 : memref<128x128xf32, #tpu.memory_space<hbm>>) target_semaphore(%run_scoped3A : memref<!tpu.dma_semaphore, #tpu.memory_space<semaphore_mem>>)
      %dma_wait3A = arith.constant 0 : i32
      %dma_wait3A_223 = tpu.memref_slice %arg5[%arg0, %add3A_216, %dma_wait3A] : memref<2x10240x128xf32, #tpu.memory_space<hbm>> -> memref<1x128x128xf32, #tpu.memory_space<hbm>>
      %dma_wait3A_224 = tpu.memref_squeeze %dma_wait3A_223 : memref<1x128x128xf32, #tpu.memory_space<hbm>> -> memref<128x128xf32, #tpu.memory_space<hbm>>
      %dma_wait3A_225 = arith.constant 0 : i32
      %dma_wait3A_226 = tpu.memref_slice %arg5[%arg0, %add3A_216, %dma_wait3A_225] : memref<2x10240x128xf32, #tpu.memory_space<hbm>> -> memref<1x128x128xf32, #tpu.memory_space<hbm>>
      %dma_wait3A_227 = tpu.memref_squeeze %dma_wait3A_226 : memref<1x128x128xf32, #tpu.memory_space<hbm>> -> memref<128x128xf32, #tpu.memory_space<hbm>>
      tpu.wait_dma2 semaphore(%run_scoped3A : memref<!tpu.dma_semaphore, #tpu.memory_space<semaphore_mem>>) src(%arg11 : memref<128x128xf32, #tpu.memory_space<vmem>>) dst(%dma_wait3A_227 : memref<128x128xf32, #tpu.memory_space<hbm>>)
      tpu.yield
    }) : () -> ()
    return
  }
}

module attributes {stable_mosaic.version = 14 : i64} {
  func.func @_prep_body(%arg0: i32, %arg1: memref<1000x128xf32, #tpu.memory_space<vmem>>, %arg2: memref<2x1000x128xf32, #tpu.memory_space<vmem>>, %arg3: memref<1000x1xf32, #tpu.memory_space<vmem>>, %arg4: memref<1000x1xf32, #tpu.memory_space<vmem>>, %arg5: memref<1000x128xf32, #tpu.memory_space<vmem>>) attributes {dimension_semantics = [#tpu.dimension_semantics<arbitrary>], iteration_bounds = array<i64: 10>, scalar_prefetch = 0 : i64, scratch_operands = 0 : i64, tpu.core_type = #tpu.core_type<tc>, window_params = [{transform_indices = @transform_0, window_bounds = array<i64: 1000, 128>}, {transform_indices = @transform_1, window_bounds = array<i64: 2, 1000, 128>}, {transform_indices = @transform_2, window_bounds = array<i64: 1000, 1>}, {transform_indices = @transform_3, window_bounds = array<i64: 1000, 1>}, {transform_indices = @transform_4, window_bounds = array<i64: 1000, 128>}]} {
    %get3A = arith.constant 0 : index
    %get3A_0 = arith.constant 0 : index
    %get3A_1 = arith.constant 0 : index
    %get3A_2 = vector.load %arg2[%get3A, %get3A_0, %get3A_1] : memref<2x1000x128xf32, #tpu.memory_space<vmem>>, vector<2x1000x128xf32>
    %slice3A = vector.extract_strided_slice %get3A_2 {offsets = [0, 0, 0], sizes = [1, 1000, 1], strides = [1, 1, 1]} : vector<2x1000x128xf32> to vector<1x1000x1xf32>
    %squeeze3A = vector.shape_cast %slice3A : vector<1x1000x1xf32> to vector<1000x1xf32>
    %slice3A_3 = vector.extract_strided_slice %get3A_2 {offsets = [1, 0, 0], sizes = [1, 1000, 1], strides = [1, 1, 1]} : vector<2x1000x128xf32> to vector<1x1000x1xf32>
    %squeeze3A_4 = vector.shape_cast %slice3A_3 : vector<1x1000x1xf32> to vector<1000x1xf32>
    %gt3A = arith.constant 0.000000e+00 : f32
    %gt3A_5 = vector.broadcast %gt3A : f32 to vector<1000x1xf32>
    %gt3A_6 = arith.cmpf ogt, %squeeze3A, %gt3A_5 : vector<1000x1xf32>
    %max3A = arith.constant 9.99999996E-13 : f32
    %max3A_7 = vector.broadcast %max3A : f32 to vector<1000x1xf32>
    %max3A_8 = arith.maximumf %squeeze3A, %max3A_7 : vector<1000x1xf32>
    %rsqrt3A = math.rsqrt %max3A_8 : vector<1000x1xf32>
    %jit3A = arith.constant 0.000000e+00 : f32
    %broadcast_in_dim3A = vector.broadcast %jit3A : f32 to vector<1000x1xf32>
    %select_n3A = arith.select %gt3A_6, %rsqrt3A, %broadcast_in_dim3A : vector<1000x1xi1>, vector<1000x1xf32>
    %gt3A_9 = arith.constant 0.000000e+00 : f32
    %gt3A_10 = vector.broadcast %gt3A_9 : f32 to vector<1000x1xf32>
    %gt3A_11 = arith.cmpf ogt, %squeeze3A_4, %gt3A_10 : vector<1000x1xf32>
    %max3A_12 = arith.constant 9.99999996E-13 : f32
    %max3A_13 = vector.broadcast %max3A_12 : f32 to vector<1000x1xf32>
    %max3A_14 = arith.maximumf %squeeze3A_4, %max3A_13 : vector<1000x1xf32>
    %rsqrt3A_15 = math.rsqrt %max3A_14 : vector<1000x1xf32>
    %jit3A_16 = arith.constant 0.000000e+00 : f32
    %broadcast_in_dim3A_17 = vector.broadcast %jit3A_16 : f32 to vector<1000x1xf32>
    %select_n3A_18 = arith.select %gt3A_11, %rsqrt3A_15, %broadcast_in_dim3A_17 : vector<1000x1xi1>, vector<1000x1xf32>
    %swap3A = arith.constant 0 : index
    %swap3A_19 = arith.constant 0 : index
    %swap3A_20 = vector.load %arg4[%swap3A, %swap3A_19] : memref<1000x1xf32, #tpu.memory_space<vmem>>, vector<1000x1xf32>
    tpu.vector_store %arg4[%swap3A, %swap3A_19], %select_n3A {strides = array<i32>} : memref<1000x1xf32, #tpu.memory_space<vmem>>, vector<1000x1xf32>,
    %swap3A_21 = arith.constant 0 : index
    %swap3A_22 = arith.constant 0 : index
    %swap3A_23 = vector.load %arg3[%swap3A_21, %swap3A_22] : memref<1000x1xf32, #tpu.memory_space<vmem>>, vector<1000x1xf32>
    tpu.vector_store %arg3[%swap3A_21, %swap3A_22], %select_n3A_18 {strides = array<i32>} : memref<1000x1xf32, #tpu.memory_space<vmem>>, vector<1000x1xf32>,
    %get3A_24 = arith.constant 0 : index
    %get3A_25 = arith.constant 0 : index
    %get3A_26 = vector.load %arg1[%get3A_24, %get3A_25] : memref<1000x128xf32, #tpu.memory_space<vmem>>, vector<1000x128xf32>
    %mul3A = vector.broadcast %select_n3A : vector<1000x1xf32> to vector<1000x128xf32>
    %mul3A_27 = arith.mulf %get3A_26, %mul3A : vector<1000x128xf32>
    %swap3A_28 = arith.constant 0 : index
    %swap3A_29 = arith.constant 0 : index
    %swap3A_30 = vector.load %arg5[%swap3A_28, %swap3A_29] : memref<1000x128xf32, #tpu.memory_space<vmem>>, vector<1000x128xf32>
    tpu.vector_store %arg5[%swap3A_28, %swap3A_29], %mul3A_27 {strides = array<i32>} : memref<1000x128xf32, #tpu.memory_space<vmem>>, vector<1000x128xf32>,
    return
  }
  func.func @transform_0(%arg0: i32) -> (i32, i32) {
    %c0_i32 = arith.constant 0 : i32
    %c0_i32_0 = arith.constant 0 : i32
    return %arg0, %c0_i32 : i32, i32
  }
  func.func @transform_1(%arg0: i32) -> (i32, i32, i32) {
    %c0_i32 = arith.constant 0 : i32
    %c0_i32_0 = arith.constant 0 : i32
    %c0_i32_1 = arith.constant 0 : i32
    return %c0_i32, %arg0, %c0_i32_0 : i32, i32, i32
  }
  func.func @transform_2(%arg0: i32) -> (i32, i32) {
    %c0_i32 = arith.constant 0 : i32
    %c0_i32_0 = arith.constant 0 : i32
    return %arg0, %c0_i32 : i32, i32
  }
  func.func @transform_3(%arg0: i32) -> (i32, i32) {
    %c0_i32 = arith.constant 0 : i32
    %c0_i32_0 = arith.constant 0 : i32
    return %arg0, %c0_i32 : i32, i32
  }
  func.func @transform_4(%arg0: i32) -> (i32, i32) {
    %c0_i32 = arith.constant 0 : i32
    %c0_i32_0 = arith.constant 0 : i32
    return %arg0, %c0_i32 : i32, i32
  }
}

module attributes {stable_mosaic.version = 14 : i64} {
  func.func @_layer_body(%arg0: i32, %arg1: memref<2x1000x128xf32, #tpu.memory_space<vmem>>, %arg2: memref<1000x1xf32, #tpu.memory_space<vmem>>, %arg3: memref<1000x1xf32, #tpu.memory_space<vmem>>, %arg4: memref<128x128xf32, #tpu.memory_space<vmem>>, %arg5: memref<1x128xf32, #tpu.memory_space<vmem>>, %arg6: memref<1000x128xf32, #tpu.memory_space<vmem>>) attributes {dimension_semantics = [#tpu.dimension_semantics<arbitrary>], iteration_bounds = array<i64: 10>, scalar_prefetch = 0 : i64, scratch_operands = 0 : i64, tpu.core_type = #tpu.core_type<tc>, window_params = [{transform_indices = @transform_0, window_bounds = array<i64: 2, 1000, 128>}, {transform_indices = @transform_1, window_bounds = array<i64: 1000, 1>}, {transform_indices = @transform_2, window_bounds = array<i64: 1000, 1>}, {pipeline_mode = #tpu.pipeline_mode<synchronous>, transform_indices = @transform_3, window_bounds = array<i64: 128, 128>}, {pipeline_mode = #tpu.pipeline_mode<synchronous>, transform_indices = @transform_4, window_bounds = array<i64: 1, 128>}, {transform_indices = @transform_5, window_bounds = array<i64: 1000, 128>}]} {
    %get3A = arith.constant 0 : index
    %get3A_0 = arith.constant 0 : index
    %get3A_1 = arith.constant 0 : index
    %get3A_2 = vector.load %arg1[%get3A, %get3A_0, %get3A_1] : memref<2x1000x128xf32, #tpu.memory_space<vmem>>, vector<1x1000x128xf32>
    %get3A_3 = vector.shape_cast %get3A_2 : vector<1x1000x128xf32> to vector<1000x128xf32>
    %get3A_4 = arith.constant 1 : index
    %get3A_5 = arith.constant 0 : index
    %get3A_6 = arith.constant 0 : index
    %get3A_7 = vector.load %arg1[%get3A_4, %get3A_5, %get3A_6] : memref<2x1000x128xf32, #tpu.memory_space<vmem>>, vector<1x1000x128xf32>
    %get3A_8 = vector.shape_cast %get3A_7 : vector<1x1000x128xf32> to vector<1000x128xf32>
    %add3A = arith.addf %get3A_3, %get3A_8 : vector<1000x128xf32>
    %get3A_9 = arith.constant 0 : index
    %get3A_10 = arith.constant 0 : index
    %get3A_11 = vector.load %arg2[%get3A_9, %get3A_10] : memref<1000x1xf32, #tpu.memory_space<vmem>>, vector<1000x1xf32>
    %mul3A = vector.broadcast %get3A_11 : vector<1000x1xf32> to vector<1000x128xf32>
    %mul3A_12 = arith.mulf %add3A, %mul3A : vector<1000x128xf32>
    %get3A_13 = arith.constant 0 : index
    %get3A_14 = arith.constant 0 : index
    %get3A_15 = vector.load %arg4[%get3A_13, %get3A_14] : memref<128x128xf32, #tpu.memory_space<vmem>>, vector<128x128xf32>
    %dot_general3A = arith.constant dense<0.000000e+00> : vector<1000x128xf32>
    %dot_general3A_16 = tpu.matmul %mul3A_12, %get3A_15, %dot_general3A {dimension_numbers = #tpu.dot_dimension_numbers<[1], [0], [0], [1], [0, 0, 1, 1], [], []>, transpose_lhs_hint = false} : vector<1000x128xf32>, vector<128x128xf32>, vector<1000x128xf32> -> vector<1000x128xf32>
    %get3A_17 = arith.constant 0 : index
    %get3A_18 = arith.constant 0 : index
    %get3A_19 = vector.load %arg5[%get3A_17, %get3A_18] : memref<1x128xf32, #tpu.memory_space<vmem>>, vector<1x128xf32>
    %add3A_20 = vector.broadcast %get3A_19 : vector<1x128xf32> to vector<1000x128xf32>
    %add3A_21 = arith.addf %dot_general3A_16, %add3A_20 : vector<1000x128xf32>
    %max3A = arith.constant 0.000000e+00 : f32
    %max3A_22 = vector.broadcast %max3A : f32 to vector<1000x128xf32>
    %max3A_23 = arith.maximumf %add3A_21, %max3A_22 : vector<1000x128xf32>
    %get3A_24 = arith.constant 0 : index
    %get3A_25 = arith.constant 0 : index
    %get3A_26 = vector.load %arg3[%get3A_24, %get3A_25] : memref<1000x1xf32, #tpu.memory_space<vmem>>, vector<1000x1xf32>
    %mul3A_27 = vector.broadcast %get3A_26 : vector<1000x1xf32> to vector<1000x128xf32>
    %mul3A_28 = arith.mulf %max3A_23, %mul3A_27 : vector<1000x128xf32>
    %swap3A = arith.constant 0 : index
    %swap3A_29 = arith.constant 0 : index
    %swap3A_30 = vector.load %arg6[%swap3A, %swap3A_29] : memref<1000x128xf32, #tpu.memory_space<vmem>>, vector<1000x128xf32>
    tpu.vector_store %arg6[%swap3A, %swap3A_29], %mul3A_28 {strides = array<i32>} : memref<1000x128xf32, #tpu.memory_space<vmem>>, vector<1000x128xf32>,
    return
  }
  func.func @transform_0(%arg0: i32) -> (i32, i32, i32) {
    %c0_i32 = arith.constant 0 : i32
    %c0_i32_0 = arith.constant 0 : i32
    %c0_i32_1 = arith.constant 0 : i32
    return %c0_i32, %arg0, %c0_i32_0 : i32, i32, i32
  }
  func.func @transform_1(%arg0: i32) -> (i32, i32) {
    %c0_i32 = arith.constant 0 : i32
    %c0_i32_0 = arith.constant 0 : i32
    return %arg0, %c0_i32 : i32, i32
  }
  func.func @transform_2(%arg0: i32) -> (i32, i32) {
    %c0_i32 = arith.constant 0 : i32
    %c0_i32_0 = arith.constant 0 : i32
    return %arg0, %c0_i32 : i32, i32
  }
  func.func @transform_3(%arg0: i32) -> (i32, i32) {
    %c0_i32 = arith.constant 0 : i32
    %c0_i32_0 = arith.constant 0 : i32
    %c0_i32_1 = arith.constant 0 : i32
    return %c0_i32, %c0_i32_0 : i32, i32
  }
  func.func @transform_4(%arg0: i32) -> (i32, i32) {
    %c0_i32 = arith.constant 0 : i32
    %c0_i32_0 = arith.constant 0 : i32
    %c0_i32_1 = arith.constant 0 : i32
    return %c0_i32, %c0_i32_0 : i32, i32
  }
  func.func @transform_5(%arg0: i32) -> (i32, i32) {
    %c0_i32 = arith.constant 0 : i32
    %c0_i32_0 = arith.constant 0 : i32
    return %arg0, %c0_i32 : i32, i32
  }
}

module attributes {stable_mosaic.version = 14 : i64} {
  func.func @_layer_body(%arg0: i32, %arg1: memref<2x1000x128xf32, #tpu.memory_space<vmem>>, %arg2: memref<1000x1xf32, #tpu.memory_space<vmem>>, %arg3: memref<1000x1xf32, #tpu.memory_space<vmem>>, %arg4: memref<128x128xf32, #tpu.memory_space<vmem>>, %arg5: memref<1x128xf32, #tpu.memory_space<vmem>>, %arg6: memref<1000x128xf32, #tpu.memory_space<vmem>>) attributes {dimension_semantics = [#tpu.dimension_semantics<arbitrary>], iteration_bounds = array<i64: 10>, scalar_prefetch = 0 : i64, scratch_operands = 0 : i64, tpu.core_type = #tpu.core_type<tc>, window_params = [{transform_indices = @transform_0, window_bounds = array<i64: 2, 1000, 128>}, {transform_indices = @transform_1, window_bounds = array<i64: 1000, 1>}, {transform_indices = @transform_2, window_bounds = array<i64: 1000, 1>}, {pipeline_mode = #tpu.pipeline_mode<synchronous>, transform_indices = @transform_3, window_bounds = array<i64: 128, 128>}, {pipeline_mode = #tpu.pipeline_mode<synchronous>, transform_indices = @transform_4, window_bounds = array<i64: 1, 128>}, {transform_indices = @transform_5, window_bounds = array<i64: 1000, 128>}]} {
    %get3A = arith.constant 0 : index
    %get3A_0 = arith.constant 0 : index
    %get3A_1 = arith.constant 0 : index
    %get3A_2 = vector.load %arg1[%get3A, %get3A_0, %get3A_1] : memref<2x1000x128xf32, #tpu.memory_space<vmem>>, vector<1x1000x128xf32>
    %get3A_3 = vector.shape_cast %get3A_2 : vector<1x1000x128xf32> to vector<1000x128xf32>
    %get3A_4 = arith.constant 1 : index
    %get3A_5 = arith.constant 0 : index
    %get3A_6 = arith.constant 0 : index
    %get3A_7 = vector.load %arg1[%get3A_4, %get3A_5, %get3A_6] : memref<2x1000x128xf32, #tpu.memory_space<vmem>>, vector<1x1000x128xf32>
    %get3A_8 = vector.shape_cast %get3A_7 : vector<1x1000x128xf32> to vector<1000x128xf32>
    %add3A = arith.addf %get3A_3, %get3A_8 : vector<1000x128xf32>
    %get3A_9 = arith.constant 0 : index
    %get3A_10 = arith.constant 0 : index
    %get3A_11 = vector.load %arg2[%get3A_9, %get3A_10] : memref<1000x1xf32, #tpu.memory_space<vmem>>, vector<1000x1xf32>
    %mul3A = vector.broadcast %get3A_11 : vector<1000x1xf32> to vector<1000x128xf32>
    %mul3A_12 = arith.mulf %add3A, %mul3A : vector<1000x128xf32>
    %get3A_13 = arith.constant 0 : index
    %get3A_14 = arith.constant 0 : index
    %get3A_15 = vector.load %arg4[%get3A_13, %get3A_14] : memref<128x128xf32, #tpu.memory_space<vmem>>, vector<128x128xf32>
    %dot_general3A = arith.constant dense<0.000000e+00> : vector<1000x128xf32>
    %dot_general3A_16 = tpu.matmul %mul3A_12, %get3A_15, %dot_general3A {dimension_numbers = #tpu.dot_dimension_numbers<[1], [0], [0], [1], [0, 0, 1, 1], [], []>, transpose_lhs_hint = false} : vector<1000x128xf32>, vector<128x128xf32>, vector<1000x128xf32> -> vector<1000x128xf32>
    %get3A_17 = arith.constant 0 : index
    %get3A_18 = arith.constant 0 : index
    %get3A_19 = vector.load %arg5[%get3A_17, %get3A_18] : memref<1x128xf32, #tpu.memory_space<vmem>>, vector<1x128xf32>
    %add3A_20 = vector.broadcast %get3A_19 : vector<1x128xf32> to vector<1000x128xf32>
    %add3A_21 = arith.addf %dot_general3A_16, %add3A_20 : vector<1000x128xf32>
    %swap3A = arith.constant 0 : index
    %swap3A_22 = arith.constant 0 : index
    %swap3A_23 = vector.load %arg6[%swap3A, %swap3A_22] : memref<1000x128xf32, #tpu.memory_space<vmem>>, vector<1000x128xf32>
    tpu.vector_store %arg6[%swap3A, %swap3A_22], %add3A_21 {strides = array<i32>} : memref<1000x128xf32, #tpu.memory_space<vmem>>, vector<1000x128xf32>,
    return
  }
  func.func @transform_0(%arg0: i32) -> (i32, i32, i32) {
    %c0_i32 = arith.constant 0 : i32
    %c0_i32_0 = arith.constant 0 : i32
    %c0_i32_1 = arith.constant 0 : i32
    return %c0_i32, %arg0, %c0_i32_0 : i32, i32, i32
  }
  func.func @transform_1(%arg0: i32) -> (i32, i32) {
    %c0_i32 = arith.constant 0 : i32
    %c0_i32_0 = arith.constant 0 : i32
    return %arg0, %c0_i32 : i32, i32
  }
  func.func @transform_2(%arg0: i32) -> (i32, i32) {
    %c0_i32 = arith.constant 0 : i32
    %c0_i32_0 = arith.constant 0 : i32
    return %arg0, %c0_i32 : i32, i32
  }
  func.func @transform_3(%arg0: i32) -> (i32, i32) {
    %c0_i32 = arith.constant 0 : i32
    %c0_i32_0 = arith.constant 0 : i32
    %c0_i32_1 = arith.constant 0 : i32
    return %c0_i32, %c0_i32_0 : i32, i32
  }
  func.func @transform_4(%arg0: i32) -> (i32, i32) {
    %c0_i32 = arith.constant 0 : i32
    %c0_i32_0 = arith.constant 0 : i32
    %c0_i32_1 = arith.constant 0 : i32
    return %c0_i32, %c0_i32_0 : i32, i32
  }
  func.func @transform_5(%arg0: i32) -> (i32, i32) {
    %c0_i32 = arith.constant 0 : i32
    %c0_i32_0 = arith.constant 0 : i32
    return %arg0, %c0_i32 : i32, i32
  }
}

</mosaic_0001>

<sc_bundles>
// kernel: kernel.10.cloned.1.call-start
scs
__scs_entry_jumppad:
0x0: {  	(pc) =	sbr.rel $0x88, $3  }
0x1: {  	(tag) =	ssettag $0x0;
	lr =	simm.s32 $0x1  }
0x2: {  	[smem:$0x3F99] =	sst lr;
	_ =	strace $0xD0000000  }
0x3: {  	_ = 	snop  }
0x4: {  	_ = 	snop  }
0x5: {  	_ = 	snop  }
0x6: {  	_ = 	snop  }
0x7: {  	_ = 	snop  }
__scs_overlays_trampoline_lowered:
0x8: {  	[smem:$0x3FA8] =	sst s0  }
0x9: {  	[smem:$0x3FA9] =	sst s1  }
0xa: {  	[smem:$0x3FAA] =	sst s2  }
0xb: {  	[smem:$0x3FAB] =	sst s3  }
0xc: {  	[smem:$0x3FAC] =	sst s4  }
0xd: {  	[smem:$0x3FAD] =	sst s5  }
0xe: {  	[smem:$0x3FAE] =	sst s6  }
0xf: {  	[smem:$0x3FAF] =	sst s7  }
0x10: {  	[smem:$0x3FB0] =	sst s8  }
0x11: {  	[smem:$0x3FB1] =	sst s9;
	s0 =	simm.s32 @!p0 $0x0  }
0x12: {  	s1 =	sld [smem:$0x3F97];
	s0 =	simm.s32 @p0 $0x1  }
0x13: {  	[smem:$0x3FB2] =	sst s0;
	s0 =	simm.s32 @!p1 $0x0  }
0x14: {  	s2 =	sld [smem:$0x3F96];
	s0 =	simm.s32 @p1 $0x1  }
0x15: {  	[smem:$0x3FB3] =	sst s0;
	s0 =	simm.s32 @!p2 $0x0  }
0x16: {  	s3 =	sld [smem:$0x3FDB];
	s0 =	simm.s32 @p2 $0x1  }
0x17: {  	s4 =	simm.s32 $0x1BF5;
	[smem:$0x3FB5] =	sst s0  }
0x18: {  	s0 =	sld [smem:$0x3F98];
	_ =	swait.ge [sflag:s4], $0x0  }
0x19: {  	s7 =	sld [smem:$0x3F99]  }
0x1a: {  	s8 =	sadd.s32 $0xFFFFE003, lr  }
0x1b: {  	s9 =	sadd.s32 $0xFFFFFEF7, lr;
	s5 =	simm.s32 $0xFFFFFFFF;
	p2 =	slt.u32 s8, $0xFFFFF086  }
0x1c: {  	p1 =	slt.u32 s9, $0xF7A;
	s5 =	simm.s32 @!p2 $0x0  }
0x1d: {  	s5 =	simm.s32 @p1 $0x1;
	p0 =	seq.s32 s7, s2  }
0x1e: {  	s7 =	smul.u32 @!p0 $0xF7A, s2;
	p2 =	seq.s32 @!p0 s5, $0x0  }
0x1f: {  	s9 =	smul.u32 $0xF7A, s1;
	s8 =	simm.s32 @!p0 $0x1BF5;
	p2 =	por !p2, p0  }
0x20: {  	[sflag:s8] =	ssyncset.s32 @!p0 $0xFFFFF086;
	s6 =	sadd.s32 @!p0 s3, s7;
	s7 =	simm.s32 @!p0 $0x108  }
0x21: {  	s3 =	sadd.s32 s3, s9;
	s6 =	sadd.s32 @!p0 $0x88, s6;
	s7 =	simm.s32 @p2 $0x1082  }
0x22: {  	[simem:s7], [sflag:s8] =	dma.local @!p0 [hbm:s6], $0xF7A  }
0x23: {  	s9 =	sor.u32 $0xD0000000, s2;
	s6 =	simm.s32 $0x108;
	_ =	swait.ge @!p0 [sflag:s8], $0x0  }
0x24: {  	s3 =	sadd.s32 $0x88, s3;
	s6 =	simm.s32 @!p1 $0x1082;
	[sflag:s4] =	ssyncset.s32 $0xFFFFF086  }
0x25: {  	[simem:s6], [sflag:s4] =	dma.local [hbm:s3], $0xF7A  }
0x26: {  	[smem:$0x3F99] =	sst s1;
	(tag) =	ssettag s2;
	_ =	strace s9  }
0x27: {  	s1 =	sld [smem:$0x3FA9]  }
0x28: {  	s2 =	sld [smem:$0x3FAA]  }
0x29: {  	s4 =	sld [smem:$0x3FAC]  }
0x2a: {  	p0 =	seq.s32 s5, $0x0;
	s5 =	sld [smem:$0x3FAD]  }
0x2b: {  	s6 =	sld [smem:$0x3FAE]  }
0x2c: {  	s7 =	sld [smem:$0x3FAF]  }
0x2d: {  	s3 =	simm.s32 $0x108;
	s8 =	sld [smem:$0x3FB0]  }
0x2e: {  	s3 =	simm.s32 @!p0 $0x1082;
	s9 =	sld [smem:$0x3FB1]  }
0x2f: {  	lr =	sadd.s32 s0, s3;
	s0 =	sld [smem:$0x3FA8]  }
0x30: {  	s3 =	sld [smem:$0x3FAB]  }
0x31: {  	[smem:$0x3FB4] =	sst s10  }
0x32: {  	s10 =	sld [smem:$0x3FB2];
	_ =	sdelay $0x3  }
0x33: {  	p0 =	seq.s32 s10, $0x1;
	s10 =	sld [smem:$0x3FB4];
	_ =	sdelay $0x3  }
0x34: {  	[smem:$0x3FB4] =	sst s10  }
0x35: {  	s10 =	sld [smem:$0x3FB3];
	_ =	sdelay $0x3  }
0x36: {  	p1 =	seq.s32 s10, $0x1;
	s10 =	sld [smem:$0x3FB4];
	_ =	sdelay $0x3  }
0x37: {  	[smem:$0x3FB4] =	sst s10  }
0x38: {  	s10 =	sld [smem:$0x3FB5]  }
0x39: {  	_ = 	snop;
	(pc) =	sbr.ind lr, $3  }
0x3a: {  	_ = 	snop  }
0x3b: {  	_ = 	snop  }
0x3c: {  	p2 =	seq.s32 s10, $0x1;
	s10 =	sld [smem:$0x3FB4]  }
0x3d: {  	_ =	shalt  }
0x3e: {  	_ =	shalt  }
0x3f: {  	_ =	shalt  }
0x40: {  	_ =	shalt  }
0x41: {  	_ =	shalt  }
0x42: {  	_ =	shalt  }
0x43: {  	_ =	shalt  }
0x44: {  	_ =	shalt  }
0x45: {  	_ =	shalt  }
0x46: {  	_ =	shalt  }
0x47: {  	_ =	shalt  }
0x48: {  	_ =	shalt  }
0x49: {  	_ =	shalt  }
0x4a: {  	_ =	shalt  }
0x4b: {  	_ =	shalt  }
0x4c: {  	_ =	shalt  }
0x4d: {  	_ =	shalt  }
0x4e: {  	_ =	shalt  }
0x4f: {  	_ =	shalt  }
0x50: {  	_ =	shalt  }
0x51: {  	_ =	shalt  }
0x52: {  	_ =	shalt  }
0x53: {  	_ =	shalt  }
0x54: {  	_ =	shalt  }
0x55: {  	_ =	shalt  }
0x56: {  	_ =	shalt  }
0x57: {  	_ =	shalt  }
0x58: {  	_ =	shalt  }
0x59: {  	_ =	shalt  }
0x5a: {  	_ =	shalt  }
0x5b: {  	_ =	shalt  }
0x5c: {  	_ =	shalt  }
0x5d: {  	_ =	shalt  }
0x5e: {  	_ =	shalt  }
0x5f: {  	_ =	shalt  }
0x60: {  	_ =	shalt  }
0x61: {  	_ =	shalt  }
0x62: {  	_ =	shalt  }
0x63: {  	_ =	shalt  }
0x64: {  	_ =	shalt  }
0x65: {  	_ =	shalt  }
0x66: {  	_ =	shalt  }
0x67: {  	_ =	shalt  }
0x68: {  	_ =	shalt  }
0x69: {  	_ =	shalt  }
0x6a: {  	_ =	shalt  }
0x6b: {  	_ =	shalt  }
0x6c: {  	_ =	shalt  }
0x6d: {  	_ =	shalt  }
0x6e: {  	_ =	shalt  }
0x6f: {  	_ =	shalt  }
0x70: {  	_ =	shalt  }
0x71: {  	_ =	shalt  }
0x72: {  	_ =	shalt  }
0x73: {  	_ =	shalt  }
0x74: {  	_ =	shalt  }
0x75: {  	_ =	shalt  }
0x76: {  	_ =	shalt  }
0x77: {  	_ =	shalt  }
0x78: {  	_ =	shalt  }
0x79: {  	_ =	shalt  }
0x7a: {  	_ =	shalt  }
0x7b: {  	_ =	shalt  }
0x7c: {  	_ =	shalt  }
0x7d: {  	_ =	shalt  }
0x7e: {  	_ =	shalt  }
0x7f: {  	_ =	shalt  }
0x80: {  	_ =	shalt  }
0x81: {  	_ =	shalt  }
0x82: {  	_ =	shalt  }
0x83: {  	_ =	shalt  }
0x84: {  	_ =	shalt  }
0x85: {  	_ =	shalt  }
0x86: {  	_ =	shalt  }
0x87: {  	_ =	shalt  }
.Lfunc_end0:
.L_simem_size_0:
called_computation_lowered:
.L_overlay_start_0:
0x88: {  	s2 =	sld [smem:$0x3FD9]  }
0x89: {  	s3 =	sld [smem:$0x3FFE];
	_ =	sdelay $0x1  }
0x8a: {  	s1 =	srdreg.scid  }
0x8b: {  	s0 =	sand.u32 $0x1, s1  }
0x8c: {  	s16 =	sshll.u32 s0, $0xA;
	s2 =	sadd.s32 s3, s2  }
0x8d: {  	s2 =	sadd.s32 s2, s16  }
0x8e: {  	[smem:$0x3FC0] =	sst s2  }
0x8f: {  	_ = 	snop  }
0x90: {  	(tm) =	ssettm $0x1  }
0x91: {  	s17 =	sld [smem:$0x3FFB];
	_ =	sdelay $0x3  }
0x92: {  	_ =	strace s17  }
0x93: {  	s2 =	sld [smem:$0x3FFC];
	_ =	sdelay $0x3  }
0x94: {  	_ =	strace s2  }
0x95: {  	s2 =	sld [smem:$0x3FFD];
	_ =	sdelay $0x3  }
0x96: {  	_ =	strace s2  }
0x97: {  	_ =	strace $0x8FFFFFFF  }
0x98: {  	s18 =	sld [smem:$0x3FDB];
	_ =	sdelay $0x1  }
0x99: {  	s19 =	simm.s32 $_scs_section_size  }
0x9a: {  	s4 =	simm.s32 $_size__tile_overlayer_lowered;
	s5 =	simm.s32 $_tile_overlayer_lowered  }
0x9b: {  	s22 =	simm.s32 $0x1BFF;
	s21 =	sshll.u32 s5, $0x1;
	s2 =	sadd.s32 s19, s18  }
0x9c: {  	s6 =	simm.s32 $0x0;
	s20 =	sshll.u32 s4, $0x1;
	s4 =	sadd.s32 s21, s2  }
0x9d: {  	[timem:s6], [sflag:s22] =	dma.local [hbm:s4], s20  }
0x9e: {  	_ =	swait.ge [sflag:s22], s20  }
0x9f: {  	s3 =	ssub.s32 $0x0, s20;
	[sflag:s22] =	ssyncset.done $0x0  }
0xa0: {  	[sflag:s22] =	ssyncadd.s32 s3;
	_ =	sdelay $0x1  }
0xa1: {  	s23 =	simm.s32 $0x1B8B  }
0xa2: {  	_ =	swait.ge [sflag:s23], $0x1  }
0xa3: {  	[sflag:s23] =	ssyncset.done $0x0  }
0xa4: {  	s25 =	simm.s32 $0x1B8E;
	s24 =	sld [smem:$0x3FFE];
	[sflag:s23] =	ssyncadd.s32 $0xFFFFFFFF  }
0xa5: {  	s26 =	simm.s32 $execute0_lowered;
	[smem:$0x3FD2] =	sst s25  }
0xa6: {  	s4 =	sshll.u32 s26, $0x1;
	_ =	strace $0x80000046;
	[dreg:$0x1] =	wrdreg $0xFFFFFFFF  }
0xa7: {  	s28 =	simm.s32 $_size_execute0_lowered;
	s2 =	sadd.s32 s2, s4;
	[dreg:$0x0] =	wrdreg $0x0  }
0xa8: {  	s4 =	sshll.u32 s28, $0x1;
	[dreg:$0x2] =	wrdreg s2  }
0xa9: {  	[dreg:$0x3] =	wrdreg s4  }
0xaa: {  	[dreg:$0x4] =	wrdreg $0xC0  }
0xab: {  	_ =	task [dreg:s6], $0x5FFFF  }
0xac: {  	[dreg:$0x1] =	wrdreg $0xFFFFFFFF  }
0xad: {  	[dreg:$0x0] =	wrdreg $0x60  }
0xae: {  	[dreg:$0x2] =	wrdreg s24  }
0xaf: {  	[dreg:$0x3] =	wrdreg $0x90000  }
0xb0: {  	[dreg:$0x4] =	wrdreg $0x9  }
0xb1: {  	_ =	task.clear_ibuf [dreg:s6], $0x5FFFF;
	_ =	strace $0x90000046  }
0xb2: {  	s29 =	simm.s32 $0x9;
	_ =	strace $0x80000048  }
0xb3: {  	_ =	swait.ge [sflag:s29], $0x1  }
0xb4: {  	[sflag:s29] =	ssyncadd.s32 $0xFFFFFFFF  }
0xb5: {  	_ =	strace $0x90000048  }
0xb6: {  	_ =	sfence  }
0xb7: {  	s30 =	sld [smem:$0x0];
	_ =	sdelay $0x2  }
0xb8: {  	s31 =	sshll.u32 s1, $0xD;
	s1 =	sshrl.u32 s1, $0x2  }
0xb9: {  	s3 =	sand.u32 $0x4000, s31;
	s1 =	sadd.s32 s1, s30  }
0xba: {  	s0 =	sor.u32 s3, s0;
	s1 =	sshll.u32 s1, $0x11  }
0xbb: {  	s0 =	sor.u32 s1, s0  }
0xbc: {  	s0 =	sadd.s32 $0x8F2B, s0  }
0xbd: {  	[sflag:s0] =	ssyncadd.remote.s32 $0x1  }
0xbe: {  	_ =	sfence.sel $0xFFFF  }
0xbf: {  	[dreg:$0x0] =	wrdreg $0xFFFFFFFF;
	(pc) =	sbr.abs _section_cstart, $3  }
0xc0: {  	[dreg:$0x1] =	wrdreg $0xFFFFFFFF  }
0xc1: {  	_ =	task.clear_ibuf [dreg:s6], $0x2FFFF;
	_ =	strace $0x9FFFFFFF  }
0xc2: {  	(tm) =	ssettm $0x7FFFFFFF  }
0xc3: {  	_ =	shalt  }
tec
execute0_lowered:
.L_overlay_start_1:
0x0: {  	(tag) =	ssettag $0x1  }
0x1: {  	s16 =	rddreg [dreg:$0x0]  }
0x2: {  	s1 =	rddreg [dreg:$0x1]  }
0x3: {  	s0 =	rddreg [dreg:$0x2]  }
0x4: {  	s3 =	simm.s32 $0x0;
	s4 =	srdreg.scid;
	s2 =	stileid.u32  }
0x5: {  	s21 =	simm.s32 $0x0;
	[smem:$0x7FF] =	sst s3;
	s7 =	smul.u32 $0x50000, s2  }
0x6: {  	s8 =	sand.u32 $0x1, s4;
	s4 =	sadd.s32 $0x17000, s16;
	s11 =	smul.u32 $0x14000, s2  }
0x7: {  	s5 =	sadd.s32 $0x16800, s16;
	s15 =	sadd.s32 $0x3F000, s16;
	s18 =	smul.u32 $0xA00, s2  }
0x8: {  	_ =	strace $0x80000047;
	s6 =	ssub.s32 $0x2, s8;
	p0 =	seq.s32 s8, $0x0  }
0x9: {  	s20 =	smul.u32 $0x140000, s8;
	s9 =	sshrl.u32 s6, $0x1;
	s30 =	sshrl.u32 s7, $0x2  }
0xa: {  	s12 =	sadd.s32 $0x4000, s11;
	s13 =	sadd.s32 $0x8000, s11;
	s14 =	sadd.s32 $0xC000, s11  }
0xb: {  	s19 =	sadd.s32 $0x10000, s11;
	s17 =	ssub.s32 s6, s9;
	s6 =	sadd.s32 s30, s1  }
0xc: {  	s7 =	sadd.s32 s12, s1;
	s8 =	sadd.s32 s13, s1;
	s9 =	sadd.s32 s14, s1  }
0xd: {  	s10 =	sadd.s32 s19, s1;
	s11 =	sadd.s32 s11, s20;
	s12 =	sadd.s32 s20, s12  }
0xe: {  	s13 =	sadd.s32 s20, s13;
	s14 =	sadd.s32 s20, s14;
	s19 =	sadd.s32 s20, s19  }
0xf: {  	s20 =	simm.s32 $0xC800;
	s11 =	sshrl.u32 s11, $0x3;
	s12 =	sshrl.u32 s12, $0x3  }
0x10: {  	s13 =	sshrl.u32 s13, $0x3;
	s14 =	sshrl.u32 s14, $0x3;
	s19 =	sshrl.u32 s19, $0x3  }
0x11: {  	s20 =	simm.s32 @!p0 $0x2800;
	s11 =	sadd.s32 s15, s11;
	s12 =	sadd.s32 s15, s12  }
0x12: {  	s13 =	sadd.s32 s15, s13;
	s14 =	sadd.s32 s15, s14;
	s15 =	sadd.s32 s15, s19  }
0x13: {  	s31 =	sadd.s32 s20, s16;
	s16 =	smax.u32 s17, $0x1;
	s19 =	simm.s32 $0x5000  }
0x14: {  	s20 =	simm.s32 $0x80;
	s17 =	sadd.s32 s31, s18;
	s18 =	simm.s32 $0x1  }
.LBB2_1:
0x15: {  	[tilespmem:s3], [sflag:$0x1] =	stream.linear.gather [hbm4b:s17+s3], $0x5000, $0x38;
	[tilespmem:$0x1D000] =	vst v63  }
0x16: {  	_ =	swait.ge [sflag:s18], $0x5000  }
0x17: {  	[sflag:s18] =	ssyncset.done $0x0  }
0x18: {  	[sflag:s18] =	ssyncadd.s32 $0xFFFFB000  }
0x19: {  	[tilespmem:s19], [sflag:$0x1] =	stream.linear.gather [hbm4b:s4+s3], $0x4000, $0x38;
	[tilespmem:$0x1D000] =	vst v63  }
0x1a: {  	_ =	swait.ge [sflag:s18], $0x4000  }
0x1b: {  	[sflag:s18] =	ssyncset.done $0x0  }
0x1c: {  	[sflag:s18] =	ssyncadd.s32 $0xFFFFC000  }
0x1d: {  	[spmem:s6] =	stream.linear.scatter [tilespmem:s19], [sflag:$0x1], $0x4000, $0x38;
	[tilespmem:$0x1D000] =	vst v63  }
0x1e: {  	_ =	swait.ge [sflag:s18], $0x4000  }
0x1f: {  	[sflag:s18] =	ssyncset.done $0x0  }
0x20: {  	[sflag:s18] =	ssyncadd.s32 $0xFFFFC000  }
0x21: {  	[spmem:s7] =	stream.linear.scatter [tilespmem:s19], [sflag:$0x1], $0x4000, $0x38;
	[tilespmem:$0x1D000] =	vst v63  }
0x22: {  	_ =	swait.ge [sflag:s18], $0x4000  }
0x23: {  	[sflag:s18] =	ssyncset.done $0x0  }
0x24: {  	[sflag:s18] =	ssyncadd.s32 $0xFFFFC000  }
0x25: {  	[spmem:s8] =	stream.linear.scatter [tilespmem:s19], [sflag:$0x1], $0x4000, $0x38;
	[tilespmem:$0x1D000] =	vst v63  }
0x26: {  	_ =	swait.ge [sflag:s18], $0x4000  }
0x27: {  	[sflag:s18] =	ssyncset.done $0x0  }
0x28: {  	[sflag:s18] =	ssyncadd.s32 $0xFFFFC000  }
0x29: {  	[spmem:s9] =	stream.linear.scatter [tilespmem:s19], [sflag:$0x1], $0x4000, $0x38;
	[tilespmem:$0x1D000] =	vst v63  }
0x2a: {  	_ =	swait.ge [sflag:s18], $0x4000  }
0x2b: {  	[sflag:s18] =	ssyncset.done $0x0  }
0x2c: {  	[sflag:s18] =	ssyncadd.s32 $0xFFFFC000  }
0x2d: {  	[spmem:s10] =	stream.linear.scatter [tilespmem:s19], [sflag:$0x1], $0x4000, $0x38;
	[tilespmem:$0x1D000] =	vst v63  }
0x2e: {  	_ =	swait.ge [sflag:s18], $0x4000  }
0x2f: {  	[sflag:s18] =	ssyncset.done $0x0  }
0x30: {  	[sflag:s18] =	ssyncadd.s32 $0xFFFFC000  }
0x31: {  	[bflag:$0x0] =	sbarrier.arrive $0xFFFF  }
0x32: {  	[tilespmem:s19], [sflag:$0x1] =	stream.linear.gather [hbm4b:s5+s3], $0x4000, $0x38;
	[tilespmem:$0x1D000] =	vst v63  }
0x33: {  	_ =	swait.ge [sflag:s18], $0x4000  }
0x34: {  	[sflag:s18] =	ssyncset.done $0x0  }
0x35: {  	s22 =	simm.s32 $0x0;
	[sflag:s18] =	ssyncadd.s32 $0xFFFFC000  }
0x36: {  	[spmem:s1] =	stream.indirect.scatter.add.f32 [tilespmem:s19], [sflag:$0x1], $0x80, s22, s20, $0xb8;
	[tilespmem:$0x1D000] =	vst v63  }
0x37: {  	_ =	swait.ge [sflag:s18], $0x4000  }
0x38: {  	s22 =	simm.s32 $0x200;
	[sflag:s18] =	ssyncset.done $0x0  }
.LBB2_2:
0x39: {  	s23 =	sshra.s32 s22, $0x2;
	[sflag:s18] =	ssyncadd.s32 $0xFFFFC000;
	p0 =	sne.s32 s22, $0x13E00  }
0x3a: {  	[spmem:s1] =	stream.indirect.scatter.add.f32 [tilespmem:s19], [sflag:$0x1], $0x80, s23, s20, $0xb8;
	[tilespmem:$0x1D000] =	vst v63  }
.Ltmp0:
0x3b: {  	_ = 	snop;
	(pc) =	sbr.rel @p0 .LBB2_2-.Ltmp0, $4  }
0x3c: {  	_ = 	snop  }
0x3d: {  	s22 =	sadd.s32 $0x200, s22  }
0x3e: {  	_ =	swait.ge [sflag:s18], $0x4000  }
0x3f: {  	[sflag:s18] =	ssyncset.done $0x0  }
0x40: {  	[sflag:s18] =	ssyncadd.s32 $0xFFFFC000  }
0x41: {  	[bflag:$0x0] =	sbarrier.arrive $0xFFFF  }
0x42: {  	[tilespmem:s19], [sflag:$0x1] =	stream.linear.gather [spmem:s6], $0x4000, $0x38;
	[tilespmem:$0x1D000] =	vst v63  }
0x43: {  	_ =	swait.ge [sflag:s18], $0x4000  }
0x44: {  	[sflag:s18] =	ssyncset.done $0x0  }
0x45: {  	[sflag:s18] =	ssyncadd.s32 $0xFFFFC000  }
0x46: {  	[hbm4b:s11+s3] =	stream.linear.scatter [tilespmem:s19], [sflag:$0x1], $0x4000, $0x38;
	[tilespmem:$0x1D000] =	vst v63  }
0x47: {  	_ =	swait.ge [sflag:s18], $0x4000  }
0x48: {  	[sflag:s18] =	ssyncset.done $0x0  }
0x49: {  	[sflag:s18] =	ssyncadd.s32 $0xFFFFC000  }
0x4a: {  	[tilespmem:s19], [sflag:$0x1] =	stream.linear.gather [spmem:s7], $0x4000, $0x38;
	[tilespmem:$0x1D000] =	vst v63  }
0x4b: {  	_ =	swait.ge [sflag:s18], $0x4000  }
0x4c: {  	[sflag:s18] =	ssyncset.done $0x0  }
0x4d: {  	[sflag:s18] =	ssyncadd.s32 $0xFFFFC000  }
0x4e: {  	[hbm4b:s12+s3] =	stream.linear.scatter [tilespmem:s19], [sflag:$0x1], $0x4000, $0x38;
	[tilespmem:$0x1D000] =	vst v63  }
0x4f: {  	_ =	swait.ge [sflag:s18], $0x4000  }
0x50: {  	[sflag:s18] =	ssyncset.done $0x0  }
0x51: {  	[sflag:s18] =	ssyncadd.s32 $0xFFFFC000  }
0x52: {  	[tilespmem:s19], [sflag:$0x1] =	stream.linear.gather [spmem:s8], $0x4000, $0x38;
	[tilespmem:$0x1D000] =	vst v63  }
0x53: {  	_ =	swait.ge [sflag:s18], $0x4000  }
0x54: {  	[sflag:s18] =	ssyncset.done $0x0  }
0x55: {  	[sflag:s18] =	ssyncadd.s32 $0xFFFFC000  }
0x56: {  	[hbm4b:s13+s3] =	stream.linear.scatter [tilespmem:s19], [sflag:$0x1], $0x4000, $0x38;
	[tilespmem:$0x1D000] =	vst v63  }
0x57: {  	_ =	swait.ge [sflag:s18], $0x4000  }
0x58: {  	[sflag:s18] =	ssyncset.done $0x0  }
0x59: {  	[sflag:s18] =	ssyncadd.s32 $0xFFFFC000  }
0x5a: {  	[tilespmem:s19], [sflag:$0x1] =	stream.linear.gather [spmem:s9], $0x4000, $0x38;
	[tilespmem:$0x1D000] =	vst v63  }
0x5b: {  	_ =	swait.ge [sflag:s18], $0x4000  }
0x5c: {  	[sflag:s18] =	ssyncset.done $0x0  }
0x5d: {  	[sflag:s18] =	ssyncadd.s32 $0xFFFFC000  }
0x5e: {  	[hbm4b:s14+s3] =	stream.linear.scatter [tilespmem:s19], [sflag:$0x1], $0x4000, $0x38;
	[tilespmem:$0x1D000] =	vst v63  }
0x5f: {  	_ =	swait.ge [sflag:s18], $0x4000  }
0x60: {  	[sflag:s18] =	ssyncset.done $0x0  }
0x61: {  	[sflag:s18] =	ssyncadd.s32 $0xFFFFC000  }
0x62: {  	[tilespmem:s19], [sflag:$0x1] =	stream.linear.gather [spmem:s10], $0x4000, $0x38;
	[tilespmem:$0x1D000] =	vst v63  }
0x63: {  	s21 =	sadd.s32 $0x1, s21;
	_ =	swait.ge [sflag:s18], $0x4000  }
0x64: {  	p0 =	sne.s32 s21, s16;
	[sflag:s18] =	ssyncset.done $0x0  }
.Ltmp1:
0x65: {  	[sflag:s18] =	ssyncadd.s32 $0xFFFFC000;
	(pc) =	sbr.rel @p0 .LBB2_1-.Ltmp1, $4  }
0x66: {  	[hbm4b:s15+s3] =	stream.linear.scatter [tilespmem:s19], [sflag:$0x1], $0x4000, $0x38;
	[tilespmem:$0x1D000] =	vst v63  }
0x67: {  	_ =	swait.ge [sflag:s18], $0x4000  }
0x68: {  	[sflag:s18] =	ssyncset.done $0x0  }
0x69: {  	[sflag:s18] =	ssyncadd.s32 $0xFFFFC000  }
0x6a: {  	_ =	sfence.sel $0x180000  }
0x6b: {  	[bflag:$0x0] =	sbarrier.arrive $0xFFFF  }
0x6c: {  	p0 =	sne.s32 s2, $0x0;
	_ =	strace $0x90000047  }
0x6d: {  	s0 =	sadd.s32 @!p0 $0x100000, s0;
	[bflag:$0x2] =	sbarrier.arrive $0xFFFF  }
0x6e: {  	[sflag:s0] =	ssyncadd.tile.s32 @!p0 $0x1;
	_ =	shalt  }
.Lfunc_end2:
_tile_overlayer_lowered:
.L_overlay_start_2:
0x6f: {  	(tag) =	ssettag $0x2  }
0x70: {  	s0 =	rddreg [dreg:$0x0];
	s2 =	stileid.u32  }
0x71: {  	s1 =	rddreg [dreg:$0x1];
	p0 =	sne.s32 s2, $0x0  }
0x72: {  	s3 =	rddreg [dreg:$0x2];
	[bflag:$0x3] =	sbarrier.arrive $0xFFFF;
	s2 =	simm.s32 @!p0 $0x1C01  }
0x73: {  	[timem:s3], [sflag:s2] =	dma.local @!p0 [hbm:s0], s1  }
0x74: {  	s0 =	simm.s32 @!p0 $0x1  }
0x75: {  	_ =	swait.ge @!p0 [sflag:s0], s1  }
0x76: {  	s1 =	ssub.s32 @!p0 $0x0, s1;
	[sflag:s0] =	ssyncset.done @!p0 $0x0  }
0x77: {  	[sflag:s0] =	ssyncadd.s32 @!p0 s1  }
0x78: {  	[bflag:$0x3] =	sbarrier.arrive $0xFFFF  }
0x79: {  	_ =	shalt  }

// kernel: kernel.13.cloned.1.call-start
scs
__scs_entry_jumppad:
0x0: {  	(pc) =	sbr.rel $0x88, $3  }
0x1: {  	(tag) =	ssettag $0x0;
	lr =	simm.s32 $0x1  }
0x2: {  	[smem:$0x3F99] =	sst lr;
	_ =	strace $0xD0000000  }
0x3: {  	_ = 	snop  }
0x4: {  	_ = 	snop  }
0x5: {  	_ = 	snop  }
0x6: {  	_ = 	snop  }
0x7: {  	_ = 	snop  }
__scs_overlays_trampoline_lowered:
0x8: {  	[smem:$0x3FA8] =	sst s0  }
0x9: {  	[smem:$0x3FA9] =	sst s1  }
0xa: {  	[smem:$0x3FAA] =	sst s2  }
0xb: {  	[smem:$0x3FAB] =	sst s3  }
0xc: {  	[smem:$0x3FAC] =	sst s4  }
0xd: {  	[smem:$0x3FAD] =	sst s5  }
0xe: {  	[smem:$0x3FAE] =	sst s6  }
0xf: {  	[smem:$0x3FAF] =	sst s7  }
0x10: {  	[smem:$0x3FB0] =	sst s8  }
0x11: {  	[smem:$0x3FB1] =	sst s9;
	s0 =	simm.s32 @!p0 $0x0  }
0x12: {  	s1 =	sld [smem:$0x3F97];
	s0 =	simm.s32 @p0 $0x1  }
0x13: {  	[smem:$0x3FB2] =	sst s0;
	s0 =	simm.s32 @!p1 $0x0  }
0x14: {  	s2 =	sld [smem:$0x3F96];
	s0 =	simm.s32 @p1 $0x1  }
0x15: {  	[smem:$0x3FB3] =	sst s0;
	s0 =	simm.s32 @!p2 $0x0  }
0x16: {  	s3 =	sld [smem:$0x3FDB];
	s0 =	simm.s32 @p2 $0x1  }
0x17: {  	s4 =	simm.s32 $0x1BF5;
	[smem:$0x3FB5] =	sst s0  }
0x18: {  	s0 =	sld [smem:$0x3F98];
	_ =	swait.ge [sflag:s4], $0x0  }
0x19: {  	s7 =	sld [smem:$0x3F99]  }
0x1a: {  	s8 =	sadd.s32 $0xFFFFE003, lr  }
0x1b: {  	s9 =	sadd.s32 $0xFFFFFEF7, lr;
	s5 =	simm.s32 $0xFFFFFFFF;
	p2 =	slt.u32 s8, $0xFFFFF086  }
0x1c: {  	p1 =	slt.u32 s9, $0xF7A;
	s5 =	simm.s32 @!p2 $0x0  }
0x1d: {  	s5 =	simm.s32 @p1 $0x1;
	p0 =	seq.s32 s7, s2  }
0x1e: {  	s7 =	smul.u32 @!p0 $0xF7A, s2;
	p2 =	seq.s32 @!p0 s5, $0x0  }
0x1f: {  	s9 =	smul.u32 $0xF7A, s1;
	s8 =	simm.s32 @!p0 $0x1BF5;
	p2 =	por !p2, p0  }
0x20: {  	[sflag:s8] =	ssyncset.s32 @!p0 $0xFFFFF086;
	s6 =	sadd.s32 @!p0 s3, s7;
	s7 =	simm.s32 @!p0 $0x108  }
0x21: {  	s3 =	sadd.s32 s3, s9;
	s6 =	sadd.s32 @!p0 $0x88, s6;
	s7 =	simm.s32 @p2 $0x1082  }
0x22: {  	[simem:s7], [sflag:s8] =	dma.local @!p0 [hbm:s6], $0xF7A  }
0x23: {  	s9 =	sor.u32 $0xD0000000, s2;
	s6 =	simm.s32 $0x108;
	_ =	swait.ge @!p0 [sflag:s8], $0x0  }
0x24: {  	s3 =	sadd.s32 $0x88, s3;
	s6 =	simm.s32 @!p1 $0x1082;
	[sflag:s4] =	ssyncset.s32 $0xFFFFF086  }
0x25: {  	[simem:s6], [sflag:s4] =	dma.local [hbm:s3], $0xF7A  }
0x26: {  	[smem:$0x3F99] =	sst s1;
	(tag) =	ssettag s2;
	_ =	strace s9  }
0x27: {  	s1 =	sld [smem:$0x3FA9]  }
0x28: {  	s2 =	sld [smem:$0x3FAA]  }
0x29: {  	s4 =	sld [smem:$0x3FAC]  }
0x2a: {  	p0 =	seq.s32 s5, $0x0;
	s5 =	sld [smem:$0x3FAD]  }
0x2b: {  	s6 =	sld [smem:$0x3FAE]  }
0x2c: {  	s7 =	sld [smem:$0x3FAF]  }
0x2d: {  	s3 =	simm.s32 $0x108;
	s8 =	sld [smem:$0x3FB0]  }
0x2e: {  	s3 =	simm.s32 @!p0 $0x1082;
	s9 =	sld [smem:$0x3FB1]  }
0x2f: {  	lr =	sadd.s32 s0, s3;
	s0 =	sld [smem:$0x3FA8]  }
0x30: {  	s3 =	sld [smem:$0x3FAB]  }
0x31: {  	[smem:$0x3FB4] =	sst s10  }
0x32: {  	s10 =	sld [smem:$0x3FB2];
	_ =	sdelay $0x3  }
0x33: {  	p0 =	seq.s32 s10, $0x1;
	s10 =	sld [smem:$0x3FB4];
	_ =	sdelay $0x3  }
0x34: {  	[smem:$0x3FB4] =	sst s10  }
0x35: {  	s10 =	sld [smem:$0x3FB3];
	_ =	sdelay $0x3  }
0x36: {  	p1 =	seq.s32 s10, $0x1;
	s10 =	sld [smem:$0x3FB4];
	_ =	sdelay $0x3  }
0x37: {  	[smem:$0x3FB4] =	sst s10  }
0x38: {  	s10 =	sld [smem:$0x3FB5]  }
0x39: {  	_ = 	snop;
	(pc) =	sbr.ind lr, $3  }
0x3a: {  	_ = 	snop  }
0x3b: {  	_ = 	snop  }
0x3c: {  	p2 =	seq.s32 s10, $0x1;
	s10 =	sld [smem:$0x3FB4]  }
0x3d: {  	_ =	shalt  }
0x3e: {  	_ =	shalt  }
0x3f: {  	_ =	shalt  }
0x40: {  	_ =	shalt  }
0x41: {  	_ =	shalt  }
0x42: {  	_ =	shalt  }
0x43: {  	_ =	shalt  }
0x44: {  	_ =	shalt  }
0x45: {  	_ =	shalt  }
0x46: {  	_ =	shalt  }
0x47: {  	_ =	shalt  }
0x48: {  	_ =	shalt  }
0x49: {  	_ =	shalt  }
0x4a: {  	_ =	shalt  }
0x4b: {  	_ =	shalt  }
0x4c: {  	_ =	shalt  }
0x4d: {  	_ =	shalt  }
0x4e: {  	_ =	shalt  }
0x4f: {  	_ =	shalt  }
0x50: {  	_ =	shalt  }
0x51: {  	_ =	shalt  }
0x52: {  	_ =	shalt  }
0x53: {  	_ =	shalt  }
0x54: {  	_ =	shalt  }
0x55: {  	_ =	shalt  }
0x56: {  	_ =	shalt  }
0x57: {  	_ =	shalt  }
0x58: {  	_ =	shalt  }
0x59: {  	_ =	shalt  }
0x5a: {  	_ =	shalt  }
0x5b: {  	_ =	shalt  }
0x5c: {  	_ =	shalt  }
0x5d: {  	_ =	shalt  }
0x5e: {  	_ =	shalt  }
0x5f: {  	_ =	shalt  }
0x60: {  	_ =	shalt  }
0x61: {  	_ =	shalt  }
0x62: {  	_ =	shalt  }
0x63: {  	_ =	shalt  }
0x64: {  	_ =	shalt  }
0x65: {  	_ =	shalt  }
0x66: {  	_ =	shalt  }
0x67: {  	_ =	shalt  }
0x68: {  	_ =	shalt  }
0x69: {  	_ =	shalt  }
0x6a: {  	_ =	shalt  }
0x6b: {  	_ =	shalt  }
0x6c: {  	_ =	shalt  }
0x6d: {  	_ =	shalt  }
0x6e: {  	_ =	shalt  }
0x6f: {  	_ =	shalt  }
0x70: {  	_ =	shalt  }
0x71: {  	_ =	shalt  }
0x72: {  	_ =	shalt  }
0x73: {  	_ =	shalt  }
0x74: {  	_ =	shalt  }
0x75: {  	_ =	shalt  }
0x76: {  	_ =	shalt  }
0x77: {  	_ =	shalt  }
0x78: {  	_ =	shalt  }
0x79: {  	_ =	shalt  }
0x7a: {  	_ =	shalt  }
0x7b: {  	_ =	shalt  }
0x7c: {  	_ =	shalt  }
0x7d: {  	_ =	shalt  }
0x7e: {  	_ =	shalt  }
0x7f: {  	_ =	shalt  }
0x80: {  	_ =	shalt  }
0x81: {  	_ =	shalt  }
0x82: {  	_ =	shalt  }
0x83: {  	_ =	shalt  }
0x84: {  	_ =	shalt  }
0x85: {  	_ =	shalt  }
0x86: {  	_ =	shalt  }
0x87: {  	_ =	shalt  }
.Lfunc_end0:
.L_simem_size_0:
called_computation.1_lowered:
.L_overlay_start_0:
0x88: {  	s2 =	sld [smem:$0x3FD9]  }
0x89: {  	s3 =	sld [smem:$0x3FFE];
	_ =	sdelay $0x1  }
0x8a: {  	s1 =	srdreg.scid  }
0x8b: {  	s0 =	sand.u32 $0x1, s1  }
0x8c: {  	s17 =	sshll.u32 s0, $0xA;
	s2 =	sadd.s32 s3, s2  }
0x8d: {  	s2 =	sadd.s32 s2, s17  }
0x8e: {  	[smem:$0x3FC0] =	sst s2  }
0x8f: {  	_ = 	snop  }
0x90: {  	s2 =	sld [smem:$0x3FD0];
	(tm) =	ssettm $0x1  }
0x91: {  	s18 =	sld [smem:$0x3FFB];
	_ =	sdelay $0x3  }
0x92: {  	_ =	strace s18  }
0x93: {  	s3 =	sld [smem:$0x3FFC];
	_ =	sdelay $0x3  }
0x94: {  	_ =	strace s3  }
0x95: {  	s3 =	sld [smem:$0x3FFD];
	_ =	sdelay $0x3  }
0x96: {  	_ =	strace s3  }
0x97: {  	_ =	strace $0x8FFFFFFF  }
0x98: {  	s19 =	sld [smem:$0x3FDB];
	_ =	sdelay $0x1  }
0x99: {  	s4 =	simm.s32 $_scs_section_size  }
0x9a: {  	s5 =	simm.s32 $_size__tile_overlayer_lowered;
	s6 =	simm.s32 $_tile_overlayer_lowered  }
0x9b: {  	s22 =	simm.s32 $0x1BFF;
	s21 =	sshll.u32 s6, $0x1;
	s3 =	sadd.s32 s4, s19  }
0x9c: {  	s7 =	simm.s32 $0x0;
	s20 =	sshll.u32 s5, $0x1;
	s5 =	sadd.s32 s21, s3  }
0x9d: {  	[timem:s7], [sflag:s22] =	dma.local [hbm:s5], s20  }
0x9e: {  	_ =	swait.ge [sflag:s22], s20  }
0x9f: {  	s4 =	ssub.s32 $0x0, s20;
	[sflag:s22] =	ssyncset.done $0x0  }
0xa0: {  	[sflag:s22] =	ssyncadd.s32 s4;
	_ =	sdelay $0x1  }
0xa1: {  	s23 =	simm.s32 $0x1B8B  }
0xa2: {  	_ =	swait.ge [sflag:s23], $0x1  }
0xa3: {  	[sflag:s23] =	ssyncset.done $0x0  }
0xa4: {  	s25 =	simm.s32 $0x1B8E;
	s24 =	sld [smem:$0x3FFE];
	[sflag:s23] =	ssyncadd.s32 $0xFFFFFFFF  }
0xa5: {  	s26 =	simm.s32 $execute0_lowered;
	[smem:$0x3FD2] =	sst s25  }
0xa6: {  	s5 =	sshll.u32 s26, $0x1;
	_ =	strace $0x80000049;
	[dreg:$0x1] =	wrdreg $0xFFFFFFFF  }
0xa7: {  	s28 =	simm.s32 $_size_execute0_lowered;
	s3 =	sadd.s32 s3, s5;
	[dreg:$0x0] =	wrdreg $0x0  }
0xa8: {  	s5 =	sshll.u32 s28, $0x1;
	[dreg:$0x2] =	wrdreg s3  }
0xa9: {  	[dreg:$0x3] =	wrdreg s5  }
0xaa: {  	[dreg:$0x4] =	wrdreg $0xC0  }
0xab: {  	_ =	task [dreg:s7], $0x5FFFF  }
0xac: {  	[dreg:$0x1] =	wrdreg $0xFFFFFFFF  }
0xad: {  	[dreg:$0x0] =	wrdreg $0x60  }
0xae: {  	[dreg:$0x2] =	wrdreg s24  }
0xaf: {  	[dreg:$0x3] =	wrdreg s2  }
0xb0: {  	[dreg:$0x4] =	wrdreg $0xAA000  }
0xb1: {  	[dreg:$0x5] =	wrdreg $0x9  }
0xb2: {  	_ =	task.clear_ibuf [dreg:s7], $0x6FFFF;
	_ =	strace $0x90000049  }
0xb3: {  	s29 =	simm.s32 $0x9;
	_ =	strace $0x8000004B  }
0xb4: {  	_ =	swait.ge [sflag:s29], $0x1  }
0xb5: {  	[sflag:s29] =	ssyncadd.s32 $0xFFFFFFFF  }
0xb6: {  	_ =	strace $0x9000004B  }
0xb7: {  	_ =	sfence  }
0xb8: {  	s30 =	sld [smem:$0x0];
	_ =	sdelay $0x2  }
0xb9: {  	s31 =	sshll.u32 s1, $0xD;
	s1 =	sshrl.u32 s1, $0x2  }
0xba: {  	s3 =	sand.u32 $0x4000, s31;
	s1 =	sadd.s32 s1, s30  }
0xbb: {  	s0 =	sor.u32 s3, s0;
	s1 =	sshll.u32 s1, $0x11  }
0xbc: {  	s0 =	sor.u32 s1, s0  }
0xbd: {  	s0 =	sadd.s32 $0x8F2B, s0  }
0xbe: {  	[sflag:s0] =	ssyncadd.remote.s32 $0x1  }
0xbf: {  	_ =	sfence.sel $0xFFFF  }
0xc0: {  	[dreg:$0x0] =	wrdreg $0xFFFFFFFF;
	(pc) =	sbr.abs _section_cstart, $3  }
0xc1: {  	[dreg:$0x1] =	wrdreg $0xFFFFFFFF  }
0xc2: {  	_ =	task.clear_ibuf [dreg:s7], $0x2FFFF;
	_ =	strace $0x9FFFFFFF  }
0xc3: {  	(tm) =	ssettm $0x7FFFFFFF  }
tec
execute0_lowered:
.L_overlay_start_1:
0x0: {  	(tag) =	ssettag $0x1  }
0x1: {  	s0 =	rddreg [dreg:$0x0]  }
0x2: {  	s2 =	rddreg [dreg:$0x1]  }
0x3: {  	s1 =	rddreg [dreg:$0x2];
	s3 =	simm.s32 $0x0;
	s5 =	srdreg.scid  }
0x4: {  	s10 =	stileid.u32;
	s18 =	simm.s32 $0x3;
	s19 =	simm.s32 $0x2A00  }
0x5: {  	s20 =	simm.s32 $0x80;
	s22 =	simm.s32 $0x2900;
	s23 =	simm.s32 $0x6A00  }
0x6: {  	s24 =	simm.s32 $0x1;
	s28 =	simm.s32 $0x2980;
	s29 =	simm.s32 $0x0  }
0x7: {  	[smem:$0x7FF] =	sst s3;
	s4 =	sadd.s32 $0x3F000, s0;
	s5 =	sand.u32 $0x1, s5  }
0x8: {  	s6 =	sshll.u32 s10, $0x1;
	s7 =	sadd.s32 $0x17000, s0;
	s25 =	smul.u32 $0x50000, s10  }
0x9: {  	s0 =	sadd.s32 $0x67000, s0;
	s11 =	smul.u32 $0x14000, s10;
	_ =	strace $0x8000004A  }
0xa: {  	s6 =	sor.u32 s5, s6;
	s8 =	ssub.s32 $0x2, s5;
	s5 =	smul.u32 $0x140000, s5  }
0xb: {  	[dreg:$0x4] =	wrdreg s7;
	s6 =	smul.u32 $0x500, s6;
	s9 =	sshrl.u32 s8, $0x1  }
0xc: {  	s7 =	sshrl.u32 s25, $0x2;
	s26 =	sadd.s32 $0x4000, s11;
	s14 =	sadd.s32 $0x8000, s11  }
0xd: {  	s15 =	sadd.s32 $0xC000, s11;
	s16 =	sadd.s32 $0x10000, s11;
	s25 =	simm.s32 $0x2880  }
0xe: {  	s17 =	ssub.s32 s8, s9;
	s7 =	sadd.s32 s7, s1;
	s8 =	sadd.s32 s26, s1  }
0xf: {  	s9 =	sadd.s32 s14, s1;
	s10 =	sadd.s32 s15, s1;
	s12 =	sadd.s32 s11, s5  }
0x10: {  	s11 =	sadd.s32 s16, s1;
	s30 =	sadd.s32 s5, s14;
	s31 =	sadd.s32 s5, s15  }
0x11: {  	s6 =	sadd.s32 s2, s6;
	s2 =	sadd.s32 s5, s26;
	s12 =	sshrl.u32 s12, $0x3  }
0x12: {  	s5 =	sadd.s32 s5, s16;
	s15 =	sshrl.u32 s31, $0x3;
	s17 =	smax.u32 s17, $0x1  }
0x13: {  	s26 =	simm.s32 $0x2;
	s2 =	sshrl.u32 s2, $0x3;
	s12 =	sadd.s32 s0, s12  }
0x14: {  	s5 =	sshrl.u32 s5, $0x3;
	s13 =	sadd.s32 s0, s2;
	s2 =	sshrl.u32 s30, $0x3  }
0x15: {  	s15 =	sadd.s32 s0, s15;
	s16 =	sadd.s32 s0, s5;
	s14 =	sadd.s32 s0, s2  }
.LBB2_1:
0x16: {  	[tilespmem:s3], [sflag:$0x3] =	stream.linear.gather [hbm4b:s6+s3], $0x2800, $0x38;
	[tilespmem:$0x1EA00] =	vst v63  }
0x17: {  	_ =	swait.ge [sflag:s18], $0x2800  }
0x18: {  	[sflag:s18] =	ssyncset.done $0x0  }
0x19: {  	s0 =	rddreg [dreg:$0x4];
	[sflag:s18] =	ssyncadd.s32 $0xFFFFD800  }
0x1a: {  	[tilespmem:s19], [sflag:$0x3] =	stream.linear.gather [hbm4b:s0+s3], $0x4000, $0x38;
	[tilespmem:$0x1EA00] =	vst v63  }
0x1b: {  	_ =	swait.ge [sflag:s18], $0x4000  }
0x1c: {  	[sflag:s18] =	ssyncset.done $0x0  }
0x1d: {  	[sflag:s18] =	ssyncadd.s32 $0xFFFFC000  }
0x1e: {  	[spmem:s7] =	stream.linear.scatter [tilespmem:s19], [sflag:$0x3], $0x4000, $0x38;
	[tilespmem:$0x1EA00] =	vst v63  }
0x1f: {  	_ =	swait.ge [sflag:s18], $0x4000  }
0x20: {  	[sflag:s18] =	ssyncset.done $0x0  }
0x21: {  	[sflag:s18] =	ssyncadd.s32 $0xFFFFC000  }
0x22: {  	[spmem:s8] =	stream.linear.scatter [tilespmem:s19], [sflag:$0x3], $0x4000, $0x38;
	[tilespmem:$0x1EA00] =	vst v63  }
0x23: {  	_ =	swait.ge [sflag:s18], $0x4000  }
0x24: {  	[sflag:s18] =	ssyncset.done $0x0  }
0x25: {  	[sflag:s18] =	ssyncadd.s32 $0xFFFFC000  }
0x26: {  	[spmem:s9] =	stream.linear.scatter [tilespmem:s19], [sflag:$0x3], $0x4000, $0x38;
	[tilespmem:$0x1EA00] =	vst v63  }
0x27: {  	_ =	swait.ge [sflag:s18], $0x4000  }
0x28: {  	[sflag:s18] =	ssyncset.done $0x0  }
0x29: {  	[sflag:s18] =	ssyncadd.s32 $0xFFFFC000  }
0x2a: {  	[spmem:s10] =	stream.linear.scatter [tilespmem:s19], [sflag:$0x3], $0x4000, $0x38;
	[tilespmem:$0x1EA00] =	vst v63  }
0x2b: {  	_ =	swait.ge [sflag:s18], $0x4000  }
0x2c: {  	[sflag:s18] =	ssyncset.done $0x0  }
0x2d: {  	[sflag:s18] =	ssyncadd.s32 $0xFFFFC000  }
0x2e: {  	[spmem:s11] =	stream.linear.scatter [tilespmem:s19], [sflag:$0x3], $0x4000, $0x38;
	[tilespmem:$0x1EA00] =	vst v63  }
0x2f: {  	_ =	swait.ge [sflag:s18], $0x4000  }
0x30: {  	[sflag:s18] =	ssyncset.done $0x0  }
0x31: {  	[sflag:s18] =	ssyncadd.s32 $0xFFFFC000  }
0x32: {  	[bflag:$0x0] =	sbarrier.arrive $0xFFFF  }
0x33: {  	v0 =	vld [tilespmem:$0x0];
	_ =	sdelay $0x1  }
0x34: {  	v1 =	vld [tilespmem:$0x10];
	_ =	sdelay $0x1  }
0x35: {  	v2 =	vld [tilespmem:$0x20]  }
0x36: {  	v3 =	vand.u32 $0x3FFF, v0  }
0x37: {  	v0 =	vshrl.u32 v0, $0xE;
	[tilespmem:$0x2800] =	vst v3;
	v3 =	vld [tilespmem:$0x30]  }
0x38: {  	[tilespmem:$0x2880] =	vst v0;
	v0 =	vand.u32 $0x3FFF, v1  }
0x39: {  	[tilespmem:$0x2810] =	vst v0;
	v0 =	vshrl.u32 v1, $0xE;
	v1 =	vld [tilespmem:$0x40]  }
0x3a: {  	[tilespmem:$0x2890] =	vst v0;
	v0 =	vand.u32 $0x3FFF, v2  }
0x3b: {  	[tilespmem:$0x2820] =	vst v0;
	v0 =	vshrl.u32 v2, $0xE;
	v2 =	vld [tilespmem:$0x50]  }
0x3c: {  	[tilespmem:$0x28A0] =	vst v0;
	v0 =	vand.u32 $0x3FFF, v3  }
0x3d: {  	[tilespmem:$0x2830] =	vst v0;
	v0 =	vshrl.u32 v3, $0xE;
	v3 =	vld [tilespmem:$0x60]  }
0x3e: {  	[tilespmem:$0x28B0] =	vst v0;
	v0 =	vand.u32 $0x3FFF, v1  }
0x3f: {  	[tilespmem:$0x2840] =	vst v0;
	v0 =	vshrl.u32 v1, $0xE;
	v1 =	vld [tilespmem:$0x70]  }
0x40: {  	[tilespmem:$0x28C0] =	vst v0;
	v0 =	vand.u32 $0x3FFF, v2  }
0x41: {  	[tilespmem:$0x2850] =	vst v0;
	v0 =	vshrl.u32 v2, $0xE  }
0x42: {  	[tilespmem:$0x28D0] =	vst v0;
	v0 =	vand.u32 $0x3FFF, v3  }
0x43: {  	[tilespmem:$0x2860] =	vst v0;
	v0 =	vshrl.u32 v3, $0xE  }
0x44: {  	[tilespmem:$0x28E0] =	vst v0;
	v0 =	vand.u32 $0x3FFF, v1  }
0x45: {  	[tilespmem:$0x2870] =	vst v0;
	v0 =	vshrl.u32 v1, $0xE  }
0x46: {  	s5 =	simm.s32 $0x2800;
	s21 =	simm.s32 $0x0;
	[tilespmem:$0x28F0] =	vst v0  }
0x47: {  	[tilespmem:s19], [sflag:$0x1] =	stream.indirect.gather [hbm4b:s4+s20], $0x80, s5, s20, $0xb8;
	[tilespmem:$0x1EA00] =	vst v63  }
0x48: {  	v0 =	vld [tilespmem:s21+$0x80];
	_ =	sdelay $0x4  }
0x49: {  	v1 =	vand.u32 $0x3FFF, v0  }
0x4a: {  	v0 =	vshrl.u32 v0, $0xE;
	[tilespmem:$0x2900] =	vst v1  }
0x4b: {  	[tilespmem:$0x2980] =	vst v0  }
0x4c: {  	v0 =	vld [tilespmem:s21+$0x90];
	_ =	sdelay $0x4  }
0x4d: {  	v1 =	vand.u32 $0x3FFF, v0  }
0x4e: {  	v0 =	vshrl.u32 v0, $0xE;
	[tilespmem:$0x2910] =	vst v1  }
0x4f: {  	[tilespmem:$0x2990] =	vst v0  }
0x50: {  	v0 =	vld [tilespmem:s21+$0xA0];
	_ =	sdelay $0x4  }
0x51: {  	v1 =	vand.u32 $0x3FFF, v0  }
0x52: {  	v0 =	vshrl.u32 v0, $0xE;
	[tilespmem:$0x2920] =	vst v1  }
0x53: {  	[tilespmem:$0x29A0] =	vst v0  }
0x54: {  	v0 =	vld [tilespmem:s21+$0xB0];
	_ =	sdelay $0x4  }
0x55: {  	v1 =	vand.u32 $0x3FFF, v0  }
0x56: {  	v0 =	vshrl.u32 v0, $0xE;
	[tilespmem:$0x2930] =	vst v1  }
0x57: {  	[tilespmem:$0x29B0] =	vst v0  }
0x58: {  	v0 =	vld [tilespmem:s21+$0xC0];
	_ =	sdelay $0x4  }
0x59: {  	v1 =	vand.u32 $0x3FFF, v0  }
0x5a: {  	v0 =	vshrl.u32 v0, $0xE;
	[tilespmem:$0x2940] =	vst v1  }
0x5b: {  	[tilespmem:$0x29C0] =	vst v0  }
0x5c: {  	v0 =	vld [tilespmem:s21+$0xD0];
	_ =	sdelay $0x4  }
0x5d: {  	v1 =	vand.u32 $0x3FFF, v0  }
0x5e: {  	v0 =	vshrl.u32 v0, $0xE;
	[tilespmem:$0x2950] =	vst v1  }
0x5f: {  	[tilespmem:$0x29D0] =	vst v0  }
0x60: {  	v0 =	vld [tilespmem:s21+$0xE0];
	_ =	sdelay $0x4  }
0x61: {  	v1 =	vand.u32 $0x3FFF, v0  }
0x62: {  	v0 =	vshrl.u32 v0, $0xE;
	[tilespmem:$0x2960] =	vst v1  }
0x63: {  	[tilespmem:$0x29E0] =	vst v0  }
0x64: {  	v0 =	vld [tilespmem:s21+$0xF0];
	_ =	sdelay $0x4  }
0x65: {  	v1 =	vand.u32 $0x3FFF, v0  }
0x66: {  	v0 =	vshrl.u32 v0, $0xE;
	[tilespmem:$0x2970] =	vst v1  }
0x67: {  	[tilespmem:$0x29F0] =	vst v0  }
0x68: {  	[tilespmem:s23], [sflag:$0x2] =	stream.indirect.gather [hbm4b:s4+s20], $0x80, s22, s20, $0xb8;
	[tilespmem:$0x1EA00] =	vst v63  }
0x69: {  	_ =	swait.ge [sflag:s24], $0x4000  }
0x6a: {  	[sflag:s24] =	ssyncset.done $0x0  }
0x6b: {  	[sflag:s24] =	ssyncadd.s32 $0xFFFFC000  }
0x6c: {  	[spmem:s1] =	stream.indirect.scatter.add.f32 [tilespmem:s19], [sflag:$0x3], $0x80, s25, s20, $0xb8;
	[tilespmem:$0x1EA00] =	vst v63  }
0x6d: {  	_ =	swait.ge [sflag:s18], $0x4000  }
0x6e: {  	p1 =	por $0x0, $0x0;
	[sflag:s18] =	ssyncset.done $0x0  }
0x6f: {  	s31 =	simm.s32 @!p1 $0x0;
	[sflag:s18] =	ssyncadd.s32 $0xFFFFC000  }
0x70: {  	v0 =	vld @!p1 [tilespmem:s31+$0x100];
	_ =	sdelay $0x4  }
0x71: {  	v1 =	vand.u32 @!p1 $0x3FFF, v0  }
0x72: {  	v0 =	vshrl.u32 @!p1 v0, $0xE;
	[tilespmem:$0x2800] =	vst @!p1 v1  }
0x73: {  	[tilespmem:$0x2880] =	vst @!p1 v0  }
0x74: {  	v0 =	vld @!p1 [tilespmem:s31+$0x110];
	_ =	sdelay $0x4  }
0x75: {  	v1 =	vand.u32 @!p1 $0x3FFF, v0  }
0x76: {  	v0 =	vshrl.u32 @!p1 v0, $0xE;
	[tilespmem:$0x2810] =	vst @!p1 v1  }
0x77: {  	[tilespmem:$0x2890] =	vst @!p1 v0  }
0x78: {  	v0 =	vld @!p1 [tilespmem:s31+$0x120];
	_ =	sdelay $0x4  }
0x79: {  	v1 =	vand.u32 @!p1 $0x3FFF, v0  }
0x7a: {  	v0 =	vshrl.u32 @!p1 v0, $0xE;
	[tilespmem:$0x2820] =	vst @!p1 v1  }
0x7b: {  	[tilespmem:$0x28A0] =	vst @!p1 v0  }
0x7c: {  	v0 =	vld @!p1 [tilespmem:s31+$0x130];
	_ =	sdelay $0x4  }
0x7d: {  	v1 =	vand.u32 @!p1 $0x3FFF, v0  }
0x7e: {  	v0 =	vshrl.u32 @!p1 v0, $0xE;
	[tilespmem:$0x2830] =	vst @!p1 v1  }
0x7f: {  	[tilespmem:$0x28B0] =	vst @!p1 v0  }
0x80: {  	v0 =	vld @!p1 [tilespmem:s31+$0x140];
	_ =	sdelay $0x4  }
0x81: {  	v1 =	vand.u32 @!p1 $0x3FFF, v0  }
0x82: {  	v0 =	vshrl.u32 @!p1 v0, $0xE;
	[tilespmem:$0x2840] =	vst @!p1 v1  }
0x83: {  	[tilespmem:$0x28C0] =	vst @!p1 v0  }
0x84: {  	v0 =	vld @!p1 [tilespmem:s31+$0x150];
	_ =	sdelay $0x4  }
0x85: {  	v1 =	vand.u32 @!p1 $0x3FFF, v0  }
0x86: {  	v0 =	vshrl.u32 @!p1 v0, $0xE;
	[tilespmem:$0x2850] =	vst @!p1 v1  }
0x87: {  	[tilespmem:$0x28D0] =	vst @!p1 v0  }
0x88: {  	v0 =	vld @!p1 [tilespmem:s31+$0x160];
	_ =	sdelay $0x4  }
0x89: {  	s30 =	simm.s32 $0x400;
	v1 =	vand.u32 @!p1 $0x3FFF, v0  }
0x8a: {  	s2 =	simm.s32 @!p1 $0x80;
	s5 =	simm.s32 @!p1 $0x2A00;
	s21 =	simm.s32 @!p1 $0x2800;
	v0 =	vshrl.u32 @!p1 v0, $0xE;
	[tilespmem:$0x2860] =	vst @!p1 v1  }
.LBB2_2:
0x8b: {  	[tilespmem:$0x28E0] =	vst @!p1 v0;
	s0 =	smov.u32 s30;
	s30 =	sadd.s32 $0x400, s30  }
0x8c: {  	p0 =	sne.s32 s30, $0xA000;
	v0 =	vld @!p1 [tilespmem:s31+$0x170];
	_ =	sdelay $0x4  }
0x8d: {  	v1 =	vand.u32 @!p1 $0x3FFF, v0;
	v0 =	vshrl.u32 @!p1 v0, $0xE  }
0x8e: {  	[tilespmem:$0x2870] =	vst @!p1 v1  }
0x8f: {  	[tilespmem:$0x28F0] =	vst @!p1 v0  }
0x90: {  	[tilespmem:s5], [sflag:$0x1] =	stream.indirect.gather @!p1 [hbm4b:s4+s2], $0x80, s21, s2, $0xb8;
	[tilespmem:$0x1EA00] =	vst v63  }
0x91: {  	_ =	swait.ge [sflag:s26], $0x4000  }
0x92: {  	[sflag:s26] =	ssyncset.done $0x0  }
0x93: {  	[sflag:s26] =	ssyncadd.s32 $0xFFFFC000  }
0x94: {  	[spmem:s1] =	stream.indirect.scatter.add.f32 [tilespmem:s23], [sflag:$0x3], $0x80, s28, s20, $0xb8;
	[tilespmem:$0x1EA00] =	vst v63  }
0x95: {  	_ =	swait.ge [sflag:s18], $0x4000  }
0x96: {  	[sflag:s18] =	ssyncset.done $0x0  }
0x97: {  	s31 =	sshra.s32 s0, $0x2;
	[sflag:s18] =	ssyncadd.s32 $0xFFFFC000  }
0x98: {  	v0 =	vld [tilespmem:s31+$0x80];
	_ =	sdelay $0x4  }
0x99: {  	v1 =	vand.u32 $0x3FFF, v0;
	v0 =	vshrl.u32 v0, $0xE  }
0x9a: {  	[tilespmem:$0x2900] =	vst v1  }
0x9b: {  	[tilespmem:$0x2980] =	vst v0  }
0x9c: {  	v0 =	vld [tilespmem:s31+$0x90];
	_ =	sdelay $0x4  }
0x9d: {  	v1 =	vand.u32 $0x3FFF, v0;
	v0 =	vshrl.u32 v0, $0xE  }
0x9e: {  	[tilespmem:$0x2910] =	vst v1  }
0x9f: {  	[tilespmem:$0x2990] =	vst v0  }
0xa0: {  	v0 =	vld [tilespmem:s31+$0xA0];
	_ =	sdelay $0x4  }
0xa1: {  	v1 =	vand.u32 $0x3FFF, v0;
	v0 =	vshrl.u32 v0, $0xE  }
0xa2: {  	[tilespmem:$0x2920] =	vst v1  }
0xa3: {  	[tilespmem:$0x29A0] =	vst v0  }
0xa4: {  	v0 =	vld [tilespmem:s31+$0xB0];
	_ =	sdelay $0x4  }
0xa5: {  	v1 =	vand.u32 $0x3FFF, v0;
	v0 =	vshrl.u32 v0, $0xE  }
0xa6: {  	[tilespmem:$0x2930] =	vst v1  }
0xa7: {  	[tilespmem:$0x29B0] =	vst v0  }
0xa8: {  	v0 =	vld [tilespmem:s31+$0xC0];
	_ =	sdelay $0x4  }
0xa9: {  	v1 =	vand.u32 $0x3FFF, v0;
	v0 =	vshrl.u32 v0, $0xE  }
0xaa: {  	[tilespmem:$0x2940] =	vst v1  }
0xab: {  	[tilespmem:$0x29C0] =	vst v0  }
0xac: {  	v0 =	vld [tilespmem:s31+$0xD0];
	_ =	sdelay $0x4  }
0xad: {  	v1 =	vand.u32 $0x3FFF, v0;
	v0 =	vshrl.u32 v0, $0xE  }
0xae: {  	[tilespmem:$0x2950] =	vst v1  }
0xaf: {  	[tilespmem:$0x29D0] =	vst v0  }
0xb0: {  	v0 =	vld [tilespmem:s31+$0xE0];
	_ =	sdelay $0x4  }
0xb1: {  	v1 =	vand.u32 $0x3FFF, v0;
	v0 =	vshrl.u32 v0, $0xE  }
0xb2: {  	[tilespmem:$0x2960] =	vst v1  }
0xb3: {  	[tilespmem:$0x29E0] =	vst v0  }
0xb4: {  	v0 =	vld [tilespmem:s31+$0xF0];
	_ =	sdelay $0x4  }
0xb5: {  	v1 =	vand.u32 $0x3FFF, v0;
	v0 =	vshrl.u32 v0, $0xE  }
0xb6: {  	p1 =	seq.s32 s0, $0x9C00;
	[tilespmem:$0x2970] =	vst v1  }
0xb7: {  	s31 =	sshra.s32 @!p1 s0, $0x2;
	[tilespmem:$0x29F0] =	vst v0  }
0xb8: {  	[tilespmem:s23], [sflag:$0x2] =	stream.indirect.gather [hbm4b:s4+s20], $0x80, s22, s20, $0xb8;
	[tilespmem:$0x1EA00] =	vst v63  }
0xb9: {  	_ =	swait.ge [sflag:s24], $0x4000  }
0xba: {  	[sflag:s24] =	ssyncset.done $0x0  }
0xbb: {  	[sflag:s24] =	ssyncadd.s32 $0xFFFFC000  }
0xbc: {  	[spmem:s1] =	stream.indirect.scatter.add.f32 [tilespmem:s19], [sflag:$0x3], $0x80, s25, s20, $0xb8;
	[tilespmem:$0x1EA00] =	vst v63  }
0xbd: {  	_ =	swait.ge [sflag:s18], $0x4000  }
0xbe: {  	[sflag:s18] =	ssyncset.done $0x0  }
0xbf: {  	[sflag:s18] =	ssyncadd.s32 $0xFFFFC000  }
0xc0: {  	v0 =	vld @!p1 [tilespmem:s31+$0x100];
	_ =	sdelay $0x4  }
0xc1: {  	v1 =	vand.u32 @!p1 $0x3FFF, v0;
	v0 =	vshrl.u32 @!p1 v0, $0xE  }
0xc2: {  	[tilespmem:$0x2800] =	vst @!p1 v1  }
0xc3: {  	[tilespmem:$0x2880] =	vst @!p1 v0  }
0xc4: {  	v0 =	vld @!p1 [tilespmem:s31+$0x110];
	_ =	sdelay $0x4  }
0xc5: {  	v1 =	vand.u32 @!p1 $0x3FFF, v0;
	v0 =	vshrl.u32 @!p1 v0, $0xE  }
0xc6: {  	[tilespmem:$0x2810] =	vst @!p1 v1  }
0xc7: {  	[tilespmem:$0x2890] =	vst @!p1 v0  }
0xc8: {  	v0 =	vld @!p1 [tilespmem:s31+$0x120];
	_ =	sdelay $0x4  }
0xc9: {  	v1 =	vand.u32 @!p1 $0x3FFF, v0;
	v0 =	vshrl.u32 @!p1 v0, $0xE  }
0xca: {  	[tilespmem:$0x2820] =	vst @!p1 v1  }
0xcb: {  	[tilespmem:$0x28A0] =	vst @!p1 v0  }
0xcc: {  	v0 =	vld @!p1 [tilespmem:s31+$0x130];
	_ =	sdelay $0x4  }
0xcd: {  	v1 =	vand.u32 @!p1 $0x3FFF, v0;
	v0 =	vshrl.u32 @!p1 v0, $0xE  }
0xce: {  	[tilespmem:$0x2830] =	vst @!p1 v1  }
0xcf: {  	[tilespmem:$0x28B0] =	vst @!p1 v0  }
0xd0: {  	v0 =	vld @!p1 [tilespmem:s31+$0x140];
	_ =	sdelay $0x4  }
0xd1: {  	v1 =	vand.u32 @!p1 $0x3FFF, v0;
	v0 =	vshrl.u32 @!p1 v0, $0xE  }
0xd2: {  	[tilespmem:$0x2840] =	vst @!p1 v1  }
0xd3: {  	[tilespmem:$0x28C0] =	vst @!p1 v0  }
0xd4: {  	v0 =	vld @!p1 [tilespmem:s31+$0x150];
	_ =	sdelay $0x4  }
0xd5: {  	v1 =	vand.u32 @!p1 $0x3FFF, v0;
	v0 =	vshrl.u32 @!p1 v0, $0xE  }
0xd6: {  	[tilespmem:$0x2850] =	vst @!p1 v1  }
0xd7: {  	s2 =	simm.s32 @!p1 $0x80;
	s21 =	simm.s32 @!p1 $0x2800;
	s5 =	simm.s32 @!p1 $0x2A00;
	[tilespmem:$0x28D0] =	vst @!p1 v0  }
0xd8: {  	v0 =	vld @!p1 [tilespmem:s31+$0x160];
	_ =	sdelay $0x1  }
.Ltmp0:
0xd9: {  	(pc) =	sbr.rel @p0 .LBB2_2-.Ltmp0, $3  }
0xda: {  	_ =	sdelay $0x1  }
0xdb: {  	v1 =	vand.u32 @!p1 $0x3FFF, v0;
	v0 =	vshrl.u32 @!p1 v0, $0xE  }
0xdc: {  	[tilespmem:$0x2860] =	vst @!p1 v1  }
0xdd: {  	[tilespmem:$0x28E0] =	vst @!p1 v0  }
0xde: {  	v0 =	vld @!p1 [tilespmem:s31+$0x170];
	_ =	sdelay $0x4  }
0xdf: {  	v1 =	vand.u32 @!p1 $0x3FFF, v0  }
0xe0: {  	v0 =	vshrl.u32 @!p1 v0, $0xE;
	[tilespmem:$0x2870] =	vst @!p1 v1  }
0xe1: {  	[tilespmem:$0x28F0] =	vst @!p1 v0  }
0xe2: {  	[tilespmem:s5], [sflag:$0x1] =	stream.indirect.gather @!p1 [hbm4b:s4+s2], $0x80, s21, s2, $0xb8;
	[tilespmem:$0x1EA00] =	vst v63  }
0xe3: {  	_ =	swait.ge [sflag:s26], $0x4000  }
0xe4: {  	[sflag:s26] =	ssyncset.done $0x0  }
0xe5: {  	[sflag:s26] =	ssyncadd.s32 $0xFFFFC000  }
0xe6: {  	[spmem:s1] =	stream.indirect.scatter.add.f32 [tilespmem:s23], [sflag:$0x3], $0x80, s28, s20, $0xb8;
	[tilespmem:$0x1EA00] =	vst v63  }
0xe7: {  	_ =	swait.ge [sflag:s18], $0x4000  }
0xe8: {  	[sflag:s18] =	ssyncset.done $0x0  }
0xe9: {  	[sflag:s18] =	ssyncadd.s32 $0xFFFFC000  }
0xea: {  	[bflag:$0x0] =	sbarrier.arrive $0xFFFF  }
0xeb: {  	[tilespmem:s19], [sflag:$0x3] =	stream.linear.gather [spmem:s7], $0x4000, $0x38;
	[tilespmem:$0x1EA00] =	vst v63  }
0xec: {  	_ =	swait.ge [sflag:s18], $0x4000  }
0xed: {  	[sflag:s18] =	ssyncset.done $0x0  }
0xee: {  	[sflag:s18] =	ssyncadd.s32 $0xFFFFC000  }
0xef: {  	[hbm4b:s12+s3] =	stream.linear.scatter [tilespmem:s19], [sflag:$0x3], $0x4000, $0x38;
	[tilespmem:$0x1EA00] =	vst v63  }
0xf0: {  	_ =	swait.ge [sflag:s18], $0x4000  }
0xf1: {  	[sflag:s18] =	ssyncset.done $0x0  }
0xf2: {  	[sflag:s18] =	ssyncadd.s32 $0xFFFFC000  }
0xf3: {  	[tilespmem:s19], [sflag:$0x3] =	stream.linear.gather [spmem:s8], $0x4000, $0x38;
	[tilespmem:$0x1EA00] =	vst v63  }
0xf4: {  	_ =	swait.ge [sflag:s18], $0x4000  }
0xf5: {  	[sflag:s18] =	ssyncset.done $0x0  }
0xf6: {  	[sflag:s18] =	ssyncadd.s32 $0xFFFFC000  }
0xf7: {  	[hbm4b:s13+s3] =	stream.linear.scatter [tilespmem:s19], [sflag:$0x3], $0x4000, $0x38;
	[tilespmem:$0x1EA00] =	vst v63  }
0xf8: {  	_ =	swait.ge [sflag:s18], $0x4000  }
0xf9: {  	[sflag:s18] =	ssyncset.done $0x0  }
0xfa: {  	[sflag:s18] =	ssyncadd.s32 $0xFFFFC000  }
0xfb: {  	[tilespmem:s19], [sflag:$0x3] =	stream.linear.gather [spmem:s9], $0x4000, $0x38;
	[tilespmem:$0x1EA00] =	vst v63  }
0xfc: {  	_ =	swait.ge [sflag:s18], $0x4000  }
0xfd: {  	[sflag:s18] =	ssyncset.done $0x0  }
0xfe: {  	[sflag:s18] =	ssyncadd.s32 $0xFFFFC000  }
0xff: {  	[hbm4b:s14+s3] =	stream.linear.scatter [tilespmem:s19], [sflag:$0x3], $0x4000, $0x38;
	[tilespmem:$0x1EA00] =	vst v63  }
0x100: {  	_ =	swait.ge [sflag:s18], $0x4000  }
0x101: {  	[sflag:s18] =	ssyncset.done $0x0  }
0x102: {  	[sflag:s18] =	ssyncadd.s32 $0xFFFFC000  }
0x103: {  	[tilespmem:s19], [sflag:$0x3] =	stream.linear.gather [spmem:s10], $0x4000, $0x38;
	[tilespmem:$0x1EA00] =	vst v63  }
0x104: {  	_ =	swait.ge [sflag:s18], $0x4000  }
0x105: {  	[sflag:s18] =	ssyncset.done $0x0  }
0x106: {  	[sflag:s18] =	ssyncadd.s32 $0xFFFFC000  }
0x107: {  	[hbm4b:s15+s3] =	stream.linear.scatter [tilespmem:s19], [sflag:$0x3], $0x4000, $0x38;
	[tilespmem:$0x1EA00] =	vst v63  }
0x108: {  	_ =	swait.ge [sflag:s18], $0x4000  }
0x109: {  	[sflag:s18] =	ssyncset.done $0x0  }
0x10a: {  	[sflag:s18] =	ssyncadd.s32 $0xFFFFC000  }
0x10b: {  	[tilespmem:s19], [sflag:$0x3] =	stream.linear.gather [spmem:s11], $0x4000, $0x38;
	[tilespmem:$0x1EA00] =	vst v63  }
0x10c: {  	s29 =	sadd.s32 $0x1, s29;
	_ =	swait.ge [sflag:s18], $0x4000  }
0x10d: {  	p0 =	sne.s32 s29, s17;
	[sflag:s18] =	ssyncset.done $0x0  }
.Ltmp1:
0x10e: {  	[sflag:s18] =	ssyncadd.s32 $0xFFFFC000;
	(pc) =	sbr.rel @p0 .LBB2_1-.Ltmp1, $4  }
0x10f: {  	[hbm4b:s16+s3] =	stream.linear.scatter [tilespmem:s19], [sflag:$0x3], $0x4000, $0x38;
	[tilespmem:$0x1EA00] =	vst v63  }
0x110: {  	_ =	swait.ge [sflag:s18], $0x4000  }
0x111: {  	[sflag:s18] =	ssyncset.done $0x0  }
0x112: {  	[sflag:s18] =	ssyncadd.s32 $0xFFFFC000  }
0x113: {  	_ =	sfence.sel $0x180000  }
0x114: {  	[bflag:$0x0] =	sbarrier.arrive $0xFFFF  }
0x115: {  	_ =	strace $0x9000004A  }
0x116: {  	s0 =	stileid.u32;
	[bflag:$0x2] =	sbarrier.arrive $0xFFFF  }
0x117: {  	p0 =	sne.s32 s0, $0x0;
	s0 =	rddreg [dreg:$0x3]  }
0x118: {  	s0 =	sadd.s32 @!p0 $0x100000, s0  }
0x119: {  	[sflag:s0] =	ssyncadd.tile.s32 @!p0 $0x1;
	_ =	shalt  }
.Lfunc_end2:
_tile_overlayer_lowered:
.L_overlay_start_2:
0x11a: {  	(tag) =	ssettag $0x2  }
0x11b: {  	s0 =	rddreg [dreg:$0x0];
	s2 =	stileid.u32  }
0x11c: {  	s1 =	rddreg [dreg:$0x1];
	p0 =	sne.s32 s2, $0x0  }
0x11d: {  	s3 =	rddreg [dreg:$0x2];
	[bflag:$0x3] =	sbarrier.arrive $0xFFFF;
	s2 =	simm.s32 @!p0 $0x1C03  }
0x11e: {  	[timem:s3], [sflag:s2] =	dma.local @!p0 [hbm:s0], s1  }
0x11f: {  	s0 =	simm.s32 @!p0 $0x3  }
0x120: {  	_ =	swait.ge @!p0 [sflag:s0], s1  }
0x121: {  	s1 =	ssub.s32 @!p0 $0x0, s1;
	[sflag:s0] =	ssyncset.done @!p0 $0x0  }
0x122: {  	[sflag:s0] =	ssyncadd.s32 @!p0 s1  }
0x123: {  	[bflag:$0x3] =	sbarrier.arrive $0xFFFF  }
0x124: {  	_ =	shalt  }

// kernel: kernel.16.cloned.1.call-start
scs
__scs_entry_jumppad:
0x0: {  	(pc) =	sbr.rel $0x88, $3  }
0x1: {  	(tag) =	ssettag $0x0;
	lr =	simm.s32 $0x1  }
0x2: {  	[smem:$0x3F99] =	sst lr;
	_ =	strace $0xD0000000  }
0x3: {  	_ = 	snop  }
0x4: {  	_ = 	snop  }
0x5: {  	_ = 	snop  }
0x6: {  	_ = 	snop  }
0x7: {  	_ = 	snop  }
__scs_overlays_trampoline_lowered:
0x8: {  	[smem:$0x3FA8] =	sst s0  }
0x9: {  	[smem:$0x3FA9] =	sst s1  }
0xa: {  	[smem:$0x3FAA] =	sst s2  }
0xb: {  	[smem:$0x3FAB] =	sst s3  }
0xc: {  	[smem:$0x3FAC] =	sst s4  }
0xd: {  	[smem:$0x3FAD] =	sst s5  }
0xe: {  	[smem:$0x3FAE] =	sst s6  }
0xf: {  	[smem:$0x3FAF] =	sst s7  }
0x10: {  	[smem:$0x3FB0] =	sst s8  }
0x11: {  	[smem:$0x3FB1] =	sst s9;
	s0 =	simm.s32 @!p0 $0x0  }
0x12: {  	s1 =	sld [smem:$0x3F97];
	s0 =	simm.s32 @p0 $0x1  }
0x13: {  	[smem:$0x3FB2] =	sst s0;
	s0 =	simm.s32 @!p1 $0x0  }
0x14: {  	s2 =	sld [smem:$0x3F96];
	s0 =	simm.s32 @p1 $0x1  }
0x15: {  	[smem:$0x3FB3] =	sst s0;
	s0 =	simm.s32 @!p2 $0x0  }
0x16: {  	s3 =	sld [smem:$0x3FDB];
	s0 =	simm.s32 @p2 $0x1  }
0x17: {  	s4 =	simm.s32 $0x1BF5;
	[smem:$0x3FB5] =	sst s0  }
0x18: {  	s0 =	sld [smem:$0x3F98];
	_ =	swait.ge [sflag:s4], $0x0  }
0x19: {  	s7 =	sld [smem:$0x3F99]  }
0x1a: {  	s8 =	sadd.s32 $0xFFFFE003, lr  }
0x1b: {  	s9 =	sadd.s32 $0xFFFFFEF7, lr;
	s5 =	simm.s32 $0xFFFFFFFF;
	p2 =	slt.u32 s8, $0xFFFFF086  }
0x1c: {  	p1 =	slt.u32 s9, $0xF7A;
	s5 =	simm.s32 @!p2 $0x0  }
0x1d: {  	s5 =	simm.s32 @p1 $0x1;
	p0 =	seq.s32 s7, s2  }
0x1e: {  	s7 =	smul.u32 @!p0 $0xF7A, s2;
	p2 =	seq.s32 @!p0 s5, $0x0  }
0x1f: {  	s9 =	smul.u32 $0xF7A, s1;
	s8 =	simm.s32 @!p0 $0x1BF5;
	p2 =	por !p2, p0  }
0x20: {  	[sflag:s8] =	ssyncset.s32 @!p0 $0xFFFFF086;
	s6 =	sadd.s32 @!p0 s3, s7;
	s7 =	simm.s32 @!p0 $0x108  }
0x21: {  	s3 =	sadd.s32 s3, s9;
	s6 =	sadd.s32 @!p0 $0x88, s6;
	s7 =	simm.s32 @p2 $0x1082  }
0x22: {  	[simem:s7], [sflag:s8] =	dma.local @!p0 [hbm:s6], $0xF7A  }
0x23: {  	s9 =	sor.u32 $0xD0000000, s2;
	s6 =	simm.s32 $0x108;
	_ =	swait.ge @!p0 [sflag:s8], $0x0  }
0x24: {  	s3 =	sadd.s32 $0x88, s3;
	s6 =	simm.s32 @!p1 $0x1082;
	[sflag:s4] =	ssyncset.s32 $0xFFFFF086  }
0x25: {  	[simem:s6], [sflag:s4] =	dma.local [hbm:s3], $0xF7A  }
0x26: {  	[smem:$0x3F99] =	sst s1;
	(tag) =	ssettag s2;
	_ =	strace s9  }
0x27: {  	s1 =	sld [smem:$0x3FA9]  }
0x28: {  	s2 =	sld [smem:$0x3FAA]  }
0x29: {  	s4 =	sld [smem:$0x3FAC]  }
0x2a: {  	p0 =	seq.s32 s5, $0x0;
	s5 =	sld [smem:$0x3FAD]  }
0x2b: {  	s6 =	sld [smem:$0x3FAE]  }
0x2c: {  	s7 =	sld [smem:$0x3FAF]  }
0x2d: {  	s3 =	simm.s32 $0x108;
	s8 =	sld [smem:$0x3FB0]  }
0x2e: {  	s3 =	simm.s32 @!p0 $0x1082;
	s9 =	sld [smem:$0x3FB1]  }
0x2f: {  	lr =	sadd.s32 s0, s3;
	s0 =	sld [smem:$0x3FA8]  }
0x30: {  	s3 =	sld [smem:$0x3FAB]  }
0x31: {  	[smem:$0x3FB4] =	sst s10  }
0x32: {  	s10 =	sld [smem:$0x3FB2];
	_ =	sdelay $0x3  }
0x33: {  	p0 =	seq.s32 s10, $0x1;
	s10 =	sld [smem:$0x3FB4];
	_ =	sdelay $0x3  }
0x34: {  	[smem:$0x3FB4] =	sst s10  }
0x35: {  	s10 =	sld [smem:$0x3FB3];
	_ =	sdelay $0x3  }
0x36: {  	p1 =	seq.s32 s10, $0x1;
	s10 =	sld [smem:$0x3FB4];
	_ =	sdelay $0x3  }
0x37: {  	[smem:$0x3FB4] =	sst s10  }
0x38: {  	s10 =	sld [smem:$0x3FB5]  }
0x39: {  	_ = 	snop;
	(pc) =	sbr.ind lr, $3  }
0x3a: {  	_ = 	snop  }
0x3b: {  	_ = 	snop  }
0x3c: {  	p2 =	seq.s32 s10, $0x1;
	s10 =	sld [smem:$0x3FB4]  }
0x3d: {  	_ =	shalt  }
0x3e: {  	_ =	shalt  }
0x3f: {  	_ =	shalt  }
0x40: {  	_ =	shalt  }
0x41: {  	_ =	shalt  }
0x42: {  	_ =	shalt  }
0x43: {  	_ =	shalt  }
0x44: {  	_ =	shalt  }
0x45: {  	_ =	shalt  }
0x46: {  	_ =	shalt  }
0x47: {  	_ =	shalt  }
0x48: {  	_ =	shalt  }
0x49: {  	_ =	shalt  }
0x4a: {  	_ =	shalt  }
0x4b: {  	_ =	shalt  }
0x4c: {  	_ =	shalt  }
0x4d: {  	_ =	shalt  }
0x4e: {  	_ =	shalt  }
0x4f: {  	_ =	shalt  }
0x50: {  	_ =	shalt  }
0x51: {  	_ =	shalt  }
0x52: {  	_ =	shalt  }
0x53: {  	_ =	shalt  }
0x54: {  	_ =	shalt  }
0x55: {  	_ =	shalt  }
0x56: {  	_ =	shalt  }
0x57: {  	_ =	shalt  }
0x58: {  	_ =	shalt  }
0x59: {  	_ =	shalt  }
0x5a: {  	_ =	shalt  }
0x5b: {  	_ =	shalt  }
0x5c: {  	_ =	shalt  }
0x5d: {  	_ =	shalt  }
0x5e: {  	_ =	shalt  }
0x5f: {  	_ =	shalt  }
0x60: {  	_ =	shalt  }
0x61: {  	_ =	shalt  }
0x62: {  	_ =	shalt  }
0x63: {  	_ =	shalt  }
0x64: {  	_ =	shalt  }
0x65: {  	_ =	shalt  }
0x66: {  	_ =	shalt  }
0x67: {  	_ =	shalt  }
0x68: {  	_ =	shalt  }
0x69: {  	_ =	shalt  }
0x6a: {  	_ =	shalt  }
0x6b: {  	_ =	shalt  }
0x6c: {  	_ =	shalt  }
0x6d: {  	_ =	shalt  }
0x6e: {  	_ =	shalt  }
0x6f: {  	_ =	shalt  }
0x70: {  	_ =	shalt  }
0x71: {  	_ =	shalt  }
0x72: {  	_ =	shalt  }
0x73: {  	_ =	shalt  }
0x74: {  	_ =	shalt  }
0x75: {  	_ =	shalt  }
0x76: {  	_ =	shalt  }
0x77: {  	_ =	shalt  }
0x78: {  	_ =	shalt  }
0x79: {  	_ =	shalt  }
0x7a: {  	_ =	shalt  }
0x7b: {  	_ =	shalt  }
0x7c: {  	_ =	shalt  }
0x7d: {  	_ =	shalt  }
0x7e: {  	_ =	shalt  }
0x7f: {  	_ =	shalt  }
0x80: {  	_ =	shalt  }
0x81: {  	_ =	shalt  }
0x82: {  	_ =	shalt  }
0x83: {  	_ =	shalt  }
0x84: {  	_ =	shalt  }
0x85: {  	_ =	shalt  }
0x86: {  	_ =	shalt  }
0x87: {  	_ =	shalt  }
.Lfunc_end0:
.L_simem_size_0:
called_computation.2_lowered:
.L_overlay_start_0:
0x88: {  	s2 =	sld [smem:$0x3FD9]  }
0x89: {  	s3 =	sld [smem:$0x3FFE];
	_ =	sdelay $0x1  }
0x8a: {  	s1 =	srdreg.scid  }
0x8b: {  	s0 =	sand.u32 $0x1, s1  }
0x8c: {  	s17 =	sshll.u32 s0, $0xA;
	s2 =	sadd.s32 s3, s2  }
0x8d: {  	s2 =	sadd.s32 s2, s17  }
0x8e: {  	[smem:$0x3FC0] =	sst s2  }
0x8f: {  	_ = 	snop  }
0x90: {  	s2 =	sld [smem:$0x3FD0];
	(tm) =	ssettm $0x1  }
0x91: {  	s18 =	sld [smem:$0x3FFB];
	_ =	sdelay $0x3  }
0x92: {  	_ =	strace s18  }
0x93: {  	s3 =	sld [smem:$0x3FFC];
	_ =	sdelay $0x3  }
0x94: {  	_ =	strace s3  }
0x95: {  	s3 =	sld [smem:$0x3FFD];
	_ =	sdelay $0x3  }
0x96: {  	_ =	strace s3  }
0x97: {  	_ =	strace $0x8FFFFFFF  }
0x98: {  	s19 =	sld [smem:$0x3FDB];
	_ =	sdelay $0x1  }
0x99: {  	s4 =	simm.s32 $_scs_section_size  }
0x9a: {  	s5 =	simm.s32 $_size__tile_overlayer_lowered;
	s6 =	simm.s32 $_tile_overlayer_lowered  }
0x9b: {  	s22 =	simm.s32 $0x1BFF;
	s21 =	sshll.u32 s6, $0x1;
	s3 =	sadd.s32 s4, s19  }
0x9c: {  	s7 =	simm.s32 $0x0;
	s20 =	sshll.u32 s5, $0x1;
	s5 =	sadd.s32 s21, s3  }
0x9d: {  	[timem:s7], [sflag:s22] =	dma.local [hbm:s5], s20  }
0x9e: {  	_ =	swait.ge [sflag:s22], s20  }
0x9f: {  	s4 =	ssub.s32 $0x0, s20;
	[sflag:s22] =	ssyncset.done $0x0  }
0xa0: {  	[sflag:s22] =	ssyncadd.s32 s4;
	_ =	sdelay $0x1  }
0xa1: {  	s23 =	simm.s32 $0x1B8B  }
0xa2: {  	_ =	swait.ge [sflag:s23], $0x1  }
0xa3: {  	[sflag:s23] =	ssyncset.done $0x0  }
0xa4: {  	s25 =	simm.s32 $0x1B8E;
	s24 =	sld [smem:$0x3FFE];
	[sflag:s23] =	ssyncadd.s32 $0xFFFFFFFF  }
0xa5: {  	s26 =	simm.s32 $execute0_lowered;
	[smem:$0x3FD2] =	sst s25  }
0xa6: {  	s5 =	sshll.u32 s26, $0x1;
	_ =	strace $0x8000004C;
	[dreg:$0x1] =	wrdreg $0xFFFFFFFF  }
0xa7: {  	s28 =	simm.s32 $_size_execute0_lowered;
	s3 =	sadd.s32 s3, s5;
	[dreg:$0x0] =	wrdreg $0x0  }
0xa8: {  	s5 =	sshll.u32 s28, $0x1;
	[dreg:$0x2] =	wrdreg s3  }
0xa9: {  	[dreg:$0x3] =	wrdreg s5  }
0xaa: {  	[dreg:$0x4] =	wrdreg $0xC0  }
0xab: {  	_ =	task [dreg:s7], $0x5FFFF  }
0xac: {  	[dreg:$0x1] =	wrdreg $0xFFFFFFFF  }
0xad: {  	[dreg:$0x0] =	wrdreg $0x60  }
0xae: {  	[dreg:$0x2] =	wrdreg s24  }
0xaf: {  	[dreg:$0x3] =	wrdreg s2  }
0xb0: {  	[dreg:$0x4] =	wrdreg $0xAA000  }
0xb1: {  	[dreg:$0x5] =	wrdreg $0x9  }
0xb2: {  	_ =	task.clear_ibuf [dreg:s7], $0x6FFFF;
	_ =	strace $0x9000004C  }
0xb3: {  	s29 =	simm.s32 $0x9;
	_ =	strace $0x8000004E  }
0xb4: {  	_ =	swait.ge [sflag:s29], $0x1  }
0xb5: {  	[sflag:s29] =	ssyncadd.s32 $0xFFFFFFFF  }
0xb6: {  	_ =	strace $0x9000004E  }
0xb7: {  	_ =	sfence  }
0xb8: {  	s30 =	sld [smem:$0x0];
	_ =	sdelay $0x2  }
0xb9: {  	s31 =	sshll.u32 s1, $0xD;
	s1 =	sshrl.u32 s1, $0x2  }
0xba: {  	s3 =	sand.u32 $0x4000, s31;
	s1 =	sadd.s32 s1, s30  }
0xbb: {  	s0 =	sor.u32 s3, s0;
	s1 =	sshll.u32 s1, $0x11  }
0xbc: {  	s0 =	sor.u32 s1, s0  }
0xbd: {  	s0 =	sadd.s32 $0x8F2B, s0  }
0xbe: {  	[sflag:s0] =	ssyncadd.remote.s32 $0x1  }
0xbf: {  	_ =	sfence.sel $0xFFFF  }
0xc0: {  	[dreg:$0x0] =	wrdreg $0xFFFFFFFF;
	(pc) =	sbr.abs _section_cstart, $3  }
0xc1: {  	[dreg:$0x1] =	wrdreg $0xFFFFFFFF  }
0xc2: {  	_ =	task.clear_ibuf [dreg:s7], $0x2FFFF;
	_ =	strace $0x9FFFFFFF  }
0xc3: {  	(tm) =	ssettm $0x7FFFFFFF  }
tec
execute0_lowered:
.L_overlay_start_1:
0x0: {  	(tag) =	ssettag $0x1  }
0x1: {  	s0 =	rddreg [dreg:$0x0]  }
0x2: {  	s2 =	rddreg [dreg:$0x1]  }
0x3: {  	s1 =	rddreg [dreg:$0x2];
	s3 =	simm.s32 $0x0;
	s5 =	srdreg.scid  }
0x4: {  	s10 =	stileid.u32;
	s18 =	simm.s32 $0x3;
	s19 =	simm.s32 $0x2A00  }
0x5: {  	s20 =	simm.s32 $0x80;
	s22 =	simm.s32 $0x2900;
	s23 =	simm.s32 $0x6A00  }
0x6: {  	s24 =	simm.s32 $0x1;
	s28 =	simm.s32 $0x2980;
	s29 =	simm.s32 $0x0  }
0x7: {  	[smem:$0x7FF] =	sst s3;
	s4 =	sadd.s32 $0x3F000, s0;
	s5 =	sand.u32 $0x1, s5  }
0x8: {  	s6 =	sshll.u32 s10, $0x1;
	s7 =	sadd.s32 $0x17000, s0;
	s25 =	smul.u32 $0x50000, s10  }
0x9: {  	s0 =	sadd.s32 $0x67000, s0;
	s11 =	smul.u32 $0x14000, s10;
	_ =	strace $0x8000004D  }
0xa: {  	s6 =	sor.u32 s5, s6;
	s8 =	ssub.s32 $0x2, s5;
	s5 =	smul.u32 $0x140000, s5  }
0xb: {  	[dreg:$0x4] =	wrdreg s7;
	s6 =	smul.u32 $0x500, s6;
	s9 =	sshrl.u32 s8, $0x1  }
0xc: {  	s7 =	sshrl.u32 s25, $0x2;
	s26 =	sadd.s32 $0x4000, s11;
	s14 =	sadd.s32 $0x8000, s11  }
0xd: {  	s15 =	sadd.s32 $0xC000, s11;
	s16 =	sadd.s32 $0x10000, s11;
	s25 =	simm.s32 $0x2880  }
0xe: {  	s17 =	ssub.s32 s8, s9;
	s7 =	sadd.s32 s7, s1;
	s8 =	sadd.s32 s26, s1  }
0xf: {  	s9 =	sadd.s32 s14, s1;
	s10 =	sadd.s32 s15, s1;
	s12 =	sadd.s32 s11, s5  }
0x10: {  	s11 =	sadd.s32 s16, s1;
	s30 =	sadd.s32 s5, s14;
	s31 =	sadd.s32 s5, s15  }
0x11: {  	s6 =	sadd.s32 s2, s6;
	s2 =	sadd.s32 s5, s26;
	s12 =	sshrl.u32 s12, $0x3  }
0x12: {  	s5 =	sadd.s32 s5, s16;
	s15 =	sshrl.u32 s31, $0x3;
	s17 =	smax.u32 s17, $0x1  }
0x13: {  	s26 =	simm.s32 $0x2;
	s2 =	sshrl.u32 s2, $0x3;
	s12 =	sadd.s32 s0, s12  }
0x14: {  	s5 =	sshrl.u32 s5, $0x3;
	s13 =	sadd.s32 s0, s2;
	s2 =	sshrl.u32 s30, $0x3  }
0x15: {  	s15 =	sadd.s32 s0, s15;
	s16 =	sadd.s32 s0, s5;
	s14 =	sadd.s32 s0, s2  }
.LBB2_1:
0x16: {  	[tilespmem:s3], [sflag:$0x3] =	stream.linear.gather [hbm4b:s6+s3], $0x2800, $0x38;
	[tilespmem:$0x1EA00] =	vst v63  }
0x17: {  	_ =	swait.ge [sflag:s18], $0x2800  }
0x18: {  	[sflag:s18] =	ssyncset.done $0x0  }
0x19: {  	s0 =	rddreg [dreg:$0x4];
	[sflag:s18] =	ssyncadd.s32 $0xFFFFD800  }
0x1a: {  	[tilespmem:s19], [sflag:$0x3] =	stream.linear.gather [hbm4b:s0+s3], $0x4000, $0x38;
	[tilespmem:$0x1EA00] =	vst v63  }
0x1b: {  	_ =	swait.ge [sflag:s18], $0x4000  }
0x1c: {  	[sflag:s18] =	ssyncset.done $0x0  }
0x1d: {  	[sflag:s18] =	ssyncadd.s32 $0xFFFFC000  }
0x1e: {  	[spmem:s7] =	stream.linear.scatter [tilespmem:s19], [sflag:$0x3], $0x4000, $0x38;
	[tilespmem:$0x1EA00] =	vst v63  }
0x1f: {  	_ =	swait.ge [sflag:s18], $0x4000  }
0x20: {  	[sflag:s18] =	ssyncset.done $0x0  }
0x21: {  	[sflag:s18] =	ssyncadd.s32 $0xFFFFC000  }
0x22: {  	[spmem:s8] =	stream.linear.scatter [tilespmem:s19], [sflag:$0x3], $0x4000, $0x38;
	[tilespmem:$0x1EA00] =	vst v63  }
0x23: {  	_ =	swait.ge [sflag:s18], $0x4000  }
0x24: {  	[sflag:s18] =	ssyncset.done $0x0  }
0x25: {  	[sflag:s18] =	ssyncadd.s32 $0xFFFFC000  }
0x26: {  	[spmem:s9] =	stream.linear.scatter [tilespmem:s19], [sflag:$0x3], $0x4000, $0x38;
	[tilespmem:$0x1EA00] =	vst v63  }
0x27: {  	_ =	swait.ge [sflag:s18], $0x4000  }
0x28: {  	[sflag:s18] =	ssyncset.done $0x0  }
0x29: {  	[sflag:s18] =	ssyncadd.s32 $0xFFFFC000  }
0x2a: {  	[spmem:s10] =	stream.linear.scatter [tilespmem:s19], [sflag:$0x3], $0x4000, $0x38;
	[tilespmem:$0x1EA00] =	vst v63  }
0x2b: {  	_ =	swait.ge [sflag:s18], $0x4000  }
0x2c: {  	[sflag:s18] =	ssyncset.done $0x0  }
0x2d: {  	[sflag:s18] =	ssyncadd.s32 $0xFFFFC000  }
0x2e: {  	[spmem:s11] =	stream.linear.scatter [tilespmem:s19], [sflag:$0x3], $0x4000, $0x38;
	[tilespmem:$0x1EA00] =	vst v63  }
0x2f: {  	_ =	swait.ge [sflag:s18], $0x4000  }
0x30: {  	[sflag:s18] =	ssyncset.done $0x0  }
0x31: {  	[sflag:s18] =	ssyncadd.s32 $0xFFFFC000  }
0x32: {  	[bflag:$0x0] =	sbarrier.arrive $0xFFFF  }
0x33: {  	v0 =	vld [tilespmem:$0x0];
	_ =	sdelay $0x1  }
0x34: {  	v1 =	vld [tilespmem:$0x10];
	_ =	sdelay $0x1  }
0x35: {  	v2 =	vld [tilespmem:$0x20]  }
0x36: {  	v3 =	vand.u32 $0x3FFF, v0  }
0x37: {  	v0 =	vshrl.u32 v0, $0xE;
	[tilespmem:$0x2800] =	vst v3;
	v3 =	vld [tilespmem:$0x30]  }
0x38: {  	[tilespmem:$0x2880] =	vst v0;
	v0 =	vand.u32 $0x3FFF, v1  }
0x39: {  	[tilespmem:$0x2810] =	vst v0;
	v0 =	vshrl.u32 v1, $0xE;
	v1 =	vld [tilespmem:$0x40]  }
0x3a: {  	[tilespmem:$0x2890] =	vst v0;
	v0 =	vand.u32 $0x3FFF, v2  }
0x3b: {  	[tilespmem:$0x2820] =	vst v0;
	v0 =	vshrl.u32 v2, $0xE;
	v2 =	vld [tilespmem:$0x50]  }
0x3c: {  	[tilespmem:$0x28A0] =	vst v0;
	v0 =	vand.u32 $0x3FFF, v3  }
0x3d: {  	[tilespmem:$0x2830] =	vst v0;
	v0 =	vshrl.u32 v3, $0xE;
	v3 =	vld [tilespmem:$0x60]  }
0x3e: {  	[tilespmem:$0x28B0] =	vst v0;
	v0 =	vand.u32 $0x3FFF, v1  }
0x3f: {  	[tilespmem:$0x2840] =	vst v0;
	v0 =	vshrl.u32 v1, $0xE;
	v1 =	vld [tilespmem:$0x70]  }
0x40: {  	[tilespmem:$0x28C0] =	vst v0;
	v0 =	vand.u32 $0x3FFF, v2  }
0x41: {  	[tilespmem:$0x2850] =	vst v0;
	v0 =	vshrl.u32 v2, $0xE  }
0x42: {  	[tilespmem:$0x28D0] =	vst v0;
	v0 =	vand.u32 $0x3FFF, v3  }
0x43: {  	[tilespmem:$0x2860] =	vst v0;
	v0 =	vshrl.u32 v3, $0xE  }
0x44: {  	[tilespmem:$0x28E0] =	vst v0;
	v0 =	vand.u32 $0x3FFF, v1  }
0x45: {  	[tilespmem:$0x2870] =	vst v0;
	v0 =	vshrl.u32 v1, $0xE  }
0x46: {  	s5 =	simm.s32 $0x2800;
	s21 =	simm.s32 $0x0;
	[tilespmem:$0x28F0] =	vst v0  }
0x47: {  	[tilespmem:s19], [sflag:$0x1] =	stream.indirect.gather [hbm4b:s4+s20], $0x80, s5, s20, $0xb8;
	[tilespmem:$0x1EA00] =	vst v63  }
0x48: {  	v0 =	vld [tilespmem:s21+$0x80];
	_ =	sdelay $0x4  }
0x49: {  	v1 =	vand.u32 $0x3FFF, v0  }
0x4a: {  	v0 =	vshrl.u32 v0, $0xE;
	[tilespmem:$0x2900] =	vst v1  }
0x4b: {  	[tilespmem:$0x2980] =	vst v0  }
0x4c: {  	v0 =	vld [tilespmem:s21+$0x90];
	_ =	sdelay $0x4  }
0x4d: {  	v1 =	vand.u32 $0x3FFF, v0  }
0x4e: {  	v0 =	vshrl.u32 v0, $0xE;
	[tilespmem:$0x2910] =	vst v1  }
0x4f: {  	[tilespmem:$0x2990] =	vst v0  }
0x50: {  	v0 =	vld [tilespmem:s21+$0xA0];
	_ =	sdelay $0x4  }
0x51: {  	v1 =	vand.u32 $0x3FFF, v0  }
0x52: {  	v0 =	vshrl.u32 v0, $0xE;
	[tilespmem:$0x2920] =	vst v1  }
0x53: {  	[tilespmem:$0x29A0] =	vst v0  }
0x54: {  	v0 =	vld [tilespmem:s21+$0xB0];
	_ =	sdelay $0x4  }
0x55: {  	v1 =	vand.u32 $0x3FFF, v0  }
0x56: {  	v0 =	vshrl.u32 v0, $0xE;
	[tilespmem:$0x2930] =	vst v1  }
0x57: {  	[tilespmem:$0x29B0] =	vst v0  }
0x58: {  	v0 =	vld [tilespmem:s21+$0xC0];
	_ =	sdelay $0x4  }
0x59: {  	v1 =	vand.u32 $0x3FFF, v0  }
0x5a: {  	v0 =	vshrl.u32 v0, $0xE;
	[tilespmem:$0x2940] =	vst v1  }
0x5b: {  	[tilespmem:$0x29C0] =	vst v0  }
0x5c: {  	v0 =	vld [tilespmem:s21+$0xD0];
	_ =	sdelay $0x4  }
0x5d: {  	v1 =	vand.u32 $0x3FFF, v0  }
0x5e: {  	v0 =	vshrl.u32 v0, $0xE;
	[tilespmem:$0x2950] =	vst v1  }
0x5f: {  	[tilespmem:$0x29D0] =	vst v0  }
0x60: {  	v0 =	vld [tilespmem:s21+$0xE0];
	_ =	sdelay $0x4  }
0x61: {  	v1 =	vand.u32 $0x3FFF, v0  }
0x62: {  	v0 =	vshrl.u32 v0, $0xE;
	[tilespmem:$0x2960] =	vst v1  }
0x63: {  	[tilespmem:$0x29E0] =	vst v0  }
0x64: {  	v0 =	vld [tilespmem:s21+$0xF0];
	_ =	sdelay $0x4  }
0x65: {  	v1 =	vand.u32 $0x3FFF, v0  }
0x66: {  	v0 =	vshrl.u32 v0, $0xE;
	[tilespmem:$0x2970] =	vst v1  }
0x67: {  	[tilespmem:$0x29F0] =	vst v0  }
0x68: {  	[tilespmem:s23], [sflag:$0x2] =	stream.indirect.gather [hbm4b:s4+s20], $0x80, s22, s20, $0xb8;
	[tilespmem:$0x1EA00] =	vst v63  }
0x69: {  	_ =	swait.ge [sflag:s24], $0x4000  }
0x6a: {  	[sflag:s24] =	ssyncset.done $0x0  }
0x6b: {  	[sflag:s24] =	ssyncadd.s32 $0xFFFFC000  }
0x6c: {  	[spmem:s1] =	stream.indirect.scatter.add.f32 [tilespmem:s19], [sflag:$0x3], $0x80, s25, s20, $0xb8;
	[tilespmem:$0x1EA00] =	vst v63  }
0x6d: {  	_ =	swait.ge [sflag:s18], $0x4000  }
0x6e: {  	p1 =	por $0x0, $0x0;
	[sflag:s18] =	ssyncset.done $0x0  }
0x6f: {  	s31 =	simm.s32 @!p1 $0x0;
	[sflag:s18] =	ssyncadd.s32 $0xFFFFC000  }
0x70: {  	v0 =	vld @!p1 [tilespmem:s31+$0x100];
	_ =	sdelay $0x4  }
0x71: {  	v1 =	vand.u32 @!p1 $0x3FFF, v0  }
0x72: {  	v0 =	vshrl.u32 @!p1 v0, $0xE;
	[tilespmem:$0x2800] =	vst @!p1 v1  }
0x73: {  	[tilespmem:$0x2880] =	vst @!p1 v0  }
0x74: {  	v0 =	vld @!p1 [tilespmem:s31+$0x110];
	_ =	sdelay $0x4  }
0x75: {  	v1 =	vand.u32 @!p1 $0x3FFF, v0  }
0x76: {  	v0 =	vshrl.u32 @!p1 v0, $0xE;
	[tilespmem:$0x2810] =	vst @!p1 v1  }
0x77: {  	[tilespmem:$0x2890] =	vst @!p1 v0  }
0x78: {  	v0 =	vld @!p1 [tilespmem:s31+$0x120];
	_ =	sdelay $0x4  }
0x79: {  	v1 =	vand.u32 @!p1 $0x3FFF, v0  }
0x7a: {  	v0 =	vshrl.u32 @!p1 v0, $0xE;
	[tilespmem:$0x2820] =	vst @!p1 v1  }
0x7b: {  	[tilespmem:$0x28A0] =	vst @!p1 v0  }
0x7c: {  	v0 =	vld @!p1 [tilespmem:s31+$0x130];
	_ =	sdelay $0x4  }
0x7d: {  	v1 =	vand.u32 @!p1 $0x3FFF, v0  }
0x7e: {  	v0 =	vshrl.u32 @!p1 v0, $0xE;
	[tilespmem:$0x2830] =	vst @!p1 v1  }
0x7f: {  	[tilespmem:$0x28B0] =	vst @!p1 v0  }
0x80: {  	v0 =	vld @!p1 [tilespmem:s31+$0x140];
	_ =	sdelay $0x4  }
0x81: {  	v1 =	vand.u32 @!p1 $0x3FFF, v0  }
0x82: {  	v0 =	vshrl.u32 @!p1 v0, $0xE;
	[tilespmem:$0x2840] =	vst @!p1 v1  }
0x83: {  	[tilespmem:$0x28C0] =	vst @!p1 v0  }
0x84: {  	v0 =	vld @!p1 [tilespmem:s31+$0x150];
	_ =	sdelay $0x4  }
0x85: {  	v1 =	vand.u32 @!p1 $0x3FFF, v0  }
0x86: {  	v0 =	vshrl.u32 @!p1 v0, $0xE;
	[tilespmem:$0x2850] =	vst @!p1 v1  }
0x87: {  	[tilespmem:$0x28D0] =	vst @!p1 v0  }
0x88: {  	v0 =	vld @!p1 [tilespmem:s31+$0x160];
	_ =	sdelay $0x4  }
0x89: {  	s30 =	simm.s32 $0x400;
	v1 =	vand.u32 @!p1 $0x3FFF, v0  }
0x8a: {  	s2 =	simm.s32 @!p1 $0x80;
	s5 =	simm.s32 @!p1 $0x2A00;
	s21 =	simm.s32 @!p1 $0x2800;
	v0 =	vshrl.u32 @!p1 v0, $0xE;
	[tilespmem:$0x2860] =	vst @!p1 v1  }
.LBB2_2:
0x8b: {  	[tilespmem:$0x28E0] =	vst @!p1 v0;
	s0 =	smov.u32 s30;
	s30 =	sadd.s32 $0x400, s30  }
0x8c: {  	p0 =	sne.s32 s30, $0xA000;
	v0 =	vld @!p1 [tilespmem:s31+$0x170];
	_ =	sdelay $0x4  }
0x8d: {  	v1 =	vand.u32 @!p1 $0x3FFF, v0;
	v0 =	vshrl.u32 @!p1 v0, $0xE  }
0x8e: {  	[tilespmem:$0x2870] =	vst @!p1 v1  }
0x8f: {  	[tilespmem:$0x28F0] =	vst @!p1 v0  }
0x90: {  	[tilespmem:s5], [sflag:$0x1] =	stream.indirect.gather @!p1 [hbm4b:s4+s2], $0x80, s21, s2, $0xb8;
	[tilespmem:$0x1EA00] =	vst v63  }
0x91: {  	_ =	swait.ge [sflag:s26], $0x4000  }
0x92: {  	[sflag:s26] =	ssyncset.done $0x0  }
0x93: {  	[sflag:s26] =	ssyncadd.s32 $0xFFFFC000  }
0x94: {  	[spmem:s1] =	stream.indirect.scatter.add.f32 [tilespmem:s23], [sflag:$0x3], $0x80, s28, s20, $0xb8;
	[tilespmem:$0x1EA00] =	vst v63  }
0x95: {  	_ =	swait.ge [sflag:s18], $0x4000  }
0x96: {  	[sflag:s18] =	ssyncset.done $0x0  }
0x97: {  	s31 =	sshra.s32 s0, $0x2;
	[sflag:s18] =	ssyncadd.s32 $0xFFFFC000  }
0x98: {  	v0 =	vld [tilespmem:s31+$0x80];
	_ =	sdelay $0x4  }
0x99: {  	v1 =	vand.u32 $0x3FFF, v0;
	v0 =	vshrl.u32 v0, $0xE  }
0x9a: {  	[tilespmem:$0x2900] =	vst v1  }
0x9b: {  	[tilespmem:$0x2980] =	vst v0  }
0x9c: {  	v0 =	vld [tilespmem:s31+$0x90];
	_ =	sdelay $0x4  }
0x9d: {  	v1 =	vand.u32 $0x3FFF, v0;
	v0 =	vshrl.u32 v0, $0xE  }
0x9e: {  	[tilespmem:$0x2910] =	vst v1  }
0x9f: {  	[tilespmem:$0x2990] =	vst v0  }
0xa0: {  	v0 =	vld [tilespmem:s31+$0xA0];
	_ =	sdelay $0x4  }
0xa1: {  	v1 =	vand.u32 $0x3FFF, v0;
	v0 =	vshrl.u32 v0, $0xE  }
0xa2: {  	[tilespmem:$0x2920] =	vst v1  }
0xa3: {  	[tilespmem:$0x29A0] =	vst v0  }
0xa4: {  	v0 =	vld [tilespmem:s31+$0xB0];
	_ =	sdelay $0x4  }
0xa5: {  	v1 =	vand.u32 $0x3FFF, v0;
	v0 =	vshrl.u32 v0, $0xE  }
0xa6: {  	[tilespmem:$0x2930] =	vst v1  }
0xa7: {  	[tilespmem:$0x29B0] =	vst v0  }
0xa8: {  	v0 =	vld [tilespmem:s31+$0xC0];
	_ =	sdelay $0x4  }
0xa9: {  	v1 =	vand.u32 $0x3FFF, v0;
	v0 =	vshrl.u32 v0, $0xE  }
0xaa: {  	[tilespmem:$0x2940] =	vst v1  }
0xab: {  	[tilespmem:$0x29C0] =	vst v0  }
0xac: {  	v0 =	vld [tilespmem:s31+$0xD0];
	_ =	sdelay $0x4  }
0xad: {  	v1 =	vand.u32 $0x3FFF, v0;
	v0 =	vshrl.u32 v0, $0xE  }
0xae: {  	[tilespmem:$0x2950] =	vst v1  }
0xaf: {  	[tilespmem:$0x29D0] =	vst v0  }
0xb0: {  	v0 =	vld [tilespmem:s31+$0xE0];
	_ =	sdelay $0x4  }
0xb1: {  	v1 =	vand.u32 $0x3FFF, v0;
	v0 =	vshrl.u32 v0, $0xE  }
0xb2: {  	[tilespmem:$0x2960] =	vst v1  }
0xb3: {  	[tilespmem:$0x29E0] =	vst v0  }
0xb4: {  	v0 =	vld [tilespmem:s31+$0xF0];
	_ =	sdelay $0x4  }
0xb5: {  	v1 =	vand.u32 $0x3FFF, v0;
	v0 =	vshrl.u32 v0, $0xE  }
0xb6: {  	p1 =	seq.s32 s0, $0x9C00;
	[tilespmem:$0x2970] =	vst v1  }
0xb7: {  	s31 =	sshra.s32 @!p1 s0, $0x2;
	[tilespmem:$0x29F0] =	vst v0  }
0xb8: {  	[tilespmem:s23], [sflag:$0x2] =	stream.indirect.gather [hbm4b:s4+s20], $0x80, s22, s20, $0xb8;
	[tilespmem:$0x1EA00] =	vst v63  }
0xb9: {  	_ =	swait.ge [sflag:s24], $0x4000  }
0xba: {  	[sflag:s24] =	ssyncset.done $0x0  }
0xbb: {  	[sflag:s24] =	ssyncadd.s32 $0xFFFFC000  }
0xbc: {  	[spmem:s1] =	stream.indirect.scatter.add.f32 [tilespmem:s19], [sflag:$0x3], $0x80, s25, s20, $0xb8;
	[tilespmem:$0x1EA00] =	vst v63  }
0xbd: {  	_ =	swait.ge [sflag:s18], $0x4000  }
0xbe: {  	[sflag:s18] =	ssyncset.done $0x0  }
0xbf: {  	[sflag:s18] =	ssyncadd.s32 $0xFFFFC000  }
0xc0: {  	v0 =	vld @!p1 [tilespmem:s31+$0x100];
	_ =	sdelay $0x4  }
0xc1: {  	v1 =	vand.u32 @!p1 $0x3FFF, v0;
	v0 =	vshrl.u32 @!p1 v0, $0xE  }
0xc2: {  	[tilespmem:$0x2800] =	vst @!p1 v1  }
0xc3: {  	[tilespmem:$0x2880] =	vst @!p1 v0  }
0xc4: {  	v0 =	vld @!p1 [tilespmem:s31+$0x110];
	_ =	sdelay $0x4  }
0xc5: {  	v1 =	vand.u32 @!p1 $0x3FFF, v0;
	v0 =	vshrl.u32 @!p1 v0, $0xE  }
0xc6: {  	[tilespmem:$0x2810] =	vst @!p1 v1  }
0xc7: {  	[tilespmem:$0x2890] =	vst @!p1 v0  }
0xc8: {  	v0 =	vld @!p1 [tilespmem:s31+$0x120];
	_ =	sdelay $0x4  }
0xc9: {  	v1 =	vand.u32 @!p1 $0x3FFF, v0;
	v0 =	vshrl.u32 @!p1 v0, $0xE  }
0xca: {  	[tilespmem:$0x2820] =	vst @!p1 v1  }
0xcb: {  	[tilespmem:$0x28A0] =	vst @!p1 v0  }
0xcc: {  	v0 =	vld @!p1 [tilespmem:s31+$0x130];
	_ =	sdelay $0x4  }
0xcd: {  	v1 =	vand.u32 @!p1 $0x3FFF, v0;
	v0 =	vshrl.u32 @!p1 v0, $0xE  }
0xce: {  	[tilespmem:$0x2830] =	vst @!p1 v1  }
0xcf: {  	[tilespmem:$0x28B0] =	vst @!p1 v0  }
0xd0: {  	v0 =	vld @!p1 [tilespmem:s31+$0x140];
	_ =	sdelay $0x4  }
0xd1: {  	v1 =	vand.u32 @!p1 $0x3FFF, v0;
	v0 =	vshrl.u32 @!p1 v0, $0xE  }
0xd2: {  	[tilespmem:$0x2840] =	vst @!p1 v1  }
0xd3: {  	[tilespmem:$0x28C0] =	vst @!p1 v0  }
0xd4: {  	v0 =	vld @!p1 [tilespmem:s31+$0x150];
	_ =	sdelay $0x4  }
0xd5: {  	v1 =	vand.u32 @!p1 $0x3FFF, v0;
	v0 =	vshrl.u32 @!p1 v0, $0xE  }
0xd6: {  	[tilespmem:$0x2850] =	vst @!p1 v1  }
0xd7: {  	s2 =	simm.s32 @!p1 $0x80;
	s21 =	simm.s32 @!p1 $0x2800;
	s5 =	simm.s32 @!p1 $0x2A00;
	[tilespmem:$0x28D0] =	vst @!p1 v0  }
0xd8: {  	v0 =	vld @!p1 [tilespmem:s31+$0x160];
	_ =	sdelay $0x1  }
.Ltmp0:
0xd9: {  	(pc) =	sbr.rel @p0 .LBB2_2-.Ltmp0, $3  }
0xda: {  	_ =	sdelay $0x1  }
0xdb: {  	v1 =	vand.u32 @!p1 $0x3FFF, v0;
	v0 =	vshrl.u32 @!p1 v0, $0xE  }
0xdc: {  	[tilespmem:$0x2860] =	vst @!p1 v1  }
0xdd: {  	[tilespmem:$0x28E0] =	vst @!p1 v0  }
0xde: {  	v0 =	vld @!p1 [tilespmem:s31+$0x170];
	_ =	sdelay $0x4  }
0xdf: {  	v1 =	vand.u32 @!p1 $0x3FFF, v0  }
0xe0: {  	v0 =	vshrl.u32 @!p1 v0, $0xE;
	[tilespmem:$0x2870] =	vst @!p1 v1  }
0xe1: {  	[tilespmem:$0x28F0] =	vst @!p1 v0  }
0xe2: {  	[tilespmem:s5], [sflag:$0x1] =	stream.indirect.gather @!p1 [hbm4b:s4+s2], $0x80, s21, s2, $0xb8;
	[tilespmem:$0x1EA00] =	vst v63  }
0xe3: {  	_ =	swait.ge [sflag:s26], $0x4000  }
0xe4: {  	[sflag:s26] =	ssyncset.done $0x0  }
0xe5: {  	[sflag:s26] =	ssyncadd.s32 $0xFFFFC000  }
0xe6: {  	[spmem:s1] =	stream.indirect.scatter.add.f32 [tilespmem:s23], [sflag:$0x3], $0x80, s28, s20, $0xb8;
	[tilespmem:$0x1EA00] =	vst v63  }
0xe7: {  	_ =	swait.ge [sflag:s18], $0x4000  }
0xe8: {  	[sflag:s18] =	ssyncset.done $0x0  }
0xe9: {  	[sflag:s18] =	ssyncadd.s32 $0xFFFFC000  }
0xea: {  	[bflag:$0x0] =	sbarrier.arrive $0xFFFF  }
0xeb: {  	[tilespmem:s19], [sflag:$0x3] =	stream.linear.gather [spmem:s7], $0x4000, $0x38;
	[tilespmem:$0x1EA00] =	vst v63  }
0xec: {  	_ =	swait.ge [sflag:s18], $0x4000  }
0xed: {  	[sflag:s18] =	ssyncset.done $0x0  }
0xee: {  	[sflag:s18] =	ssyncadd.s32 $0xFFFFC000  }
0xef: {  	[hbm4b:s12+s3] =	stream.linear.scatter [tilespmem:s19], [sflag:$0x3], $0x4000, $0x38;
	[tilespmem:$0x1EA00] =	vst v63  }
0xf0: {  	_ =	swait.ge [sflag:s18], $0x4000  }
0xf1: {  	[sflag:s18] =	ssyncset.done $0x0  }
0xf2: {  	[sflag:s18] =	ssyncadd.s32 $0xFFFFC000  }
0xf3: {  	[tilespmem:s19], [sflag:$0x3] =	stream.linear.gather [spmem:s8], $0x4000, $0x38;
	[tilespmem:$0x1EA00] =	vst v63  }
0xf4: {  	_ =	swait.ge [sflag:s18], $0x4000  }
0xf5: {  	[sflag:s18] =	ssyncset.done $0x0  }
0xf6: {  	[sflag:s18] =	ssyncadd.s32 $0xFFFFC000  }
0xf7: {  	[hbm4b:s13+s3] =	stream.linear.scatter [tilespmem:s19], [sflag:$0x3], $0x4000, $0x38;
	[tilespmem:$0x1EA00] =	vst v63  }
0xf8: {  	_ =	swait.ge [sflag:s18], $0x4000  }
0xf9: {  	[sflag:s18] =	ssyncset.done $0x0  }
0xfa: {  	[sflag:s18] =	ssyncadd.s32 $0xFFFFC000  }
0xfb: {  	[tilespmem:s19], [sflag:$0x3] =	stream.linear.gather [spmem:s9], $0x4000, $0x38;
	[tilespmem:$0x1EA00] =	vst v63  }
0xfc: {  	_ =	swait.ge [sflag:s18], $0x4000  }
0xfd: {  	[sflag:s18] =	ssyncset.done $0x0  }
0xfe: {  	[sflag:s18] =	ssyncadd.s32 $0xFFFFC000  }
0xff: {  	[hbm4b:s14+s3] =	stream.linear.scatter [tilespmem:s19], [sflag:$0x3], $0x4000, $0x38;
	[tilespmem:$0x1EA00] =	vst v63  }
0x100: {  	_ =	swait.ge [sflag:s18], $0x4000  }
0x101: {  	[sflag:s18] =	ssyncset.done $0x0  }
0x102: {  	[sflag:s18] =	ssyncadd.s32 $0xFFFFC000  }
0x103: {  	[tilespmem:s19], [sflag:$0x3] =	stream.linear.gather [spmem:s10], $0x4000, $0x38;
	[tilespmem:$0x1EA00] =	vst v63  }
0x104: {  	_ =	swait.ge [sflag:s18], $0x4000  }
0x105: {  	[sflag:s18] =	ssyncset.done $0x0  }
0x106: {  	[sflag:s18] =	ssyncadd.s32 $0xFFFFC000  }
0x107: {  	[hbm4b:s15+s3] =	stream.linear.scatter [tilespmem:s19], [sflag:$0x3], $0x4000, $0x38;
	[tilespmem:$0x1EA00] =	vst v63  }
0x108: {  	_ =	swait.ge [sflag:s18], $0x4000  }
0x109: {  	[sflag:s18] =	ssyncset.done $0x0  }
0x10a: {  	[sflag:s18] =	ssyncadd.s32 $0xFFFFC000  }
0x10b: {  	[tilespmem:s19], [sflag:$0x3] =	stream.linear.gather [spmem:s11], $0x4000, $0x38;
	[tilespmem:$0x1EA00] =	vst v63  }
0x10c: {  	s29 =	sadd.s32 $0x1, s29;
	_ =	swait.ge [sflag:s18], $0x4000  }
0x10d: {  	p0 =	sne.s32 s29, s17;
	[sflag:s18] =	ssyncset.done $0x0  }
.Ltmp1:
0x10e: {  	[sflag:s18] =	ssyncadd.s32 $0xFFFFC000;
	(pc) =	sbr.rel @p0 .LBB2_1-.Ltmp1, $4  }
0x10f: {  	[hbm4b:s16+s3] =	stream.linear.scatter [tilespmem:s19], [sflag:$0x3], $0x4000, $0x38;
	[tilespmem:$0x1EA00] =	vst v63  }
0x110: {  	_ =	swait.ge [sflag:s18], $0x4000  }
0x111: {  	[sflag:s18] =	ssyncset.done $0x0  }
0x112: {  	[sflag:s18] =	ssyncadd.s32 $0xFFFFC000  }
0x113: {  	_ =	sfence.sel $0x180000  }
0x114: {  	[bflag:$0x0] =	sbarrier.arrive $0xFFFF  }
0x115: {  	_ =	strace $0x9000004D  }
0x116: {  	s0 =	stileid.u32;
	[bflag:$0x2] =	sbarrier.arrive $0xFFFF  }
0x117: {  	p0 =	sne.s32 s0, $0x0;
	s0 =	rddreg [dreg:$0x3]  }
0x118: {  	s0 =	sadd.s32 @!p0 $0x100000, s0  }
0x119: {  	[sflag:s0] =	ssyncadd.tile.s32 @!p0 $0x1;
	_ =	shalt  }
.Lfunc_end2:
_tile_overlayer_lowered:
.L_overlay_start_2:
0x11a: {  	(tag) =	ssettag $0x2  }
0x11b: {  	s0 =	rddreg [dreg:$0x0];
	s2 =	stileid.u32  }
0x11c: {  	s1 =	rddreg [dreg:$0x1];
	p0 =	sne.s32 s2, $0x0  }
0x11d: {  	s3 =	rddreg [dreg:$0x2];
	[bflag:$0x3] =	sbarrier.arrive $0xFFFF;
	s2 =	simm.s32 @!p0 $0x1C03  }
0x11e: {  	[timem:s3], [sflag:s2] =	dma.local @!p0 [hbm:s0], s1  }
0x11f: {  	s0 =	simm.s32 @!p0 $0x3  }
0x120: {  	_ =	swait.ge @!p0 [sflag:s0], s1  }
0x121: {  	s1 =	ssub.s32 @!p0 $0x0, s1;
	[sflag:s0] =	ssyncset.done @!p0 $0x0  }
0x122: {  	[sflag:s0] =	ssyncadd.s32 @!p0 s1  }
0x123: {  	[bflag:$0x3] =	sbarrier.arrive $0xFFFF  }
0x124: {  	_ =	shalt  }

// kernel: kernel.19.cloned.1.call-start
scs
__scs_entry_jumppad:
0x0: {  	(pc) =	sbr.rel $0x88, $3  }
0x1: {  	(tag) =	ssettag $0x0;
	lr =	simm.s32 $0x1  }
0x2: {  	[smem:$0x3F99] =	sst lr;
	_ =	strace $0xD0000000  }
0x3: {  	_ = 	snop  }
0x4: {  	_ = 	snop  }
0x5: {  	_ = 	snop  }
0x6: {  	_ = 	snop  }
0x7: {  	_ = 	snop  }
__scs_overlays_trampoline_lowered:
0x8: {  	[smem:$0x3FA8] =	sst s0  }
0x9: {  	[smem:$0x3FA9] =	sst s1  }
0xa: {  	[smem:$0x3FAA] =	sst s2  }
0xb: {  	[smem:$0x3FAB] =	sst s3  }
0xc: {  	[smem:$0x3FAC] =	sst s4  }
0xd: {  	[smem:$0x3FAD] =	sst s5  }
0xe: {  	[smem:$0x3FAE] =	sst s6  }
0xf: {  	[smem:$0x3FAF] =	sst s7  }
0x10: {  	[smem:$0x3FB0] =	sst s8  }
0x11: {  	[smem:$0x3FB1] =	sst s9;
	s0 =	simm.s32 @!p0 $0x0  }
0x12: {  	s1 =	sld [smem:$0x3F97];
	s0 =	simm.s32 @p0 $0x1  }
0x13: {  	[smem:$0x3FB2] =	sst s0;
	s0 =	simm.s32 @!p1 $0x0  }
0x14: {  	s2 =	sld [smem:$0x3F96];
	s0 =	simm.s32 @p1 $0x1  }
0x15: {  	[smem:$0x3FB3] =	sst s0;
	s0 =	simm.s32 @!p2 $0x0  }
0x16: {  	s3 =	sld [smem:$0x3FDB];
	s0 =	simm.s32 @p2 $0x1  }
0x17: {  	s4 =	simm.s32 $0x1BF5;
	[smem:$0x3FB5] =	sst s0  }
0x18: {  	s0 =	sld [smem:$0x3F98];
	_ =	swait.ge [sflag:s4], $0x0  }
0x19: {  	s7 =	sld [smem:$0x3F99]  }
0x1a: {  	s8 =	sadd.s32 $0xFFFFE003, lr  }
0x1b: {  	s9 =	sadd.s32 $0xFFFFFEF7, lr;
	s5 =	simm.s32 $0xFFFFFFFF;
	p2 =	slt.u32 s8, $0xFFFFF086  }
0x1c: {  	p1 =	slt.u32 s9, $0xF7A;
	s5 =	simm.s32 @!p2 $0x0  }
0x1d: {  	s5 =	simm.s32 @p1 $0x1;
	p0 =	seq.s32 s7, s2  }
0x1e: {  	s7 =	smul.u32 @!p0 $0xF7A, s2;
	p2 =	seq.s32 @!p0 s5, $0x0  }
0x1f: {  	s9 =	smul.u32 $0xF7A, s1;
	s8 =	simm.s32 @!p0 $0x1BF5;
	p2 =	por !p2, p0  }
0x20: {  	[sflag:s8] =	ssyncset.s32 @!p0 $0xFFFFF086;
	s6 =	sadd.s32 @!p0 s3, s7;
	s7 =	simm.s32 @!p0 $0x108  }
0x21: {  	s3 =	sadd.s32 s3, s9;
	s6 =	sadd.s32 @!p0 $0x88, s6;
	s7 =	simm.s32 @p2 $0x1082  }
0x22: {  	[simem:s7], [sflag:s8] =	dma.local @!p0 [hbm:s6], $0xF7A  }
0x23: {  	s9 =	sor.u32 $0xD0000000, s2;
	s6 =	simm.s32 $0x108;
	_ =	swait.ge @!p0 [sflag:s8], $0x0  }
0x24: {  	s3 =	sadd.s32 $0x88, s3;
	s6 =	simm.s32 @!p1 $0x1082;
	[sflag:s4] =	ssyncset.s32 $0xFFFFF086  }
0x25: {  	[simem:s6], [sflag:s4] =	dma.local [hbm:s3], $0xF7A  }
0x26: {  	[smem:$0x3F99] =	sst s1;
	(tag) =	ssettag s2;
	_ =	strace s9  }
0x27: {  	s1 =	sld [smem:$0x3FA9]  }
0x28: {  	s2 =	sld [smem:$0x3FAA]  }
0x29: {  	s4 =	sld [smem:$0x3FAC]  }
0x2a: {  	p0 =	seq.s32 s5, $0x0;
	s5 =	sld [smem:$0x3FAD]  }
0x2b: {  	s6 =	sld [smem:$0x3FAE]  }
0x2c: {  	s7 =	sld [smem:$0x3FAF]  }
0x2d: {  	s3 =	simm.s32 $0x108;
	s8 =	sld [smem:$0x3FB0]  }
0x2e: {  	s3 =	simm.s32 @!p0 $0x1082;
	s9 =	sld [smem:$0x3FB1]  }
0x2f: {  	lr =	sadd.s32 s0, s3;
	s0 =	sld [smem:$0x3FA8]  }
0x30: {  	s3 =	sld [smem:$0x3FAB]  }
0x31: {  	[smem:$0x3FB4] =	sst s10  }
0x32: {  	s10 =	sld [smem:$0x3FB2];
	_ =	sdelay $0x3  }
0x33: {  	p0 =	seq.s32 s10, $0x1;
	s10 =	sld [smem:$0x3FB4];
	_ =	sdelay $0x3  }
0x34: {  	[smem:$0x3FB4] =	sst s10  }
0x35: {  	s10 =	sld [smem:$0x3FB3];
	_ =	sdelay $0x3  }
0x36: {  	p1 =	seq.s32 s10, $0x1;
	s10 =	sld [smem:$0x3FB4];
	_ =	sdelay $0x3  }
0x37: {  	[smem:$0x3FB4] =	sst s10  }
0x38: {  	s10 =	sld [smem:$0x3FB5]  }
0x39: {  	_ = 	snop;
	(pc) =	sbr.ind lr, $3  }
0x3a: {  	_ = 	snop  }
0x3b: {  	_ = 	snop  }
0x3c: {  	p2 =	seq.s32 s10, $0x1;
	s10 =	sld [smem:$0x3FB4]  }
0x3d: {  	_ =	shalt  }
0x3e: {  	_ =	shalt  }
0x3f: {  	_ =	shalt  }
0x40: {  	_ =	shalt  }
0x41: {  	_ =	shalt  }
0x42: {  	_ =	shalt  }
0x43: {  	_ =	shalt  }
0x44: {  	_ =	shalt  }
0x45: {  	_ =	shalt  }
0x46: {  	_ =	shalt  }
0x47: {  	_ =	shalt  }
0x48: {  	_ =	shalt  }
0x49: {  	_ =	shalt  }
0x4a: {  	_ =	shalt  }
0x4b: {  	_ =	shalt  }
0x4c: {  	_ =	shalt  }
0x4d: {  	_ =	shalt  }
0x4e: {  	_ =	shalt  }
0x4f: {  	_ =	shalt  }
0x50: {  	_ =	shalt  }
0x51: {  	_ =	shalt  }
0x52: {  	_ =	shalt  }
0x53: {  	_ =	shalt  }
0x54: {  	_ =	shalt  }
0x55: {  	_ =	shalt  }
0x56: {  	_ =	shalt  }
0x57: {  	_ =	shalt  }
0x58: {  	_ =	shalt  }
0x59: {  	_ =	shalt  }
0x5a: {  	_ =	shalt  }
0x5b: {  	_ =	shalt  }
0x5c: {  	_ =	shalt  }
0x5d: {  	_ =	shalt  }
0x5e: {  	_ =	shalt  }
0x5f: {  	_ =	shalt  }
0x60: {  	_ =	shalt  }
0x61: {  	_ =	shalt  }
0x62: {  	_ =	shalt  }
0x63: {  	_ =	shalt  }
0x64: {  	_ =	shalt  }
0x65: {  	_ =	shalt  }
0x66: {  	_ =	shalt  }
0x67: {  	_ =	shalt  }
0x68: {  	_ =	shalt  }
0x69: {  	_ =	shalt  }
0x6a: {  	_ =	shalt  }
0x6b: {  	_ =	shalt  }
0x6c: {  	_ =	shalt  }
0x6d: {  	_ =	shalt  }
0x6e: {  	_ =	shalt  }
0x6f: {  	_ =	shalt  }
0x70: {  	_ =	shalt  }
0x71: {  	_ =	shalt  }
0x72: {  	_ =	shalt  }
0x73: {  	_ =	shalt  }
0x74: {  	_ =	shalt  }
0x75: {  	_ =	shalt  }
0x76: {  	_ =	shalt  }
0x77: {  	_ =	shalt  }
0x78: {  	_ =	shalt  }
0x79: {  	_ =	shalt  }
0x7a: {  	_ =	shalt  }
0x7b: {  	_ =	shalt  }
0x7c: {  	_ =	shalt  }
0x7d: {  	_ =	shalt  }
0x7e: {  	_ =	shalt  }
0x7f: {  	_ =	shalt  }
0x80: {  	_ =	shalt  }
0x81: {  	_ =	shalt  }
0x82: {  	_ =	shalt  }
0x83: {  	_ =	shalt  }
0x84: {  	_ =	shalt  }
0x85: {  	_ =	shalt  }
0x86: {  	_ =	shalt  }
0x87: {  	_ =	shalt  }
.Lfunc_end0:
.L_simem_size_0:
called_computation.3_lowered:
.L_overlay_start_0:
0x88: {  	s2 =	sld [smem:$0x3FD9]  }
0x89: {  	s3 =	sld [smem:$0x3FFE];
	_ =	sdelay $0x1  }
0x8a: {  	s1 =	srdreg.scid  }
0x8b: {  	s0 =	sand.u32 $0x1, s1  }
0x8c: {  	s17 =	sshll.u32 s0, $0xA;
	s2 =	sadd.s32 s3, s2  }
0x8d: {  	s2 =	sadd.s32 s2, s17  }
0x8e: {  	[smem:$0x3FC0] =	sst s2  }
0x8f: {  	_ = 	snop  }
0x90: {  	s2 =	sld [smem:$0x3FD0];
	(tm) =	ssettm $0x1  }
0x91: {  	s18 =	sld [smem:$0x3FFB];
	_ =	sdelay $0x3  }
0x92: {  	_ =	strace s18  }
0x93: {  	s3 =	sld [smem:$0x3FFC];
	_ =	sdelay $0x3  }
0x94: {  	_ =	strace s3  }
0x95: {  	s3 =	sld [smem:$0x3FFD];
	_ =	sdelay $0x3  }
0x96: {  	_ =	strace s3  }
0x97: {  	_ =	strace $0x8FFFFFFF  }
0x98: {  	s19 =	sld [smem:$0x3FDB];
	_ =	sdelay $0x1  }
0x99: {  	s4 =	simm.s32 $_scs_section_size  }
0x9a: {  	s5 =	simm.s32 $_size__tile_overlayer_lowered;
	s6 =	simm.s32 $_tile_overlayer_lowered  }
0x9b: {  	s22 =	simm.s32 $0x1BFF;
	s21 =	sshll.u32 s6, $0x1;
	s3 =	sadd.s32 s4, s19  }
0x9c: {  	s7 =	simm.s32 $0x0;
	s20 =	sshll.u32 s5, $0x1;
	s5 =	sadd.s32 s21, s3  }
0x9d: {  	[timem:s7], [sflag:s22] =	dma.local [hbm:s5], s20  }
0x9e: {  	_ =	swait.ge [sflag:s22], s20  }
0x9f: {  	s4 =	ssub.s32 $0x0, s20;
	[sflag:s22] =	ssyncset.done $0x0  }
0xa0: {  	[sflag:s22] =	ssyncadd.s32 s4;
	_ =	sdelay $0x1  }
0xa1: {  	s23 =	simm.s32 $0x1B8B  }
0xa2: {  	_ =	swait.ge [sflag:s23], $0x1  }
0xa3: {  	[sflag:s23] =	ssyncset.done $0x0  }
0xa4: {  	s25 =	simm.s32 $0x1B8E;
	s24 =	sld [smem:$0x3FFE];
	[sflag:s23] =	ssyncadd.s32 $0xFFFFFFFF  }
0xa5: {  	s26 =	simm.s32 $execute0_lowered;
	[smem:$0x3FD2] =	sst s25  }
0xa6: {  	s5 =	sshll.u32 s26, $0x1;
	_ =	strace $0x8000004F;
	[dreg:$0x1] =	wrdreg $0xFFFFFFFF  }
0xa7: {  	s28 =	simm.s32 $_size_execute0_lowered;
	s3 =	sadd.s32 s3, s5;
	[dreg:$0x0] =	wrdreg $0x0  }
0xa8: {  	s5 =	sshll.u32 s28, $0x1;
	[dreg:$0x2] =	wrdreg s3  }
0xa9: {  	[dreg:$0x3] =	wrdreg s5  }
0xaa: {  	[dreg:$0x4] =	wrdreg $0xC0  }
0xab: {  	_ =	task [dreg:s7], $0x5FFFF  }
0xac: {  	[dreg:$0x1] =	wrdreg $0xFFFFFFFF  }
0xad: {  	[dreg:$0x0] =	wrdreg $0x60  }
0xae: {  	[dreg:$0x2] =	wrdreg s24  }
0xaf: {  	[dreg:$0x3] =	wrdreg s2  }
0xb0: {  	[dreg:$0x4] =	wrdreg $0xAA000  }
0xb1: {  	[dreg:$0x5] =	wrdreg $0x9  }
0xb2: {  	_ =	task.clear_ibuf [dreg:s7], $0x6FFFF;
	_ =	strace $0x9000004F  }
0xb3: {  	s29 =	simm.s32 $0x9;
	_ =	strace $0x80000051  }
0xb4: {  	_ =	swait.ge [sflag:s29], $0x1  }
0xb5: {  	[sflag:s29] =	ssyncadd.s32 $0xFFFFFFFF  }
0xb6: {  	_ =	strace $0x90000051  }
0xb7: {  	_ =	sfence  }
0xb8: {  	s30 =	sld [smem:$0x0];
	_ =	sdelay $0x2  }
0xb9: {  	s31 =	sshll.u32 s1, $0xD;
	s1 =	sshrl.u32 s1, $0x2  }
0xba: {  	s3 =	sand.u32 $0x4000, s31;
	s1 =	sadd.s32 s1, s30  }
0xbb: {  	s0 =	sor.u32 s3, s0;
	s1 =	sshll.u32 s1, $0x11  }
0xbc: {  	s0 =	sor.u32 s1, s0  }
0xbd: {  	s0 =	sadd.s32 $0x8F2B, s0  }
0xbe: {  	[sflag:s0] =	ssyncadd.remote.s32 $0x1  }
0xbf: {  	_ =	sfence.sel $0xFFFF  }
0xc0: {  	[dreg:$0x0] =	wrdreg $0xFFFFFFFF;
	(pc) =	sbr.abs _section_cstart, $3  }
0xc1: {  	[dreg:$0x1] =	wrdreg $0xFFFFFFFF  }
0xc2: {  	_ =	task.clear_ibuf [dreg:s7], $0x2FFFF;
	_ =	strace $0x9FFFFFFF  }
0xc3: {  	(tm) =	ssettm $0x7FFFFFFF  }
tec
execute0_lowered:
.L_overlay_start_1:
0x0: {  	(tag) =	ssettag $0x1  }
0x1: {  	s0 =	rddreg [dreg:$0x0]  }
0x2: {  	s2 =	rddreg [dreg:$0x1]  }
0x3: {  	s1 =	rddreg [dreg:$0x2];
	s3 =	simm.s32 $0x0;
	s5 =	srdreg.scid  }
0x4: {  	s10 =	stileid.u32;
	s18 =	simm.s32 $0x3;
	s19 =	simm.s32 $0x2A00  }
0x5: {  	s20 =	simm.s32 $0x80;
	s22 =	simm.s32 $0x2900;
	s23 =	simm.s32 $0x6A00  }
0x6: {  	s24 =	simm.s32 $0x1;
	s28 =	simm.s32 $0x2980;
	s29 =	simm.s32 $0x0  }
0x7: {  	[smem:$0x7FF] =	sst s3;
	s4 =	sadd.s32 $0x3F000, s0;
	s5 =	sand.u32 $0x1, s5  }
0x8: {  	s6 =	sshll.u32 s10, $0x1;
	s7 =	sadd.s32 $0x17000, s0;
	s25 =	smul.u32 $0x50000, s10  }
0x9: {  	s0 =	sadd.s32 $0x67000, s0;
	s11 =	smul.u32 $0x14000, s10;
	_ =	strace $0x80000050  }
0xa: {  	s6 =	sor.u32 s5, s6;
	s8 =	ssub.s32 $0x2, s5;
	s5 =	smul.u32 $0x140000, s5  }
0xb: {  	[dreg:$0x4] =	wrdreg s7;
	s6 =	smul.u32 $0x500, s6;
	s9 =	sshrl.u32 s8, $0x1  }
0xc: {  	s7 =	sshrl.u32 s25, $0x2;
	s26 =	sadd.s32 $0x4000, s11;
	s14 =	sadd.s32 $0x8000, s11  }
0xd: {  	s15 =	sadd.s32 $0xC000, s11;
	s16 =	sadd.s32 $0x10000, s11;
	s25 =	simm.s32 $0x2880  }
0xe: {  	s17 =	ssub.s32 s8, s9;
	s7 =	sadd.s32 s7, s1;
	s8 =	sadd.s32 s26, s1  }
0xf: {  	s9 =	sadd.s32 s14, s1;
	s10 =	sadd.s32 s15, s1;
	s12 =	sadd.s32 s11, s5  }
0x10: {  	s11 =	sadd.s32 s16, s1;
	s30 =	sadd.s32 s5, s14;
	s31 =	sadd.s32 s5, s15  }
0x11: {  	s6 =	sadd.s32 s2, s6;
	s2 =	sadd.s32 s5, s26;
	s12 =	sshrl.u32 s12, $0x3  }
0x12: {  	s5 =	sadd.s32 s5, s16;
	s15 =	sshrl.u32 s31, $0x3;
	s17 =	smax.u32 s17, $0x1  }
0x13: {  	s26 =	simm.s32 $0x2;
	s2 =	sshrl.u32 s2, $0x3;
	s12 =	sadd.s32 s0, s12  }
0x14: {  	s5 =	sshrl.u32 s5, $0x3;
	s13 =	sadd.s32 s0, s2;
	s2 =	sshrl.u32 s30, $0x3  }
0x15: {  	s15 =	sadd.s32 s0, s15;
	s16 =	sadd.s32 s0, s5;
	s14 =	sadd.s32 s0, s2  }
.LBB2_1:
0x16: {  	[tilespmem:s3], [sflag:$0x3] =	stream.linear.gather [hbm4b:s6+s3], $0x2800, $0x38;
	[tilespmem:$0x1EA00] =	vst v63  }
0x17: {  	_ =	swait.ge [sflag:s18], $0x2800  }
0x18: {  	[sflag:s18] =	ssyncset.done $0x0  }
0x19: {  	s0 =	rddreg [dreg:$0x4];
	[sflag:s18] =	ssyncadd.s32 $0xFFFFD800  }
0x1a: {  	[tilespmem:s19], [sflag:$0x3] =	stream.linear.gather [hbm4b:s0+s3], $0x4000, $0x38;
	[tilespmem:$0x1EA00] =	vst v63  }
0x1b: {  	_ =	swait.ge [sflag:s18], $0x4000  }
0x1c: {  	[sflag:s18] =	ssyncset.done $0x0  }
0x1d: {  	[sflag:s18] =	ssyncadd.s32 $0xFFFFC000  }
0x1e: {  	[spmem:s7] =	stream.linear.scatter [tilespmem:s19], [sflag:$0x3], $0x4000, $0x38;
	[tilespmem:$0x1EA00] =	vst v63  }
0x1f: {  	_ =	swait.ge [sflag:s18], $0x4000  }
0x20: {  	[sflag:s18] =	ssyncset.done $0x0  }
0x21: {  	[sflag:s18] =	ssyncadd.s32 $0xFFFFC000  }
0x22: {  	[spmem:s8] =	stream.linear.scatter [tilespmem:s19], [sflag:$0x3], $0x4000, $0x38;
	[tilespmem:$0x1EA00] =	vst v63  }
0x23: {  	_ =	swait.ge [sflag:s18], $0x4000  }
0x24: {  	[sflag:s18] =	ssyncset.done $0x0  }
0x25: {  	[sflag:s18] =	ssyncadd.s32 $0xFFFFC000  }
0x26: {  	[spmem:s9] =	stream.linear.scatter [tilespmem:s19], [sflag:$0x3], $0x4000, $0x38;
	[tilespmem:$0x1EA00] =	vst v63  }
0x27: {  	_ =	swait.ge [sflag:s18], $0x4000  }
0x28: {  	[sflag:s18] =	ssyncset.done $0x0  }
0x29: {  	[sflag:s18] =	ssyncadd.s32 $0xFFFFC000  }
0x2a: {  	[spmem:s10] =	stream.linear.scatter [tilespmem:s19], [sflag:$0x3], $0x4000, $0x38;
	[tilespmem:$0x1EA00] =	vst v63  }
0x2b: {  	_ =	swait.ge [sflag:s18], $0x4000  }
0x2c: {  	[sflag:s18] =	ssyncset.done $0x0  }
0x2d: {  	[sflag:s18] =	ssyncadd.s32 $0xFFFFC000  }
0x2e: {  	[spmem:s11] =	stream.linear.scatter [tilespmem:s19], [sflag:$0x3], $0x4000, $0x38;
	[tilespmem:$0x1EA00] =	vst v63  }
0x2f: {  	_ =	swait.ge [sflag:s18], $0x4000  }
0x30: {  	[sflag:s18] =	ssyncset.done $0x0  }
0x31: {  	[sflag:s18] =	ssyncadd.s32 $0xFFFFC000  }
0x32: {  	[bflag:$0x0] =	sbarrier.arrive $0xFFFF  }
0x33: {  	v0 =	vld [tilespmem:$0x0];
	_ =	sdelay $0x1  }
0x34: {  	v1 =	vld [tilespmem:$0x10];
	_ =	sdelay $0x1  }
0x35: {  	v2 =	vld [tilespmem:$0x20]  }
0x36: {  	v3 =	vand.u32 $0x3FFF, v0  }
0x37: {  	v0 =	vshrl.u32 v0, $0xE;
	[tilespmem:$0x2800] =	vst v3;
	v3 =	vld [tilespmem:$0x30]  }
0x38: {  	[tilespmem:$0x2880] =	vst v0;
	v0 =	vand.u32 $0x3FFF, v1  }
0x39: {  	[tilespmem:$0x2810] =	vst v0;
	v0 =	vshrl.u32 v1, $0xE;
	v1 =	vld [tilespmem:$0x40]  }
0x3a: {  	[tilespmem:$0x2890] =	vst v0;
	v0 =	vand.u32 $0x3FFF, v2  }
0x3b: {  	[tilespmem:$0x2820] =	vst v0;
	v0 =	vshrl.u32 v2, $0xE;
	v2 =	vld [tilespmem:$0x50]  }
0x3c: {  	[tilespmem:$0x28A0] =	vst v0;
	v0 =	vand.u32 $0x3FFF, v3  }
0x3d: {  	[tilespmem:$0x2830] =	vst v0;
	v0 =	vshrl.u32 v3, $0xE;
	v3 =	vld [tilespmem:$0x60]  }
0x3e: {  	[tilespmem:$0x28B0] =	vst v0;
	v0 =	vand.u32 $0x3FFF, v1  }
0x3f: {  	[tilespmem:$0x2840] =	vst v0;
	v0 =	vshrl.u32 v1, $0xE;
	v1 =	vld [tilespmem:$0x70]  }
0x40: {  	[tilespmem:$0x28C0] =	vst v0;
	v0 =	vand.u32 $0x3FFF, v2  }
0x41: {  	[tilespmem:$0x2850] =	vst v0;
	v0 =	vshrl.u32 v2, $0xE  }
0x42: {  	[tilespmem:$0x28D0] =	vst v0;
	v0 =	vand.u32 $0x3FFF, v3  }
0x43: {  	[tilespmem:$0x2860] =	vst v0;
	v0 =	vshrl.u32 v3, $0xE  }
0x44: {  	[tilespmem:$0x28E0] =	vst v0;
	v0 =	vand.u32 $0x3FFF, v1  }
0x45: {  	[tilespmem:$0x2870] =	vst v0;
	v0 =	vshrl.u32 v1, $0xE  }
0x46: {  	s5 =	simm.s32 $0x2800;
	s21 =	simm.s32 $0x0;
	[tilespmem:$0x28F0] =	vst v0  }
0x47: {  	[tilespmem:s19], [sflag:$0x1] =	stream.indirect.gather [hbm4b:s4+s20], $0x80, s5, s20, $0xb8;
	[tilespmem:$0x1EA00] =	vst v63  }
0x48: {  	v0 =	vld [tilespmem:s21+$0x80];
	_ =	sdelay $0x4  }
0x49: {  	v1 =	vand.u32 $0x3FFF, v0  }
0x4a: {  	v0 =	vshrl.u32 v0, $0xE;
	[tilespmem:$0x2900] =	vst v1  }
0x4b: {  	[tilespmem:$0x2980] =	vst v0  }
0x4c: {  	v0 =	vld [tilespmem:s21+$0x90];
	_ =	sdelay $0x4  }
0x4d: {  	v1 =	vand.u32 $0x3FFF, v0  }
0x4e: {  	v0 =	vshrl.u32 v0, $0xE;
	[tilespmem:$0x2910] =	vst v1  }
0x4f: {  	[tilespmem:$0x2990] =	vst v0  }
0x50: {  	v0 =	vld [tilespmem:s21+$0xA0];
	_ =	sdelay $0x4  }
0x51: {  	v1 =	vand.u32 $0x3FFF, v0  }
0x52: {  	v0 =	vshrl.u32 v0, $0xE;
	[tilespmem:$0x2920] =	vst v1  }
0x53: {  	[tilespmem:$0x29A0] =	vst v0  }
0x54: {  	v0 =	vld [tilespmem:s21+$0xB0];
	_ =	sdelay $0x4  }
0x55: {  	v1 =	vand.u32 $0x3FFF, v0  }
0x56: {  	v0 =	vshrl.u32 v0, $0xE;
	[tilespmem:$0x2930] =	vst v1  }
0x57: {  	[tilespmem:$0x29B0] =	vst v0  }
0x58: {  	v0 =	vld [tilespmem:s21+$0xC0];
	_ =	sdelay $0x4  }
0x59: {  	v1 =	vand.u32 $0x3FFF, v0  }
0x5a: {  	v0 =	vshrl.u32 v0, $0xE;
	[tilespmem:$0x2940] =	vst v1  }
0x5b: {  	[tilespmem:$0x29C0] =	vst v0  }
0x5c: {  	v0 =	vld [tilespmem:s21+$0xD0];
	_ =	sdelay $0x4  }
0x5d: {  	v1 =	vand.u32 $0x3FFF, v0  }
0x5e: {  	v0 =	vshrl.u32 v0, $0xE;
	[tilespmem:$0x2950] =	vst v1  }
0x5f: {  	[tilespmem:$0x29D0] =	vst v0  }
0x60: {  	v0 =	vld [tilespmem:s21+$0xE0];
	_ =	sdelay $0x4  }
0x61: {  	v1 =	vand.u32 $0x3FFF, v0  }
0x62: {  	v0 =	vshrl.u32 v0, $0xE;
	[tilespmem:$0x2960] =	vst v1  }
0x63: {  	[tilespmem:$0x29E0] =	vst v0  }
0x64: {  	v0 =	vld [tilespmem:s21+$0xF0];
	_ =	sdelay $0x4  }
0x65: {  	v1 =	vand.u32 $0x3FFF, v0  }
0x66: {  	v0 =	vshrl.u32 v0, $0xE;
	[tilespmem:$0x2970] =	vst v1  }
0x67: {  	[tilespmem:$0x29F0] =	vst v0  }
0x68: {  	[tilespmem:s23], [sflag:$0x2] =	stream.indirect.gather [hbm4b:s4+s20], $0x80, s22, s20, $0xb8;
	[tilespmem:$0x1EA00] =	vst v63  }
0x69: {  	_ =	swait.ge [sflag:s24], $0x4000  }
0x6a: {  	[sflag:s24] =	ssyncset.done $0x0  }
0x6b: {  	[sflag:s24] =	ssyncadd.s32 $0xFFFFC000  }
0x6c: {  	[spmem:s1] =	stream.indirect.scatter.add.f32 [tilespmem:s19], [sflag:$0x3], $0x80, s25, s20, $0xb8;
	[tilespmem:$0x1EA00] =	vst v63  }
0x6d: {  	_ =	swait.ge [sflag:s18], $0x4000  }
0x6e: {  	p1 =	por $0x0, $0x0;
	[sflag:s18] =	ssyncset.done $0x0  }
0x6f: {  	s31 =	simm.s32 @!p1 $0x0;
	[sflag:s18] =	ssyncadd.s32 $0xFFFFC000  }
0x70: {  	v0 =	vld @!p1 [tilespmem:s31+$0x100];
	_ =	sdelay $0x4  }
0x71: {  	v1 =	vand.u32 @!p1 $0x3FFF, v0  }
0x72: {  	v0 =	vshrl.u32 @!p1 v0, $0xE;
	[tilespmem:$0x2800] =	vst @!p1 v1  }
0x73: {  	[tilespmem:$0x2880] =	vst @!p1 v0  }
0x74: {  	v0 =	vld @!p1 [tilespmem:s31+$0x110];
	_ =	sdelay $0x4  }
0x75: {  	v1 =	vand.u32 @!p1 $0x3FFF, v0  }
0x76: {  	v0 =	vshrl.u32 @!p1 v0, $0xE;
	[tilespmem:$0x2810] =	vst @!p1 v1  }
0x77: {  	[tilespmem:$0x2890] =	vst @!p1 v0  }
0x78: {  	v0 =	vld @!p1 [tilespmem:s31+$0x120];
	_ =	sdelay $0x4  }
0x79: {  	v1 =	vand.u32 @!p1 $0x3FFF, v0  }
0x7a: {  	v0 =	vshrl.u32 @!p1 v0, $0xE;
	[tilespmem:$0x2820] =	vst @!p1 v1  }
0x7b: {  	[tilespmem:$0x28A0] =	vst @!p1 v0  }
0x7c: {  	v0 =	vld @!p1 [tilespmem:s31+$0x130];
	_ =	sdelay $0x4  }
0x7d: {  	v1 =	vand.u32 @!p1 $0x3FFF, v0  }
0x7e: {  	v0 =	vshrl.u32 @!p1 v0, $0xE;
	[tilespmem:$0x2830] =	vst @!p1 v1  }
0x7f: {  	[tilespmem:$0x28B0] =	vst @!p1 v0  }
0x80: {  	v0 =	vld @!p1 [tilespmem:s31+$0x140];
	_ =	sdelay $0x4  }
0x81: {  	v1 =	vand.u32 @!p1 $0x3FFF, v0  }
0x82: {  	v0 =	vshrl.u32 @!p1 v0, $0xE;
	[tilespmem:$0x2840] =	vst @!p1 v1  }
0x83: {  	[tilespmem:$0x28C0] =	vst @!p1 v0  }
0x84: {  	v0 =	vld @!p1 [tilespmem:s31+$0x150];
	_ =	sdelay $0x4  }
0x85: {  	v1 =	vand.u32 @!p1 $0x3FFF, v0  }
0x86: {  	v0 =	vshrl.u32 @!p1 v0, $0xE;
	[tilespmem:$0x2850] =	vst @!p1 v1  }
0x87: {  	[tilespmem:$0x28D0] =	vst @!p1 v0  }
0x88: {  	v0 =	vld @!p1 [tilespmem:s31+$0x160];
	_ =	sdelay $0x4  }
0x89: {  	s30 =	simm.s32 $0x400;
	v1 =	vand.u32 @!p1 $0x3FFF, v0  }
0x8a: {  	s2 =	simm.s32 @!p1 $0x80;
	s5 =	simm.s32 @!p1 $0x2A00;
	s21 =	simm.s32 @!p1 $0x2800;
	v0 =	vshrl.u32 @!p1 v0, $0xE;
	[tilespmem:$0x2860] =	vst @!p1 v1  }
.LBB2_2:
0x8b: {  	[tilespmem:$0x28E0] =	vst @!p1 v0;
	s0 =	smov.u32 s30;
	s30 =	sadd.s32 $0x400, s30  }
0x8c: {  	p0 =	sne.s32 s30, $0xA000;
	v0 =	vld @!p1 [tilespmem:s31+$0x170];
	_ =	sdelay $0x4  }
0x8d: {  	v1 =	vand.u32 @!p1 $0x3FFF, v0;
	v0 =	vshrl.u32 @!p1 v0, $0xE  }
0x8e: {  	[tilespmem:$0x2870] =	vst @!p1 v1  }
0x8f: {  	[tilespmem:$0x28F0] =	vst @!p1 v0  }
0x90: {  	[tilespmem:s5], [sflag:$0x1] =	stream.indirect.gather @!p1 [hbm4b:s4+s2], $0x80, s21, s2, $0xb8;
	[tilespmem:$0x1EA00] =	vst v63  }
0x91: {  	_ =	swait.ge [sflag:s26], $0x4000  }
0x92: {  	[sflag:s26] =	ssyncset.done $0x0  }
0x93: {  	[sflag:s26] =	ssyncadd.s32 $0xFFFFC000  }
0x94: {  	[spmem:s1] =	stream.indirect.scatter.add.f32 [tilespmem:s23], [sflag:$0x3], $0x80, s28, s20, $0xb8;
	[tilespmem:$0x1EA00] =	vst v63  }
0x95: {  	_ =	swait.ge [sflag:s18], $0x4000  }
0x96: {  	[sflag:s18] =	ssyncset.done $0x0  }
0x97: {  	s31 =	sshra.s32 s0, $0x2;
	[sflag:s18] =	ssyncadd.s32 $0xFFFFC000  }
0x98: {  	v0 =	vld [tilespmem:s31+$0x80];
	_ =	sdelay $0x4  }
0x99: {  	v1 =	vand.u32 $0x3FFF, v0;
	v0 =	vshrl.u32 v0, $0xE  }
0x9a: {  	[tilespmem:$0x2900] =	vst v1  }
0x9b: {  	[tilespmem:$0x2980] =	vst v0  }
0x9c: {  	v0 =	vld [tilespmem:s31+$0x90];
	_ =	sdelay $0x4  }
0x9d: {  	v1 =	vand.u32 $0x3FFF, v0;
	v0 =	vshrl.u32 v0, $0xE  }
0x9e: {  	[tilespmem:$0x2910] =	vst v1  }
0x9f: {  	[tilespmem:$0x2990] =	vst v0  }
0xa0: {  	v0 =	vld [tilespmem:s31+$0xA0];
	_ =	sdelay $0x4  }
0xa1: {  	v1 =	vand.u32 $0x3FFF, v0;
	v0 =	vshrl.u32 v0, $0xE  }
0xa2: {  	[tilespmem:$0x2920] =	vst v1  }
0xa3: {  	[tilespmem:$0x29A0] =	vst v0  }
0xa4: {  	v0 =	vld [tilespmem:s31+$0xB0];
	_ =	sdelay $0x4  }
0xa5: {  	v1 =	vand.u32 $0x3FFF, v0;
	v0 =	vshrl.u32 v0, $0xE  }
0xa6: {  	[tilespmem:$0x2930] =	vst v1  }
0xa7: {  	[tilespmem:$0x29B0] =	vst v0  }
0xa8: {  	v0 =	vld [tilespmem:s31+$0xC0];
	_ =	sdelay $0x4  }
0xa9: {  	v1 =	vand.u32 $0x3FFF, v0;
	v0 =	vshrl.u32 v0, $0xE  }
0xaa: {  	[tilespmem:$0x2940] =	vst v1  }
0xab: {  	[tilespmem:$0x29C0] =	vst v0  }
0xac: {  	v0 =	vld [tilespmem:s31+$0xD0];
	_ =	sdelay $0x4  }
0xad: {  	v1 =	vand.u32 $0x3FFF, v0;
	v0 =	vshrl.u32 v0, $0xE  }
0xae: {  	[tilespmem:$0x2950] =	vst v1  }
0xaf: {  	[tilespmem:$0x29D0] =	vst v0  }
0xb0: {  	v0 =	vld [tilespmem:s31+$0xE0];
	_ =	sdelay $0x4  }
0xb1: {  	v1 =	vand.u32 $0x3FFF, v0;
	v0 =	vshrl.u32 v0, $0xE  }
0xb2: {  	[tilespmem:$0x2960] =	vst v1  }
0xb3: {  	[tilespmem:$0x29E0] =	vst v0  }
0xb4: {  	v0 =	vld [tilespmem:s31+$0xF0];
	_ =	sdelay $0x4  }
0xb5: {  	v1 =	vand.u32 $0x3FFF, v0;
	v0 =	vshrl.u32 v0, $0xE  }
0xb6: {  	p1 =	seq.s32 s0, $0x9C00;
	[tilespmem:$0x2970] =	vst v1  }
0xb7: {  	s31 =	sshra.s32 @!p1 s0, $0x2;
	[tilespmem:$0x29F0] =	vst v0  }
0xb8: {  	[tilespmem:s23], [sflag:$0x2] =	stream.indirect.gather [hbm4b:s4+s20], $0x80, s22, s20, $0xb8;
	[tilespmem:$0x1EA00] =	vst v63  }
0xb9: {  	_ =	swait.ge [sflag:s24], $0x4000  }
0xba: {  	[sflag:s24] =	ssyncset.done $0x0  }
0xbb: {  	[sflag:s24] =	ssyncadd.s32 $0xFFFFC000  }
0xbc: {  	[spmem:s1] =	stream.indirect.scatter.add.f32 [tilespmem:s19], [sflag:$0x3], $0x80, s25, s20, $0xb8;
	[tilespmem:$0x1EA00] =	vst v63  }
0xbd: {  	_ =	swait.ge [sflag:s18], $0x4000  }
0xbe: {  	[sflag:s18] =	ssyncset.done $0x0  }
0xbf: {  	[sflag:s18] =	ssyncadd.s32 $0xFFFFC000  }
0xc0: {  	v0 =	vld @!p1 [tilespmem:s31+$0x100];
	_ =	sdelay $0x4  }
0xc1: {  	v1 =	vand.u32 @!p1 $0x3FFF, v0;
	v0 =	vshrl.u32 @!p1 v0, $0xE  }
0xc2: {  	[tilespmem:$0x2800] =	vst @!p1 v1  }
0xc3: {  	[tilespmem:$0x2880] =	vst @!p1 v0  }
0xc4: {  	v0 =	vld @!p1 [tilespmem:s31+$0x110];
	_ =	sdelay $0x4  }
0xc5: {  	v1 =	vand.u32 @!p1 $0x3FFF, v0;
	v0 =	vshrl.u32 @!p1 v0, $0xE  }
0xc6: {  	[tilespmem:$0x2810] =	vst @!p1 v1  }
0xc7: {  	[tilespmem:$0x2890] =	vst @!p1 v0  }
0xc8: {  	v0 =	vld @!p1 [tilespmem:s31+$0x120];
	_ =	sdelay $0x4  }
0xc9: {  	v1 =	vand.u32 @!p1 $0x3FFF, v0;
	v0 =	vshrl.u32 @!p1 v0, $0xE  }
0xca: {  	[tilespmem:$0x2820] =	vst @!p1 v1  }
0xcb: {  	[tilespmem:$0x28A0] =	vst @!p1 v0  }
0xcc: {  	v0 =	vld @!p1 [tilespmem:s31+$0x130];
	_ =	sdelay $0x4  }
0xcd: {  	v1 =	vand.u32 @!p1 $0x3FFF, v0;
	v0 =	vshrl.u32 @!p1 v0, $0xE  }
0xce: {  	[tilespmem:$0x2830] =	vst @!p1 v1  }
0xcf: {  	[tilespmem:$0x28B0] =	vst @!p1 v0  }
0xd0: {  	v0 =	vld @!p1 [tilespmem:s31+$0x140];
	_ =	sdelay $0x4  }
0xd1: {  	v1 =	vand.u32 @!p1 $0x3FFF, v0;
	v0 =	vshrl.u32 @!p1 v0, $0xE  }
0xd2: {  	[tilespmem:$0x2840] =	vst @!p1 v1  }
0xd3: {  	[tilespmem:$0x28C0] =	vst @!p1 v0  }
0xd4: {  	v0 =	vld @!p1 [tilespmem:s31+$0x150];
	_ =	sdelay $0x4  }
0xd5: {  	v1 =	vand.u32 @!p1 $0x3FFF, v0;
	v0 =	vshrl.u32 @!p1 v0, $0xE  }
0xd6: {  	[tilespmem:$0x2850] =	vst @!p1 v1  }
0xd7: {  	s2 =	simm.s32 @!p1 $0x80;
	s21 =	simm.s32 @!p1 $0x2800;
	s5 =	simm.s32 @!p1 $0x2A00;
	[tilespmem:$0x28D0] =	vst @!p1 v0  }
0xd8: {  	v0 =	vld @!p1 [tilespmem:s31+$0x160];
	_ =	sdelay $0x1  }
.Ltmp0:
0xd9: {  	(pc) =	sbr.rel @p0 .LBB2_2-.Ltmp0, $3  }
0xda: {  	_ =	sdelay $0x1  }
0xdb: {  	v1 =	vand.u32 @!p1 $0x3FFF, v0;
	v0 =	vshrl.u32 @!p1 v0, $0xE  }
0xdc: {  	[tilespmem:$0x2860] =	vst @!p1 v1  }
0xdd: {  	[tilespmem:$0x28E0] =	vst @!p1 v0  }
0xde: {  	v0 =	vld @!p1 [tilespmem:s31+$0x170];
	_ =	sdelay $0x4  }
0xdf: {  	v1 =	vand.u32 @!p1 $0x3FFF, v0  }
0xe0: {  	v0 =	vshrl.u32 @!p1 v0, $0xE;
	[tilespmem:$0x2870] =	vst @!p1 v1  }
0xe1: {  	[tilespmem:$0x28F0] =	vst @!p1 v0  }
0xe2: {  	[tilespmem:s5], [sflag:$0x1] =	stream.indirect.gather @!p1 [hbm4b:s4+s2], $0x80, s21, s2, $0xb8;
	[tilespmem:$0x1EA00] =	vst v63  }
0xe3: {  	_ =	swait.ge [sflag:s26], $0x4000  }
0xe4: {  	[sflag:s26] =	ssyncset.done $0x0  }
0xe5: {  	[sflag:s26] =	ssyncadd.s32 $0xFFFFC000  }
0xe6: {  	[spmem:s1] =	stream.indirect.scatter.add.f32 [tilespmem:s23], [sflag:$0x3], $0x80, s28, s20, $0xb8;
	[tilespmem:$0x1EA00] =	vst v63  }
0xe7: {  	_ =	swait.ge [sflag:s18], $0x4000  }
0xe8: {  	[sflag:s18] =	ssyncset.done $0x0  }
0xe9: {  	[sflag:s18] =	ssyncadd.s32 $0xFFFFC000  }
0xea: {  	[bflag:$0x0] =	sbarrier.arrive $0xFFFF  }
0xeb: {  	[tilespmem:s19], [sflag:$0x3] =	stream.linear.gather [spmem:s7], $0x4000, $0x38;
	[tilespmem:$0x1EA00] =	vst v63  }
0xec: {  	_ =	swait.ge [sflag:s18], $0x4000  }
0xed: {  	[sflag:s18] =	ssyncset.done $0x0  }
0xee: {  	[sflag:s18] =	ssyncadd.s32 $0xFFFFC000  }
0xef: {  	[hbm4b:s12+s3] =	stream.linear.scatter [tilespmem:s19], [sflag:$0x3], $0x4000, $0x38;
	[tilespmem:$0x1EA00] =	vst v63  }
0xf0: {  	_ =	swait.ge [sflag:s18], $0x4000  }
0xf1: {  	[sflag:s18] =	ssyncset.done $0x0  }
0xf2: {  	[sflag:s18] =	ssyncadd.s32 $0xFFFFC000  }
0xf3: {  	[tilespmem:s19], [sflag:$0x3] =	stream.linear.gather [spmem:s8], $0x4000, $0x38;
	[tilespmem:$0x1EA00] =	vst v63  }
0xf4: {  	_ =	swait.ge [sflag:s18], $0x4000  }
0xf5: {  	[sflag:s18] =	ssyncset.done $0x0  }
0xf6: {  	[sflag:s18] =	ssyncadd.s32 $0xFFFFC000  }
0xf7: {  	[hbm4b:s13+s3] =	stream.linear.scatter [tilespmem:s19], [sflag:$0x3], $0x4000, $0x38;
	[tilespmem:$0x1EA00] =	vst v63  }
0xf8: {  	_ =	swait.ge [sflag:s18], $0x4000  }
0xf9: {  	[sflag:s18] =	ssyncset.done $0x0  }
0xfa: {  	[sflag:s18] =	ssyncadd.s32 $0xFFFFC000  }
0xfb: {  	[tilespmem:s19], [sflag:$0x3] =	stream.linear.gather [spmem:s9], $0x4000, $0x38;
	[tilespmem:$0x1EA00] =	vst v63  }
0xfc: {  	_ =	swait.ge [sflag:s18], $0x4000  }
0xfd: {  	[sflag:s18] =	ssyncset.done $0x0  }
0xfe: {  	[sflag:s18] =	ssyncadd.s32 $0xFFFFC000  }
0xff: {  	[hbm4b:s14+s3] =	stream.linear.scatter [tilespmem:s19], [sflag:$0x3], $0x4000, $0x38;
	[tilespmem:$0x1EA00] =	vst v63  }
0x100: {  	_ =	swait.ge [sflag:s18], $0x4000  }
0x101: {  	[sflag:s18] =	ssyncset.done $0x0  }
0x102: {  	[sflag:s18] =	ssyncadd.s32 $0xFFFFC000  }
0x103: {  	[tilespmem:s19], [sflag:$0x3] =	stream.linear.gather [spmem:s10], $0x4000, $0x38;
	[tilespmem:$0x1EA00] =	vst v63  }
0x104: {  	_ =	swait.ge [sflag:s18], $0x4000  }
0x105: {  	[sflag:s18] =	ssyncset.done $0x0  }
0x106: {  	[sflag:s18] =	ssyncadd.s32 $0xFFFFC000  }
0x107: {  	[hbm4b:s15+s3] =	stream.linear.scatter [tilespmem:s19], [sflag:$0x3], $0x4000, $0x38;
	[tilespmem:$0x1EA00] =	vst v63  }
0x108: {  	_ =	swait.ge [sflag:s18], $0x4000  }
0x109: {  	[sflag:s18] =	ssyncset.done $0x0  }
0x10a: {  	[sflag:s18] =	ssyncadd.s32 $0xFFFFC000  }
0x10b: {  	[tilespmem:s19], [sflag:$0x3] =	stream.linear.gather [spmem:s11], $0x4000, $0x38;
	[tilespmem:$0x1EA00] =	vst v63  }
0x10c: {  	s29 =	sadd.s32 $0x1, s29;
	_ =	swait.ge [sflag:s18], $0x4000  }
0x10d: {  	p0 =	sne.s32 s29, s17;
	[sflag:s18] =	ssyncset.done $0x0  }
.Ltmp1:
0x10e: {  	[sflag:s18] =	ssyncadd.s32 $0xFFFFC000;
	(pc) =	sbr.rel @p0 .LBB2_1-.Ltmp1, $4  }
0x10f: {  	[hbm4b:s16+s3] =	stream.linear.scatter [tilespmem:s19], [sflag:$0x3], $0x4000, $0x38;
	[tilespmem:$0x1EA00] =	vst v63  }
0x110: {  	_ =	swait.ge [sflag:s18], $0x4000  }
0x111: {  	[sflag:s18] =	ssyncset.done $0x0  }
0x112: {  	[sflag:s18] =	ssyncadd.s32 $0xFFFFC000  }
0x113: {  	_ =	sfence.sel $0x180000  }
0x114: {  	[bflag:$0x0] =	sbarrier.arrive $0xFFFF  }
0x115: {  	_ =	strace $0x90000050  }
0x116: {  	s0 =	stileid.u32;
	[bflag:$0x2] =	sbarrier.arrive $0xFFFF  }
0x117: {  	p0 =	sne.s32 s0, $0x0;
	s0 =	rddreg [dreg:$0x3]  }
0x118: {  	s0 =	sadd.s32 @!p0 $0x100000, s0  }
0x119: {  	[sflag:s0] =	ssyncadd.tile.s32 @!p0 $0x1;
	_ =	shalt  }
.Lfunc_end2:
_tile_overlayer_lowered:
.L_overlay_start_2:
0x11a: {  	(tag) =	ssettag $0x2  }
0x11b: {  	s0 =	rddreg [dreg:$0x0];
	s2 =	stileid.u32  }
0x11c: {  	s1 =	rddreg [dreg:$0x1];
	p0 =	sne.s32 s2, $0x0  }
0x11d: {  	s3 =	rddreg [dreg:$0x2];
	[bflag:$0x3] =	sbarrier.arrive $0xFFFF;
	s2 =	simm.s32 @!p0 $0x1C03  }
0x11e: {  	[timem:s3], [sflag:s2] =	dma.local @!p0 [hbm:s0], s1  }
0x11f: {  	s0 =	simm.s32 @!p0 $0x3  }
0x120: {  	_ =	swait.ge @!p0 [sflag:s0], s1  }
0x121: {  	s1 =	ssub.s32 @!p0 $0x0, s1;
	[sflag:s0] =	ssyncset.done @!p0 $0x0  }
0x122: {  	[sflag:s0] =	ssyncadd.s32 @!p0 s1  }
0x123: {  	[bflag:$0x3] =	sbarrier.arrive $0xFFFF  }
0x124: {  	_ =	shalt  }

</sc_bundles>
